<compile_context>
chip_gen: v7x
topology: tpu7x:2x2x1
jax: 0.10.2.dev20260603
libtpu: 0.0.44.dev20260713+nightly
codegen_flags: <defaults>
</compile_context>

<pallas_src>
import functools

import jax
import jax.numpy as jnp
from jax import lax
from jax.experimental import pallas as pl
from jax.experimental.pallas import tpu as pltpu
from jax.experimental.pallas import tpu_sc as plsc

B, C, H, W, K = 32, 2, 256, 256, 500
HW = H * W
KP = 512
NCHUNK = KP // 16
NW = 32

_mesh = plsc.VectorSubcoreMesh(core_axis_name="c", subcore_axis_name="s")


@functools.partial(
    pl.kernel,
    mesh=_mesh,
    compiler_params=pltpu.CompilerParams(needs_layout_passes=False),
    out_type=jax.ShapeDtypeStruct((NW, 32), jnp.float32),
    scratch_types=[
        pltpu.VMEM((KP,), jnp.int32),
        pltpu.VMEM((C * KP,), jnp.float32),
        pltpu.VMEM((KP,), jnp.float32),
        pltpu.VMEM((C, KP), jnp.float32),
        pltpu.VMEM((32,), jnp.float32),
        pltpu.SemaphoreType.DMA,
    ],
)
def _regl1_gather(o_lin, t_ind, t_mask, t_wh, out_part,
                  idx_v, vals_v, mask_v, twh_v, pbuf, sem):
    cid = lax.axis_index("c")
    sid = lax.axis_index("s")
    b = sid * 2 + cid

    pltpu.sync_copy(t_ind.at[b], idx_v)
    pltpu.sync_copy(t_mask.at[b], mask_v)
    pltpu.sync_copy(t_wh.at[b], twh_v)

    copies = []
    for c in range(C):
        base = (b * C + c) * HW
        for i in range(NCHUNK):
            idx = idx_v[pl.ds(i * 16, 16)]
            paddr = (base
                     + (idx >> 11) * 2048
                     + ((idx >> 7) & 1) * 1024
                     + ((idx >> 8) & 7) * 128
                     + (idx & 127))
            copies.append(pltpu.async_copy(
                o_lin.at[paddr], vals_v.at[pl.ds(c * KP + i * 16, 16)], sem))
    for cp in copies:
        cp.wait()

    acc = jnp.zeros((16,), jnp.float32)
    macc = jnp.zeros((16,), jnp.float32)
    for i in range(NCHUNK):
        m = mask_v[pl.ds(i * 16, 16)]
        macc = macc + m
        for c in range(C):
            v = vals_v[pl.ds(c * KP + i * 16, 16)]
            t = twh_v[c, pl.ds(i * 16, 16)]
            acc = acc + jnp.abs(v * m - t * m)
    pbuf[pl.ds(0, 16)] = acc
    pbuf[pl.ds(16, 16)] = macc
    pltpu.sync_copy(pbuf, out_part.at[b])


def _combine_body(p_ref, o_ref):
    loss = jnp.sum(p_ref[:, :16]) / jnp.sum(p_ref[:, 16:])
    o_ref[...] = jnp.full((1, 1), loss, jnp.float32)


_combine = pl.pallas_call(
    _combine_body,
    out_shape=jax.ShapeDtypeStruct((1, 1), jnp.float32),
)


def kernel(o_wh, t_mask, t_ind, t_wh):
    o_lin = jnp.transpose(
        o_wh.reshape(B, C, H // 8, 8, W // 128, 128),
        (0, 1, 2, 4, 3, 5)).reshape(B * C * HW)
    ind = jnp.zeros((B, KP), jnp.int32).at[:, :K].set(t_ind.astype(jnp.int32))
    mask = jnp.zeros((B, KP), jnp.float32).at[:, :K].set(t_mask)
    twh = jnp.zeros((B, C, KP), jnp.float32).at[:, :, :K].set(
        jnp.transpose(t_wh, (0, 2, 1)))
    part = _regl1_gather(o_lin, ind, mask, twh)
    return _combine(part)[0, 0]

# --- scband reference (transcript-rebuilt; emitter-appended) ---
"""Pipeline reference for scband-reg-l1-loss-12180527251615 (READ-ONLY COPY).

The authoritative reference and input builder live on the scoring server;
editing this copy changes nothing except your own understanding.
"""

import jax, jax.numpy as jnp
import numpy as np


def setup_inputs(seed: int = 0) -> dict:
    key = jax.random.key(seed)
    k1, k2, k3 = jax.random.split(key, 3)
    B, C, H, W, K = 32, 2, 256, 256, 500
    o_wh = jax.random.normal(k1, (B, C, H, W), dtype=jnp.float32)
    t_mask = jnp.ones((B, K), dtype=jnp.float32)
    t_ind = jax.random.randint(k2, (B, K), 0, H * W, dtype=jnp.int32).astype(jnp.int64)
    t_wh = jax.random.uniform(k3, (B, K, C), dtype=jnp.float32)
    return {"o_wh": o_wh, "t_mask": t_mask, "t_ind": t_ind, "t_wh": t_wh}


def reference(o_wh, t_mask, t_ind, t_wh):
    # Faithful JAX translation of CenterNet-style RegL1Loss.forward
    s = jnp.sum(t_mask)
    B, C, H, W = o_wh.shape
    # permute(0,2,3,1) + view(B, H*W, C)
    feat = jnp.transpose(o_wh, (0, 2, 3, 1)).reshape(B, H * W, C)
    # gather along dim=1 with ind expanded over channel dim
    ind = t_ind[:, :, None].astype(jnp.int64)  # [B, K, 1], broadcasts over C
    feat = jnp.take_along_axis(feat, ind, axis=1)  # [B, K, C]
    mask = t_mask[:, :, None]  # expand_as(feat)
    # l1_loss(feat*mask, t_wh*mask, reduction='sum')
    loss = jnp.sum(jnp.abs(feat * mask - t_wh * mask))
    loss = loss / s
    return loss

if __name__ == "__main__":
    import jax
    _d = setup_inputs()
    print(jax.jit(kernel)(*tuple(_d.values())))

</pallas_src>

<mosaic_0001>
#map = affine_map<(d0, d1) -> (0)>
#map1 = affine_map<(d0, d1) -> (0, 0)>
#map2 = affine_map<(d0, d1) -> (0, 0, 0)>
module attributes {stable_mosaic.version = 14 : i64} {
  func.func @_regl1_gather(%arg0: i32, %arg1: i32, %arg2: memref<4194304xf32, #tpu.memory_space<hbm>>, %arg3: memref<32x512xi32, #tpu.memory_space<hbm>>, %arg4: memref<32x512xf32, #tpu.memory_space<hbm>>, %arg5: memref<32x2x512xf32, #tpu.memory_space<hbm>>, %arg6: memref<32x32xf32, #tpu.memory_space<hbm>>, %arg7: memref<512xi32, #tpu.memory_space<vmem>>, %arg8: memref<1024xf32, #tpu.memory_space<vmem>>, %arg9: memref<512xf32, #tpu.memory_space<vmem>>, %arg10: memref<2x512xf32, #tpu.memory_space<vmem>>, %arg11: memref<32xf32, #tpu.memory_space<vmem>>, %arg12: memref<!tpu.dma_semaphore, #tpu.memory_space<semaphore_mem>>) attributes {dimension_semantics = [#tpu.dimension_semantics<core_parallel>, #tpu.dimension_semantics<subcore_parallel>], iteration_bounds = array<i64: 2, 16>, scalar_prefetch = 0 : i64, scratch_operands = 6 : i64, tpu.core_type = #tpu.core_type<sc_vector_subcore>, window_params = [{transform_indices = #map}, {transform_indices = #map1}, {transform_indices = #map1}, {transform_indices = #map2}, {transform_indices = #map1}]} {
    %mul3A = arith.constant 2 : i32
    %mul3A_0 = arith.muli %arg1, %mul3A : i32
    %add3A = arith.addi %mul3A_0, %arg0 : i32
    "tpu.region"() ({
      %run_scoped3A = tpu.sem_alloc : memref<!tpu.dma_semaphore, #tpu.memory_space<semaphore_mem>>
      %dma_start3A_3500 = arith.constant 0 : i32
      %dma_start3A_3501 = tpu.memref_slice %arg3[%add3A, %dma_start3A_3500] : memref<32x512xi32, #tpu.memory_space<hbm>> -> memref<1x512xi32, #tpu.memory_space<hbm>>
      %dma_start3A_3502 = tpu.memref_squeeze %dma_start3A_3501 : memref<1x512xi32, #tpu.memory_space<hbm>> -> memref<512xi32, #tpu.memory_space<hbm>>
      %dma_start3A_3503 = arith.constant 0 : i32
      %dma_start3A_3504 = tpu.memref_slice %arg3[%add3A, %dma_start3A_3503] : memref<32x512xi32, #tpu.memory_space<hbm>> -> memref<1x512xi32, #tpu.memory_space<hbm>>
      %dma_start3A_3505 = tpu.memref_squeeze %dma_start3A_3504 : memref<1x512xi32, #tpu.memory_space<hbm>> -> memref<512xi32, #tpu.memory_space<hbm>>
      tpu.enqueue_dma source(%dma_start3A_3505 : memref<512xi32, #tpu.memory_space<hbm>>) target(%arg7 : memref<512xi32, #tpu.memory_space<vmem>>) target_semaphore(%run_scoped3A : memref<!tpu.dma_semaphore, #tpu.memory_space<semaphore_mem>>)
      %dma_wait3A_3506 = arith.constant 0 : i32
      %dma_wait3A_3507 = tpu.memref_slice %arg3[%add3A, %dma_wait3A_3506] : memref<32x512xi32, #tpu.memory_space<hbm>> -> memref<1x512xi32, #tpu.memory_space<hbm>>
      %dma_wait3A_3508 = tpu.memref_squeeze %dma_wait3A_3507 : memref<1x512xi32, #tpu.memory_space<hbm>> -> memref<512xi32, #tpu.memory_space<hbm>>
      %dma_wait3A_3509 = arith.constant 0 : i32
      %dma_wait3A_3510 = tpu.memref_slice %arg3[%add3A, %dma_wait3A_3509] : memref<32x512xi32, #tpu.memory_space<hbm>> -> memref<1x512xi32, #tpu.memory_space<hbm>>
      %dma_wait3A_3511 = tpu.memref_squeeze %dma_wait3A_3510 : memref<1x512xi32, #tpu.memory_space<hbm>> -> memref<512xi32, #tpu.memory_space<hbm>>
      tpu.wait_dma2 semaphore(%run_scoped3A : memref<!tpu.dma_semaphore, #tpu.memory_space<semaphore_mem>>) src(%dma_wait3A_3511 : memref<512xi32, #tpu.memory_space<hbm>>) dst(%arg7 : memref<512xi32, #tpu.memory_space<vmem>>)
      tpu.yield
    }) : () -> ()
    "tpu.region"() ({
      %run_scoped3A = tpu.sem_alloc : memref<!tpu.dma_semaphore, #tpu.memory_space<semaphore_mem>>
      %dma_start3A_3500 = arith.constant 0 : i32
      %dma_start3A_3501 = tpu.memref_slice %arg4[%add3A, %dma_start3A_3500] : memref<32x512xf32, #tpu.memory_space<hbm>> -> memref<1x512xf32, #tpu.memory_space<hbm>>
      %dma_start3A_3502 = tpu.memref_squeeze %dma_start3A_3501 : memref<1x512xf32, #tpu.memory_space<hbm>> -> memref<512xf32, #tpu.memory_space<hbm>>
      %dma_start3A_3503 = arith.constant 0 : i32
      %dma_start3A_3504 = tpu.memref_slice %arg4[%add3A, %dma_start3A_3503] : memref<32x512xf32, #tpu.memory_space<hbm>> -> memref<1x512xf32, #tpu.memory_space<hbm>>
      %dma_start3A_3505 = tpu.memref_squeeze %dma_start3A_3504 : memref<1x512xf32, #tpu.memory_space<hbm>> -> memref<512xf32, #tpu.memory_space<hbm>>
      tpu.enqueue_dma source(%dma_start3A_3505 : memref<512xf32, #tpu.memory_space<hbm>>) target(%arg9 : memref<512xf32, #tpu.memory_space<vmem>>) target_semaphore(%run_scoped3A : memref<!tpu.dma_semaphore, #tpu.memory_space<semaphore_mem>>)
      %dma_wait3A_3506 = arith.constant 0 : i32
      %dma_wait3A_3507 = tpu.memref_slice %arg4[%add3A, %dma_wait3A_3506] : memref<32x512xf32, #tpu.memory_space<hbm>> -> memref<1x512xf32, #tpu.memory_space<hbm>>
      %dma_wait3A_3508 = tpu.memref_squeeze %dma_wait3A_3507 : memref<1x512xf32, #tpu.memory_space<hbm>> -> memref<512xf32, #tpu.memory_space<hbm>>
      %dma_wait3A_3509 = arith.constant 0 : i32
      %dma_wait3A_3510 = tpu.memref_slice %arg4[%add3A, %dma_wait3A_3509] : memref<32x512xf32, #tpu.memory_space<hbm>> -> memref<1x512xf32, #tpu.memory_space<hbm>>
      %dma_wait3A_3511 = tpu.memref_squeeze %dma_wait3A_3510 : memref<1x512xf32, #tpu.memory_space<hbm>> -> memref<512xf32, #tpu.memory_space<hbm>>
      tpu.wait_dma2 semaphore(%run_scoped3A : memref<!tpu.dma_semaphore, #tpu.memory_space<semaphore_mem>>) src(%dma_wait3A_3511 : memref<512xf32, #tpu.memory_space<hbm>>) dst(%arg9 : memref<512xf32, #tpu.memory_space<vmem>>)
      tpu.yield
    }) : () -> ()
    "tpu.region"() ({
      %run_scoped3A = tpu.sem_alloc : memref<!tpu.dma_semaphore, #tpu.memory_space<semaphore_mem>>
      %dma_start3A_3500 = arith.constant 0 : i32
      %dma_start3A_3501 = arith.constant 0 : i32
      %dma_start3A_3502 = tpu.memref_slice %arg5[%add3A, %dma_start3A_3500, %dma_start3A_3501] : memref<32x2x512xf32, #tpu.memory_space<hbm>> -> memref<1x2x512xf32, #tpu.memory_space<hbm>>
      %dma_start3A_3503 = tpu.memref_squeeze %dma_start3A_3502 : memref<1x2x512xf32, #tpu.memory_space<hbm>> -> memref<2x512xf32, #tpu.memory_space<hbm>>
      %dma_start3A_3504 = arith.constant 0 : i32
      %dma_start3A_3505 = arith.constant 0 : i32
      %dma_start3A_3506 = tpu.memref_slice %arg5[%add3A, %dma_start3A_3504, %dma_start3A_3505] : memref<32x2x512xf32, #tpu.memory_space<hbm>> -> memref<1x2x512xf32, #tpu.memory_space<hbm>>
      %dma_start3A_3507 = tpu.memref_squeeze %dma_start3A_3506 : memref<1x2x512xf32, #tpu.memory_space<hbm>> -> memref<2x512xf32, #tpu.memory_space<hbm>>
      tpu.enqueue_dma source(%dma_start3A_3507 : memref<2x512xf32, #tpu.memory_space<hbm>>) target(%arg10 : memref<2x512xf32, #tpu.memory_space<vmem>>) target_semaphore(%run_scoped3A : memref<!tpu.dma_semaphore, #tpu.memory_space<semaphore_mem>>)
      %dma_wait3A_3508 = arith.constant 0 : i32
      %dma_wait3A_3509 = arith.constant 0 : i32
      %dma_wait3A_3510 = tpu.memref_slice %arg5[%add3A, %dma_wait3A_3508, %dma_wait3A_3509] : memref<32x2x512xf32, #tpu.memory_space<hbm>> -> memref<1x2x512xf32, #tpu.memory_space<hbm>>
      %dma_wait3A_3511 = tpu.memref_squeeze %dma_wait3A_3510 : memref<1x2x512xf32, #tpu.memory_space<hbm>> -> memref<2x512xf32, #tpu.memory_space<hbm>>
      %dma_wait3A_3512 = arith.constant 0 : i32
      %dma_wait3A_3513 = arith.constant 0 : i32
      %dma_wait3A_3514 = tpu.memref_slice %arg5[%add3A, %dma_wait3A_3512, %dma_wait3A_3513] : memref<32x2x512xf32, #tpu.memory_space<hbm>> -> memref<1x2x512xf32, #tpu.memory_space<hbm>>
      %dma_wait3A_3515 = tpu.memref_squeeze %dma_wait3A_3514 : memref<1x2x512xf32, #tpu.memory_space<hbm>> -> memref<2x512xf32, #tpu.memory_space<hbm>>
      tpu.wait_dma2 semaphore(%run_scoped3A : memref<!tpu.dma_semaphore, #tpu.memory_space<semaphore_mem>>) src(%dma_wait3A_3515 : memref<2x512xf32, #tpu.memory_space<hbm>>) dst(%arg10 : memref<2x512xf32, #tpu.memory_space<vmem>>)
      tpu.yield
    }) : () -> ()
    %mul3A_1 = arith.constant 2 : i32
    %mul3A_2 = arith.muli %add3A, %mul3A_1 : i32
    %add3A_3 = arith.constant 0 : i32
    %add3A_4 = arith.addi %mul3A_2, %add3A_3 : i32
    %mul3A_5 = arith.constant 65536 : i32
    %mul3A_6 = arith.muli %add3A_4, %mul3A_5 : i32
    %get3A = arith.constant 0 : index
    %get3A_7 = tpu.vector_load %arg7[%get3A] {strides = array<i32>} : memref<512xi32, #tpu.memory_space<vmem>>, vector<16xi32>,
    %shift_right_arithmetic3A = arith.constant 11 : i32
    %shift_right_arithmetic3A_8 = vector.broadcast %shift_right_arithmetic3A : i32 to vector<16xi32>
    %shift_right_arithmetic3A_9 = arith.shrsi %get3A_7, %shift_right_arithmetic3A_8 : vector<16xi32>
    %mul3A_10 = arith.constant 2048 : i32
    %mul3A_11 = vector.broadcast %mul3A_10 : i32 to vector<16xi32>
    %mul3A_12 = arith.muli %shift_right_arithmetic3A_9, %mul3A_11 : vector<16xi32>
    %add3A_13 = vector.broadcast %mul3A_6 : i32 to vector<16xi32>
    %add3A_14 = arith.addi %add3A_13, %mul3A_12 : vector<16xi32>
    %shift_right_arithmetic3A_15 = arith.constant 7 : i32
    %shift_right_arithmetic3A_16 = vector.broadcast %shift_right_arithmetic3A_15 : i32 to vector<16xi32>
    %shift_right_arithmetic3A_17 = arith.shrsi %get3A_7, %shift_right_arithmetic3A_16 : vector<16xi32>
    %and3A = arith.constant 1 : i32
    %and3A_18 = vector.broadcast %and3A : i32 to vector<16xi32>
    %and3A_19 = arith.andi %shift_right_arithmetic3A_17, %and3A_18 : vector<16xi32>
    %mul3A_20 = arith.constant 1024 : i32
    %mul3A_21 = vector.broadcast %mul3A_20 : i32 to vector<16xi32>
    %mul3A_22 = arith.muli %and3A_19, %mul3A_21 : vector<16xi32>
    %add3A_23 = arith.addi %add3A_14, %mul3A_22 : vector<16xi32>
    %shift_right_arithmetic3A_24 = arith.constant 8 : i32
    %shift_right_arithmetic3A_25 = vector.broadcast %shift_right_arithmetic3A_24 : i32 to vector<16xi32>
    %shift_right_arithmetic3A_26 = arith.shrsi %get3A_7, %shift_right_arithmetic3A_25 : vector<16xi32>
    %and3A_27 = arith.constant 7 : i32
    %and3A_28 = vector.broadcast %and3A_27 : i32 to vector<16xi32>
    %and3A_29 = arith.andi %shift_right_arithmetic3A_26, %and3A_28 : vector<16xi32>
    %mul3A_30 = arith.constant 128 : i32
    %mul3A_31 = vector.broadcast %mul3A_30 : i32 to vector<16xi32>
    %mul3A_32 = arith.muli %and3A_29, %mul3A_31 : vector<16xi32>
    %add3A_33 = arith.addi %add3A_23, %mul3A_32 : vector<16xi32>
    %and3A_34 = arith.constant 127 : i32
    %and3A_35 = vector.broadcast %and3A_34 : i32 to vector<16xi32>
    %and3A_36 = arith.andi %get3A_7, %and3A_35 : vector<16xi32>
    %add3A_37 = arith.addi %add3A_33, %and3A_36 : vector<16xi32>
    %dma_start3A = arith.constant 0 : i32
    %dma_start3A_38 = tpu.memref_slice %arg8[%dma_start3A] : memref<1024xf32, #tpu.memory_space<vmem>> -> memref<16xf32, #tpu.memory_space<vmem>>
    %dma_start3A_39 = arith.constant 0 : i32
    %dma_start3A_40 = tpu.memref_slice %arg2[%dma_start3A_39] : memref<4194304xf32, #tpu.memory_space<hbm>> -> memref<4194304xf32, #tpu.memory_space<hbm>>
    tpu.enqueue_indirect_dma source(%dma_start3A_40 : memref<4194304xf32, #tpu.memory_space<hbm>>) target(%dma_start3A_38 : memref<16xf32, #tpu.memory_space<vmem>>) offsets(%add3A_37 : vector<16xi32>) semaphore(%arg12 : memref<!tpu.dma_semaphore, #tpu.memory_space<semaphore_mem>>)
    %get3A_41 = arith.constant 16 : index
    %get3A_42 = tpu.vector_load %arg7[%get3A_41] {strides = array<i32>} : memref<512xi32, #tpu.memory_space<vmem>>, vector<16xi32>,
    %shift_right_arithmetic3A_43 = arith.constant 11 : i32
    %shift_right_arithmetic3A_44 = vector.broadcast %shift_right_arithmetic3A_43 : i32 to vector<16xi32>
    %shift_right_arithmetic3A_45 = arith.shrsi %get3A_42, %shift_right_arithmetic3A_44 : vector<16xi32>
    %mul3A_46 = arith.constant 2048 : i32
    %mul3A_47 = vector.broadcast %mul3A_46 : i32 to vector<16xi32>
    %mul3A_48 = arith.muli %shift_right_arithmetic3A_45, %mul3A_47 : vector<16xi32>
    %add3A_49 = vector.broadcast %mul3A_6 : i32 to vector<16xi32>
    %add3A_50 = arith.addi %add3A_49, %mul3A_48 : vector<16xi32>
    %shift_right_arithmetic3A_51 = arith.constant 7 : i32
    %shift_right_arithmetic3A_52 = vector.broadcast %shift_right_arithmetic3A_51 : i32 to vector<16xi32>
    %shift_right_arithmetic3A_53 = arith.shrsi %get3A_42, %shift_right_arithmetic3A_52 : vector<16xi32>
    %and3A_54 = arith.constant 1 : i32
    %and3A_55 = vector.broadcast %and3A_54 : i32 to vector<16xi32>
    %and3A_56 = arith.andi %shift_right_arithmetic3A_53, %and3A_55 : vector<16xi32>
    %mul3A_57 = arith.constant 1024 : i32
    %mul3A_58 = vector.broadcast %mul3A_57 : i32 to vector<16xi32>
    %mul3A_59 = arith.muli %and3A_56, %mul3A_58 : vector<16xi32>
    %add3A_60 = arith.addi %add3A_50, %mul3A_59 : vector<16xi32>
    %shift_right_arithmetic3A_61 = arith.constant 8 : i32
    %shift_right_arithmetic3A_62 = vector.broadcast %shift_right_arithmetic3A_61 : i32 to vector<16xi32>
    %shift_right_arithmetic3A_63 = arith.shrsi %get3A_42, %shift_right_arithmetic3A_62 : vector<16xi32>
    %and3A_64 = arith.constant 7 : i32
    %and3A_65 = vector.broadcast %and3A_64 : i32 to vector<16xi32>
    %and3A_66 = arith.andi %shift_right_arithmetic3A_63, %and3A_65 : vector<16xi32>
    %mul3A_67 = arith.constant 128 : i32
    %mul3A_68 = vector.broadcast %mul3A_67 : i32 to vector<16xi32>
    %mul3A_69 = arith.muli %and3A_66, %mul3A_68 : vector<16xi32>
    %add3A_70 = arith.addi %add3A_60, %mul3A_69 : vector<16xi32>
    %and3A_71 = arith.constant 127 : i32
    %and3A_72 = vector.broadcast %and3A_71 : i32 to vector<16xi32>
    %and3A_73 = arith.andi %get3A_42, %and3A_72 : vector<16xi32>
    %add3A_74 = arith.addi %add3A_70, %and3A_73 : vector<16xi32>
    %dma_start3A_75 = arith.constant 16 : i32
    %dma_start3A_76 = tpu.memref_slice %arg8[%dma_start3A_75] : memref<1024xf32, #tpu.memory_space<vmem>> -> memref<16xf32, #tpu.memory_space<vmem>>
    %dma_start3A_77 = arith.constant 0 : i32
    %dma_start3A_78 = tpu.memref_slice %arg2[%dma_start3A_77] : memref<4194304xf32, #tpu.memory_space<hbm>> -> memref<4194304xf32, #tpu.memory_space<hbm>>
    tpu.enqueue_indirect_dma source(%dma_start3A_78 : memref<4194304xf32, #tpu.memory_space<hbm>>) target(%dma_start3A_76 : memref<16xf32, #tpu.memory_space<vmem>>) offsets(%add3A_74 : vector<16xi32>) semaphore(%arg12 : memref<!tpu.dma_semaphore, #tpu.memory_space<semaphore_mem>>)
    %get3A_79 = arith.constant 32 : index
    %get3A_80 = tpu.vector_load %arg7[%get3A_79] {strides = array<i32>} : memref<512xi32, #tpu.memory_space<vmem>>, vector<16xi32>,
    %shift_right_arithmetic3A_81 = arith.constant 11 : i32
    %shift_right_arithmetic3A_82 = vector.broadcast %shift_right_arithmetic3A_81 : i32 to vector<16xi32>
    %shift_right_arithmetic3A_83 = arith.shrsi %get3A_80, %shift_right_arithmetic3A_82 : vector<16xi32>
    %mul3A_84 = arith.constant 2048 : i32
    %mul3A_85 = vector.broadcast %mul3A_84 : i32 to vector<16xi32>
    %mul3A_86 = arith.muli %shift_right_arithmetic3A_83, %mul3A_85 : vector<16xi32>
    %add3A_87 = vector.broadcast %mul3A_6 : i32 to vector<16xi32>
    %add3A_88 = arith.addi %add3A_87, %mul3A_86 : vector<16xi32>
    %shift_right_arithmetic3A_89 = arith.constant 7 : i32
    %shift_right_arithmetic3A_90 = vector.broadcast %shift_right_arithmetic3A_89 : i32 to vector<16xi32>
    %shift_right_arithmetic3A_91 = arith.shrsi %get3A_80, %shift_right_arithmetic3A_90 : vector<16xi32>
    %and3A_92 = arith.constant 1 : i32
    %and3A_93 = vector.broadcast %and3A_92 : i32 to vector<16xi32>
    %and3A_94 = arith.andi %shift_right_arithmetic3A_91, %and3A_93 : vector<16xi32>
    %mul3A_95 = arith.constant 1024 : i32
    %mul3A_96 = vector.broadcast %mul3A_95 : i32 to vector<16xi32>
    %mul3A_97 = arith.muli %and3A_94, %mul3A_96 : vector<16xi32>
    %add3A_98 = arith.addi %add3A_88, %mul3A_97 : vector<16xi32>
    %shift_right_arithmetic3A_99 = arith.constant 8 : i32
    %shift_right_arithmetic3A_100 = vector.broadcast %shift_right_arithmetic3A_99 : i32 to vector<16xi32>
    %shift_right_arithmetic3A_101 = arith.shrsi %get3A_80, %shift_right_arithmetic3A_100 : vector<16xi32>
    %and3A_102 = arith.constant 7 : i32
    %and3A_103 = vector.broadcast %and3A_102 : i32 to vector<16xi32>
    %and3A_104 = arith.andi %shift_right_arithmetic3A_101, %and3A_103 : vector<16xi32>
    %mul3A_105 = arith.constant 128 : i32
    %mul3A_106 = vector.broadcast %mul3A_105 : i32 to vector<16xi32>
    %mul3A_107 = arith.muli %and3A_104, %mul3A_106 : vector<16xi32>
    %add3A_108 = arith.addi %add3A_98, %mul3A_107 : vector<16xi32>
    %and3A_109 = arith.constant 127 : i32
    %and3A_110 = vector.broadcast %and3A_109 : i32 to vector<16xi32>
    %and3A_111 = arith.andi %get3A_80, %and3A_110 : vector<16xi32>
    %add3A_112 = arith.addi %add3A_108, %and3A_111 : vector<16xi32>
    %dma_start3A_113 = arith.constant 32 : i32
    %dma_start3A_114 = tpu.memref_slice %arg8[%dma_start3A_113] : memref<1024xf32, #tpu.memory_space<vmem>> -> memref<16xf32, #tpu.memory_space<vmem>>
    %dma_start3A_115 = arith.constant 0 : i32
    %dma_start3A_116 = tpu.memref_slice %arg2[%dma_start3A_115] : memref<4194304xf32, #tpu.memory_space<hbm>> -> memref<4194304xf32, #tpu.memory_space<hbm>>
    tpu.enqueue_indirect_dma source(%dma_start3A_116 : memref<4194304xf32, #tpu.memory_space<hbm>>) target(%dma_start3A_114 : memref<16xf32, #tpu.memory_space<vmem>>) offsets(%add3A_112 : vector<16xi32>) semaphore(%arg12 : memref<!tpu.dma_semaphore, #tpu.memory_space<semaphore_mem>>)
    %get3A_117 = arith.constant 48 : index
    %get3A_118 = tpu.vector_load %arg7[%get3A_117] {strides = array<i32>} : memref<512xi32, #tpu.memory_space<vmem>>, vector<16xi32>,
    %shift_right_arithmetic3A_119 = arith.constant 11 : i32
    %shift_right_arithmetic3A_120 = vector.broadcast %shift_right_arithmetic3A_119 : i32 to vector<16xi32>
    %shift_right_arithmetic3A_121 = arith.shrsi %get3A_118, %shift_right_arithmetic3A_120 : vector<16xi32>
    %mul3A_122 = arith.constant 2048 : i32
    %mul3A_123 = vector.broadcast %mul3A_122 : i32 to vector<16xi32>
    %mul3A_124 = arith.muli %shift_right_arithmetic3A_121, %mul3A_123 : vector<16xi32>
    %add3A_125 = vector.broadcast %mul3A_6 : i32 to vector<16xi32>
    %add3A_126 = arith.addi %add3A_125, %mul3A_124 : vector<16xi32>
    %shift_right_arithmetic3A_127 = arith.constant 7 : i32
    %shift_right_arithmetic3A_128 = vector.broadcast %shift_right_arithmetic3A_127 : i32 to vector<16xi32>
    %shift_right_arithmetic3A_129 = arith.shrsi %get3A_118, %shift_right_arithmetic3A_128 : vector<16xi32>
    %and3A_130 = arith.constant 1 : i32
    %and3A_131 = vector.broadcast %and3A_130 : i32 to vector<16xi32>
    %and3A_132 = arith.andi %shift_right_arithmetic3A_129, %and3A_131 : vector<16xi32>
    %mul3A_133 = arith.constant 1024 : i32
    %mul3A_134 = vector.broadcast %mul3A_133 : i32 to vector<16xi32>
    %mul3A_135 = arith.muli %and3A_132, %mul3A_134 : vector<16xi32>
    %add3A_136 = arith.addi %add3A_126, %mul3A_135 : vector<16xi32>
    %shift_right_arithmetic3A_137 = arith.constant 8 : i32
    %shift_right_arithmetic3A_138 = vector.broadcast %shift_right_arithmetic3A_137 : i32 to vector<16xi32>
    %shift_right_arithmetic3A_139 = arith.shrsi %get3A_118, %shift_right_arithmetic3A_138 : vector<16xi32>
    %and3A_140 = arith.constant 7 : i32
    %and3A_141 = vector.broadcast %and3A_140 : i32 to vector<16xi32>
    %and3A_142 = arith.andi %shift_right_arithmetic3A_139, %and3A_141 : vector<16xi32>
    %mul3A_143 = arith.constant 128 : i32
    %mul3A_144 = vector.broadcast %mul3A_143 : i32 to vector<16xi32>
    %mul3A_145 = arith.muli %and3A_142, %mul3A_144 : vector<16xi32>
    %add3A_146 = arith.addi %add3A_136, %mul3A_145 : vector<16xi32>
    %and3A_147 = arith.constant 127 : i32
    %and3A_148 = vector.broadcast %and3A_147 : i32 to vector<16xi32>
    %and3A_149 = arith.andi %get3A_118, %and3A_148 : vector<16xi32>
    %add3A_150 = arith.addi %add3A_146, %and3A_149 : vector<16xi32>
    %dma_start3A_151 = arith.constant 48 : i32
    %dma_start3A_152 = tpu.memref_slice %arg8[%dma_start3A_151] : memref<1024xf32, #tpu.memory_space<vmem>> -> memref<16xf32, #tpu.memory_space<vmem>>
    %dma_start3A_153 = arith.constant 0 : i32
    %dma_start3A_154 = tpu.memref_slice %arg2[%dma_start3A_153] : memref<4194304xf32, #tpu.memory_space<hbm>> -> memref<4194304xf32, #tpu.memory_space<hbm>>
    tpu.enqueue_indirect_dma source(%dma_start3A_154 : memref<4194304xf32, #tpu.memory_space<hbm>>) target(%dma_start3A_152 : memref<16xf32, #tpu.memory_space<vmem>>) offsets(%add3A_150 : vector<16xi32>) semaphore(%arg12 : memref<!tpu.dma_semaphore, #tpu.memory_space<semaphore_mem>>)
    %get3A_155 = arith.constant 64 : index
    %get3A_156 = tpu.vector_load %arg7[%get3A_155] {strides = array<i32>} : memref<512xi32, #tpu.memory_space<vmem>>, vector<16xi32>,
    %shift_right_arithmetic3A_157 = arith.constant 11 : i32
    %shift_right_arithmetic3A_158 = vector.broadcast %shift_right_arithmetic3A_157 : i32 to vector<16xi32>
    %shift_right_arithmetic3A_159 = arith.shrsi %get3A_156, %shift_right_arithmetic3A_158 : vector<16xi32>
    %mul3A_160 = arith.constant 2048 : i32
    %mul3A_161 = vector.broadcast %mul3A_160 : i32 to vector<16xi32>
    %mul3A_162 = arith.muli %shift_right_arithmetic3A_159, %mul3A_161 : vector<16xi32>
    %add3A_163 = vector.broadcast %mul3A_6 : i32 to vector<16xi32>
    %add3A_164 = arith.addi %add3A_163, %mul3A_162 : vector<16xi32>
    %shift_right_arithmetic3A_165 = arith.constant 7 : i32
    %shift_right_arithmetic3A_166 = vector.broadcast %shift_right_arithmetic3A_165 : i32 to vector<16xi32>
    %shift_right_arithmetic3A_167 = arith.shrsi %get3A_156, %shift_right_arithmetic3A_166 : vector<16xi32>
    %and3A_168 = arith.constant 1 : i32
    %and3A_169 = vector.broadcast %and3A_168 : i32 to vector<16xi32>
    %and3A_170 = arith.andi %shift_right_arithmetic3A_167, %and3A_169 : vector<16xi32>
    %mul3A_171 = arith.constant 1024 : i32
    %mul3A_172 = vector.broadcast %mul3A_171 : i32 to vector<16xi32>
    %mul3A_173 = arith.muli %and3A_170, %mul3A_172 : vector<16xi32>
    %add3A_174 = arith.addi %add3A_164, %mul3A_173 : vector<16xi32>
    %shift_right_arithmetic3A_175 = arith.constant 8 : i32
    %shift_right_arithmetic3A_176 = vector.broadcast %shift_right_arithmetic3A_175 : i32 to vector<16xi32>
    %shift_right_arithmetic3A_177 = arith.shrsi %get3A_156, %shift_right_arithmetic3A_176 : vector<16xi32>
    %and3A_178 = arith.constant 7 : i32
    %and3A_179 = vector.broadcast %and3A_178 : i32 to vector<16xi32>
    %and3A_180 = arith.andi %shift_right_arithmetic3A_177, %and3A_179 : vector<16xi32>
    %mul3A_181 = arith.constant 128 : i32
    %mul3A_182 = vector.broadcast %mul3A_181 : i32 to vector<16xi32>
    %mul3A_183 = arith.muli %and3A_180, %mul3A_182 : vector<16xi32>
    %add3A_184 = arith.addi %add3A_174, %mul3A_183 : vector<16xi32>
    %and3A_185 = arith.constant 127 : i32
    %and3A_186 = vector.broadcast %and3A_185 : i32 to vector<16xi32>
    %and3A_187 = arith.andi %get3A_156, %and3A_186 : vector<16xi32>
    %add3A_188 = arith.addi %add3A_184, %and3A_187 : vector<16xi32>
    %dma_start3A_189 = arith.constant 64 : i32
    %dma_start3A_190 = tpu.memref_slice %arg8[%dma_start3A_189] : memref<1024xf32, #tpu.memory_space<vmem>> -> memref<16xf32, #tpu.memory_space<vmem>>
    %dma_start3A_191 = arith.constant 0 : i32
    %dma_start3A_192 = tpu.memref_slice %arg2[%dma_start3A_191] : memref<4194304xf32, #tpu.memory_space<hbm>> -> memref<4194304xf32, #tpu.memory_space<hbm>>
    tpu.enqueue_indirect_dma source(%dma_start3A_192 : memref<4194304xf32, #tpu.memory_space<hbm>>) target(%dma_start3A_190 : memref<16xf32, #tpu.memory_space<vmem>>) offsets(%add3A_188 : vector<16xi32>) semaphore(%arg12 : memref<!tpu.dma_semaphore, #tpu.memory_space<semaphore_mem>>)
    %get3A_193 = arith.constant 80 : index
    %get3A_194 = tpu.vector_load %arg7[%get3A_193] {strides = array<i32>} : memref<512xi32, #tpu.memory_space<vmem>>, vector<16xi32>,
    %shift_right_arithmetic3A_195 = arith.constant 11 : i32
    %shift_right_arithmetic3A_196 = vector.broadcast %shift_right_arithmetic3A_195 : i32 to vector<16xi32>
    %shift_right_arithmetic3A_197 = arith.shrsi %get3A_194, %shift_right_arithmetic3A_196 : vector<16xi32>
    %mul3A_198 = arith.constant 2048 : i32
    %mul3A_199 = vector.broadcast %mul3A_198 : i32 to vector<16xi32>
    %mul3A_200 = arith.muli %shift_right_arithmetic3A_197, %mul3A_199 : vector<16xi32>
    %add3A_201 = vector.broadcast %mul3A_6 : i32 to vector<16xi32>
    %add3A_202 = arith.addi %add3A_201, %mul3A_200 : vector<16xi32>
    %shift_right_arithmetic3A_203 = arith.constant 7 : i32
    %shift_right_arithmetic3A_204 = vector.broadcast %shift_right_arithmetic3A_203 : i32 to vector<16xi32>
    %shift_right_arithmetic3A_205 = arith.shrsi %get3A_194, %shift_right_arithmetic3A_204 : vector<16xi32>
    %and3A_206 = arith.constant 1 : i32
    %and3A_207 = vector.broadcast %and3A_206 : i32 to vector<16xi32>
    %and3A_208 = arith.andi %shift_right_arithmetic3A_205, %and3A_207 : vector<16xi32>
    %mul3A_209 = arith.constant 1024 : i32
    %mul3A_210 = vector.broadcast %mul3A_209 : i32 to vector<16xi32>
    %mul3A_211 = arith.muli %and3A_208, %mul3A_210 : vector<16xi32>
    %add3A_212 = arith.addi %add3A_202, %mul3A_211 : vector<16xi32>
    %shift_right_arithmetic3A_213 = arith.constant 8 : i32
    %shift_right_arithmetic3A_214 = vector.broadcast %shift_right_arithmetic3A_213 : i32 to vector<16xi32>
    %shift_right_arithmetic3A_215 = arith.shrsi %get3A_194, %shift_right_arithmetic3A_214 : vector<16xi32>
    %and3A_216 = arith.constant 7 : i32
    %and3A_217 = vector.broadcast %and3A_216 : i32 to vector<16xi32>
    %and3A_218 = arith.andi %shift_right_arithmetic3A_215, %and3A_217 : vector<16xi32>
    %mul3A_219 = arith.constant 128 : i32
    %mul3A_220 = vector.broadcast %mul3A_219 : i32 to vector<16xi32>
    %mul3A_221 = arith.muli %and3A_218, %mul3A_220 : vector<16xi32>
    %add3A_222 = arith.addi %add3A_212, %mul3A_221 : vector<16xi32>
    %and3A_223 = arith.constant 127 : i32
    %and3A_224 = vector.broadcast %and3A_223 : i32 to vector<16xi32>
    %and3A_225 = arith.andi %get3A_194, %and3A_224 : vector<16xi32>
    %add3A_226 = arith.addi %add3A_222, %and3A_225 : vector<16xi32>
    %dma_start3A_227 = arith.constant 80 : i32
    %dma_start3A_228 = tpu.memref_slice %arg8[%dma_start3A_227] : memref<1024xf32, #tpu.memory_space<vmem>> -> memref<16xf32, #tpu.memory_space<vmem>>
    %dma_start3A_229 = arith.constant 0 : i32
    %dma_start3A_230 = tpu.memref_slice %arg2[%dma_start3A_229] : memref<4194304xf32, #tpu.memory_space<hbm>> -> memref<4194304xf32, #tpu.memory_space<hbm>>
    tpu.enqueue_indirect_dma source(%dma_start3A_230 : memref<4194304xf32, #tpu.memory_space<hbm>>) target(%dma_start3A_228 : memref<16xf32, #tpu.memory_space<vmem>>) offsets(%add3A_226 : vector<16xi32>) semaphore(%arg12 : memref<!tpu.dma_semaphore, #tpu.memory_space<semaphore_mem>>)
    %get3A_231 = arith.constant 96 : index
    %get3A_232 = tpu.vector_load %arg7[%get3A_231] {strides = array<i32>} : memref<512xi32, #tpu.memory_space<vmem>>, vector<16xi32>,
    %shift_right_arithmetic3A_233 = arith.constant 11 : i32
    %shift_right_arithmetic3A_234 = vector.broadcast %shift_right_arithmetic3A_233 : i32 to vector<16xi32>
    %shift_right_arithmetic3A_235 = arith.shrsi %get3A_232, %shift_right_arithmetic3A_234 : vector<16xi32>
    %mul3A_236 = arith.constant 2048 : i32
    %mul3A_237 = vector.broadcast %mul3A_236 : i32 to vector<16xi32>
    %mul3A_238 = arith.muli %shift_right_arithmetic3A_235, %mul3A_237 : vector<16xi32>
    %add3A_239 = vector.broadcast %mul3A_6 : i32 to vector<16xi32>
    %add3A_240 = arith.addi %add3A_239, %mul3A_238 : vector<16xi32>
    %shift_right_arithmetic3A_241 = arith.constant 7 : i32
    %shift_right_arithmetic3A_242 = vector.broadcast %shift_right_arithmetic3A_241 : i32 to vector<16xi32>
    %shift_right_arithmetic3A_243 = arith.shrsi %get3A_232, %shift_right_arithmetic3A_242 : vector<16xi32>
    %and3A_244 = arith.constant 1 : i32
    %and3A_245 = vector.broadcast %and3A_244 : i32 to vector<16xi32>
    %and3A_246 = arith.andi %shift_right_arithmetic3A_243, %and3A_245 : vector<16xi32>
    %mul3A_247 = arith.constant 1024 : i32
    %mul3A_248 = vector.broadcast %mul3A_247 : i32 to vector<16xi32>
    %mul3A_249 = arith.muli %and3A_246, %mul3A_248 : vector<16xi32>
    %add3A_250 = arith.addi %add3A_240, %mul3A_249 : vector<16xi32>
    %shift_right_arithmetic3A_251 = arith.constant 8 : i32
    %shift_right_arithmetic3A_252 = vector.broadcast %shift_right_arithmetic3A_251 : i32 to vector<16xi32>
    %shift_right_arithmetic3A_253 = arith.shrsi %get3A_232, %shift_right_arithmetic3A_252 : vector<16xi32>
    %and3A_254 = arith.constant 7 : i32
    %and3A_255 = vector.broadcast %and3A_254 : i32 to vector<16xi32>
    %and3A_256 = arith.andi %shift_right_arithmetic3A_253, %and3A_255 : vector<16xi32>
    %mul3A_257 = arith.constant 128 : i32
    %mul3A_258 = vector.broadcast %mul3A_257 : i32 to vector<16xi32>
    %mul3A_259 = arith.muli %and3A_256, %mul3A_258 : vector<16xi32>
    %add3A_260 = arith.addi %add3A_250, %mul3A_259 : vector<16xi32>
    %and3A_261 = arith.constant 127 : i32
    %and3A_262 = vector.broadcast %and3A_261 : i32 to vector<16xi32>
    %and3A_263 = arith.andi %get3A_232, %and3A_262 : vector<16xi32>
    %add3A_264 = arith.addi %add3A_260, %and3A_263 : vector<16xi32>
    %dma_start3A_265 = arith.constant 96 : i32
    %dma_start3A_266 = tpu.memref_slice %arg8[%dma_start3A_265] : memref<1024xf32, #tpu.memory_space<vmem>> -> memref<16xf32, #tpu.memory_space<vmem>>
    %dma_start3A_267 = arith.constant 0 : i32
    %dma_start3A_268 = tpu.memref_slice %arg2[%dma_start3A_267] : memref<4194304xf32, #tpu.memory_space<hbm>> -> memref<4194304xf32, #tpu.memory_space<hbm>>
    tpu.enqueue_indirect_dma source(%dma_start3A_268 : memref<4194304xf32, #tpu.memory_space<hbm>>) target(%dma_start3A_266 : memref<16xf32, #tpu.memory_space<vmem>>) offsets(%add3A_264 : vector<16xi32>) semaphore(%arg12 : memref<!tpu.dma_semaphore, #tpu.memory_space<semaphore_mem>>)
    %get3A_269 = arith.constant 112 : index
    %get3A_270 = tpu.vector_load %arg7[%get3A_269] {strides = array<i32>} : memref<512xi32, #tpu.memory_space<vmem>>, vector<16xi32>,
    %shift_right_arithmetic3A_271 = arith.constant 11 : i32
    %shift_right_arithmetic3A_272 = vector.broadcast %shift_right_arithmetic3A_271 : i32 to vector<16xi32>
    %shift_right_arithmetic3A_273 = arith.shrsi %get3A_270, %shift_right_arithmetic3A_272 : vector<16xi32>
    %mul3A_274 = arith.constant 2048 : i32
    %mul3A_275 = vector.broadcast %mul3A_274 : i32 to vector<16xi32>
    %mul3A_276 = arith.muli %shift_right_arithmetic3A_273, %mul3A_275 : vector<16xi32>
    %add3A_277 = vector.broadcast %mul3A_6 : i32 to vector<16xi32>
    %add3A_278 = arith.addi %add3A_277, %mul3A_276 : vector<16xi32>
    %shift_right_arithmetic3A_279 = arith.constant 7 : i32
    %shift_right_arithmetic3A_280 = vector.broadcast %shift_right_arithmetic3A_279 : i32 to vector<16xi32>
    %shift_right_arithmetic3A_281 = arith.shrsi %get3A_270, %shift_right_arithmetic3A_280 : vector<16xi32>
    %and3A_282 = arith.constant 1 : i32
    %and3A_283 = vector.broadcast %and3A_282 : i32 to vector<16xi32>
    %and3A_284 = arith.andi %shift_right_arithmetic3A_281, %and3A_283 : vector<16xi32>
    %mul3A_285 = arith.constant 1024 : i32
    %mul3A_286 = vector.broadcast %mul3A_285 : i32 to vector<16xi32>
    %mul3A_287 = arith.muli %and3A_284, %mul3A_286 : vector<16xi32>
    %add3A_288 = arith.addi %add3A_278, %mul3A_287 : vector<16xi32>
    %shift_right_arithmetic3A_289 = arith.constant 8 : i32
    %shift_right_arithmetic3A_290 = vector.broadcast %shift_right_arithmetic3A_289 : i32 to vector<16xi32>
    %shift_right_arithmetic3A_291 = arith.shrsi %get3A_270, %shift_right_arithmetic3A_290 : vector<16xi32>
    %and3A_292 = arith.constant 7 : i32
    %and3A_293 = vector.broadcast %and3A_292 : i32 to vector<16xi32>
    %and3A_294 = arith.andi %shift_right_arithmetic3A_291, %and3A_293 : vector<16xi32>
    %mul3A_295 = arith.constant 128 : i32
    %mul3A_296 = vector.broadcast %mul3A_295 : i32 to vector<16xi32>
    %mul3A_297 = arith.muli %and3A_294, %mul3A_296 : vector<16xi32>
    %add3A_298 = arith.addi %add3A_288, %mul3A_297 : vector<16xi32>
    %and3A_299 = arith.constant 127 : i32
    %and3A_300 = vector.broadcast %and3A_299 : i32 to vector<16xi32>
    %and3A_301 = arith.andi %get3A_270, %and3A_300 : vector<16xi32>
    %add3A_302 = arith.addi %add3A_298, %and3A_301 : vector<16xi32>
    %dma_start3A_303 = arith.constant 112 : i32
    %dma_start3A_304 = tpu.memref_slice %arg8[%dma_start3A_303] : memref<1024xf32, #tpu.memory_space<vmem>> -> memref<16xf32, #tpu.memory_space<vmem>>
    %dma_start3A_305 = arith.constant 0 : i32
    %dma_start3A_306 = tpu.memref_slice %arg2[%dma_start3A_305] : memref<4194304xf32, #tpu.memory_space<hbm>> -> memref<4194304xf32, #tpu.memory_space<hbm>>
    tpu.enqueue_indirect_dma source(%dma_start3A_306 : memref<4194304xf32, #tpu.memory_space<hbm>>) target(%dma_start3A_304 : memref<16xf32, #tpu.memory_space<vmem>>) offsets(%add3A_302 : vector<16xi32>) semaphore(%arg12 : memref<!tpu.dma_semaphore, #tpu.memory_space<semaphore_mem>>)
    %get3A_307 = arith.constant 128 : index
    %get3A_308 = tpu.vector_load %arg7[%get3A_307] {strides = array<i32>} : memref<512xi32, #tpu.memory_space<vmem>>, vector<16xi32>,
    %shift_right_arithmetic3A_309 = arith.constant 11 : i32
    %shift_right_arithmetic3A_310 = vector.broadcast %shift_right_arithmetic3A_309 : i32 to vector<16xi32>
    %shift_right_arithmetic3A_311 = arith.shrsi %get3A_308, %shift_right_arithmetic3A_310 : vector<16xi32>
    %mul3A_312 = arith.constant 2048 : i32
    %mul3A_313 = vector.broadcast %mul3A_312 : i32 to vector<16xi32>
    %mul3A_314 = arith.muli %shift_right_arithmetic3A_311, %mul3A_313 : vector<16xi32>
    %add3A_315 = vector.broadcast %mul3A_6 : i32 to vector<16xi32>
    %add3A_316 = arith.addi %add3A_315, %mul3A_314 : vector<16xi32>
    %shift_right_arithmetic3A_317 = arith.constant 7 : i32
    %shift_right_arithmetic3A_318 = vector.broadcast %shift_right_arithmetic3A_317 : i32 to vector<16xi32>
    %shift_right_arithmetic3A_319 = arith.shrsi %get3A_308, %shift_right_arithmetic3A_318 : vector<16xi32>
    %and3A_320 = arith.constant 1 : i32
    %and3A_321 = vector.broadcast %and3A_320 : i32 to vector<16xi32>
    %and3A_322 = arith.andi %shift_right_arithmetic3A_319, %and3A_321 : vector<16xi32>
    %mul3A_323 = arith.constant 1024 : i32
    %mul3A_324 = vector.broadcast %mul3A_323 : i32 to vector<16xi32>
    %mul3A_325 = arith.muli %and3A_322, %mul3A_324 : vector<16xi32>
    %add3A_326 = arith.addi %add3A_316, %mul3A_325 : vector<16xi32>
    %shift_right_arithmetic3A_327 = arith.constant 8 : i32
    %shift_right_arithmetic3A_328 = vector.broadcast %shift_right_arithmetic3A_327 : i32 to vector<16xi32>
    %shift_right_arithmetic3A_329 = arith.shrsi %get3A_308, %shift_right_arithmetic3A_328 : vector<16xi32>
    %and3A_330 = arith.constant 7 : i32
    %and3A_331 = vector.broadcast %and3A_330 : i32 to vector<16xi32>
    %and3A_332 = arith.andi %shift_right_arithmetic3A_329, %and3A_331 : vector<16xi32>
    %mul3A_333 = arith.constant 128 : i32
    %mul3A_334 = vector.broadcast %mul3A_333 : i32 to vector<16xi32>
    %mul3A_335 = arith.muli %and3A_332, %mul3A_334 : vector<16xi32>
    %add3A_336 = arith.addi %add3A_326, %mul3A_335 : vector<16xi32>
    %and3A_337 = arith.constant 127 : i32
    %and3A_338 = vector.broadcast %and3A_337 : i32 to vector<16xi32>
    %and3A_339 = arith.andi %get3A_308, %and3A_338 : vector<16xi32>
    %add3A_340 = arith.addi %add3A_336, %and3A_339 : vector<16xi32>
    %dma_start3A_341 = arith.constant 128 : i32
    %dma_start3A_342 = tpu.memref_slice %arg8[%dma_start3A_341] : memref<1024xf32, #tpu.memory_space<vmem>> -> memref<16xf32, #tpu.memory_space<vmem>>
    %dma_start3A_343 = arith.constant 0 : i32
    %dma_start3A_344 = tpu.memref_slice %arg2[%dma_start3A_343] : memref<4194304xf32, #tpu.memory_space<hbm>> -> memref<4194304xf32, #tpu.memory_space<hbm>>
    tpu.enqueue_indirect_dma source(%dma_start3A_344 : memref<4194304xf32, #tpu.memory_space<hbm>>) target(%dma_start3A_342 : memref<16xf32, #tpu.memory_space<vmem>>) offsets(%add3A_340 : vector<16xi32>) semaphore(%arg12 : memref<!tpu.dma_semaphore, #tpu.memory_space<semaphore_mem>>)
    %get3A_345 = arith.constant 144 : index
    %get3A_346 = tpu.vector_load %arg7[%get3A_345] {strides = array<i32>} : memref<512xi32, #tpu.memory_space<vmem>>, vector<16xi32>,
    %shift_right_arithmetic3A_347 = arith.constant 11 : i32
    %shift_right_arithmetic3A_348 = vector.broadcast %shift_right_arithmetic3A_347 : i32 to vector<16xi32>
    %shift_right_arithmetic3A_349 = arith.shrsi %get3A_346, %shift_right_arithmetic3A_348 : vector<16xi32>
    %mul3A_350 = arith.constant 2048 : i32
    %mul3A_351 = vector.broadcast %mul3A_350 : i32 to vector<16xi32>
    %mul3A_352 = arith.muli %shift_right_arithmetic3A_349, %mul3A_351 : vector<16xi32>
    %add3A_353 = vector.broadcast %mul3A_6 : i32 to vector<16xi32>
    %add3A_354 = arith.addi %add3A_353, %mul3A_352 : vector<16xi32>
    %shift_right_arithmetic3A_355 = arith.constant 7 : i32
    %shift_right_arithmetic3A_356 = vector.broadcast %shift_right_arithmetic3A_355 : i32 to vector<16xi32>
    %shift_right_arithmetic3A_357 = arith.shrsi %get3A_346, %shift_right_arithmetic3A_356 : vector<16xi32>
    %and3A_358 = arith.constant 1 : i32
    %and3A_359 = vector.broadcast %and3A_358 : i32 to vector<16xi32>
    %and3A_360 = arith.andi %shift_right_arithmetic3A_357, %and3A_359 : vector<16xi32>
    %mul3A_361 = arith.constant 1024 : i32
    %mul3A_362 = vector.broadcast %mul3A_361 : i32 to vector<16xi32>
    %mul3A_363 = arith.muli %and3A_360, %mul3A_362 : vector<16xi32>
    %add3A_364 = arith.addi %add3A_354, %mul3A_363 : vector<16xi32>
    %shift_right_arithmetic3A_365 = arith.constant 8 : i32
    %shift_right_arithmetic3A_366 = vector.broadcast %shift_right_arithmetic3A_365 : i32 to vector<16xi32>
    %shift_right_arithmetic3A_367 = arith.shrsi %get3A_346, %shift_right_arithmetic3A_366 : vector<16xi32>
    %and3A_368 = arith.constant 7 : i32
    %and3A_369 = vector.broadcast %and3A_368 : i32 to vector<16xi32>
    %and3A_370 = arith.andi %shift_right_arithmetic3A_367, %and3A_369 : vector<16xi32>
    %mul3A_371 = arith.constant 128 : i32
    %mul3A_372 = vector.broadcast %mul3A_371 : i32 to vector<16xi32>
    %mul3A_373 = arith.muli %and3A_370, %mul3A_372 : vector<16xi32>
    %add3A_374 = arith.addi %add3A_364, %mul3A_373 : vector<16xi32>
    %and3A_375 = arith.constant 127 : i32
    %and3A_376 = vector.broadcast %and3A_375 : i32 to vector<16xi32>
    %and3A_377 = arith.andi %get3A_346, %and3A_376 : vector<16xi32>
    %add3A_378 = arith.addi %add3A_374, %and3A_377 : vector<16xi32>
    %dma_start3A_379 = arith.constant 144 : i32
    %dma_start3A_380 = tpu.memref_slice %arg8[%dma_start3A_379] : memref<1024xf32, #tpu.memory_space<vmem>> -> memref<16xf32, #tpu.memory_space<vmem>>
    %dma_start3A_381 = arith.constant 0 : i32
    %dma_start3A_382 = tpu.memref_slice %arg2[%dma_start3A_381] : memref<4194304xf32, #tpu.memory_space<hbm>> -> memref<4194304xf32, #tpu.memory_space<hbm>>
    tpu.enqueue_indirect_dma source(%dma_start3A_382 : memref<4194304xf32, #tpu.memory_space<hbm>>) target(%dma_start3A_380 : memref<16xf32, #tpu.memory_space<vmem>>) offsets(%add3A_378 : vector<16xi32>) semaphore(%arg12 : memref<!tpu.dma_semaphore, #tpu.memory_space<semaphore_mem>>)
    %get3A_383 = arith.constant 160 : index
    %get3A_384 = tpu.vector_load %arg7[%get3A_383] {strides = array<i32>} : memref<512xi32, #tpu.memory_space<vmem>>, vector<16xi32>,
    %shift_right_arithmetic3A_385 = arith.constant 11 : i32
    %shift_right_arithmetic3A_386 = vector.broadcast %shift_right_arithmetic3A_385 : i32 to vector<16xi32>
    %shift_right_arithmetic3A_387 = arith.shrsi %get3A_384, %shift_right_arithmetic3A_386 : vector<16xi32>
    %mul3A_388 = arith.constant 2048 : i32
    %mul3A_389 = vector.broadcast %mul3A_388 : i32 to vector<16xi32>
    %mul3A_390 = arith.muli %shift_right_arithmetic3A_387, %mul3A_389 : vector<16xi32>
    %add3A_391 = vector.broadcast %mul3A_6 : i32 to vector<16xi32>
    %add3A_392 = arith.addi %add3A_391, %mul3A_390 : vector<16xi32>
    %shift_right_arithmetic3A_393 = arith.constant 7 : i32
    %shift_right_arithmetic3A_394 = vector.broadcast %shift_right_arithmetic3A_393 : i32 to vector<16xi32>
    %shift_right_arithmetic3A_395 = arith.shrsi %get3A_384, %shift_right_arithmetic3A_394 : vector<16xi32>
    %and3A_396 = arith.constant 1 : i32
    %and3A_397 = vector.broadcast %and3A_396 : i32 to vector<16xi32>
    %and3A_398 = arith.andi %shift_right_arithmetic3A_395, %and3A_397 : vector<16xi32>
    %mul3A_399 = arith.constant 1024 : i32
    %mul3A_400 = vector.broadcast %mul3A_399 : i32 to vector<16xi32>
    %mul3A_401 = arith.muli %and3A_398, %mul3A_400 : vector<16xi32>
    %add3A_402 = arith.addi %add3A_392, %mul3A_401 : vector<16xi32>
    %shift_right_arithmetic3A_403 = arith.constant 8 : i32
    %shift_right_arithmetic3A_404 = vector.broadcast %shift_right_arithmetic3A_403 : i32 to vector<16xi32>
    %shift_right_arithmetic3A_405 = arith.shrsi %get3A_384, %shift_right_arithmetic3A_404 : vector<16xi32>
    %and3A_406 = arith.constant 7 : i32
    %and3A_407 = vector.broadcast %and3A_406 : i32 to vector<16xi32>
    %and3A_408 = arith.andi %shift_right_arithmetic3A_405, %and3A_407 : vector<16xi32>
    %mul3A_409 = arith.constant 128 : i32
    %mul3A_410 = vector.broadcast %mul3A_409 : i32 to vector<16xi32>
    %mul3A_411 = arith.muli %and3A_408, %mul3A_410 : vector<16xi32>
    %add3A_412 = arith.addi %add3A_402, %mul3A_411 : vector<16xi32>
    %and3A_413 = arith.constant 127 : i32
    %and3A_414 = vector.broadcast %and3A_413 : i32 to vector<16xi32>
    %and3A_415 = arith.andi %get3A_384, %and3A_414 : vector<16xi32>
    %add3A_416 = arith.addi %add3A_412, %and3A_415 : vector<16xi32>
    %dma_start3A_417 = arith.constant 160 : i32
    %dma_start3A_418 = tpu.memref_slice %arg8[%dma_start3A_417] : memref<1024xf32, #tpu.memory_space<vmem>> -> memref<16xf32, #tpu.memory_space<vmem>>
    %dma_start3A_419 = arith.constant 0 : i32
    %dma_start3A_420 = tpu.memref_slice %arg2[%dma_start3A_419] : memref<4194304xf32, #tpu.memory_space<hbm>> -> memref<4194304xf32, #tpu.memory_space<hbm>>
    tpu.enqueue_indirect_dma source(%dma_start3A_420 : memref<4194304xf32, #tpu.memory_space<hbm>>) target(%dma_start3A_418 : memref<16xf32, #tpu.memory_space<vmem>>) offsets(%add3A_416 : vector<16xi32>) semaphore(%arg12 : memref<!tpu.dma_semaphore, #tpu.memory_space<semaphore_mem>>)
    %get3A_421 = arith.constant 176 : index
    %get3A_422 = tpu.vector_load %arg7[%get3A_421] {strides = array<i32>} : memref<512xi32, #tpu.memory_space<vmem>>, vector<16xi32>,
    %shift_right_arithmetic3A_423 = arith.constant 11 : i32
    %shift_right_arithmetic3A_424 = vector.broadcast %shift_right_arithmetic3A_423 : i32 to vector<16xi32>
    %shift_right_arithmetic3A_425 = arith.shrsi %get3A_422, %shift_right_arithmetic3A_424 : vector<16xi32>
    %mul3A_426 = arith.constant 2048 : i32
    %mul3A_427 = vector.broadcast %mul3A_426 : i32 to vector<16xi32>
    %mul3A_428 = arith.muli %shift_right_arithmetic3A_425, %mul3A_427 : vector<16xi32>
    %add3A_429 = vector.broadcast %mul3A_6 : i32 to vector<16xi32>
    %add3A_430 = arith.addi %add3A_429, %mul3A_428 : vector<16xi32>
    %shift_right_arithmetic3A_431 = arith.constant 7 : i32
    %shift_right_arithmetic3A_432 = vector.broadcast %shift_right_arithmetic3A_431 : i32 to vector<16xi32>
    %shift_right_arithmetic3A_433 = arith.shrsi %get3A_422, %shift_right_arithmetic3A_432 : vector<16xi32>
    %and3A_434 = arith.constant 1 : i32
    %and3A_435 = vector.broadcast %and3A_434 : i32 to vector<16xi32>
    %and3A_436 = arith.andi %shift_right_arithmetic3A_433, %and3A_435 : vector<16xi32>
    %mul3A_437 = arith.constant 1024 : i32
    %mul3A_438 = vector.broadcast %mul3A_437 : i32 to vector<16xi32>
    %mul3A_439 = arith.muli %and3A_436, %mul3A_438 : vector<16xi32>
    %add3A_440 = arith.addi %add3A_430, %mul3A_439 : vector<16xi32>
    %shift_right_arithmetic3A_441 = arith.constant 8 : i32
    %shift_right_arithmetic3A_442 = vector.broadcast %shift_right_arithmetic3A_441 : i32 to vector<16xi32>
    %shift_right_arithmetic3A_443 = arith.shrsi %get3A_422, %shift_right_arithmetic3A_442 : vector<16xi32>
    %and3A_444 = arith.constant 7 : i32
    %and3A_445 = vector.broadcast %and3A_444 : i32 to vector<16xi32>
    %and3A_446 = arith.andi %shift_right_arithmetic3A_443, %and3A_445 : vector<16xi32>
    %mul3A_447 = arith.constant 128 : i32
    %mul3A_448 = vector.broadcast %mul3A_447 : i32 to vector<16xi32>
    %mul3A_449 = arith.muli %and3A_446, %mul3A_448 : vector<16xi32>
    %add3A_450 = arith.addi %add3A_440, %mul3A_449 : vector<16xi32>
    %and3A_451 = arith.constant 127 : i32
    %and3A_452 = vector.broadcast %and3A_451 : i32 to vector<16xi32>
    %and3A_453 = arith.andi %get3A_422, %and3A_452 : vector<16xi32>
    %add3A_454 = arith.addi %add3A_450, %and3A_453 : vector<16xi32>
    %dma_start3A_455 = arith.constant 176 : i32
    %dma_start3A_456 = tpu.memref_slice %arg8[%dma_start3A_455] : memref<1024xf32, #tpu.memory_space<vmem>> -> memref<16xf32, #tpu.memory_space<vmem>>
    %dma_start3A_457 = arith.constant 0 : i32
    %dma_start3A_458 = tpu.memref_slice %arg2[%dma_start3A_457] : memref<4194304xf32, #tpu.memory_space<hbm>> -> memref<4194304xf32, #tpu.memory_space<hbm>>
    tpu.enqueue_indirect_dma source(%dma_start3A_458 : memref<4194304xf32, #tpu.memory_space<hbm>>) target(%dma_start3A_456 : memref<16xf32, #tpu.memory_space<vmem>>) offsets(%add3A_454 : vector<16xi32>) semaphore(%arg12 : memref<!tpu.dma_semaphore, #tpu.memory_space<semaphore_mem>>)
    %get3A_459 = arith.constant 192 : index
    %get3A_460 = tpu.vector_load %arg7[%get3A_459] {strides = array<i32>} : memref<512xi32, #tpu.memory_space<vmem>>, vector<16xi32>,
    %shift_right_arithmetic3A_461 = arith.constant 11 : i32
    %shift_right_arithmetic3A_462 = vector.broadcast %shift_right_arithmetic3A_461 : i32 to vector<16xi32>
    %shift_right_arithmetic3A_463 = arith.shrsi %get3A_460, %shift_right_arithmetic3A_462 : vector<16xi32>
    %mul3A_464 = arith.constant 2048 : i32
    %mul3A_465 = vector.broadcast %mul3A_464 : i32 to vector<16xi32>
    %mul3A_466 = arith.muli %shift_right_arithmetic3A_463, %mul3A_465 : vector<16xi32>
    %add3A_467 = vector.broadcast %mul3A_6 : i32 to vector<16xi32>
    %add3A_468 = arith.addi %add3A_467, %mul3A_466 : vector<16xi32>
    %shift_right_arithmetic3A_469 = arith.constant 7 : i32
    %shift_right_arithmetic3A_470 = vector.broadcast %shift_right_arithmetic3A_469 : i32 to vector<16xi32>
    %shift_right_arithmetic3A_471 = arith.shrsi %get3A_460, %shift_right_arithmetic3A_470 : vector<16xi32>
    %and3A_472 = arith.constant 1 : i32
    %and3A_473 = vector.broadcast %and3A_472 : i32 to vector<16xi32>
    %and3A_474 = arith.andi %shift_right_arithmetic3A_471, %and3A_473 : vector<16xi32>
    %mul3A_475 = arith.constant 1024 : i32
    %mul3A_476 = vector.broadcast %mul3A_475 : i32 to vector<16xi32>
    %mul3A_477 = arith.muli %and3A_474, %mul3A_476 : vector<16xi32>
    %add3A_478 = arith.addi %add3A_468, %mul3A_477 : vector<16xi32>
    %shift_right_arithmetic3A_479 = arith.constant 8 : i32
    %shift_right_arithmetic3A_480 = vector.broadcast %shift_right_arithmetic3A_479 : i32 to vector<16xi32>
    %shift_right_arithmetic3A_481 = arith.shrsi %get3A_460, %shift_right_arithmetic3A_480 : vector<16xi32>
    %and3A_482 = arith.constant 7 : i32
    %and3A_483 = vector.broadcast %and3A_482 : i32 to vector<16xi32>
    %and3A_484 = arith.andi %shift_right_arithmetic3A_481, %and3A_483 : vector<16xi32>
    %mul3A_485 = arith.constant 128 : i32
    %mul3A_486 = vector.broadcast %mul3A_485 : i32 to vector<16xi32>
    %mul3A_487 = arith.muli %and3A_484, %mul3A_486 : vector<16xi32>
    %add3A_488 = arith.addi %add3A_478, %mul3A_487 : vector<16xi32>
    %and3A_489 = arith.constant 127 : i32
    %and3A_490 = vector.broadcast %and3A_489 : i32 to vector<16xi32>
    %and3A_491 = arith.andi %get3A_460, %and3A_490 : vector<16xi32>
    %add3A_492 = arith.addi %add3A_488, %and3A_491 : vector<16xi32>
    %dma_start3A_493 = arith.constant 192 : i32
    %dma_start3A_494 = tpu.memref_slice %arg8[%dma_start3A_493] : memref<1024xf32, #tpu.memory_space<vmem>> -> memref<16xf32, #tpu.memory_space<vmem>>
    %dma_start3A_495 = arith.constant 0 : i32
    %dma_start3A_496 = tpu.memref_slice %arg2[%dma_start3A_495] : memref<4194304xf32, #tpu.memory_space<hbm>> -> memref<4194304xf32, #tpu.memory_space<hbm>>
    tpu.enqueue_indirect_dma source(%dma_start3A_496 : memref<4194304xf32, #tpu.memory_space<hbm>>) target(%dma_start3A_494 : memref<16xf32, #tpu.memory_space<vmem>>) offsets(%add3A_492 : vector<16xi32>) semaphore(%arg12 : memref<!tpu.dma_semaphore, #tpu.memory_space<semaphore_mem>>)
    %get3A_497 = arith.constant 208 : index
    %get3A_498 = tpu.vector_load %arg7[%get3A_497] {strides = array<i32>} : memref<512xi32, #tpu.memory_space<vmem>>, vector<16xi32>,
    %shift_right_arithmetic3A_499 = arith.constant 11 : i32
    %shift_right_arithmetic3A_500 = vector.broadcast %shift_right_arithmetic3A_499 : i32 to vector<16xi32>
    %shift_right_arithmetic3A_501 = arith.shrsi %get3A_498, %shift_right_arithmetic3A_500 : vector<16xi32>
    %mul3A_502 = arith.constant 2048 : i32
    %mul3A_503 = vector.broadcast %mul3A_502 : i32 to vector<16xi32>
    %mul3A_504 = arith.muli %shift_right_arithmetic3A_501, %mul3A_503 : vector<16xi32>
    %add3A_505 = vector.broadcast %mul3A_6 : i32 to vector<16xi32>
    %add3A_506 = arith.addi %add3A_505, %mul3A_504 : vector<16xi32>
    %shift_right_arithmetic3A_507 = arith.constant 7 : i32
    %shift_right_arithmetic3A_508 = vector.broadcast %shift_right_arithmetic3A_507 : i32 to vector<16xi32>
    %shift_right_arithmetic3A_509 = arith.shrsi %get3A_498, %shift_right_arithmetic3A_508 : vector<16xi32>
    %and3A_510 = arith.constant 1 : i32
    %and3A_511 = vector.broadcast %and3A_510 : i32 to vector<16xi32>
    %and3A_512 = arith.andi %shift_right_arithmetic3A_509, %and3A_511 : vector<16xi32>
    %mul3A_513 = arith.constant 1024 : i32
    %mul3A_514 = vector.broadcast %mul3A_513 : i32 to vector<16xi32>
    %mul3A_515 = arith.muli %and3A_512, %mul3A_514 : vector<16xi32>
    %add3A_516 = arith.addi %add3A_506, %mul3A_515 : vector<16xi32>
    %shift_right_arithmetic3A_517 = arith.constant 8 : i32
    %shift_right_arithmetic3A_518 = vector.broadcast %shift_right_arithmetic3A_517 : i32 to vector<16xi32>
    %shift_right_arithmetic3A_519 = arith.shrsi %get3A_498, %shift_right_arithmetic3A_518 : vector<16xi32>
    %and3A_520 = arith.constant 7 : i32
    %and3A_521 = vector.broadcast %and3A_520 : i32 to vector<16xi32>
    %and3A_522 = arith.andi %shift_right_arithmetic3A_519, %and3A_521 : vector<16xi32>
    %mul3A_523 = arith.constant 128 : i32
    %mul3A_524 = vector.broadcast %mul3A_523 : i32 to vector<16xi32>
    %mul3A_525 = arith.muli %and3A_522, %mul3A_524 : vector<16xi32>
    %add3A_526 = arith.addi %add3A_516, %mul3A_525 : vector<16xi32>
    %and3A_527 = arith.constant 127 : i32
    %and3A_528 = vector.broadcast %and3A_527 : i32 to vector<16xi32>
    %and3A_529 = arith.andi %get3A_498, %and3A_528 : vector<16xi32>
    %add3A_530 = arith.addi %add3A_526, %and3A_529 : vector<16xi32>
    %dma_start3A_531 = arith.constant 208 : i32
    %dma_start3A_532 = tpu.memref_slice %arg8[%dma_start3A_531] : memref<1024xf32, #tpu.memory_space<vmem>> -> memref<16xf32, #tpu.memory_space<vmem>>
    %dma_start3A_533 = arith.constant 0 : i32
    %dma_start3A_534 = tpu.memref_slice %arg2[%dma_start3A_533] : memref<4194304xf32, #tpu.memory_space<hbm>> -> memref<4194304xf32, #tpu.memory_space<hbm>>
    tpu.enqueue_indirect_dma source(%dma_start3A_534 : memref<4194304xf32, #tpu.memory_space<hbm>>) target(%dma_start3A_532 : memref<16xf32, #tpu.memory_space<vmem>>) offsets(%add3A_530 : vector<16xi32>) semaphore(%arg12 : memref<!tpu.dma_semaphore, #tpu.memory_space<semaphore_mem>>)
    %get3A_535 = arith.constant 224 : index
    %get3A_536 = tpu.vector_load %arg7[%get3A_535] {strides = array<i32>} : memref<512xi32, #tpu.memory_space<vmem>>, vector<16xi32>,
    %shift_right_arithmetic3A_537 = arith.constant 11 : i32
    %shift_right_arithmetic3A_538 = vector.broadcast %shift_right_arithmetic3A_537 : i32 to vector<16xi32>
    %shift_right_arithmetic3A_539 = arith.shrsi %get3A_536, %shift_right_arithmetic3A_538 : vector<16xi32>
    %mul3A_540 = arith.constant 2048 : i32
    %mul3A_541 = vector.broadcast %mul3A_540 : i32 to vector<16xi32>
    %mul3A_542 = arith.muli %shift_right_arithmetic3A_539, %mul3A_541 : vector<16xi32>
    %add3A_543 = vector.broadcast %mul3A_6 : i32 to vector<16xi32>
    %add3A_544 = arith.addi %add3A_543, %mul3A_542 : vector<16xi32>
    %shift_right_arithmetic3A_545 = arith.constant 7 : i32
    %shift_right_arithmetic3A_546 = vector.broadcast %shift_right_arithmetic3A_545 : i32 to vector<16xi32>
    %shift_right_arithmetic3A_547 = arith.shrsi %get3A_536, %shift_right_arithmetic3A_546 : vector<16xi32>
    %and3A_548 = arith.constant 1 : i32
    %and3A_549 = vector.broadcast %and3A_548 : i32 to vector<16xi32>
    %and3A_550 = arith.andi %shift_right_arithmetic3A_547, %and3A_549 : vector<16xi32>
    %mul3A_551 = arith.constant 1024 : i32
    %mul3A_552 = vector.broadcast %mul3A_551 : i32 to vector<16xi32>
    %mul3A_553 = arith.muli %and3A_550, %mul3A_552 : vector<16xi32>
    %add3A_554 = arith.addi %add3A_544, %mul3A_553 : vector<16xi32>
    %shift_right_arithmetic3A_555 = arith.constant 8 : i32
    %shift_right_arithmetic3A_556 = vector.broadcast %shift_right_arithmetic3A_555 : i32 to vector<16xi32>
    %shift_right_arithmetic3A_557 = arith.shrsi %get3A_536, %shift_right_arithmetic3A_556 : vector<16xi32>
    %and3A_558 = arith.constant 7 : i32
    %and3A_559 = vector.broadcast %and3A_558 : i32 to vector<16xi32>
    %and3A_560 = arith.andi %shift_right_arithmetic3A_557, %and3A_559 : vector<16xi32>
    %mul3A_561 = arith.constant 128 : i32
    %mul3A_562 = vector.broadcast %mul3A_561 : i32 to vector<16xi32>
    %mul3A_563 = arith.muli %and3A_560, %mul3A_562 : vector<16xi32>
    %add3A_564 = arith.addi %add3A_554, %mul3A_563 : vector<16xi32>
    %and3A_565 = arith.constant 127 : i32
    %and3A_566 = vector.broadcast %and3A_565 : i32 to vector<16xi32>
    %and3A_567 = arith.andi %get3A_536, %and3A_566 : vector<16xi32>
    %add3A_568 = arith.addi %add3A_564, %and3A_567 : vector<16xi32>
    %dma_start3A_569 = arith.constant 224 : i32
    %dma_start3A_570 = tpu.memref_slice %arg8[%dma_start3A_569] : memref<1024xf32, #tpu.memory_space<vmem>> -> memref<16xf32, #tpu.memory_space<vmem>>
    %dma_start3A_571 = arith.constant 0 : i32
    %dma_start3A_572 = tpu.memref_slice %arg2[%dma_start3A_571] : memref<4194304xf32, #tpu.memory_space<hbm>> -> memref<4194304xf32, #tpu.memory_space<hbm>>
    tpu.enqueue_indirect_dma source(%dma_start3A_572 : memref<4194304xf32, #tpu.memory_space<hbm>>) target(%dma_start3A_570 : memref<16xf32, #tpu.memory_space<vmem>>) offsets(%add3A_568 : vector<16xi32>) semaphore(%arg12 : memref<!tpu.dma_semaphore, #tpu.memory_space<semaphore_mem>>)
    %get3A_573 = arith.constant 240 : index
    %get3A_574 = tpu.vector_load %arg7[%get3A_573] {strides = array<i32>} : memref<512xi32, #tpu.memory_space<vmem>>, vector<16xi32>,
    %shift_right_arithmetic3A_575 = arith.constant 11 : i32
    %shift_right_arithmetic3A_576 = vector.broadcast %shift_right_arithmetic3A_575 : i32 to vector<16xi32>
    %shift_right_arithmetic3A_577 = arith.shrsi %get3A_574, %shift_right_arithmetic3A_576 : vector<16xi32>
    %mul3A_578 = arith.constant 2048 : i32
    %mul3A_579 = vector.broadcast %mul3A_578 : i32 to vector<16xi32>
    %mul3A_580 = arith.muli %shift_right_arithmetic3A_577, %mul3A_579 : vector<16xi32>
    %add3A_581 = vector.broadcast %mul3A_6 : i32 to vector<16xi32>
    %add3A_582 = arith.addi %add3A_581, %mul3A_580 : vector<16xi32>
    %shift_right_arithmetic3A_583 = arith.constant 7 : i32
    %shift_right_arithmetic3A_584 = vector.broadcast %shift_right_arithmetic3A_583 : i32 to vector<16xi32>
    %shift_right_arithmetic3A_585 = arith.shrsi %get3A_574, %shift_right_arithmetic3A_584 : vector<16xi32>
    %and3A_586 = arith.constant 1 : i32
    %and3A_587 = vector.broadcast %and3A_586 : i32 to vector<16xi32>
    %and3A_588 = arith.andi %shift_right_arithmetic3A_585, %and3A_587 : vector<16xi32>
    %mul3A_589 = arith.constant 1024 : i32
    %mul3A_590 = vector.broadcast %mul3A_589 : i32 to vector<16xi32>
    %mul3A_591 = arith.muli %and3A_588, %mul3A_590 : vector<16xi32>
    %add3A_592 = arith.addi %add3A_582, %mul3A_591 : vector<16xi32>
    %shift_right_arithmetic3A_593 = arith.constant 8 : i32
    %shift_right_arithmetic3A_594 = vector.broadcast %shift_right_arithmetic3A_593 : i32 to vector<16xi32>
    %shift_right_arithmetic3A_595 = arith.shrsi %get3A_574, %shift_right_arithmetic3A_594 : vector<16xi32>
    %and3A_596 = arith.constant 7 : i32
    %and3A_597 = vector.broadcast %and3A_596 : i32 to vector<16xi32>
    %and3A_598 = arith.andi %shift_right_arithmetic3A_595, %and3A_597 : vector<16xi32>
    %mul3A_599 = arith.constant 128 : i32
    %mul3A_600 = vector.broadcast %mul3A_599 : i32 to vector<16xi32>
    %mul3A_601 = arith.muli %and3A_598, %mul3A_600 : vector<16xi32>
    %add3A_602 = arith.addi %add3A_592, %mul3A_601 : vector<16xi32>
    %and3A_603 = arith.constant 127 : i32
    %and3A_604 = vector.broadcast %and3A_603 : i32 to vector<16xi32>
    %and3A_605 = arith.andi %get3A_574, %and3A_604 : vector<16xi32>
    %add3A_606 = arith.addi %add3A_602, %and3A_605 : vector<16xi32>
    %dma_start3A_607 = arith.constant 240 : i32
    %dma_start3A_608 = tpu.memref_slice %arg8[%dma_start3A_607] : memref<1024xf32, #tpu.memory_space<vmem>> -> memref<16xf32, #tpu.memory_space<vmem>>
    %dma_start3A_609 = arith.constant 0 : i32
    %dma_start3A_610 = tpu.memref_slice %arg2[%dma_start3A_609] : memref<4194304xf32, #tpu.memory_space<hbm>> -> memref<4194304xf32, #tpu.memory_space<hbm>>
    tpu.enqueue_indirect_dma source(%dma_start3A_610 : memref<4194304xf32, #tpu.memory_space<hbm>>) target(%dma_start3A_608 : memref<16xf32, #tpu.memory_space<vmem>>) offsets(%add3A_606 : vector<16xi32>) semaphore(%arg12 : memref<!tpu.dma_semaphore, #tpu.memory_space<semaphore_mem>>)
    %get3A_611 = arith.constant 256 : index
    %get3A_612 = tpu.vector_load %arg7[%get3A_611] {strides = array<i32>} : memref<512xi32, #tpu.memory_space<vmem>>, vector<16xi32>,
    %shift_right_arithmetic3A_613 = arith.constant 11 : i32
    %shift_right_arithmetic3A_614 = vector.broadcast %shift_right_arithmetic3A_613 : i32 to vector<16xi32>
    %shift_right_arithmetic3A_615 = arith.shrsi %get3A_612, %shift_right_arithmetic3A_614 : vector<16xi32>
    %mul3A_616 = arith.constant 2048 : i32
    %mul3A_617 = vector.broadcast %mul3A_616 : i32 to vector<16xi32>
    %mul3A_618 = arith.muli %shift_right_arithmetic3A_615, %mul3A_617 : vector<16xi32>
    %add3A_619 = vector.broadcast %mul3A_6 : i32 to vector<16xi32>
    %add3A_620 = arith.addi %add3A_619, %mul3A_618 : vector<16xi32>
    %shift_right_arithmetic3A_621 = arith.constant 7 : i32
    %shift_right_arithmetic3A_622 = vector.broadcast %shift_right_arithmetic3A_621 : i32 to vector<16xi32>
    %shift_right_arithmetic3A_623 = arith.shrsi %get3A_612, %shift_right_arithmetic3A_622 : vector<16xi32>
    %and3A_624 = arith.constant 1 : i32
    %and3A_625 = vector.broadcast %and3A_624 : i32 to vector<16xi32>
    %and3A_626 = arith.andi %shift_right_arithmetic3A_623, %and3A_625 : vector<16xi32>
    %mul3A_627 = arith.constant 1024 : i32
    %mul3A_628 = vector.broadcast %mul3A_627 : i32 to vector<16xi32>
    %mul3A_629 = arith.muli %and3A_626, %mul3A_628 : vector<16xi32>
    %add3A_630 = arith.addi %add3A_620, %mul3A_629 : vector<16xi32>
    %shift_right_arithmetic3A_631 = arith.constant 8 : i32
    %shift_right_arithmetic3A_632 = vector.broadcast %shift_right_arithmetic3A_631 : i32 to vector<16xi32>
    %shift_right_arithmetic3A_633 = arith.shrsi %get3A_612, %shift_right_arithmetic3A_632 : vector<16xi32>
    %and3A_634 = arith.constant 7 : i32
    %and3A_635 = vector.broadcast %and3A_634 : i32 to vector<16xi32>
    %and3A_636 = arith.andi %shift_right_arithmetic3A_633, %and3A_635 : vector<16xi32>
    %mul3A_637 = arith.constant 128 : i32
    %mul3A_638 = vector.broadcast %mul3A_637 : i32 to vector<16xi32>
    %mul3A_639 = arith.muli %and3A_636, %mul3A_638 : vector<16xi32>
    %add3A_640 = arith.addi %add3A_630, %mul3A_639 : vector<16xi32>
    %and3A_641 = arith.constant 127 : i32
    %and3A_642 = vector.broadcast %and3A_641 : i32 to vector<16xi32>
    %and3A_643 = arith.andi %get3A_612, %and3A_642 : vector<16xi32>
    %add3A_644 = arith.addi %add3A_640, %and3A_643 : vector<16xi32>
    %dma_start3A_645 = arith.constant 256 : i32
    %dma_start3A_646 = tpu.memref_slice %arg8[%dma_start3A_645] : memref<1024xf32, #tpu.memory_space<vmem>> -> memref<16xf32, #tpu.memory_space<vmem>>
    %dma_start3A_647 = arith.constant 0 : i32
    %dma_start3A_648 = tpu.memref_slice %arg2[%dma_start3A_647] : memref<4194304xf32, #tpu.memory_space<hbm>> -> memref<4194304xf32, #tpu.memory_space<hbm>>
    tpu.enqueue_indirect_dma source(%dma_start3A_648 : memref<4194304xf32, #tpu.memory_space<hbm>>) target(%dma_start3A_646 : memref<16xf32, #tpu.memory_space<vmem>>) offsets(%add3A_644 : vector<16xi32>) semaphore(%arg12 : memref<!tpu.dma_semaphore, #tpu.memory_space<semaphore_mem>>)
    %get3A_649 = arith.constant 272 : index
    %get3A_650 = tpu.vector_load %arg7[%get3A_649] {strides = array<i32>} : memref<512xi32, #tpu.memory_space<vmem>>, vector<16xi32>,
    %shift_right_arithmetic3A_651 = arith.constant 11 : i32
    %shift_right_arithmetic3A_652 = vector.broadcast %shift_right_arithmetic3A_651 : i32 to vector<16xi32>
    %shift_right_arithmetic3A_653 = arith.shrsi %get3A_650, %shift_right_arithmetic3A_652 : vector<16xi32>
    %mul3A_654 = arith.constant 2048 : i32
    %mul3A_655 = vector.broadcast %mul3A_654 : i32 to vector<16xi32>
    %mul3A_656 = arith.muli %shift_right_arithmetic3A_653, %mul3A_655 : vector<16xi32>
    %add3A_657 = vector.broadcast %mul3A_6 : i32 to vector<16xi32>
    %add3A_658 = arith.addi %add3A_657, %mul3A_656 : vector<16xi32>
    %shift_right_arithmetic3A_659 = arith.constant 7 : i32
    %shift_right_arithmetic3A_660 = vector.broadcast %shift_right_arithmetic3A_659 : i32 to vector<16xi32>
    %shift_right_arithmetic3A_661 = arith.shrsi %get3A_650, %shift_right_arithmetic3A_660 : vector<16xi32>
    %and3A_662 = arith.constant 1 : i32
    %and3A_663 = vector.broadcast %and3A_662 : i32 to vector<16xi32>
    %and3A_664 = arith.andi %shift_right_arithmetic3A_661, %and3A_663 : vector<16xi32>
    %mul3A_665 = arith.constant 1024 : i32
    %mul3A_666 = vector.broadcast %mul3A_665 : i32 to vector<16xi32>
    %mul3A_667 = arith.muli %and3A_664, %mul3A_666 : vector<16xi32>
    %add3A_668 = arith.addi %add3A_658, %mul3A_667 : vector<16xi32>
    %shift_right_arithmetic3A_669 = arith.constant 8 : i32
    %shift_right_arithmetic3A_670 = vector.broadcast %shift_right_arithmetic3A_669 : i32 to vector<16xi32>
    %shift_right_arithmetic3A_671 = arith.shrsi %get3A_650, %shift_right_arithmetic3A_670 : vector<16xi32>
    %and3A_672 = arith.constant 7 : i32
    %and3A_673 = vector.broadcast %and3A_672 : i32 to vector<16xi32>
    %and3A_674 = arith.andi %shift_right_arithmetic3A_671, %and3A_673 : vector<16xi32>
    %mul3A_675 = arith.constant 128 : i32
    %mul3A_676 = vector.broadcast %mul3A_675 : i32 to vector<16xi32>
    %mul3A_677 = arith.muli %and3A_674, %mul3A_676 : vector<16xi32>
    %add3A_678 = arith.addi %add3A_668, %mul3A_677 : vector<16xi32>
    %and3A_679 = arith.constant 127 : i32
    %and3A_680 = vector.broadcast %and3A_679 : i32 to vector<16xi32>
    %and3A_681 = arith.andi %get3A_650, %and3A_680 : vector<16xi32>
    %add3A_682 = arith.addi %add3A_678, %and3A_681 : vector<16xi32>
    %dma_start3A_683 = arith.constant 272 : i32
    %dma_start3A_684 = tpu.memref_slice %arg8[%dma_start3A_683] : memref<1024xf32, #tpu.memory_space<vmem>> -> memref<16xf32, #tpu.memory_space<vmem>>
    %dma_start3A_685 = arith.constant 0 : i32
    %dma_start3A_686 = tpu.memref_slice %arg2[%dma_start3A_685] : memref<4194304xf32, #tpu.memory_space<hbm>> -> memref<4194304xf32, #tpu.memory_space<hbm>>
    tpu.enqueue_indirect_dma source(%dma_start3A_686 : memref<4194304xf32, #tpu.memory_space<hbm>>) target(%dma_start3A_684 : memref<16xf32, #tpu.memory_space<vmem>>) offsets(%add3A_682 : vector<16xi32>) semaphore(%arg12 : memref<!tpu.dma_semaphore, #tpu.memory_space<semaphore_mem>>)
    %get3A_687 = arith.constant 288 : index
    %get3A_688 = tpu.vector_load %arg7[%get3A_687] {strides = array<i32>} : memref<512xi32, #tpu.memory_space<vmem>>, vector<16xi32>,
    %shift_right_arithmetic3A_689 = arith.constant 11 : i32
    %shift_right_arithmetic3A_690 = vector.broadcast %shift_right_arithmetic3A_689 : i32 to vector<16xi32>
    %shift_right_arithmetic3A_691 = arith.shrsi %get3A_688, %shift_right_arithmetic3A_690 : vector<16xi32>
    %mul3A_692 = arith.constant 2048 : i32
    %mul3A_693 = vector.broadcast %mul3A_692 : i32 to vector<16xi32>
    %mul3A_694 = arith.muli %shift_right_arithmetic3A_691, %mul3A_693 : vector<16xi32>
    %add3A_695 = vector.broadcast %mul3A_6 : i32 to vector<16xi32>
    %add3A_696 = arith.addi %add3A_695, %mul3A_694 : vector<16xi32>
    %shift_right_arithmetic3A_697 = arith.constant 7 : i32
    %shift_right_arithmetic3A_698 = vector.broadcast %shift_right_arithmetic3A_697 : i32 to vector<16xi32>
    %shift_right_arithmetic3A_699 = arith.shrsi %get3A_688, %shift_right_arithmetic3A_698 : vector<16xi32>
    %and3A_700 = arith.constant 1 : i32
    %and3A_701 = vector.broadcast %and3A_700 : i32 to vector<16xi32>
    %and3A_702 = arith.andi %shift_right_arithmetic3A_699, %and3A_701 : vector<16xi32>
    %mul3A_703 = arith.constant 1024 : i32
    %mul3A_704 = vector.broadcast %mul3A_703 : i32 to vector<16xi32>
    %mul3A_705 = arith.muli %and3A_702, %mul3A_704 : vector<16xi32>
    %add3A_706 = arith.addi %add3A_696, %mul3A_705 : vector<16xi32>
    %shift_right_arithmetic3A_707 = arith.constant 8 : i32
    %shift_right_arithmetic3A_708 = vector.broadcast %shift_right_arithmetic3A_707 : i32 to vector<16xi32>
    %shift_right_arithmetic3A_709 = arith.shrsi %get3A_688, %shift_right_arithmetic3A_708 : vector<16xi32>
    %and3A_710 = arith.constant 7 : i32
    %and3A_711 = vector.broadcast %and3A_710 : i32 to vector<16xi32>
    %and3A_712 = arith.andi %shift_right_arithmetic3A_709, %and3A_711 : vector<16xi32>
    %mul3A_713 = arith.constant 128 : i32
    %mul3A_714 = vector.broadcast %mul3A_713 : i32 to vector<16xi32>
    %mul3A_715 = arith.muli %and3A_712, %mul3A_714 : vector<16xi32>
    %add3A_716 = arith.addi %add3A_706, %mul3A_715 : vector<16xi32>
    %and3A_717 = arith.constant 127 : i32
    %and3A_718 = vector.broadcast %and3A_717 : i32 to vector<16xi32>
    %and3A_719 = arith.andi %get3A_688, %and3A_718 : vector<16xi32>
    %add3A_720 = arith.addi %add3A_716, %and3A_719 : vector<16xi32>
    %dma_start3A_721 = arith.constant 288 : i32
    %dma_start3A_722 = tpu.memref_slice %arg8[%dma_start3A_721] : memref<1024xf32, #tpu.memory_space<vmem>> -> memref<16xf32, #tpu.memory_space<vmem>>
    %dma_start3A_723 = arith.constant 0 : i32
    %dma_start3A_724 = tpu.memref_slice %arg2[%dma_start3A_723] : memref<4194304xf32, #tpu.memory_space<hbm>> -> memref<4194304xf32, #tpu.memory_space<hbm>>
    tpu.enqueue_indirect_dma source(%dma_start3A_724 : memref<4194304xf32, #tpu.memory_space<hbm>>) target(%dma_start3A_722 : memref<16xf32, #tpu.memory_space<vmem>>) offsets(%add3A_720 : vector<16xi32>) semaphore(%arg12 : memref<!tpu.dma_semaphore, #tpu.memory_space<semaphore_mem>>)
    %get3A_725 = arith.constant 304 : index
    %get3A_726 = tpu.vector_load %arg7[%get3A_725] {strides = array<i32>} : memref<512xi32, #tpu.memory_space<vmem>>, vector<16xi32>,
    %shift_right_arithmetic3A_727 = arith.constant 11 : i32
    %shift_right_arithmetic3A_728 = vector.broadcast %shift_right_arithmetic3A_727 : i32 to vector<16xi32>
    %shift_right_arithmetic3A_729 = arith.shrsi %get3A_726, %shift_right_arithmetic3A_728 : vector<16xi32>
    %mul3A_730 = arith.constant 2048 : i32
    %mul3A_731 = vector.broadcast %mul3A_730 : i32 to vector<16xi32>
    %mul3A_732 = arith.muli %shift_right_arithmetic3A_729, %mul3A_731 : vector<16xi32>
    %add3A_733 = vector.broadcast %mul3A_6 : i32 to vector<16xi32>
    %add3A_734 = arith.addi %add3A_733, %mul3A_732 : vector<16xi32>
    %shift_right_arithmetic3A_735 = arith.constant 7 : i32
    %shift_right_arithmetic3A_736 = vector.broadcast %shift_right_arithmetic3A_735 : i32 to vector<16xi32>
    %shift_right_arithmetic3A_737 = arith.shrsi %get3A_726, %shift_right_arithmetic3A_736 : vector<16xi32>
    %and3A_738 = arith.constant 1 : i32
    %and3A_739 = vector.broadcast %and3A_738 : i32 to vector<16xi32>
    %and3A_740 = arith.andi %shift_right_arithmetic3A_737, %and3A_739 : vector<16xi32>
    %mul3A_741 = arith.constant 1024 : i32
    %mul3A_742 = vector.broadcast %mul3A_741 : i32 to vector<16xi32>
    %mul3A_743 = arith.muli %and3A_740, %mul3A_742 : vector<16xi32>
    %add3A_744 = arith.addi %add3A_734, %mul3A_743 : vector<16xi32>
    %shift_right_arithmetic3A_745 = arith.constant 8 : i32
    %shift_right_arithmetic3A_746 = vector.broadcast %shift_right_arithmetic3A_745 : i32 to vector<16xi32>
    %shift_right_arithmetic3A_747 = arith.shrsi %get3A_726, %shift_right_arithmetic3A_746 : vector<16xi32>
    %and3A_748 = arith.constant 7 : i32
    %and3A_749 = vector.broadcast %and3A_748 : i32 to vector<16xi32>
    %and3A_750 = arith.andi %shift_right_arithmetic3A_747, %and3A_749 : vector<16xi32>
    %mul3A_751 = arith.constant 128 : i32
    %mul3A_752 = vector.broadcast %mul3A_751 : i32 to vector<16xi32>
    %mul3A_753 = arith.muli %and3A_750, %mul3A_752 : vector<16xi32>
    %add3A_754 = arith.addi %add3A_744, %mul3A_753 : vector<16xi32>
    %and3A_755 = arith.constant 127 : i32
    %and3A_756 = vector.broadcast %and3A_755 : i32 to vector<16xi32>
    %and3A_757 = arith.andi %get3A_726, %and3A_756 : vector<16xi32>
    %add3A_758 = arith.addi %add3A_754, %and3A_757 : vector<16xi32>
    %dma_start3A_759 = arith.constant 304 : i32
    %dma_start3A_760 = tpu.memref_slice %arg8[%dma_start3A_759] : memref<1024xf32, #tpu.memory_space<vmem>> -> memref<16xf32, #tpu.memory_space<vmem>>
    %dma_start3A_761 = arith.constant 0 : i32
    %dma_start3A_762 = tpu.memref_slice %arg2[%dma_start3A_761] : memref<4194304xf32, #tpu.memory_space<hbm>> -> memref<4194304xf32, #tpu.memory_space<hbm>>
    tpu.enqueue_indirect_dma source(%dma_start3A_762 : memref<4194304xf32, #tpu.memory_space<hbm>>) target(%dma_start3A_760 : memref<16xf32, #tpu.memory_space<vmem>>) offsets(%add3A_758 : vector<16xi32>) semaphore(%arg12 : memref<!tpu.dma_semaphore, #tpu.memory_space<semaphore_mem>>)
    %get3A_763 = arith.constant 320 : index
    %get3A_764 = tpu.vector_load %arg7[%get3A_763] {strides = array<i32>} : memref<512xi32, #tpu.memory_space<vmem>>, vector<16xi32>,
    %shift_right_arithmetic3A_765 = arith.constant 11 : i32
    %shift_right_arithmetic3A_766 = vector.broadcast %shift_right_arithmetic3A_765 : i32 to vector<16xi32>
    %shift_right_arithmetic3A_767 = arith.shrsi %get3A_764, %shift_right_arithmetic3A_766 : vector<16xi32>
    %mul3A_768 = arith.constant 2048 : i32
    %mul3A_769 = vector.broadcast %mul3A_768 : i32 to vector<16xi32>
    %mul3A_770 = arith.muli %shift_right_arithmetic3A_767, %mul3A_769 : vector<16xi32>
    %add3A_771 = vector.broadcast %mul3A_6 : i32 to vector<16xi32>
    %add3A_772 = arith.addi %add3A_771, %mul3A_770 : vector<16xi32>
    %shift_right_arithmetic3A_773 = arith.constant 7 : i32
    %shift_right_arithmetic3A_774 = vector.broadcast %shift_right_arithmetic3A_773 : i32 to vector<16xi32>
    %shift_right_arithmetic3A_775 = arith.shrsi %get3A_764, %shift_right_arithmetic3A_774 : vector<16xi32>
    %and3A_776 = arith.constant 1 : i32
    %and3A_777 = vector.broadcast %and3A_776 : i32 to vector<16xi32>
    %and3A_778 = arith.andi %shift_right_arithmetic3A_775, %and3A_777 : vector<16xi32>
    %mul3A_779 = arith.constant 1024 : i32
    %mul3A_780 = vector.broadcast %mul3A_779 : i32 to vector<16xi32>
    %mul3A_781 = arith.muli %and3A_778, %mul3A_780 : vector<16xi32>
    %add3A_782 = arith.addi %add3A_772, %mul3A_781 : vector<16xi32>
    %shift_right_arithmetic3A_783 = arith.constant 8 : i32
    %shift_right_arithmetic3A_784 = vector.broadcast %shift_right_arithmetic3A_783 : i32 to vector<16xi32>
    %shift_right_arithmetic3A_785 = arith.shrsi %get3A_764, %shift_right_arithmetic3A_784 : vector<16xi32>
    %and3A_786 = arith.constant 7 : i32
    %and3A_787 = vector.broadcast %and3A_786 : i32 to vector<16xi32>
    %and3A_788 = arith.andi %shift_right_arithmetic3A_785, %and3A_787 : vector<16xi32>
    %mul3A_789 = arith.constant 128 : i32
    %mul3A_790 = vector.broadcast %mul3A_789 : i32 to vector<16xi32>
    %mul3A_791 = arith.muli %and3A_788, %mul3A_790 : vector<16xi32>
    %add3A_792 = arith.addi %add3A_782, %mul3A_791 : vector<16xi32>
    %and3A_793 = arith.constant 127 : i32
    %and3A_794 = vector.broadcast %and3A_793 : i32 to vector<16xi32>
    %and3A_795 = arith.andi %get3A_764, %and3A_794 : vector<16xi32>
    %add3A_796 = arith.addi %add3A_792, %and3A_795 : vector<16xi32>
    %dma_start3A_797 = arith.constant 320 : i32
    %dma_start3A_798 = tpu.memref_slice %arg8[%dma_start3A_797] : memref<1024xf32, #tpu.memory_space<vmem>> -> memref<16xf32, #tpu.memory_space<vmem>>
    %dma_start3A_799 = arith.constant 0 : i32
    %dma_start3A_800 = tpu.memref_slice %arg2[%dma_start3A_799] : memref<4194304xf32, #tpu.memory_space<hbm>> -> memref<4194304xf32, #tpu.memory_space<hbm>>
    tpu.enqueue_indirect_dma source(%dma_start3A_800 : memref<4194304xf32, #tpu.memory_space<hbm>>) target(%dma_start3A_798 : memref<16xf32, #tpu.memory_space<vmem>>) offsets(%add3A_796 : vector<16xi32>) semaphore(%arg12 : memref<!tpu.dma_semaphore, #tpu.memory_space<semaphore_mem>>)
    %get3A_801 = arith.constant 336 : index
    %get3A_802 = tpu.vector_load %arg7[%get3A_801] {strides = array<i32>} : memref<512xi32, #tpu.memory_space<vmem>>, vector<16xi32>,
    %shift_right_arithmetic3A_803 = arith.constant 11 : i32
    %shift_right_arithmetic3A_804 = vector.broadcast %shift_right_arithmetic3A_803 : i32 to vector<16xi32>
    %shift_right_arithmetic3A_805 = arith.shrsi %get3A_802, %shift_right_arithmetic3A_804 : vector<16xi32>
    %mul3A_806 = arith.constant 2048 : i32
    %mul3A_807 = vector.broadcast %mul3A_806 : i32 to vector<16xi32>
    %mul3A_808 = arith.muli %shift_right_arithmetic3A_805, %mul3A_807 : vector<16xi32>
    %add3A_809 = vector.broadcast %mul3A_6 : i32 to vector<16xi32>
    %add3A_810 = arith.addi %add3A_809, %mul3A_808 : vector<16xi32>
    %shift_right_arithmetic3A_811 = arith.constant 7 : i32
    %shift_right_arithmetic3A_812 = vector.broadcast %shift_right_arithmetic3A_811 : i32 to vector<16xi32>
    %shift_right_arithmetic3A_813 = arith.shrsi %get3A_802, %shift_right_arithmetic3A_812 : vector<16xi32>
    %and3A_814 = arith.constant 1 : i32
    %and3A_815 = vector.broadcast %and3A_814 : i32 to vector<16xi32>
    %and3A_816 = arith.andi %shift_right_arithmetic3A_813, %and3A_815 : vector<16xi32>
    %mul3A_817 = arith.constant 1024 : i32
    %mul3A_818 = vector.broadcast %mul3A_817 : i32 to vector<16xi32>
    %mul3A_819 = arith.muli %and3A_816, %mul3A_818 : vector<16xi32>
    %add3A_820 = arith.addi %add3A_810, %mul3A_819 : vector<16xi32>
    %shift_right_arithmetic3A_821 = arith.constant 8 : i32
    %shift_right_arithmetic3A_822 = vector.broadcast %shift_right_arithmetic3A_821 : i32 to vector<16xi32>
    %shift_right_arithmetic3A_823 = arith.shrsi %get3A_802, %shift_right_arithmetic3A_822 : vector<16xi32>
    %and3A_824 = arith.constant 7 : i32
    %and3A_825 = vector.broadcast %and3A_824 : i32 to vector<16xi32>
    %and3A_826 = arith.andi %shift_right_arithmetic3A_823, %and3A_825 : vector<16xi32>
    %mul3A_827 = arith.constant 128 : i32
    %mul3A_828 = vector.broadcast %mul3A_827 : i32 to vector<16xi32>
    %mul3A_829 = arith.muli %and3A_826, %mul3A_828 : vector<16xi32>
    %add3A_830 = arith.addi %add3A_820, %mul3A_829 : vector<16xi32>
    %and3A_831 = arith.constant 127 : i32
    %and3A_832 = vector.broadcast %and3A_831 : i32 to vector<16xi32>
    %and3A_833 = arith.andi %get3A_802, %and3A_832 : vector<16xi32>
    %add3A_834 = arith.addi %add3A_830, %and3A_833 : vector<16xi32>
    %dma_start3A_835 = arith.constant 336 : i32
    %dma_start3A_836 = tpu.memref_slice %arg8[%dma_start3A_835] : memref<1024xf32, #tpu.memory_space<vmem>> -> memref<16xf32, #tpu.memory_space<vmem>>
    %dma_start3A_837 = arith.constant 0 : i32
    %dma_start3A_838 = tpu.memref_slice %arg2[%dma_start3A_837] : memref<4194304xf32, #tpu.memory_space<hbm>> -> memref<4194304xf32, #tpu.memory_space<hbm>>
    tpu.enqueue_indirect_dma source(%dma_start3A_838 : memref<4194304xf32, #tpu.memory_space<hbm>>) target(%dma_start3A_836 : memref<16xf32, #tpu.memory_space<vmem>>) offsets(%add3A_834 : vector<16xi32>) semaphore(%arg12 : memref<!tpu.dma_semaphore, #tpu.memory_space<semaphore_mem>>)
    %get3A_839 = arith.constant 352 : index
    %get3A_840 = tpu.vector_load %arg7[%get3A_839] {strides = array<i32>} : memref<512xi32, #tpu.memory_space<vmem>>, vector<16xi32>,
    %shift_right_arithmetic3A_841 = arith.constant 11 : i32
    %shift_right_arithmetic3A_842 = vector.broadcast %shift_right_arithmetic3A_841 : i32 to vector<16xi32>
    %shift_right_arithmetic3A_843 = arith.shrsi %get3A_840, %shift_right_arithmetic3A_842 : vector<16xi32>
    %mul3A_844 = arith.constant 2048 : i32
    %mul3A_845 = vector.broadcast %mul3A_844 : i32 to vector<16xi32>
    %mul3A_846 = arith.muli %shift_right_arithmetic3A_843, %mul3A_845 : vector<16xi32>
    %add3A_847 = vector.broadcast %mul3A_6 : i32 to vector<16xi32>
    %add3A_848 = arith.addi %add3A_847, %mul3A_846 : vector<16xi32>
    %shift_right_arithmetic3A_849 = arith.constant 7 : i32
    %shift_right_arithmetic3A_850 = vector.broadcast %shift_right_arithmetic3A_849 : i32 to vector<16xi32>
    %shift_right_arithmetic3A_851 = arith.shrsi %get3A_840, %shift_right_arithmetic3A_850 : vector<16xi32>
    %and3A_852 = arith.constant 1 : i32
    %and3A_853 = vector.broadcast %and3A_852 : i32 to vector<16xi32>
    %and3A_854 = arith.andi %shift_right_arithmetic3A_851, %and3A_853 : vector<16xi32>
    %mul3A_855 = arith.constant 1024 : i32
    %mul3A_856 = vector.broadcast %mul3A_855 : i32 to vector<16xi32>
    %mul3A_857 = arith.muli %and3A_854, %mul3A_856 : vector<16xi32>
    %add3A_858 = arith.addi %add3A_848, %mul3A_857 : vector<16xi32>
    %shift_right_arithmetic3A_859 = arith.constant 8 : i32
    %shift_right_arithmetic3A_860 = vector.broadcast %shift_right_arithmetic3A_859 : i32 to vector<16xi32>
    %shift_right_arithmetic3A_861 = arith.shrsi %get3A_840, %shift_right_arithmetic3A_860 : vector<16xi32>
    %and3A_862 = arith.constant 7 : i32
    %and3A_863 = vector.broadcast %and3A_862 : i32 to vector<16xi32>
    %and3A_864 = arith.andi %shift_right_arithmetic3A_861, %and3A_863 : vector<16xi32>
    %mul3A_865 = arith.constant 128 : i32
    %mul3A_866 = vector.broadcast %mul3A_865 : i32 to vector<16xi32>
    %mul3A_867 = arith.muli %and3A_864, %mul3A_866 : vector<16xi32>
    %add3A_868 = arith.addi %add3A_858, %mul3A_867 : vector<16xi32>
    %and3A_869 = arith.constant 127 : i32
    %and3A_870 = vector.broadcast %and3A_869 : i32 to vector<16xi32>
    %and3A_871 = arith.andi %get3A_840, %and3A_870 : vector<16xi32>
    %add3A_872 = arith.addi %add3A_868, %and3A_871 : vector<16xi32>
    %dma_start3A_873 = arith.constant 352 : i32
    %dma_start3A_874 = tpu.memref_slice %arg8[%dma_start3A_873] : memref<1024xf32, #tpu.memory_space<vmem>> -> memref<16xf32, #tpu.memory_space<vmem>>
    %dma_start3A_875 = arith.constant 0 : i32
    %dma_start3A_876 = tpu.memref_slice %arg2[%dma_start3A_875] : memref<4194304xf32, #tpu.memory_space<hbm>> -> memref<4194304xf32, #tpu.memory_space<hbm>>
    tpu.enqueue_indirect_dma source(%dma_start3A_876 : memref<4194304xf32, #tpu.memory_space<hbm>>) target(%dma_start3A_874 : memref<16xf32, #tpu.memory_space<vmem>>) offsets(%add3A_872 : vector<16xi32>) semaphore(%arg12 : memref<!tpu.dma_semaphore, #tpu.memory_space<semaphore_mem>>)
    %get3A_877 = arith.constant 368 : index
    %get3A_878 = tpu.vector_load %arg7[%get3A_877] {strides = array<i32>} : memref<512xi32, #tpu.memory_space<vmem>>, vector<16xi32>,
    %shift_right_arithmetic3A_879 = arith.constant 11 : i32
    %shift_right_arithmetic3A_880 = vector.broadcast %shift_right_arithmetic3A_879 : i32 to vector<16xi32>
    %shift_right_arithmetic3A_881 = arith.shrsi %get3A_878, %shift_right_arithmetic3A_880 : vector<16xi32>
    %mul3A_882 = arith.constant 2048 : i32
    %mul3A_883 = vector.broadcast %mul3A_882 : i32 to vector<16xi32>
    %mul3A_884 = arith.muli %shift_right_arithmetic3A_881, %mul3A_883 : vector<16xi32>
    %add3A_885 = vector.broadcast %mul3A_6 : i32 to vector<16xi32>
    %add3A_886 = arith.addi %add3A_885, %mul3A_884 : vector<16xi32>
    %shift_right_arithmetic3A_887 = arith.constant 7 : i32
    %shift_right_arithmetic3A_888 = vector.broadcast %shift_right_arithmetic3A_887 : i32 to vector<16xi32>
    %shift_right_arithmetic3A_889 = arith.shrsi %get3A_878, %shift_right_arithmetic3A_888 : vector<16xi32>
    %and3A_890 = arith.constant 1 : i32
    %and3A_891 = vector.broadcast %and3A_890 : i32 to vector<16xi32>
    %and3A_892 = arith.andi %shift_right_arithmetic3A_889, %and3A_891 : vector<16xi32>
    %mul3A_893 = arith.constant 1024 : i32
    %mul3A_894 = vector.broadcast %mul3A_893 : i32 to vector<16xi32>
    %mul3A_895 = arith.muli %and3A_892, %mul3A_894 : vector<16xi32>
    %add3A_896 = arith.addi %add3A_886, %mul3A_895 : vector<16xi32>
    %shift_right_arithmetic3A_897 = arith.constant 8 : i32
    %shift_right_arithmetic3A_898 = vector.broadcast %shift_right_arithmetic3A_897 : i32 to vector<16xi32>
    %shift_right_arithmetic3A_899 = arith.shrsi %get3A_878, %shift_right_arithmetic3A_898 : vector<16xi32>
    %and3A_900 = arith.constant 7 : i32
    %and3A_901 = vector.broadcast %and3A_900 : i32 to vector<16xi32>
    %and3A_902 = arith.andi %shift_right_arithmetic3A_899, %and3A_901 : vector<16xi32>
    %mul3A_903 = arith.constant 128 : i32
    %mul3A_904 = vector.broadcast %mul3A_903 : i32 to vector<16xi32>
    %mul3A_905 = arith.muli %and3A_902, %mul3A_904 : vector<16xi32>
    %add3A_906 = arith.addi %add3A_896, %mul3A_905 : vector<16xi32>
    %and3A_907 = arith.constant 127 : i32
    %and3A_908 = vector.broadcast %and3A_907 : i32 to vector<16xi32>
    %and3A_909 = arith.andi %get3A_878, %and3A_908 : vector<16xi32>
    %add3A_910 = arith.addi %add3A_906, %and3A_909 : vector<16xi32>
    %dma_start3A_911 = arith.constant 368 : i32
    %dma_start3A_912 = tpu.memref_slice %arg8[%dma_start3A_911] : memref<1024xf32, #tpu.memory_space<vmem>> -> memref<16xf32, #tpu.memory_space<vmem>>
    %dma_start3A_913 = arith.constant 0 : i32
    %dma_start3A_914 = tpu.memref_slice %arg2[%dma_start3A_913] : memref<4194304xf32, #tpu.memory_space<hbm>> -> memref<4194304xf32, #tpu.memory_space<hbm>>
    tpu.enqueue_indirect_dma source(%dma_start3A_914 : memref<4194304xf32, #tpu.memory_space<hbm>>) target(%dma_start3A_912 : memref<16xf32, #tpu.memory_space<vmem>>) offsets(%add3A_910 : vector<16xi32>) semaphore(%arg12 : memref<!tpu.dma_semaphore, #tpu.memory_space<semaphore_mem>>)
    %get3A_915 = arith.constant 384 : index
    %get3A_916 = tpu.vector_load %arg7[%get3A_915] {strides = array<i32>} : memref<512xi32, #tpu.memory_space<vmem>>, vector<16xi32>,
    %shift_right_arithmetic3A_917 = arith.constant 11 : i32
    %shift_right_arithmetic3A_918 = vector.broadcast %shift_right_arithmetic3A_917 : i32 to vector<16xi32>
    %shift_right_arithmetic3A_919 = arith.shrsi %get3A_916, %shift_right_arithmetic3A_918 : vector<16xi32>
    %mul3A_920 = arith.constant 2048 : i32
    %mul3A_921 = vector.broadcast %mul3A_920 : i32 to vector<16xi32>
    %mul3A_922 = arith.muli %shift_right_arithmetic3A_919, %mul3A_921 : vector<16xi32>
    %add3A_923 = vector.broadcast %mul3A_6 : i32 to vector<16xi32>
    %add3A_924 = arith.addi %add3A_923, %mul3A_922 : vector<16xi32>
    %shift_right_arithmetic3A_925 = arith.constant 7 : i32
    %shift_right_arithmetic3A_926 = vector.broadcast %shift_right_arithmetic3A_925 : i32 to vector<16xi32>
    %shift_right_arithmetic3A_927 = arith.shrsi %get3A_916, %shift_right_arithmetic3A_926 : vector<16xi32>
    %and3A_928 = arith.constant 1 : i32
    %and3A_929 = vector.broadcast %and3A_928 : i32 to vector<16xi32>
    %and3A_930 = arith.andi %shift_right_arithmetic3A_927, %and3A_929 : vector<16xi32>
    %mul3A_931 = arith.constant 1024 : i32
    %mul3A_932 = vector.broadcast %mul3A_931 : i32 to vector<16xi32>
    %mul3A_933 = arith.muli %and3A_930, %mul3A_932 : vector<16xi32>
    %add3A_934 = arith.addi %add3A_924, %mul3A_933 : vector<16xi32>
    %shift_right_arithmetic3A_935 = arith.constant 8 : i32
    %shift_right_arithmetic3A_936 = vector.broadcast %shift_right_arithmetic3A_935 : i32 to vector<16xi32>
    %shift_right_arithmetic3A_937 = arith.shrsi %get3A_916, %shift_right_arithmetic3A_936 : vector<16xi32>
    %and3A_938 = arith.constant 7 : i32
    %and3A_939 = vector.broadcast %and3A_938 : i32 to vector<16xi32>
    %and3A_940 = arith.andi %shift_right_arithmetic3A_937, %and3A_939 : vector<16xi32>
    %mul3A_941 = arith.constant 128 : i32
    %mul3A_942 = vector.broadcast %mul3A_941 : i32 to vector<16xi32>
    %mul3A_943 = arith.muli %and3A_940, %mul3A_942 : vector<16xi32>
    %add3A_944 = arith.addi %add3A_934, %mul3A_943 : vector<16xi32>
    %and3A_945 = arith.constant 127 : i32
    %and3A_946 = vector.broadcast %and3A_945 : i32 to vector<16xi32>
    %and3A_947 = arith.andi %get3A_916, %and3A_946 : vector<16xi32>
    %add3A_948 = arith.addi %add3A_944, %and3A_947 : vector<16xi32>
    %dma_start3A_949 = arith.constant 384 : i32
    %dma_start3A_950 = tpu.memref_slice %arg8[%dma_start3A_949] : memref<1024xf32, #tpu.memory_space<vmem>> -> memref<16xf32, #tpu.memory_space<vmem>>
    %dma_start3A_951 = arith.constant 0 : i32
    %dma_start3A_952 = tpu.memref_slice %arg2[%dma_start3A_951] : memref<4194304xf32, #tpu.memory_space<hbm>> -> memref<4194304xf32, #tpu.memory_space<hbm>>
    tpu.enqueue_indirect_dma source(%dma_start3A_952 : memref<4194304xf32, #tpu.memory_space<hbm>>) target(%dma_start3A_950 : memref<16xf32, #tpu.memory_space<vmem>>) offsets(%add3A_948 : vector<16xi32>) semaphore(%arg12 : memref<!tpu.dma_semaphore, #tpu.memory_space<semaphore_mem>>)
    %get3A_953 = arith.constant 400 : index
    %get3A_954 = tpu.vector_load %arg7[%get3A_953] {strides = array<i32>} : memref<512xi32, #tpu.memory_space<vmem>>, vector<16xi32>,
    %shift_right_arithmetic3A_955 = arith.constant 11 : i32
    %shift_right_arithmetic3A_956 = vector.broadcast %shift_right_arithmetic3A_955 : i32 to vector<16xi32>
    %shift_right_arithmetic3A_957 = arith.shrsi %get3A_954, %shift_right_arithmetic3A_956 : vector<16xi32>
    %mul3A_958 = arith.constant 2048 : i32
    %mul3A_959 = vector.broadcast %mul3A_958 : i32 to vector<16xi32>
    %mul3A_960 = arith.muli %shift_right_arithmetic3A_957, %mul3A_959 : vector<16xi32>
    %add3A_961 = vector.broadcast %mul3A_6 : i32 to vector<16xi32>
    %add3A_962 = arith.addi %add3A_961, %mul3A_960 : vector<16xi32>
    %shift_right_arithmetic3A_963 = arith.constant 7 : i32
    %shift_right_arithmetic3A_964 = vector.broadcast %shift_right_arithmetic3A_963 : i32 to vector<16xi32>
    %shift_right_arithmetic3A_965 = arith.shrsi %get3A_954, %shift_right_arithmetic3A_964 : vector<16xi32>
    %and3A_966 = arith.constant 1 : i32
    %and3A_967 = vector.broadcast %and3A_966 : i32 to vector<16xi32>
    %and3A_968 = arith.andi %shift_right_arithmetic3A_965, %and3A_967 : vector<16xi32>
    %mul3A_969 = arith.constant 1024 : i32
    %mul3A_970 = vector.broadcast %mul3A_969 : i32 to vector<16xi32>
    %mul3A_971 = arith.muli %and3A_968, %mul3A_970 : vector<16xi32>
    %add3A_972 = arith.addi %add3A_962, %mul3A_971 : vector<16xi32>
    %shift_right_arithmetic3A_973 = arith.constant 8 : i32
    %shift_right_arithmetic3A_974 = vector.broadcast %shift_right_arithmetic3A_973 : i32 to vector<16xi32>
    %shift_right_arithmetic3A_975 = arith.shrsi %get3A_954, %shift_right_arithmetic3A_974 : vector<16xi32>
    %and3A_976 = arith.constant 7 : i32
    %and3A_977 = vector.broadcast %and3A_976 : i32 to vector<16xi32>
    %and3A_978 = arith.andi %shift_right_arithmetic3A_975, %and3A_977 : vector<16xi32>
    %mul3A_979 = arith.constant 128 : i32
    %mul3A_980 = vector.broadcast %mul3A_979 : i32 to vector<16xi32>
    %mul3A_981 = arith.muli %and3A_978, %mul3A_980 : vector<16xi32>
    %add3A_982 = arith.addi %add3A_972, %mul3A_981 : vector<16xi32>
    %and3A_983 = arith.constant 127 : i32
    %and3A_984 = vector.broadcast %and3A_983 : i32 to vector<16xi32>
    %and3A_985 = arith.andi %get3A_954, %and3A_984 : vector<16xi32>
    %add3A_986 = arith.addi %add3A_982, %and3A_985 : vector<16xi32>
    %dma_start3A_987 = arith.constant 400 : i32
    %dma_start3A_988 = tpu.memref_slice %arg8[%dma_start3A_987] : memref<1024xf32, #tpu.memory_space<vmem>> -> memref<16xf32, #tpu.memory_space<vmem>>
    %dma_start3A_989 = arith.constant 0 : i32
    %dma_start3A_990 = tpu.memref_slice %arg2[%dma_start3A_989] : memref<4194304xf32, #tpu.memory_space<hbm>> -> memref<4194304xf32, #tpu.memory_space<hbm>>
    tpu.enqueue_indirect_dma source(%dma_start3A_990 : memref<4194304xf32, #tpu.memory_space<hbm>>) target(%dma_start3A_988 : memref<16xf32, #tpu.memory_space<vmem>>) offsets(%add3A_986 : vector<16xi32>) semaphore(%arg12 : memref<!tpu.dma_semaphore, #tpu.memory_space<semaphore_mem>>)
    %get3A_991 = arith.constant 416 : index
    %get3A_992 = tpu.vector_load %arg7[%get3A_991] {strides = array<i32>} : memref<512xi32, #tpu.memory_space<vmem>>, vector<16xi32>,
    %shift_right_arithmetic3A_993 = arith.constant 11 : i32
    %shift_right_arithmetic3A_994 = vector.broadcast %shift_right_arithmetic3A_993 : i32 to vector<16xi32>
    %shift_right_arithmetic3A_995 = arith.shrsi %get3A_992, %shift_right_arithmetic3A_994 : vector<16xi32>
    %mul3A_996 = arith.constant 2048 : i32
    %mul3A_997 = vector.broadcast %mul3A_996 : i32 to vector<16xi32>
    %mul3A_998 = arith.muli %shift_right_arithmetic3A_995, %mul3A_997 : vector<16xi32>
    %add3A_999 = vector.broadcast %mul3A_6 : i32 to vector<16xi32>
    %add3A_1000 = arith.addi %add3A_999, %mul3A_998 : vector<16xi32>
    %shift_right_arithmetic3A_1001 = arith.constant 7 : i32
    %shift_right_arithmetic3A_1002 = vector.broadcast %shift_right_arithmetic3A_1001 : i32 to vector<16xi32>
    %shift_right_arithmetic3A_1003 = arith.shrsi %get3A_992, %shift_right_arithmetic3A_1002 : vector<16xi32>
    %and3A_1004 = arith.constant 1 : i32
    %and3A_1005 = vector.broadcast %and3A_1004 : i32 to vector<16xi32>
    %and3A_1006 = arith.andi %shift_right_arithmetic3A_1003, %and3A_1005 : vector<16xi32>
    %mul3A_1007 = arith.constant 1024 : i32
    %mul3A_1008 = vector.broadcast %mul3A_1007 : i32 to vector<16xi32>
    %mul3A_1009 = arith.muli %and3A_1006, %mul3A_1008 : vector<16xi32>
    %add3A_1010 = arith.addi %add3A_1000, %mul3A_1009 : vector<16xi32>
    %shift_right_arithmetic3A_1011 = arith.constant 8 : i32
    %shift_right_arithmetic3A_1012 = vector.broadcast %shift_right_arithmetic3A_1011 : i32 to vector<16xi32>
    %shift_right_arithmetic3A_1013 = arith.shrsi %get3A_992, %shift_right_arithmetic3A_1012 : vector<16xi32>
    %and3A_1014 = arith.constant 7 : i32
    %and3A_1015 = vector.broadcast %and3A_1014 : i32 to vector<16xi32>
    %and3A_1016 = arith.andi %shift_right_arithmetic3A_1013, %and3A_1015 : vector<16xi32>
    %mul3A_1017 = arith.constant 128 : i32
    %mul3A_1018 = vector.broadcast %mul3A_1017 : i32 to vector<16xi32>
    %mul3A_1019 = arith.muli %and3A_1016, %mul3A_1018 : vector<16xi32>
    %add3A_1020 = arith.addi %add3A_1010, %mul3A_1019 : vector<16xi32>
    %and3A_1021 = arith.constant 127 : i32
    %and3A_1022 = vector.broadcast %and3A_1021 : i32 to vector<16xi32>
    %and3A_1023 = arith.andi %get3A_992, %and3A_1022 : vector<16xi32>
    %add3A_1024 = arith.addi %add3A_1020, %and3A_1023 : vector<16xi32>
    %dma_start3A_1025 = arith.constant 416 : i32
    %dma_start3A_1026 = tpu.memref_slice %arg8[%dma_start3A_1025] : memref<1024xf32, #tpu.memory_space<vmem>> -> memref<16xf32, #tpu.memory_space<vmem>>
    %dma_start3A_1027 = arith.constant 0 : i32
    %dma_start3A_1028 = tpu.memref_slice %arg2[%dma_start3A_1027] : memref<4194304xf32, #tpu.memory_space<hbm>> -> memref<4194304xf32, #tpu.memory_space<hbm>>
    tpu.enqueue_indirect_dma source(%dma_start3A_1028 : memref<4194304xf32, #tpu.memory_space<hbm>>) target(%dma_start3A_1026 : memref<16xf32, #tpu.memory_space<vmem>>) offsets(%add3A_1024 : vector<16xi32>) semaphore(%arg12 : memref<!tpu.dma_semaphore, #tpu.memory_space<semaphore_mem>>)
    %get3A_1029 = arith.constant 432 : index
    %get3A_1030 = tpu.vector_load %arg7[%get3A_1029] {strides = array<i32>} : memref<512xi32, #tpu.memory_space<vmem>>, vector<16xi32>,
    %shift_right_arithmetic3A_1031 = arith.constant 11 : i32
    %shift_right_arithmetic3A_1032 = vector.broadcast %shift_right_arithmetic3A_1031 : i32 to vector<16xi32>
    %shift_right_arithmetic3A_1033 = arith.shrsi %get3A_1030, %shift_right_arithmetic3A_1032 : vector<16xi32>
    %mul3A_1034 = arith.constant 2048 : i32
    %mul3A_1035 = vector.broadcast %mul3A_1034 : i32 to vector<16xi32>
    %mul3A_1036 = arith.muli %shift_right_arithmetic3A_1033, %mul3A_1035 : vector<16xi32>
    %add3A_1037 = vector.broadcast %mul3A_6 : i32 to vector<16xi32>
    %add3A_1038 = arith.addi %add3A_1037, %mul3A_1036 : vector<16xi32>
    %shift_right_arithmetic3A_1039 = arith.constant 7 : i32
    %shift_right_arithmetic3A_1040 = vector.broadcast %shift_right_arithmetic3A_1039 : i32 to vector<16xi32>
    %shift_right_arithmetic3A_1041 = arith.shrsi %get3A_1030, %shift_right_arithmetic3A_1040 : vector<16xi32>
    %and3A_1042 = arith.constant 1 : i32
    %and3A_1043 = vector.broadcast %and3A_1042 : i32 to vector<16xi32>
    %and3A_1044 = arith.andi %shift_right_arithmetic3A_1041, %and3A_1043 : vector<16xi32>
    %mul3A_1045 = arith.constant 1024 : i32
    %mul3A_1046 = vector.broadcast %mul3A_1045 : i32 to vector<16xi32>
    %mul3A_1047 = arith.muli %and3A_1044, %mul3A_1046 : vector<16xi32>
    %add3A_1048 = arith.addi %add3A_1038, %mul3A_1047 : vector<16xi32>
    %shift_right_arithmetic3A_1049 = arith.constant 8 : i32
    %shift_right_arithmetic3A_1050 = vector.broadcast %shift_right_arithmetic3A_1049 : i32 to vector<16xi32>
    %shift_right_arithmetic3A_1051 = arith.shrsi %get3A_1030, %shift_right_arithmetic3A_1050 : vector<16xi32>
    %and3A_1052 = arith.constant 7 : i32
    %and3A_1053 = vector.broadcast %and3A_1052 : i32 to vector<16xi32>
    %and3A_1054 = arith.andi %shift_right_arithmetic3A_1051, %and3A_1053 : vector<16xi32>
    %mul3A_1055 = arith.constant 128 : i32
    %mul3A_1056 = vector.broadcast %mul3A_1055 : i32 to vector<16xi32>
    %mul3A_1057 = arith.muli %and3A_1054, %mul3A_1056 : vector<16xi32>
    %add3A_1058 = arith.addi %add3A_1048, %mul3A_1057 : vector<16xi32>
    %and3A_1059 = arith.constant 127 : i32
    %and3A_1060 = vector.broadcast %and3A_1059 : i32 to vector<16xi32>
    %and3A_1061 = arith.andi %get3A_1030, %and3A_1060 : vector<16xi32>
    %add3A_1062 = arith.addi %add3A_1058, %and3A_1061 : vector<16xi32>
    %dma_start3A_1063 = arith.constant 432 : i32
    %dma_start3A_1064 = tpu.memref_slice %arg8[%dma_start3A_1063] : memref<1024xf32, #tpu.memory_space<vmem>> -> memref<16xf32, #tpu.memory_space<vmem>>
    %dma_start3A_1065 = arith.constant 0 : i32
    %dma_start3A_1066 = tpu.memref_slice %arg2[%dma_start3A_1065] : memref<4194304xf32, #tpu.memory_space<hbm>> -> memref<4194304xf32, #tpu.memory_space<hbm>>
    tpu.enqueue_indirect_dma source(%dma_start3A_1066 : memref<4194304xf32, #tpu.memory_space<hbm>>) target(%dma_start3A_1064 : memref<16xf32, #tpu.memory_space<vmem>>) offsets(%add3A_1062 : vector<16xi32>) semaphore(%arg12 : memref<!tpu.dma_semaphore, #tpu.memory_space<semaphore_mem>>)
    %get3A_1067 = arith.constant 448 : index
    %get3A_1068 = tpu.vector_load %arg7[%get3A_1067] {strides = array<i32>} : memref<512xi32, #tpu.memory_space<vmem>>, vector<16xi32>,
    %shift_right_arithmetic3A_1069 = arith.constant 11 : i32
    %shift_right_arithmetic3A_1070 = vector.broadcast %shift_right_arithmetic3A_1069 : i32 to vector<16xi32>
    %shift_right_arithmetic3A_1071 = arith.shrsi %get3A_1068, %shift_right_arithmetic3A_1070 : vector<16xi32>
    %mul3A_1072 = arith.constant 2048 : i32
    %mul3A_1073 = vector.broadcast %mul3A_1072 : i32 to vector<16xi32>
    %mul3A_1074 = arith.muli %shift_right_arithmetic3A_1071, %mul3A_1073 : vector<16xi32>
    %add3A_1075 = vector.broadcast %mul3A_6 : i32 to vector<16xi32>
    %add3A_1076 = arith.addi %add3A_1075, %mul3A_1074 : vector<16xi32>
    %shift_right_arithmetic3A_1077 = arith.constant 7 : i32
    %shift_right_arithmetic3A_1078 = vector.broadcast %shift_right_arithmetic3A_1077 : i32 to vector<16xi32>
    %shift_right_arithmetic3A_1079 = arith.shrsi %get3A_1068, %shift_right_arithmetic3A_1078 : vector<16xi32>
    %and3A_1080 = arith.constant 1 : i32
    %and3A_1081 = vector.broadcast %and3A_1080 : i32 to vector<16xi32>
    %and3A_1082 = arith.andi %shift_right_arithmetic3A_1079, %and3A_1081 : vector<16xi32>
    %mul3A_1083 = arith.constant 1024 : i32
    %mul3A_1084 = vector.broadcast %mul3A_1083 : i32 to vector<16xi32>
    %mul3A_1085 = arith.muli %and3A_1082, %mul3A_1084 : vector<16xi32>
    %add3A_1086 = arith.addi %add3A_1076, %mul3A_1085 : vector<16xi32>
    %shift_right_arithmetic3A_1087 = arith.constant 8 : i32
    %shift_right_arithmetic3A_1088 = vector.broadcast %shift_right_arithmetic3A_1087 : i32 to vector<16xi32>
    %shift_right_arithmetic3A_1089 = arith.shrsi %get3A_1068, %shift_right_arithmetic3A_1088 : vector<16xi32>
    %and3A_1090 = arith.constant 7 : i32
    %and3A_1091 = vector.broadcast %and3A_1090 : i32 to vector<16xi32>
    %and3A_1092 = arith.andi %shift_right_arithmetic3A_1089, %and3A_1091 : vector<16xi32>
    %mul3A_1093 = arith.constant 128 : i32
    %mul3A_1094 = vector.broadcast %mul3A_1093 : i32 to vector<16xi32>
    %mul3A_1095 = arith.muli %and3A_1092, %mul3A_1094 : vector<16xi32>
    %add3A_1096 = arith.addi %add3A_1086, %mul3A_1095 : vector<16xi32>
    %and3A_1097 = arith.constant 127 : i32
    %and3A_1098 = vector.broadcast %and3A_1097 : i32 to vector<16xi32>
    %and3A_1099 = arith.andi %get3A_1068, %and3A_1098 : vector<16xi32>
    %add3A_1100 = arith.addi %add3A_1096, %and3A_1099 : vector<16xi32>
    %dma_start3A_1101 = arith.constant 448 : i32
    %dma_start3A_1102 = tpu.memref_slice %arg8[%dma_start3A_1101] : memref<1024xf32, #tpu.memory_space<vmem>> -> memref<16xf32, #tpu.memory_space<vmem>>
    %dma_start3A_1103 = arith.constant 0 : i32
    %dma_start3A_1104 = tpu.memref_slice %arg2[%dma_start3A_1103] : memref<4194304xf32, #tpu.memory_space<hbm>> -> memref<4194304xf32, #tpu.memory_space<hbm>>
    tpu.enqueue_indirect_dma source(%dma_start3A_1104 : memref<4194304xf32, #tpu.memory_space<hbm>>) target(%dma_start3A_1102 : memref<16xf32, #tpu.memory_space<vmem>>) offsets(%add3A_1100 : vector<16xi32>) semaphore(%arg12 : memref<!tpu.dma_semaphore, #tpu.memory_space<semaphore_mem>>)
    %get3A_1105 = arith.constant 464 : index
    %get3A_1106 = tpu.vector_load %arg7[%get3A_1105] {strides = array<i32>} : memref<512xi32, #tpu.memory_space<vmem>>, vector<16xi32>,
    %shift_right_arithmetic3A_1107 = arith.constant 11 : i32
    %shift_right_arithmetic3A_1108 = vector.broadcast %shift_right_arithmetic3A_1107 : i32 to vector<16xi32>
    %shift_right_arithmetic3A_1109 = arith.shrsi %get3A_1106, %shift_right_arithmetic3A_1108 : vector<16xi32>
    %mul3A_1110 = arith.constant 2048 : i32
    %mul3A_1111 = vector.broadcast %mul3A_1110 : i32 to vector<16xi32>
    %mul3A_1112 = arith.muli %shift_right_arithmetic3A_1109, %mul3A_1111 : vector<16xi32>
    %add3A_1113 = vector.broadcast %mul3A_6 : i32 to vector<16xi32>
    %add3A_1114 = arith.addi %add3A_1113, %mul3A_1112 : vector<16xi32>
    %shift_right_arithmetic3A_1115 = arith.constant 7 : i32
    %shift_right_arithmetic3A_1116 = vector.broadcast %shift_right_arithmetic3A_1115 : i32 to vector<16xi32>
    %shift_right_arithmetic3A_1117 = arith.shrsi %get3A_1106, %shift_right_arithmetic3A_1116 : vector<16xi32>
    %and3A_1118 = arith.constant 1 : i32
    %and3A_1119 = vector.broadcast %and3A_1118 : i32 to vector<16xi32>
    %and3A_1120 = arith.andi %shift_right_arithmetic3A_1117, %and3A_1119 : vector<16xi32>
    %mul3A_1121 = arith.constant 1024 : i32
    %mul3A_1122 = vector.broadcast %mul3A_1121 : i32 to vector<16xi32>
    %mul3A_1123 = arith.muli %and3A_1120, %mul3A_1122 : vector<16xi32>
    %add3A_1124 = arith.addi %add3A_1114, %mul3A_1123 : vector<16xi32>
    %shift_right_arithmetic3A_1125 = arith.constant 8 : i32
    %shift_right_arithmetic3A_1126 = vector.broadcast %shift_right_arithmetic3A_1125 : i32 to vector<16xi32>
    %shift_right_arithmetic3A_1127 = arith.shrsi %get3A_1106, %shift_right_arithmetic3A_1126 : vector<16xi32>
    %and3A_1128 = arith.constant 7 : i32
    %and3A_1129 = vector.broadcast %and3A_1128 : i32 to vector<16xi32>
    %and3A_1130 = arith.andi %shift_right_arithmetic3A_1127, %and3A_1129 : vector<16xi32>
    %mul3A_1131 = arith.constant 128 : i32
    %mul3A_1132 = vector.broadcast %mul3A_1131 : i32 to vector<16xi32>
    %mul3A_1133 = arith.muli %and3A_1130, %mul3A_1132 : vector<16xi32>
    %add3A_1134 = arith.addi %add3A_1124, %mul3A_1133 : vector<16xi32>
    %and3A_1135 = arith.constant 127 : i32
    %and3A_1136 = vector.broadcast %and3A_1135 : i32 to vector<16xi32>
    %and3A_1137 = arith.andi %get3A_1106, %and3A_1136 : vector<16xi32>
    %add3A_1138 = arith.addi %add3A_1134, %and3A_1137 : vector<16xi32>
    %dma_start3A_1139 = arith.constant 464 : i32
    %dma_start3A_1140 = tpu.memref_slice %arg8[%dma_start3A_1139] : memref<1024xf32, #tpu.memory_space<vmem>> -> memref<16xf32, #tpu.memory_space<vmem>>
    %dma_start3A_1141 = arith.constant 0 : i32
    %dma_start3A_1142 = tpu.memref_slice %arg2[%dma_start3A_1141] : memref<4194304xf32, #tpu.memory_space<hbm>> -> memref<4194304xf32, #tpu.memory_space<hbm>>
    tpu.enqueue_indirect_dma source(%dma_start3A_1142 : memref<4194304xf32, #tpu.memory_space<hbm>>) target(%dma_start3A_1140 : memref<16xf32, #tpu.memory_space<vmem>>) offsets(%add3A_1138 : vector<16xi32>) semaphore(%arg12 : memref<!tpu.dma_semaphore, #tpu.memory_space<semaphore_mem>>)
    %get3A_1143 = arith.constant 480 : index
    %get3A_1144 = tpu.vector_load %arg7[%get3A_1143] {strides = array<i32>} : memref<512xi32, #tpu.memory_space<vmem>>, vector<16xi32>,
    %shift_right_arithmetic3A_1145 = arith.constant 11 : i32
    %shift_right_arithmetic3A_1146 = vector.broadcast %shift_right_arithmetic3A_1145 : i32 to vector<16xi32>
    %shift_right_arithmetic3A_1147 = arith.shrsi %get3A_1144, %shift_right_arithmetic3A_1146 : vector<16xi32>
    %mul3A_1148 = arith.constant 2048 : i32
    %mul3A_1149 = vector.broadcast %mul3A_1148 : i32 to vector<16xi32>
    %mul3A_1150 = arith.muli %shift_right_arithmetic3A_1147, %mul3A_1149 : vector<16xi32>
    %add3A_1151 = vector.broadcast %mul3A_6 : i32 to vector<16xi32>
    %add3A_1152 = arith.addi %add3A_1151, %mul3A_1150 : vector<16xi32>
    %shift_right_arithmetic3A_1153 = arith.constant 7 : i32
    %shift_right_arithmetic3A_1154 = vector.broadcast %shift_right_arithmetic3A_1153 : i32 to vector<16xi32>
    %shift_right_arithmetic3A_1155 = arith.shrsi %get3A_1144, %shift_right_arithmetic3A_1154 : vector<16xi32>
    %and3A_1156 = arith.constant 1 : i32
    %and3A_1157 = vector.broadcast %and3A_1156 : i32 to vector<16xi32>
    %and3A_1158 = arith.andi %shift_right_arithmetic3A_1155, %and3A_1157 : vector<16xi32>
    %mul3A_1159 = arith.constant 1024 : i32
    %mul3A_1160 = vector.broadcast %mul3A_1159 : i32 to vector<16xi32>
    %mul3A_1161 = arith.muli %and3A_1158, %mul3A_1160 : vector<16xi32>
    %add3A_1162 = arith.addi %add3A_1152, %mul3A_1161 : vector<16xi32>
    %shift_right_arithmetic3A_1163 = arith.constant 8 : i32
    %shift_right_arithmetic3A_1164 = vector.broadcast %shift_right_arithmetic3A_1163 : i32 to vector<16xi32>
    %shift_right_arithmetic3A_1165 = arith.shrsi %get3A_1144, %shift_right_arithmetic3A_1164 : vector<16xi32>
    %and3A_1166 = arith.constant 7 : i32
    %and3A_1167 = vector.broadcast %and3A_1166 : i32 to vector<16xi32>
    %and3A_1168 = arith.andi %shift_right_arithmetic3A_1165, %and3A_1167 : vector<16xi32>
    %mul3A_1169 = arith.constant 128 : i32
    %mul3A_1170 = vector.broadcast %mul3A_1169 : i32 to vector<16xi32>
    %mul3A_1171 = arith.muli %and3A_1168, %mul3A_1170 : vector<16xi32>
    %add3A_1172 = arith.addi %add3A_1162, %mul3A_1171 : vector<16xi32>
    %and3A_1173 = arith.constant 127 : i32
    %and3A_1174 = vector.broadcast %and3A_1173 : i32 to vector<16xi32>
    %and3A_1175 = arith.andi %get3A_1144, %and3A_1174 : vector<16xi32>
    %add3A_1176 = arith.addi %add3A_1172, %and3A_1175 : vector<16xi32>
    %dma_start3A_1177 = arith.constant 480 : i32
    %dma_start3A_1178 = tpu.memref_slice %arg8[%dma_start3A_1177] : memref<1024xf32, #tpu.memory_space<vmem>> -> memref<16xf32, #tpu.memory_space<vmem>>
    %dma_start3A_1179 = arith.constant 0 : i32
    %dma_start3A_1180 = tpu.memref_slice %arg2[%dma_start3A_1179] : memref<4194304xf32, #tpu.memory_space<hbm>> -> memref<4194304xf32, #tpu.memory_space<hbm>>
    tpu.enqueue_indirect_dma source(%dma_start3A_1180 : memref<4194304xf32, #tpu.memory_space<hbm>>) target(%dma_start3A_1178 : memref<16xf32, #tpu.memory_space<vmem>>) offsets(%add3A_1176 : vector<16xi32>) semaphore(%arg12 : memref<!tpu.dma_semaphore, #tpu.memory_space<semaphore_mem>>)
    %get3A_1181 = arith.constant 496 : index
    %get3A_1182 = tpu.vector_load %arg7[%get3A_1181] {strides = array<i32>} : memref<512xi32, #tpu.memory_space<vmem>>, vector<16xi32>,
    %shift_right_arithmetic3A_1183 = arith.constant 11 : i32
    %shift_right_arithmetic3A_1184 = vector.broadcast %shift_right_arithmetic3A_1183 : i32 to vector<16xi32>
    %shift_right_arithmetic3A_1185 = arith.shrsi %get3A_1182, %shift_right_arithmetic3A_1184 : vector<16xi32>
    %mul3A_1186 = arith.constant 2048 : i32
    %mul3A_1187 = vector.broadcast %mul3A_1186 : i32 to vector<16xi32>
    %mul3A_1188 = arith.muli %shift_right_arithmetic3A_1185, %mul3A_1187 : vector<16xi32>
    %add3A_1189 = vector.broadcast %mul3A_6 : i32 to vector<16xi32>
    %add3A_1190 = arith.addi %add3A_1189, %mul3A_1188 : vector<16xi32>
    %shift_right_arithmetic3A_1191 = arith.constant 7 : i32
    %shift_right_arithmetic3A_1192 = vector.broadcast %shift_right_arithmetic3A_1191 : i32 to vector<16xi32>
    %shift_right_arithmetic3A_1193 = arith.shrsi %get3A_1182, %shift_right_arithmetic3A_1192 : vector<16xi32>
    %and3A_1194 = arith.constant 1 : i32
    %and3A_1195 = vector.broadcast %and3A_1194 : i32 to vector<16xi32>
    %and3A_1196 = arith.andi %shift_right_arithmetic3A_1193, %and3A_1195 : vector<16xi32>
    %mul3A_1197 = arith.constant 1024 : i32
    %mul3A_1198 = vector.broadcast %mul3A_1197 : i32 to vector<16xi32>
    %mul3A_1199 = arith.muli %and3A_1196, %mul3A_1198 : vector<16xi32>
    %add3A_1200 = arith.addi %add3A_1190, %mul3A_1199 : vector<16xi32>
    %shift_right_arithmetic3A_1201 = arith.constant 8 : i32
    %shift_right_arithmetic3A_1202 = vector.broadcast %shift_right_arithmetic3A_1201 : i32 to vector<16xi32>
    %shift_right_arithmetic3A_1203 = arith.shrsi %get3A_1182, %shift_right_arithmetic3A_1202 : vector<16xi32>
    %and3A_1204 = arith.constant 7 : i32
    %and3A_1205 = vector.broadcast %and3A_1204 : i32 to vector<16xi32>
    %and3A_1206 = arith.andi %shift_right_arithmetic3A_1203, %and3A_1205 : vector<16xi32>
    %mul3A_1207 = arith.constant 128 : i32
    %mul3A_1208 = vector.broadcast %mul3A_1207 : i32 to vector<16xi32>
    %mul3A_1209 = arith.muli %and3A_1206, %mul3A_1208 : vector<16xi32>
    %add3A_1210 = arith.addi %add3A_1200, %mul3A_1209 : vector<16xi32>
    %and3A_1211 = arith.constant 127 : i32
    %and3A_1212 = vector.broadcast %and3A_1211 : i32 to vector<16xi32>
    %and3A_1213 = arith.andi %get3A_1182, %and3A_1212 : vector<16xi32>
    %add3A_1214 = arith.addi %add3A_1210, %and3A_1213 : vector<16xi32>
    %dma_start3A_1215 = arith.constant 496 : i32
    %dma_start3A_1216 = tpu.memref_slice %arg8[%dma_start3A_1215] : memref<1024xf32, #tpu.memory_space<vmem>> -> memref<16xf32, #tpu.memory_space<vmem>>
    %dma_start3A_1217 = arith.constant 0 : i32
    %dma_start3A_1218 = tpu.memref_slice %arg2[%dma_start3A_1217] : memref<4194304xf32, #tpu.memory_space<hbm>> -> memref<4194304xf32, #tpu.memory_space<hbm>>
    tpu.enqueue_indirect_dma source(%dma_start3A_1218 : memref<4194304xf32, #tpu.memory_space<hbm>>) target(%dma_start3A_1216 : memref<16xf32, #tpu.memory_space<vmem>>) offsets(%add3A_1214 : vector<16xi32>) semaphore(%arg12 : memref<!tpu.dma_semaphore, #tpu.memory_space<semaphore_mem>>)
    %mul3A_1219 = arith.constant 2 : i32
    %mul3A_1220 = arith.muli %add3A, %mul3A_1219 : i32
    %add3A_1221 = arith.constant 1 : i32
    %add3A_1222 = arith.addi %mul3A_1220, %add3A_1221 : i32
    %mul3A_1223 = arith.constant 65536 : i32
    %mul3A_1224 = arith.muli %add3A_1222, %mul3A_1223 : i32
    %get3A_1225 = arith.constant 0 : index
    %get3A_1226 = tpu.vector_load %arg7[%get3A_1225] {strides = array<i32>} : memref<512xi32, #tpu.memory_space<vmem>>, vector<16xi32>,
    %shift_right_arithmetic3A_1227 = arith.constant 11 : i32
    %shift_right_arithmetic3A_1228 = vector.broadcast %shift_right_arithmetic3A_1227 : i32 to vector<16xi32>
    %shift_right_arithmetic3A_1229 = arith.shrsi %get3A_1226, %shift_right_arithmetic3A_1228 : vector<16xi32>
    %mul3A_1230 = arith.constant 2048 : i32
    %mul3A_1231 = vector.broadcast %mul3A_1230 : i32 to vector<16xi32>
    %mul3A_1232 = arith.muli %shift_right_arithmetic3A_1229, %mul3A_1231 : vector<16xi32>
    %add3A_1233 = vector.broadcast %mul3A_1224 : i32 to vector<16xi32>
    %add3A_1234 = arith.addi %add3A_1233, %mul3A_1232 : vector<16xi32>
    %shift_right_arithmetic3A_1235 = arith.constant 7 : i32
    %shift_right_arithmetic3A_1236 = vector.broadcast %shift_right_arithmetic3A_1235 : i32 to vector<16xi32>
    %shift_right_arithmetic3A_1237 = arith.shrsi %get3A_1226, %shift_right_arithmetic3A_1236 : vector<16xi32>
    %and3A_1238 = arith.constant 1 : i32
    %and3A_1239 = vector.broadcast %and3A_1238 : i32 to vector<16xi32>
    %and3A_1240 = arith.andi %shift_right_arithmetic3A_1237, %and3A_1239 : vector<16xi32>
    %mul3A_1241 = arith.constant 1024 : i32
    %mul3A_1242 = vector.broadcast %mul3A_1241 : i32 to vector<16xi32>
    %mul3A_1243 = arith.muli %and3A_1240, %mul3A_1242 : vector<16xi32>
    %add3A_1244 = arith.addi %add3A_1234, %mul3A_1243 : vector<16xi32>
    %shift_right_arithmetic3A_1245 = arith.constant 8 : i32
    %shift_right_arithmetic3A_1246 = vector.broadcast %shift_right_arithmetic3A_1245 : i32 to vector<16xi32>
    %shift_right_arithmetic3A_1247 = arith.shrsi %get3A_1226, %shift_right_arithmetic3A_1246 : vector<16xi32>
    %and3A_1248 = arith.constant 7 : i32
    %and3A_1249 = vector.broadcast %and3A_1248 : i32 to vector<16xi32>
    %and3A_1250 = arith.andi %shift_right_arithmetic3A_1247, %and3A_1249 : vector<16xi32>
    %mul3A_1251 = arith.constant 128 : i32
    %mul3A_1252 = vector.broadcast %mul3A_1251 : i32 to vector<16xi32>
    %mul3A_1253 = arith.muli %and3A_1250, %mul3A_1252 : vector<16xi32>
    %add3A_1254 = arith.addi %add3A_1244, %mul3A_1253 : vector<16xi32>
    %and3A_1255 = arith.constant 127 : i32
    %and3A_1256 = vector.broadcast %and3A_1255 : i32 to vector<16xi32>
    %and3A_1257 = arith.andi %get3A_1226, %and3A_1256 : vector<16xi32>
    %add3A_1258 = arith.addi %add3A_1254, %and3A_1257 : vector<16xi32>
    %dma_start3A_1259 = arith.constant 512 : i32
    %dma_start3A_1260 = tpu.memref_slice %arg8[%dma_start3A_1259] : memref<1024xf32, #tpu.memory_space<vmem>> -> memref<16xf32, #tpu.memory_space<vmem>>
    %dma_start3A_1261 = arith.constant 0 : i32
    %dma_start3A_1262 = tpu.memref_slice %arg2[%dma_start3A_1261] : memref<4194304xf32, #tpu.memory_space<hbm>> -> memref<4194304xf32, #tpu.memory_space<hbm>>
    tpu.enqueue_indirect_dma source(%dma_start3A_1262 : memref<4194304xf32, #tpu.memory_space<hbm>>) target(%dma_start3A_1260 : memref<16xf32, #tpu.memory_space<vmem>>) offsets(%add3A_1258 : vector<16xi32>) semaphore(%arg12 : memref<!tpu.dma_semaphore, #tpu.memory_space<semaphore_mem>>)
    %get3A_1263 = arith.constant 16 : index
    %get3A_1264 = tpu.vector_load %arg7[%get3A_1263] {strides = array<i32>} : memref<512xi32, #tpu.memory_space<vmem>>, vector<16xi32>,
    %shift_right_arithmetic3A_1265 = arith.constant 11 : i32
    %shift_right_arithmetic3A_1266 = vector.broadcast %shift_right_arithmetic3A_1265 : i32 to vector<16xi32>
    %shift_right_arithmetic3A_1267 = arith.shrsi %get3A_1264, %shift_right_arithmetic3A_1266 : vector<16xi32>
    %mul3A_1268 = arith.constant 2048 : i32
    %mul3A_1269 = vector.broadcast %mul3A_1268 : i32 to vector<16xi32>
    %mul3A_1270 = arith.muli %shift_right_arithmetic3A_1267, %mul3A_1269 : vector<16xi32>
    %add3A_1271 = vector.broadcast %mul3A_1224 : i32 to vector<16xi32>
    %add3A_1272 = arith.addi %add3A_1271, %mul3A_1270 : vector<16xi32>
    %shift_right_arithmetic3A_1273 = arith.constant 7 : i32
    %shift_right_arithmetic3A_1274 = vector.broadcast %shift_right_arithmetic3A_1273 : i32 to vector<16xi32>
    %shift_right_arithmetic3A_1275 = arith.shrsi %get3A_1264, %shift_right_arithmetic3A_1274 : vector<16xi32>
    %and3A_1276 = arith.constant 1 : i32
    %and3A_1277 = vector.broadcast %and3A_1276 : i32 to vector<16xi32>
    %and3A_1278 = arith.andi %shift_right_arithmetic3A_1275, %and3A_1277 : vector<16xi32>
    %mul3A_1279 = arith.constant 1024 : i32
    %mul3A_1280 = vector.broadcast %mul3A_1279 : i32 to vector<16xi32>
    %mul3A_1281 = arith.muli %and3A_1278, %mul3A_1280 : vector<16xi32>
    %add3A_1282 = arith.addi %add3A_1272, %mul3A_1281 : vector<16xi32>
    %shift_right_arithmetic3A_1283 = arith.constant 8 : i32
    %shift_right_arithmetic3A_1284 = vector.broadcast %shift_right_arithmetic3A_1283 : i32 to vector<16xi32>
    %shift_right_arithmetic3A_1285 = arith.shrsi %get3A_1264, %shift_right_arithmetic3A_1284 : vector<16xi32>
    %and3A_1286 = arith.constant 7 : i32
    %and3A_1287 = vector.broadcast %and3A_1286 : i32 to vector<16xi32>
    %and3A_1288 = arith.andi %shift_right_arithmetic3A_1285, %and3A_1287 : vector<16xi32>
    %mul3A_1289 = arith.constant 128 : i32
    %mul3A_1290 = vector.broadcast %mul3A_1289 : i32 to vector<16xi32>
    %mul3A_1291 = arith.muli %and3A_1288, %mul3A_1290 : vector<16xi32>
    %add3A_1292 = arith.addi %add3A_1282, %mul3A_1291 : vector<16xi32>
    %and3A_1293 = arith.constant 127 : i32
    %and3A_1294 = vector.broadcast %and3A_1293 : i32 to vector<16xi32>
    %and3A_1295 = arith.andi %get3A_1264, %and3A_1294 : vector<16xi32>
    %add3A_1296 = arith.addi %add3A_1292, %and3A_1295 : vector<16xi32>
    %dma_start3A_1297 = arith.constant 528 : i32
    %dma_start3A_1298 = tpu.memref_slice %arg8[%dma_start3A_1297] : memref<1024xf32, #tpu.memory_space<vmem>> -> memref<16xf32, #tpu.memory_space<vmem>>
    %dma_start3A_1299 = arith.constant 0 : i32
    %dma_start3A_1300 = tpu.memref_slice %arg2[%dma_start3A_1299] : memref<4194304xf32, #tpu.memory_space<hbm>> -> memref<4194304xf32, #tpu.memory_space<hbm>>
    tpu.enqueue_indirect_dma source(%dma_start3A_1300 : memref<4194304xf32, #tpu.memory_space<hbm>>) target(%dma_start3A_1298 : memref<16xf32, #tpu.memory_space<vmem>>) offsets(%add3A_1296 : vector<16xi32>) semaphore(%arg12 : memref<!tpu.dma_semaphore, #tpu.memory_space<semaphore_mem>>)
    %get3A_1301 = arith.constant 32 : index
    %get3A_1302 = tpu.vector_load %arg7[%get3A_1301] {strides = array<i32>} : memref<512xi32, #tpu.memory_space<vmem>>, vector<16xi32>,
    %shift_right_arithmetic3A_1303 = arith.constant 11 : i32
    %shift_right_arithmetic3A_1304 = vector.broadcast %shift_right_arithmetic3A_1303 : i32 to vector<16xi32>
    %shift_right_arithmetic3A_1305 = arith.shrsi %get3A_1302, %shift_right_arithmetic3A_1304 : vector<16xi32>
    %mul3A_1306 = arith.constant 2048 : i32
    %mul3A_1307 = vector.broadcast %mul3A_1306 : i32 to vector<16xi32>
    %mul3A_1308 = arith.muli %shift_right_arithmetic3A_1305, %mul3A_1307 : vector<16xi32>
    %add3A_1309 = vector.broadcast %mul3A_1224 : i32 to vector<16xi32>
    %add3A_1310 = arith.addi %add3A_1309, %mul3A_1308 : vector<16xi32>
    %shift_right_arithmetic3A_1311 = arith.constant 7 : i32
    %shift_right_arithmetic3A_1312 = vector.broadcast %shift_right_arithmetic3A_1311 : i32 to vector<16xi32>
    %shift_right_arithmetic3A_1313 = arith.shrsi %get3A_1302, %shift_right_arithmetic3A_1312 : vector<16xi32>
    %and3A_1314 = arith.constant 1 : i32
    %and3A_1315 = vector.broadcast %and3A_1314 : i32 to vector<16xi32>
    %and3A_1316 = arith.andi %shift_right_arithmetic3A_1313, %and3A_1315 : vector<16xi32>
    %mul3A_1317 = arith.constant 1024 : i32
    %mul3A_1318 = vector.broadcast %mul3A_1317 : i32 to vector<16xi32>
    %mul3A_1319 = arith.muli %and3A_1316, %mul3A_1318 : vector<16xi32>
    %add3A_1320 = arith.addi %add3A_1310, %mul3A_1319 : vector<16xi32>
    %shift_right_arithmetic3A_1321 = arith.constant 8 : i32
    %shift_right_arithmetic3A_1322 = vector.broadcast %shift_right_arithmetic3A_1321 : i32 to vector<16xi32>
    %shift_right_arithmetic3A_1323 = arith.shrsi %get3A_1302, %shift_right_arithmetic3A_1322 : vector<16xi32>
    %and3A_1324 = arith.constant 7 : i32
    %and3A_1325 = vector.broadcast %and3A_1324 : i32 to vector<16xi32>
    %and3A_1326 = arith.andi %shift_right_arithmetic3A_1323, %and3A_1325 : vector<16xi32>
    %mul3A_1327 = arith.constant 128 : i32
    %mul3A_1328 = vector.broadcast %mul3A_1327 : i32 to vector<16xi32>
    %mul3A_1329 = arith.muli %and3A_1326, %mul3A_1328 : vector<16xi32>
    %add3A_1330 = arith.addi %add3A_1320, %mul3A_1329 : vector<16xi32>
    %and3A_1331 = arith.constant 127 : i32
    %and3A_1332 = vector.broadcast %and3A_1331 : i32 to vector<16xi32>
    %and3A_1333 = arith.andi %get3A_1302, %and3A_1332 : vector<16xi32>
    %add3A_1334 = arith.addi %add3A_1330, %and3A_1333 : vector<16xi32>
    %dma_start3A_1335 = arith.constant 544 : i32
    %dma_start3A_1336 = tpu.memref_slice %arg8[%dma_start3A_1335] : memref<1024xf32, #tpu.memory_space<vmem>> -> memref<16xf32, #tpu.memory_space<vmem>>
    %dma_start3A_1337 = arith.constant 0 : i32
    %dma_start3A_1338 = tpu.memref_slice %arg2[%dma_start3A_1337] : memref<4194304xf32, #tpu.memory_space<hbm>> -> memref<4194304xf32, #tpu.memory_space<hbm>>
    tpu.enqueue_indirect_dma source(%dma_start3A_1338 : memref<4194304xf32, #tpu.memory_space<hbm>>) target(%dma_start3A_1336 : memref<16xf32, #tpu.memory_space<vmem>>) offsets(%add3A_1334 : vector<16xi32>) semaphore(%arg12 : memref<!tpu.dma_semaphore, #tpu.memory_space<semaphore_mem>>)
    %get3A_1339 = arith.constant 48 : index
    %get3A_1340 = tpu.vector_load %arg7[%get3A_1339] {strides = array<i32>} : memref<512xi32, #tpu.memory_space<vmem>>, vector<16xi32>,
    %shift_right_arithmetic3A_1341 = arith.constant 11 : i32
    %shift_right_arithmetic3A_1342 = vector.broadcast %shift_right_arithmetic3A_1341 : i32 to vector<16xi32>
    %shift_right_arithmetic3A_1343 = arith.shrsi %get3A_1340, %shift_right_arithmetic3A_1342 : vector<16xi32>
    %mul3A_1344 = arith.constant 2048 : i32
    %mul3A_1345 = vector.broadcast %mul3A_1344 : i32 to vector<16xi32>
    %mul3A_1346 = arith.muli %shift_right_arithmetic3A_1343, %mul3A_1345 : vector<16xi32>
    %add3A_1347 = vector.broadcast %mul3A_1224 : i32 to vector<16xi32>
    %add3A_1348 = arith.addi %add3A_1347, %mul3A_1346 : vector<16xi32>
    %shift_right_arithmetic3A_1349 = arith.constant 7 : i32
    %shift_right_arithmetic3A_1350 = vector.broadcast %shift_right_arithmetic3A_1349 : i32 to vector<16xi32>
    %shift_right_arithmetic3A_1351 = arith.shrsi %get3A_1340, %shift_right_arithmetic3A_1350 : vector<16xi32>
    %and3A_1352 = arith.constant 1 : i32
    %and3A_1353 = vector.broadcast %and3A_1352 : i32 to vector<16xi32>
    %and3A_1354 = arith.andi %shift_right_arithmetic3A_1351, %and3A_1353 : vector<16xi32>
    %mul3A_1355 = arith.constant 1024 : i32
    %mul3A_1356 = vector.broadcast %mul3A_1355 : i32 to vector<16xi32>
    %mul3A_1357 = arith.muli %and3A_1354, %mul3A_1356 : vector<16xi32>
    %add3A_1358 = arith.addi %add3A_1348, %mul3A_1357 : vector<16xi32>
    %shift_right_arithmetic3A_1359 = arith.constant 8 : i32
    %shift_right_arithmetic3A_1360 = vector.broadcast %shift_right_arithmetic3A_1359 : i32 to vector<16xi32>
    %shift_right_arithmetic3A_1361 = arith.shrsi %get3A_1340, %shift_right_arithmetic3A_1360 : vector<16xi32>
    %and3A_1362 = arith.constant 7 : i32
    %and3A_1363 = vector.broadcast %and3A_1362 : i32 to vector<16xi32>
    %and3A_1364 = arith.andi %shift_right_arithmetic3A_1361, %and3A_1363 : vector<16xi32>
    %mul3A_1365 = arith.constant 128 : i32
    %mul3A_1366 = vector.broadcast %mul3A_1365 : i32 to vector<16xi32>
    %mul3A_1367 = arith.muli %and3A_1364, %mul3A_1366 : vector<16xi32>
    %add3A_1368 = arith.addi %add3A_1358, %mul3A_1367 : vector<16xi32>
    %and3A_1369 = arith.constant 127 : i32
    %and3A_1370 = vector.broadcast %and3A_1369 : i32 to vector<16xi32>
    %and3A_1371 = arith.andi %get3A_1340, %and3A_1370 : vector<16xi32>
    %add3A_1372 = arith.addi %add3A_1368, %and3A_1371 : vector<16xi32>
    %dma_start3A_1373 = arith.constant 560 : i32
    %dma_start3A_1374 = tpu.memref_slice %arg8[%dma_start3A_1373] : memref<1024xf32, #tpu.memory_space<vmem>> -> memref<16xf32, #tpu.memory_space<vmem>>
    %dma_start3A_1375 = arith.constant 0 : i32
    %dma_start3A_1376 = tpu.memref_slice %arg2[%dma_start3A_1375] : memref<4194304xf32, #tpu.memory_space<hbm>> -> memref<4194304xf32, #tpu.memory_space<hbm>>
    tpu.enqueue_indirect_dma source(%dma_start3A_1376 : memref<4194304xf32, #tpu.memory_space<hbm>>) target(%dma_start3A_1374 : memref<16xf32, #tpu.memory_space<vmem>>) offsets(%add3A_1372 : vector<16xi32>) semaphore(%arg12 : memref<!tpu.dma_semaphore, #tpu.memory_space<semaphore_mem>>)
    %get3A_1377 = arith.constant 64 : index
    %get3A_1378 = tpu.vector_load %arg7[%get3A_1377] {strides = array<i32>} : memref<512xi32, #tpu.memory_space<vmem>>, vector<16xi32>,
    %shift_right_arithmetic3A_1379 = arith.constant 11 : i32
    %shift_right_arithmetic3A_1380 = vector.broadcast %shift_right_arithmetic3A_1379 : i32 to vector<16xi32>
    %shift_right_arithmetic3A_1381 = arith.shrsi %get3A_1378, %shift_right_arithmetic3A_1380 : vector<16xi32>
    %mul3A_1382 = arith.constant 2048 : i32
    %mul3A_1383 = vector.broadcast %mul3A_1382 : i32 to vector<16xi32>
    %mul3A_1384 = arith.muli %shift_right_arithmetic3A_1381, %mul3A_1383 : vector<16xi32>
    %add3A_1385 = vector.broadcast %mul3A_1224 : i32 to vector<16xi32>
    %add3A_1386 = arith.addi %add3A_1385, %mul3A_1384 : vector<16xi32>
    %shift_right_arithmetic3A_1387 = arith.constant 7 : i32
    %shift_right_arithmetic3A_1388 = vector.broadcast %shift_right_arithmetic3A_1387 : i32 to vector<16xi32>
    %shift_right_arithmetic3A_1389 = arith.shrsi %get3A_1378, %shift_right_arithmetic3A_1388 : vector<16xi32>
    %and3A_1390 = arith.constant 1 : i32
    %and3A_1391 = vector.broadcast %and3A_1390 : i32 to vector<16xi32>
    %and3A_1392 = arith.andi %shift_right_arithmetic3A_1389, %and3A_1391 : vector<16xi32>
    %mul3A_1393 = arith.constant 1024 : i32
    %mul3A_1394 = vector.broadcast %mul3A_1393 : i32 to vector<16xi32>
    %mul3A_1395 = arith.muli %and3A_1392, %mul3A_1394 : vector<16xi32>
    %add3A_1396 = arith.addi %add3A_1386, %mul3A_1395 : vector<16xi32>
    %shift_right_arithmetic3A_1397 = arith.constant 8 : i32
    %shift_right_arithmetic3A_1398 = vector.broadcast %shift_right_arithmetic3A_1397 : i32 to vector<16xi32>
    %shift_right_arithmetic3A_1399 = arith.shrsi %get3A_1378, %shift_right_arithmetic3A_1398 : vector<16xi32>
    %and3A_1400 = arith.constant 7 : i32
    %and3A_1401 = vector.broadcast %and3A_1400 : i32 to vector<16xi32>
    %and3A_1402 = arith.andi %shift_right_arithmetic3A_1399, %and3A_1401 : vector<16xi32>
    %mul3A_1403 = arith.constant 128 : i32
    %mul3A_1404 = vector.broadcast %mul3A_1403 : i32 to vector<16xi32>
    %mul3A_1405 = arith.muli %and3A_1402, %mul3A_1404 : vector<16xi32>
    %add3A_1406 = arith.addi %add3A_1396, %mul3A_1405 : vector<16xi32>
    %and3A_1407 = arith.constant 127 : i32
    %and3A_1408 = vector.broadcast %and3A_1407 : i32 to vector<16xi32>
    %and3A_1409 = arith.andi %get3A_1378, %and3A_1408 : vector<16xi32>
    %add3A_1410 = arith.addi %add3A_1406, %and3A_1409 : vector<16xi32>
    %dma_start3A_1411 = arith.constant 576 : i32
    %dma_start3A_1412 = tpu.memref_slice %arg8[%dma_start3A_1411] : memref<1024xf32, #tpu.memory_space<vmem>> -> memref<16xf32, #tpu.memory_space<vmem>>
    %dma_start3A_1413 = arith.constant 0 : i32
    %dma_start3A_1414 = tpu.memref_slice %arg2[%dma_start3A_1413] : memref<4194304xf32, #tpu.memory_space<hbm>> -> memref<4194304xf32, #tpu.memory_space<hbm>>
    tpu.enqueue_indirect_dma source(%dma_start3A_1414 : memref<4194304xf32, #tpu.memory_space<hbm>>) target(%dma_start3A_1412 : memref<16xf32, #tpu.memory_space<vmem>>) offsets(%add3A_1410 : vector<16xi32>) semaphore(%arg12 : memref<!tpu.dma_semaphore, #tpu.memory_space<semaphore_mem>>)
    %get3A_1415 = arith.constant 80 : index
    %get3A_1416 = tpu.vector_load %arg7[%get3A_1415] {strides = array<i32>} : memref<512xi32, #tpu.memory_space<vmem>>, vector<16xi32>,
    %shift_right_arithmetic3A_1417 = arith.constant 11 : i32
    %shift_right_arithmetic3A_1418 = vector.broadcast %shift_right_arithmetic3A_1417 : i32 to vector<16xi32>
    %shift_right_arithmetic3A_1419 = arith.shrsi %get3A_1416, %shift_right_arithmetic3A_1418 : vector<16xi32>
    %mul3A_1420 = arith.constant 2048 : i32
    %mul3A_1421 = vector.broadcast %mul3A_1420 : i32 to vector<16xi32>
    %mul3A_1422 = arith.muli %shift_right_arithmetic3A_1419, %mul3A_1421 : vector<16xi32>
    %add3A_1423 = vector.broadcast %mul3A_1224 : i32 to vector<16xi32>
    %add3A_1424 = arith.addi %add3A_1423, %mul3A_1422 : vector<16xi32>
    %shift_right_arithmetic3A_1425 = arith.constant 7 : i32
    %shift_right_arithmetic3A_1426 = vector.broadcast %shift_right_arithmetic3A_1425 : i32 to vector<16xi32>
    %shift_right_arithmetic3A_1427 = arith.shrsi %get3A_1416, %shift_right_arithmetic3A_1426 : vector<16xi32>
    %and3A_1428 = arith.constant 1 : i32
    %and3A_1429 = vector.broadcast %and3A_1428 : i32 to vector<16xi32>
    %and3A_1430 = arith.andi %shift_right_arithmetic3A_1427, %and3A_1429 : vector<16xi32>
    %mul3A_1431 = arith.constant 1024 : i32
    %mul3A_1432 = vector.broadcast %mul3A_1431 : i32 to vector<16xi32>
    %mul3A_1433 = arith.muli %and3A_1430, %mul3A_1432 : vector<16xi32>
    %add3A_1434 = arith.addi %add3A_1424, %mul3A_1433 : vector<16xi32>
    %shift_right_arithmetic3A_1435 = arith.constant 8 : i32
    %shift_right_arithmetic3A_1436 = vector.broadcast %shift_right_arithmetic3A_1435 : i32 to vector<16xi32>
    %shift_right_arithmetic3A_1437 = arith.shrsi %get3A_1416, %shift_right_arithmetic3A_1436 : vector<16xi32>
    %and3A_1438 = arith.constant 7 : i32
    %and3A_1439 = vector.broadcast %and3A_1438 : i32 to vector<16xi32>
    %and3A_1440 = arith.andi %shift_right_arithmetic3A_1437, %and3A_1439 : vector<16xi32>
    %mul3A_1441 = arith.constant 128 : i32
    %mul3A_1442 = vector.broadcast %mul3A_1441 : i32 to vector<16xi32>
    %mul3A_1443 = arith.muli %and3A_1440, %mul3A_1442 : vector<16xi32>
    %add3A_1444 = arith.addi %add3A_1434, %mul3A_1443 : vector<16xi32>
    %and3A_1445 = arith.constant 127 : i32
    %and3A_1446 = vector.broadcast %and3A_1445 : i32 to vector<16xi32>
    %and3A_1447 = arith.andi %get3A_1416, %and3A_1446 : vector<16xi32>
    %add3A_1448 = arith.addi %add3A_1444, %and3A_1447 : vector<16xi32>
    %dma_start3A_1449 = arith.constant 592 : i32
    %dma_start3A_1450 = tpu.memref_slice %arg8[%dma_start3A_1449] : memref<1024xf32, #tpu.memory_space<vmem>> -> memref<16xf32, #tpu.memory_space<vmem>>
    %dma_start3A_1451 = arith.constant 0 : i32
    %dma_start3A_1452 = tpu.memref_slice %arg2[%dma_start3A_1451] : memref<4194304xf32, #tpu.memory_space<hbm>> -> memref<4194304xf32, #tpu.memory_space<hbm>>
    tpu.enqueue_indirect_dma source(%dma_start3A_1452 : memref<4194304xf32, #tpu.memory_space<hbm>>) target(%dma_start3A_1450 : memref<16xf32, #tpu.memory_space<vmem>>) offsets(%add3A_1448 : vector<16xi32>) semaphore(%arg12 : memref<!tpu.dma_semaphore, #tpu.memory_space<semaphore_mem>>)
    %get3A_1453 = arith.constant 96 : index
    %get3A_1454 = tpu.vector_load %arg7[%get3A_1453] {strides = array<i32>} : memref<512xi32, #tpu.memory_space<vmem>>, vector<16xi32>,
    %shift_right_arithmetic3A_1455 = arith.constant 11 : i32
    %shift_right_arithmetic3A_1456 = vector.broadcast %shift_right_arithmetic3A_1455 : i32 to vector<16xi32>
    %shift_right_arithmetic3A_1457 = arith.shrsi %get3A_1454, %shift_right_arithmetic3A_1456 : vector<16xi32>
    %mul3A_1458 = arith.constant 2048 : i32
    %mul3A_1459 = vector.broadcast %mul3A_1458 : i32 to vector<16xi32>
    %mul3A_1460 = arith.muli %shift_right_arithmetic3A_1457, %mul3A_1459 : vector<16xi32>
    %add3A_1461 = vector.broadcast %mul3A_1224 : i32 to vector<16xi32>
    %add3A_1462 = arith.addi %add3A_1461, %mul3A_1460 : vector<16xi32>
    %shift_right_arithmetic3A_1463 = arith.constant 7 : i32
    %shift_right_arithmetic3A_1464 = vector.broadcast %shift_right_arithmetic3A_1463 : i32 to vector<16xi32>
    %shift_right_arithmetic3A_1465 = arith.shrsi %get3A_1454, %shift_right_arithmetic3A_1464 : vector<16xi32>
    %and3A_1466 = arith.constant 1 : i32
    %and3A_1467 = vector.broadcast %and3A_1466 : i32 to vector<16xi32>
    %and3A_1468 = arith.andi %shift_right_arithmetic3A_1465, %and3A_1467 : vector<16xi32>
    %mul3A_1469 = arith.constant 1024 : i32
    %mul3A_1470 = vector.broadcast %mul3A_1469 : i32 to vector<16xi32>
    %mul3A_1471 = arith.muli %and3A_1468, %mul3A_1470 : vector<16xi32>
    %add3A_1472 = arith.addi %add3A_1462, %mul3A_1471 : vector<16xi32>
    %shift_right_arithmetic3A_1473 = arith.constant 8 : i32
    %shift_right_arithmetic3A_1474 = vector.broadcast %shift_right_arithmetic3A_1473 : i32 to vector<16xi32>
    %shift_right_arithmetic3A_1475 = arith.shrsi %get3A_1454, %shift_right_arithmetic3A_1474 : vector<16xi32>
    %and3A_1476 = arith.constant 7 : i32
    %and3A_1477 = vector.broadcast %and3A_1476 : i32 to vector<16xi32>
    %and3A_1478 = arith.andi %shift_right_arithmetic3A_1475, %and3A_1477 : vector<16xi32>
    %mul3A_1479 = arith.constant 128 : i32
    %mul3A_1480 = vector.broadcast %mul3A_1479 : i32 to vector<16xi32>
    %mul3A_1481 = arith.muli %and3A_1478, %mul3A_1480 : vector<16xi32>
    %add3A_1482 = arith.addi %add3A_1472, %mul3A_1481 : vector<16xi32>
    %and3A_1483 = arith.constant 127 : i32
    %and3A_1484 = vector.broadcast %and3A_1483 : i32 to vector<16xi32>
    %and3A_1485 = arith.andi %get3A_1454, %and3A_1484 : vector<16xi32>
    %add3A_1486 = arith.addi %add3A_1482, %and3A_1485 : vector<16xi32>
    %dma_start3A_1487 = arith.constant 608 : i32
    %dma_start3A_1488 = tpu.memref_slice %arg8[%dma_start3A_1487] : memref<1024xf32, #tpu.memory_space<vmem>> -> memref<16xf32, #tpu.memory_space<vmem>>
    %dma_start3A_1489 = arith.constant 0 : i32
    %dma_start3A_1490 = tpu.memref_slice %arg2[%dma_start3A_1489] : memref<4194304xf32, #tpu.memory_space<hbm>> -> memref<4194304xf32, #tpu.memory_space<hbm>>
    tpu.enqueue_indirect_dma source(%dma_start3A_1490 : memref<4194304xf32, #tpu.memory_space<hbm>>) target(%dma_start3A_1488 : memref<16xf32, #tpu.memory_space<vmem>>) offsets(%add3A_1486 : vector<16xi32>) semaphore(%arg12 : memref<!tpu.dma_semaphore, #tpu.memory_space<semaphore_mem>>)
    %get3A_1491 = arith.constant 112 : index
    %get3A_1492 = tpu.vector_load %arg7[%get3A_1491] {strides = array<i32>} : memref<512xi32, #tpu.memory_space<vmem>>, vector<16xi32>,
    %shift_right_arithmetic3A_1493 = arith.constant 11 : i32
    %shift_right_arithmetic3A_1494 = vector.broadcast %shift_right_arithmetic3A_1493 : i32 to vector<16xi32>
    %shift_right_arithmetic3A_1495 = arith.shrsi %get3A_1492, %shift_right_arithmetic3A_1494 : vector<16xi32>
    %mul3A_1496 = arith.constant 2048 : i32
    %mul3A_1497 = vector.broadcast %mul3A_1496 : i32 to vector<16xi32>
    %mul3A_1498 = arith.muli %shift_right_arithmetic3A_1495, %mul3A_1497 : vector<16xi32>
    %add3A_1499 = vector.broadcast %mul3A_1224 : i32 to vector<16xi32>
    %add3A_1500 = arith.addi %add3A_1499, %mul3A_1498 : vector<16xi32>
    %shift_right_arithmetic3A_1501 = arith.constant 7 : i32
    %shift_right_arithmetic3A_1502 = vector.broadcast %shift_right_arithmetic3A_1501 : i32 to vector<16xi32>
    %shift_right_arithmetic3A_1503 = arith.shrsi %get3A_1492, %shift_right_arithmetic3A_1502 : vector<16xi32>
    %and3A_1504 = arith.constant 1 : i32
    %and3A_1505 = vector.broadcast %and3A_1504 : i32 to vector<16xi32>
    %and3A_1506 = arith.andi %shift_right_arithmetic3A_1503, %and3A_1505 : vector<16xi32>
    %mul3A_1507 = arith.constant 1024 : i32
    %mul3A_1508 = vector.broadcast %mul3A_1507 : i32 to vector<16xi32>
    %mul3A_1509 = arith.muli %and3A_1506, %mul3A_1508 : vector<16xi32>
    %add3A_1510 = arith.addi %add3A_1500, %mul3A_1509 : vector<16xi32>
    %shift_right_arithmetic3A_1511 = arith.constant 8 : i32
    %shift_right_arithmetic3A_1512 = vector.broadcast %shift_right_arithmetic3A_1511 : i32 to vector<16xi32>
    %shift_right_arithmetic3A_1513 = arith.shrsi %get3A_1492, %shift_right_arithmetic3A_1512 : vector<16xi32>
    %and3A_1514 = arith.constant 7 : i32
    %and3A_1515 = vector.broadcast %and3A_1514 : i32 to vector<16xi32>
    %and3A_1516 = arith.andi %shift_right_arithmetic3A_1513, %and3A_1515 : vector<16xi32>
    %mul3A_1517 = arith.constant 128 : i32
    %mul3A_1518 = vector.broadcast %mul3A_1517 : i32 to vector<16xi32>
    %mul3A_1519 = arith.muli %and3A_1516, %mul3A_1518 : vector<16xi32>
    %add3A_1520 = arith.addi %add3A_1510, %mul3A_1519 : vector<16xi32>
    %and3A_1521 = arith.constant 127 : i32
    %and3A_1522 = vector.broadcast %and3A_1521 : i32 to vector<16xi32>
    %and3A_1523 = arith.andi %get3A_1492, %and3A_1522 : vector<16xi32>
    %add3A_1524 = arith.addi %add3A_1520, %and3A_1523 : vector<16xi32>
    %dma_start3A_1525 = arith.constant 624 : i32
    %dma_start3A_1526 = tpu.memref_slice %arg8[%dma_start3A_1525] : memref<1024xf32, #tpu.memory_space<vmem>> -> memref<16xf32, #tpu.memory_space<vmem>>
    %dma_start3A_1527 = arith.constant 0 : i32
    %dma_start3A_1528 = tpu.memref_slice %arg2[%dma_start3A_1527] : memref<4194304xf32, #tpu.memory_space<hbm>> -> memref<4194304xf32, #tpu.memory_space<hbm>>
    tpu.enqueue_indirect_dma source(%dma_start3A_1528 : memref<4194304xf32, #tpu.memory_space<hbm>>) target(%dma_start3A_1526 : memref<16xf32, #tpu.memory_space<vmem>>) offsets(%add3A_1524 : vector<16xi32>) semaphore(%arg12 : memref<!tpu.dma_semaphore, #tpu.memory_space<semaphore_mem>>)
    %get3A_1529 = arith.constant 128 : index
    %get3A_1530 = tpu.vector_load %arg7[%get3A_1529] {strides = array<i32>} : memref<512xi32, #tpu.memory_space<vmem>>, vector<16xi32>,
    %shift_right_arithmetic3A_1531 = arith.constant 11 : i32
    %shift_right_arithmetic3A_1532 = vector.broadcast %shift_right_arithmetic3A_1531 : i32 to vector<16xi32>
    %shift_right_arithmetic3A_1533 = arith.shrsi %get3A_1530, %shift_right_arithmetic3A_1532 : vector<16xi32>
    %mul3A_1534 = arith.constant 2048 : i32
    %mul3A_1535 = vector.broadcast %mul3A_1534 : i32 to vector<16xi32>
    %mul3A_1536 = arith.muli %shift_right_arithmetic3A_1533, %mul3A_1535 : vector<16xi32>
    %add3A_1537 = vector.broadcast %mul3A_1224 : i32 to vector<16xi32>
    %add3A_1538 = arith.addi %add3A_1537, %mul3A_1536 : vector<16xi32>
    %shift_right_arithmetic3A_1539 = arith.constant 7 : i32
    %shift_right_arithmetic3A_1540 = vector.broadcast %shift_right_arithmetic3A_1539 : i32 to vector<16xi32>
    %shift_right_arithmetic3A_1541 = arith.shrsi %get3A_1530, %shift_right_arithmetic3A_1540 : vector<16xi32>
    %and3A_1542 = arith.constant 1 : i32
    %and3A_1543 = vector.broadcast %and3A_1542 : i32 to vector<16xi32>
    %and3A_1544 = arith.andi %shift_right_arithmetic3A_1541, %and3A_1543 : vector<16xi32>
    %mul3A_1545 = arith.constant 1024 : i32
    %mul3A_1546 = vector.broadcast %mul3A_1545 : i32 to vector<16xi32>
    %mul3A_1547 = arith.muli %and3A_1544, %mul3A_1546 : vector<16xi32>
    %add3A_1548 = arith.addi %add3A_1538, %mul3A_1547 : vector<16xi32>
    %shift_right_arithmetic3A_1549 = arith.constant 8 : i32
    %shift_right_arithmetic3A_1550 = vector.broadcast %shift_right_arithmetic3A_1549 : i32 to vector<16xi32>
    %shift_right_arithmetic3A_1551 = arith.shrsi %get3A_1530, %shift_right_arithmetic3A_1550 : vector<16xi32>
    %and3A_1552 = arith.constant 7 : i32
    %and3A_1553 = vector.broadcast %and3A_1552 : i32 to vector<16xi32>
    %and3A_1554 = arith.andi %shift_right_arithmetic3A_1551, %and3A_1553 : vector<16xi32>
    %mul3A_1555 = arith.constant 128 : i32
    %mul3A_1556 = vector.broadcast %mul3A_1555 : i32 to vector<16xi32>
    %mul3A_1557 = arith.muli %and3A_1554, %mul3A_1556 : vector<16xi32>
    %add3A_1558 = arith.addi %add3A_1548, %mul3A_1557 : vector<16xi32>
    %and3A_1559 = arith.constant 127 : i32
    %and3A_1560 = vector.broadcast %and3A_1559 : i32 to vector<16xi32>
    %and3A_1561 = arith.andi %get3A_1530, %and3A_1560 : vector<16xi32>
    %add3A_1562 = arith.addi %add3A_1558, %and3A_1561 : vector<16xi32>
    %dma_start3A_1563 = arith.constant 640 : i32
    %dma_start3A_1564 = tpu.memref_slice %arg8[%dma_start3A_1563] : memref<1024xf32, #tpu.memory_space<vmem>> -> memref<16xf32, #tpu.memory_space<vmem>>
    %dma_start3A_1565 = arith.constant 0 : i32
    %dma_start3A_1566 = tpu.memref_slice %arg2[%dma_start3A_1565] : memref<4194304xf32, #tpu.memory_space<hbm>> -> memref<4194304xf32, #tpu.memory_space<hbm>>
    tpu.enqueue_indirect_dma source(%dma_start3A_1566 : memref<4194304xf32, #tpu.memory_space<hbm>>) target(%dma_start3A_1564 : memref<16xf32, #tpu.memory_space<vmem>>) offsets(%add3A_1562 : vector<16xi32>) semaphore(%arg12 : memref<!tpu.dma_semaphore, #tpu.memory_space<semaphore_mem>>)
    %get3A_1567 = arith.constant 144 : index
    %get3A_1568 = tpu.vector_load %arg7[%get3A_1567] {strides = array<i32>} : memref<512xi32, #tpu.memory_space<vmem>>, vector<16xi32>,
    %shift_right_arithmetic3A_1569 = arith.constant 11 : i32
    %shift_right_arithmetic3A_1570 = vector.broadcast %shift_right_arithmetic3A_1569 : i32 to vector<16xi32>
    %shift_right_arithmetic3A_1571 = arith.shrsi %get3A_1568, %shift_right_arithmetic3A_1570 : vector<16xi32>
    %mul3A_1572 = arith.constant 2048 : i32
    %mul3A_1573 = vector.broadcast %mul3A_1572 : i32 to vector<16xi32>
    %mul3A_1574 = arith.muli %shift_right_arithmetic3A_1571, %mul3A_1573 : vector<16xi32>
    %add3A_1575 = vector.broadcast %mul3A_1224 : i32 to vector<16xi32>
    %add3A_1576 = arith.addi %add3A_1575, %mul3A_1574 : vector<16xi32>
    %shift_right_arithmetic3A_1577 = arith.constant 7 : i32
    %shift_right_arithmetic3A_1578 = vector.broadcast %shift_right_arithmetic3A_1577 : i32 to vector<16xi32>
    %shift_right_arithmetic3A_1579 = arith.shrsi %get3A_1568, %shift_right_arithmetic3A_1578 : vector<16xi32>
    %and3A_1580 = arith.constant 1 : i32
    %and3A_1581 = vector.broadcast %and3A_1580 : i32 to vector<16xi32>
    %and3A_1582 = arith.andi %shift_right_arithmetic3A_1579, %and3A_1581 : vector<16xi32>
    %mul3A_1583 = arith.constant 1024 : i32
    %mul3A_1584 = vector.broadcast %mul3A_1583 : i32 to vector<16xi32>
    %mul3A_1585 = arith.muli %and3A_1582, %mul3A_1584 : vector<16xi32>
    %add3A_1586 = arith.addi %add3A_1576, %mul3A_1585 : vector<16xi32>
    %shift_right_arithmetic3A_1587 = arith.constant 8 : i32
    %shift_right_arithmetic3A_1588 = vector.broadcast %shift_right_arithmetic3A_1587 : i32 to vector<16xi32>
    %shift_right_arithmetic3A_1589 = arith.shrsi %get3A_1568, %shift_right_arithmetic3A_1588 : vector<16xi32>
    %and3A_1590 = arith.constant 7 : i32
    %and3A_1591 = vector.broadcast %and3A_1590 : i32 to vector<16xi32>
    %and3A_1592 = arith.andi %shift_right_arithmetic3A_1589, %and3A_1591 : vector<16xi32>
    %mul3A_1593 = arith.constant 128 : i32
    %mul3A_1594 = vector.broadcast %mul3A_1593 : i32 to vector<16xi32>
    %mul3A_1595 = arith.muli %and3A_1592, %mul3A_1594 : vector<16xi32>
    %add3A_1596 = arith.addi %add3A_1586, %mul3A_1595 : vector<16xi32>
    %and3A_1597 = arith.constant 127 : i32
    %and3A_1598 = vector.broadcast %and3A_1597 : i32 to vector<16xi32>
    %and3A_1599 = arith.andi %get3A_1568, %and3A_1598 : vector<16xi32>
    %add3A_1600 = arith.addi %add3A_1596, %and3A_1599 : vector<16xi32>
    %dma_start3A_1601 = arith.constant 656 : i32
    %dma_start3A_1602 = tpu.memref_slice %arg8[%dma_start3A_1601] : memref<1024xf32, #tpu.memory_space<vmem>> -> memref<16xf32, #tpu.memory_space<vmem>>
    %dma_start3A_1603 = arith.constant 0 : i32
    %dma_start3A_1604 = tpu.memref_slice %arg2[%dma_start3A_1603] : memref<4194304xf32, #tpu.memory_space<hbm>> -> memref<4194304xf32, #tpu.memory_space<hbm>>
    tpu.enqueue_indirect_dma source(%dma_start3A_1604 : memref<4194304xf32, #tpu.memory_space<hbm>>) target(%dma_start3A_1602 : memref<16xf32, #tpu.memory_space<vmem>>) offsets(%add3A_1600 : vector<16xi32>) semaphore(%arg12 : memref<!tpu.dma_semaphore, #tpu.memory_space<semaphore_mem>>)
    %get3A_1605 = arith.constant 160 : index
    %get3A_1606 = tpu.vector_load %arg7[%get3A_1605] {strides = array<i32>} : memref<512xi32, #tpu.memory_space<vmem>>, vector<16xi32>,
    %shift_right_arithmetic3A_1607 = arith.constant 11 : i32
    %shift_right_arithmetic3A_1608 = vector.broadcast %shift_right_arithmetic3A_1607 : i32 to vector<16xi32>
    %shift_right_arithmetic3A_1609 = arith.shrsi %get3A_1606, %shift_right_arithmetic3A_1608 : vector<16xi32>
    %mul3A_1610 = arith.constant 2048 : i32
    %mul3A_1611 = vector.broadcast %mul3A_1610 : i32 to vector<16xi32>
    %mul3A_1612 = arith.muli %shift_right_arithmetic3A_1609, %mul3A_1611 : vector<16xi32>
    %add3A_1613 = vector.broadcast %mul3A_1224 : i32 to vector<16xi32>
    %add3A_1614 = arith.addi %add3A_1613, %mul3A_1612 : vector<16xi32>
    %shift_right_arithmetic3A_1615 = arith.constant 7 : i32
    %shift_right_arithmetic3A_1616 = vector.broadcast %shift_right_arithmetic3A_1615 : i32 to vector<16xi32>
    %shift_right_arithmetic3A_1617 = arith.shrsi %get3A_1606, %shift_right_arithmetic3A_1616 : vector<16xi32>
    %and3A_1618 = arith.constant 1 : i32
    %and3A_1619 = vector.broadcast %and3A_1618 : i32 to vector<16xi32>
    %and3A_1620 = arith.andi %shift_right_arithmetic3A_1617, %and3A_1619 : vector<16xi32>
    %mul3A_1621 = arith.constant 1024 : i32
    %mul3A_1622 = vector.broadcast %mul3A_1621 : i32 to vector<16xi32>
    %mul3A_1623 = arith.muli %and3A_1620, %mul3A_1622 : vector<16xi32>
    %add3A_1624 = arith.addi %add3A_1614, %mul3A_1623 : vector<16xi32>
    %shift_right_arithmetic3A_1625 = arith.constant 8 : i32
    %shift_right_arithmetic3A_1626 = vector.broadcast %shift_right_arithmetic3A_1625 : i32 to vector<16xi32>
    %shift_right_arithmetic3A_1627 = arith.shrsi %get3A_1606, %shift_right_arithmetic3A_1626 : vector<16xi32>
    %and3A_1628 = arith.constant 7 : i32
    %and3A_1629 = vector.broadcast %and3A_1628 : i32 to vector<16xi32>
    %and3A_1630 = arith.andi %shift_right_arithmetic3A_1627, %and3A_1629 : vector<16xi32>
    %mul3A_1631 = arith.constant 128 : i32
    %mul3A_1632 = vector.broadcast %mul3A_1631 : i32 to vector<16xi32>
    %mul3A_1633 = arith.muli %and3A_1630, %mul3A_1632 : vector<16xi32>
    %add3A_1634 = arith.addi %add3A_1624, %mul3A_1633 : vector<16xi32>
    %and3A_1635 = arith.constant 127 : i32
    %and3A_1636 = vector.broadcast %and3A_1635 : i32 to vector<16xi32>
    %and3A_1637 = arith.andi %get3A_1606, %and3A_1636 : vector<16xi32>
    %add3A_1638 = arith.addi %add3A_1634, %and3A_1637 : vector<16xi32>
    %dma_start3A_1639 = arith.constant 672 : i32
    %dma_start3A_1640 = tpu.memref_slice %arg8[%dma_start3A_1639] : memref<1024xf32, #tpu.memory_space<vmem>> -> memref<16xf32, #tpu.memory_space<vmem>>
    %dma_start3A_1641 = arith.constant 0 : i32
    %dma_start3A_1642 = tpu.memref_slice %arg2[%dma_start3A_1641] : memref<4194304xf32, #tpu.memory_space<hbm>> -> memref<4194304xf32, #tpu.memory_space<hbm>>
    tpu.enqueue_indirect_dma source(%dma_start3A_1642 : memref<4194304xf32, #tpu.memory_space<hbm>>) target(%dma_start3A_1640 : memref<16xf32, #tpu.memory_space<vmem>>) offsets(%add3A_1638 : vector<16xi32>) semaphore(%arg12 : memref<!tpu.dma_semaphore, #tpu.memory_space<semaphore_mem>>)
    %get3A_1643 = arith.constant 176 : index
    %get3A_1644 = tpu.vector_load %arg7[%get3A_1643] {strides = array<i32>} : memref<512xi32, #tpu.memory_space<vmem>>, vector<16xi32>,
    %shift_right_arithmetic3A_1645 = arith.constant 11 : i32
    %shift_right_arithmetic3A_1646 = vector.broadcast %shift_right_arithmetic3A_1645 : i32 to vector<16xi32>
    %shift_right_arithmetic3A_1647 = arith.shrsi %get3A_1644, %shift_right_arithmetic3A_1646 : vector<16xi32>
    %mul3A_1648 = arith.constant 2048 : i32
    %mul3A_1649 = vector.broadcast %mul3A_1648 : i32 to vector<16xi32>
    %mul3A_1650 = arith.muli %shift_right_arithmetic3A_1647, %mul3A_1649 : vector<16xi32>
    %add3A_1651 = vector.broadcast %mul3A_1224 : i32 to vector<16xi32>
    %add3A_1652 = arith.addi %add3A_1651, %mul3A_1650 : vector<16xi32>
    %shift_right_arithmetic3A_1653 = arith.constant 7 : i32
    %shift_right_arithmetic3A_1654 = vector.broadcast %shift_right_arithmetic3A_1653 : i32 to vector<16xi32>
    %shift_right_arithmetic3A_1655 = arith.shrsi %get3A_1644, %shift_right_arithmetic3A_1654 : vector<16xi32>
    %and3A_1656 = arith.constant 1 : i32
    %and3A_1657 = vector.broadcast %and3A_1656 : i32 to vector<16xi32>
    %and3A_1658 = arith.andi %shift_right_arithmetic3A_1655, %and3A_1657 : vector<16xi32>
    %mul3A_1659 = arith.constant 1024 : i32
    %mul3A_1660 = vector.broadcast %mul3A_1659 : i32 to vector<16xi32>
    %mul3A_1661 = arith.muli %and3A_1658, %mul3A_1660 : vector<16xi32>
    %add3A_1662 = arith.addi %add3A_1652, %mul3A_1661 : vector<16xi32>
    %shift_right_arithmetic3A_1663 = arith.constant 8 : i32
    %shift_right_arithmetic3A_1664 = vector.broadcast %shift_right_arithmetic3A_1663 : i32 to vector<16xi32>
    %shift_right_arithmetic3A_1665 = arith.shrsi %get3A_1644, %shift_right_arithmetic3A_1664 : vector<16xi32>
    %and3A_1666 = arith.constant 7 : i32
    %and3A_1667 = vector.broadcast %and3A_1666 : i32 to vector<16xi32>
    %and3A_1668 = arith.andi %shift_right_arithmetic3A_1665, %and3A_1667 : vector<16xi32>
    %mul3A_1669 = arith.constant 128 : i32
    %mul3A_1670 = vector.broadcast %mul3A_1669 : i32 to vector<16xi32>
    %mul3A_1671 = arith.muli %and3A_1668, %mul3A_1670 : vector<16xi32>
    %add3A_1672 = arith.addi %add3A_1662, %mul3A_1671 : vector<16xi32>
    %and3A_1673 = arith.constant 127 : i32
    %and3A_1674 = vector.broadcast %and3A_1673 : i32 to vector<16xi32>
    %and3A_1675 = arith.andi %get3A_1644, %and3A_1674 : vector<16xi32>
    %add3A_1676 = arith.addi %add3A_1672, %and3A_1675 : vector<16xi32>
    %dma_start3A_1677 = arith.constant 688 : i32
    %dma_start3A_1678 = tpu.memref_slice %arg8[%dma_start3A_1677] : memref<1024xf32, #tpu.memory_space<vmem>> -> memref<16xf32, #tpu.memory_space<vmem>>
    %dma_start3A_1679 = arith.constant 0 : i32
    %dma_start3A_1680 = tpu.memref_slice %arg2[%dma_start3A_1679] : memref<4194304xf32, #tpu.memory_space<hbm>> -> memref<4194304xf32, #tpu.memory_space<hbm>>
    tpu.enqueue_indirect_dma source(%dma_start3A_1680 : memref<4194304xf32, #tpu.memory_space<hbm>>) target(%dma_start3A_1678 : memref<16xf32, #tpu.memory_space<vmem>>) offsets(%add3A_1676 : vector<16xi32>) semaphore(%arg12 : memref<!tpu.dma_semaphore, #tpu.memory_space<semaphore_mem>>)
    %get3A_1681 = arith.constant 192 : index
    %get3A_1682 = tpu.vector_load %arg7[%get3A_1681] {strides = array<i32>} : memref<512xi32, #tpu.memory_space<vmem>>, vector<16xi32>,
    %shift_right_arithmetic3A_1683 = arith.constant 11 : i32
    %shift_right_arithmetic3A_1684 = vector.broadcast %shift_right_arithmetic3A_1683 : i32 to vector<16xi32>
    %shift_right_arithmetic3A_1685 = arith.shrsi %get3A_1682, %shift_right_arithmetic3A_1684 : vector<16xi32>
    %mul3A_1686 = arith.constant 2048 : i32
    %mul3A_1687 = vector.broadcast %mul3A_1686 : i32 to vector<16xi32>
    %mul3A_1688 = arith.muli %shift_right_arithmetic3A_1685, %mul3A_1687 : vector<16xi32>
    %add3A_1689 = vector.broadcast %mul3A_1224 : i32 to vector<16xi32>
    %add3A_1690 = arith.addi %add3A_1689, %mul3A_1688 : vector<16xi32>
    %shift_right_arithmetic3A_1691 = arith.constant 7 : i32
    %shift_right_arithmetic3A_1692 = vector.broadcast %shift_right_arithmetic3A_1691 : i32 to vector<16xi32>
    %shift_right_arithmetic3A_1693 = arith.shrsi %get3A_1682, %shift_right_arithmetic3A_1692 : vector<16xi32>
    %and3A_1694 = arith.constant 1 : i32
    %and3A_1695 = vector.broadcast %and3A_1694 : i32 to vector<16xi32>
    %and3A_1696 = arith.andi %shift_right_arithmetic3A_1693, %and3A_1695 : vector<16xi32>
    %mul3A_1697 = arith.constant 1024 : i32
    %mul3A_1698 = vector.broadcast %mul3A_1697 : i32 to vector<16xi32>
    %mul3A_1699 = arith.muli %and3A_1696, %mul3A_1698 : vector<16xi32>
    %add3A_1700 = arith.addi %add3A_1690, %mul3A_1699 : vector<16xi32>
    %shift_right_arithmetic3A_1701 = arith.constant 8 : i32
    %shift_right_arithmetic3A_1702 = vector.broadcast %shift_right_arithmetic3A_1701 : i32 to vector<16xi32>
    %shift_right_arithmetic3A_1703 = arith.shrsi %get3A_1682, %shift_right_arithmetic3A_1702 : vector<16xi32>
    %and3A_1704 = arith.constant 7 : i32
    %and3A_1705 = vector.broadcast %and3A_1704 : i32 to vector<16xi32>
    %and3A_1706 = arith.andi %shift_right_arithmetic3A_1703, %and3A_1705 : vector<16xi32>
    %mul3A_1707 = arith.constant 128 : i32
    %mul3A_1708 = vector.broadcast %mul3A_1707 : i32 to vector<16xi32>
    %mul3A_1709 = arith.muli %and3A_1706, %mul3A_1708 : vector<16xi32>
    %add3A_1710 = arith.addi %add3A_1700, %mul3A_1709 : vector<16xi32>
    %and3A_1711 = arith.constant 127 : i32
    %and3A_1712 = vector.broadcast %and3A_1711 : i32 to vector<16xi32>
    %and3A_1713 = arith.andi %get3A_1682, %and3A_1712 : vector<16xi32>
    %add3A_1714 = arith.addi %add3A_1710, %and3A_1713 : vector<16xi32>
    %dma_start3A_1715 = arith.constant 704 : i32
    %dma_start3A_1716 = tpu.memref_slice %arg8[%dma_start3A_1715] : memref<1024xf32, #tpu.memory_space<vmem>> -> memref<16xf32, #tpu.memory_space<vmem>>
    %dma_start3A_1717 = arith.constant 0 : i32
    %dma_start3A_1718 = tpu.memref_slice %arg2[%dma_start3A_1717] : memref<4194304xf32, #tpu.memory_space<hbm>> -> memref<4194304xf32, #tpu.memory_space<hbm>>
    tpu.enqueue_indirect_dma source(%dma_start3A_1718 : memref<4194304xf32, #tpu.memory_space<hbm>>) target(%dma_start3A_1716 : memref<16xf32, #tpu.memory_space<vmem>>) offsets(%add3A_1714 : vector<16xi32>) semaphore(%arg12 : memref<!tpu.dma_semaphore, #tpu.memory_space<semaphore_mem>>)
    %get3A_1719 = arith.constant 208 : index
    %get3A_1720 = tpu.vector_load %arg7[%get3A_1719] {strides = array<i32>} : memref<512xi32, #tpu.memory_space<vmem>>, vector<16xi32>,
    %shift_right_arithmetic3A_1721 = arith.constant 11 : i32
    %shift_right_arithmetic3A_1722 = vector.broadcast %shift_right_arithmetic3A_1721 : i32 to vector<16xi32>
    %shift_right_arithmetic3A_1723 = arith.shrsi %get3A_1720, %shift_right_arithmetic3A_1722 : vector<16xi32>
    %mul3A_1724 = arith.constant 2048 : i32
    %mul3A_1725 = vector.broadcast %mul3A_1724 : i32 to vector<16xi32>
    %mul3A_1726 = arith.muli %shift_right_arithmetic3A_1723, %mul3A_1725 : vector<16xi32>
    %add3A_1727 = vector.broadcast %mul3A_1224 : i32 to vector<16xi32>
    %add3A_1728 = arith.addi %add3A_1727, %mul3A_1726 : vector<16xi32>
    %shift_right_arithmetic3A_1729 = arith.constant 7 : i32
    %shift_right_arithmetic3A_1730 = vector.broadcast %shift_right_arithmetic3A_1729 : i32 to vector<16xi32>
    %shift_right_arithmetic3A_1731 = arith.shrsi %get3A_1720, %shift_right_arithmetic3A_1730 : vector<16xi32>
    %and3A_1732 = arith.constant 1 : i32
    %and3A_1733 = vector.broadcast %and3A_1732 : i32 to vector<16xi32>
    %and3A_1734 = arith.andi %shift_right_arithmetic3A_1731, %and3A_1733 : vector<16xi32>
    %mul3A_1735 = arith.constant 1024 : i32
    %mul3A_1736 = vector.broadcast %mul3A_1735 : i32 to vector<16xi32>
    %mul3A_1737 = arith.muli %and3A_1734, %mul3A_1736 : vector<16xi32>
    %add3A_1738 = arith.addi %add3A_1728, %mul3A_1737 : vector<16xi32>
    %shift_right_arithmetic3A_1739 = arith.constant 8 : i32
    %shift_right_arithmetic3A_1740 = vector.broadcast %shift_right_arithmetic3A_1739 : i32 to vector<16xi32>
    %shift_right_arithmetic3A_1741 = arith.shrsi %get3A_1720, %shift_right_arithmetic3A_1740 : vector<16xi32>
    %and3A_1742 = arith.constant 7 : i32
    %and3A_1743 = vector.broadcast %and3A_1742 : i32 to vector<16xi32>
    %and3A_1744 = arith.andi %shift_right_arithmetic3A_1741, %and3A_1743 : vector<16xi32>
    %mul3A_1745 = arith.constant 128 : i32
    %mul3A_1746 = vector.broadcast %mul3A_1745 : i32 to vector<16xi32>
    %mul3A_1747 = arith.muli %and3A_1744, %mul3A_1746 : vector<16xi32>
    %add3A_1748 = arith.addi %add3A_1738, %mul3A_1747 : vector<16xi32>
    %and3A_1749 = arith.constant 127 : i32
    %and3A_1750 = vector.broadcast %and3A_1749 : i32 to vector<16xi32>
    %and3A_1751 = arith.andi %get3A_1720, %and3A_1750 : vector<16xi32>
    %add3A_1752 = arith.addi %add3A_1748, %and3A_1751 : vector<16xi32>
    %dma_start3A_1753 = arith.constant 720 : i32
    %dma_start3A_1754 = tpu.memref_slice %arg8[%dma_start3A_1753] : memref<1024xf32, #tpu.memory_space<vmem>> -> memref<16xf32, #tpu.memory_space<vmem>>
    %dma_start3A_1755 = arith.constant 0 : i32
    %dma_start3A_1756 = tpu.memref_slice %arg2[%dma_start3A_1755] : memref<4194304xf32, #tpu.memory_space<hbm>> -> memref<4194304xf32, #tpu.memory_space<hbm>>
    tpu.enqueue_indirect_dma source(%dma_start3A_1756 : memref<4194304xf32, #tpu.memory_space<hbm>>) target(%dma_start3A_1754 : memref<16xf32, #tpu.memory_space<vmem>>) offsets(%add3A_1752 : vector<16xi32>) semaphore(%arg12 : memref<!tpu.dma_semaphore, #tpu.memory_space<semaphore_mem>>)
    %get3A_1757 = arith.constant 224 : index
    %get3A_1758 = tpu.vector_load %arg7[%get3A_1757] {strides = array<i32>} : memref<512xi32, #tpu.memory_space<vmem>>, vector<16xi32>,
    %shift_right_arithmetic3A_1759 = arith.constant 11 : i32
    %shift_right_arithmetic3A_1760 = vector.broadcast %shift_right_arithmetic3A_1759 : i32 to vector<16xi32>
    %shift_right_arithmetic3A_1761 = arith.shrsi %get3A_1758, %shift_right_arithmetic3A_1760 : vector<16xi32>
    %mul3A_1762 = arith.constant 2048 : i32
    %mul3A_1763 = vector.broadcast %mul3A_1762 : i32 to vector<16xi32>
    %mul3A_1764 = arith.muli %shift_right_arithmetic3A_1761, %mul3A_1763 : vector<16xi32>
    %add3A_1765 = vector.broadcast %mul3A_1224 : i32 to vector<16xi32>
    %add3A_1766 = arith.addi %add3A_1765, %mul3A_1764 : vector<16xi32>
    %shift_right_arithmetic3A_1767 = arith.constant 7 : i32
    %shift_right_arithmetic3A_1768 = vector.broadcast %shift_right_arithmetic3A_1767 : i32 to vector<16xi32>
    %shift_right_arithmetic3A_1769 = arith.shrsi %get3A_1758, %shift_right_arithmetic3A_1768 : vector<16xi32>
    %and3A_1770 = arith.constant 1 : i32
    %and3A_1771 = vector.broadcast %and3A_1770 : i32 to vector<16xi32>
    %and3A_1772 = arith.andi %shift_right_arithmetic3A_1769, %and3A_1771 : vector<16xi32>
    %mul3A_1773 = arith.constant 1024 : i32
    %mul3A_1774 = vector.broadcast %mul3A_1773 : i32 to vector<16xi32>
    %mul3A_1775 = arith.muli %and3A_1772, %mul3A_1774 : vector<16xi32>
    %add3A_1776 = arith.addi %add3A_1766, %mul3A_1775 : vector<16xi32>
    %shift_right_arithmetic3A_1777 = arith.constant 8 : i32
    %shift_right_arithmetic3A_1778 = vector.broadcast %shift_right_arithmetic3A_1777 : i32 to vector<16xi32>
    %shift_right_arithmetic3A_1779 = arith.shrsi %get3A_1758, %shift_right_arithmetic3A_1778 : vector<16xi32>
    %and3A_1780 = arith.constant 7 : i32
    %and3A_1781 = vector.broadcast %and3A_1780 : i32 to vector<16xi32>
    %and3A_1782 = arith.andi %shift_right_arithmetic3A_1779, %and3A_1781 : vector<16xi32>
    %mul3A_1783 = arith.constant 128 : i32
    %mul3A_1784 = vector.broadcast %mul3A_1783 : i32 to vector<16xi32>
    %mul3A_1785 = arith.muli %and3A_1782, %mul3A_1784 : vector<16xi32>
    %add3A_1786 = arith.addi %add3A_1776, %mul3A_1785 : vector<16xi32>
    %and3A_1787 = arith.constant 127 : i32
    %and3A_1788 = vector.broadcast %and3A_1787 : i32 to vector<16xi32>
    %and3A_1789 = arith.andi %get3A_1758, %and3A_1788 : vector<16xi32>
    %add3A_1790 = arith.addi %add3A_1786, %and3A_1789 : vector<16xi32>
    %dma_start3A_1791 = arith.constant 736 : i32
    %dma_start3A_1792 = tpu.memref_slice %arg8[%dma_start3A_1791] : memref<1024xf32, #tpu.memory_space<vmem>> -> memref<16xf32, #tpu.memory_space<vmem>>
    %dma_start3A_1793 = arith.constant 0 : i32
    %dma_start3A_1794 = tpu.memref_slice %arg2[%dma_start3A_1793] : memref<4194304xf32, #tpu.memory_space<hbm>> -> memref<4194304xf32, #tpu.memory_space<hbm>>
    tpu.enqueue_indirect_dma source(%dma_start3A_1794 : memref<4194304xf32, #tpu.memory_space<hbm>>) target(%dma_start3A_1792 : memref<16xf32, #tpu.memory_space<vmem>>) offsets(%add3A_1790 : vector<16xi32>) semaphore(%arg12 : memref<!tpu.dma_semaphore, #tpu.memory_space<semaphore_mem>>)
    %get3A_1795 = arith.constant 240 : index
    %get3A_1796 = tpu.vector_load %arg7[%get3A_1795] {strides = array<i32>} : memref<512xi32, #tpu.memory_space<vmem>>, vector<16xi32>,
    %shift_right_arithmetic3A_1797 = arith.constant 11 : i32
    %shift_right_arithmetic3A_1798 = vector.broadcast %shift_right_arithmetic3A_1797 : i32 to vector<16xi32>
    %shift_right_arithmetic3A_1799 = arith.shrsi %get3A_1796, %shift_right_arithmetic3A_1798 : vector<16xi32>
    %mul3A_1800 = arith.constant 2048 : i32
    %mul3A_1801 = vector.broadcast %mul3A_1800 : i32 to vector<16xi32>
    %mul3A_1802 = arith.muli %shift_right_arithmetic3A_1799, %mul3A_1801 : vector<16xi32>
    %add3A_1803 = vector.broadcast %mul3A_1224 : i32 to vector<16xi32>
    %add3A_1804 = arith.addi %add3A_1803, %mul3A_1802 : vector<16xi32>
    %shift_right_arithmetic3A_1805 = arith.constant 7 : i32
    %shift_right_arithmetic3A_1806 = vector.broadcast %shift_right_arithmetic3A_1805 : i32 to vector<16xi32>
    %shift_right_arithmetic3A_1807 = arith.shrsi %get3A_1796, %shift_right_arithmetic3A_1806 : vector<16xi32>
    %and3A_1808 = arith.constant 1 : i32
    %and3A_1809 = vector.broadcast %and3A_1808 : i32 to vector<16xi32>
    %and3A_1810 = arith.andi %shift_right_arithmetic3A_1807, %and3A_1809 : vector<16xi32>
    %mul3A_1811 = arith.constant 1024 : i32
    %mul3A_1812 = vector.broadcast %mul3A_1811 : i32 to vector<16xi32>
    %mul3A_1813 = arith.muli %and3A_1810, %mul3A_1812 : vector<16xi32>
    %add3A_1814 = arith.addi %add3A_1804, %mul3A_1813 : vector<16xi32>
    %shift_right_arithmetic3A_1815 = arith.constant 8 : i32
    %shift_right_arithmetic3A_1816 = vector.broadcast %shift_right_arithmetic3A_1815 : i32 to vector<16xi32>
    %shift_right_arithmetic3A_1817 = arith.shrsi %get3A_1796, %shift_right_arithmetic3A_1816 : vector<16xi32>
    %and3A_1818 = arith.constant 7 : i32
    %and3A_1819 = vector.broadcast %and3A_1818 : i32 to vector<16xi32>
    %and3A_1820 = arith.andi %shift_right_arithmetic3A_1817, %and3A_1819 : vector<16xi32>
    %mul3A_1821 = arith.constant 128 : i32
    %mul3A_1822 = vector.broadcast %mul3A_1821 : i32 to vector<16xi32>
    %mul3A_1823 = arith.muli %and3A_1820, %mul3A_1822 : vector<16xi32>
    %add3A_1824 = arith.addi %add3A_1814, %mul3A_1823 : vector<16xi32>
    %and3A_1825 = arith.constant 127 : i32
    %and3A_1826 = vector.broadcast %and3A_1825 : i32 to vector<16xi32>
    %and3A_1827 = arith.andi %get3A_1796, %and3A_1826 : vector<16xi32>
    %add3A_1828 = arith.addi %add3A_1824, %and3A_1827 : vector<16xi32>
    %dma_start3A_1829 = arith.constant 752 : i32
    %dma_start3A_1830 = tpu.memref_slice %arg8[%dma_start3A_1829] : memref<1024xf32, #tpu.memory_space<vmem>> -> memref<16xf32, #tpu.memory_space<vmem>>
    %dma_start3A_1831 = arith.constant 0 : i32
    %dma_start3A_1832 = tpu.memref_slice %arg2[%dma_start3A_1831] : memref<4194304xf32, #tpu.memory_space<hbm>> -> memref<4194304xf32, #tpu.memory_space<hbm>>
    tpu.enqueue_indirect_dma source(%dma_start3A_1832 : memref<4194304xf32, #tpu.memory_space<hbm>>) target(%dma_start3A_1830 : memref<16xf32, #tpu.memory_space<vmem>>) offsets(%add3A_1828 : vector<16xi32>) semaphore(%arg12 : memref<!tpu.dma_semaphore, #tpu.memory_space<semaphore_mem>>)
    %get3A_1833 = arith.constant 256 : index
    %get3A_1834 = tpu.vector_load %arg7[%get3A_1833] {strides = array<i32>} : memref<512xi32, #tpu.memory_space<vmem>>, vector<16xi32>,
    %shift_right_arithmetic3A_1835 = arith.constant 11 : i32
    %shift_right_arithmetic3A_1836 = vector.broadcast %shift_right_arithmetic3A_1835 : i32 to vector<16xi32>
    %shift_right_arithmetic3A_1837 = arith.shrsi %get3A_1834, %shift_right_arithmetic3A_1836 : vector<16xi32>
    %mul3A_1838 = arith.constant 2048 : i32
    %mul3A_1839 = vector.broadcast %mul3A_1838 : i32 to vector<16xi32>
    %mul3A_1840 = arith.muli %shift_right_arithmetic3A_1837, %mul3A_1839 : vector<16xi32>
    %add3A_1841 = vector.broadcast %mul3A_1224 : i32 to vector<16xi32>
    %add3A_1842 = arith.addi %add3A_1841, %mul3A_1840 : vector<16xi32>
    %shift_right_arithmetic3A_1843 = arith.constant 7 : i32
    %shift_right_arithmetic3A_1844 = vector.broadcast %shift_right_arithmetic3A_1843 : i32 to vector<16xi32>
    %shift_right_arithmetic3A_1845 = arith.shrsi %get3A_1834, %shift_right_arithmetic3A_1844 : vector<16xi32>
    %and3A_1846 = arith.constant 1 : i32
    %and3A_1847 = vector.broadcast %and3A_1846 : i32 to vector<16xi32>
    %and3A_1848 = arith.andi %shift_right_arithmetic3A_1845, %and3A_1847 : vector<16xi32>
    %mul3A_1849 = arith.constant 1024 : i32
    %mul3A_1850 = vector.broadcast %mul3A_1849 : i32 to vector<16xi32>
    %mul3A_1851 = arith.muli %and3A_1848, %mul3A_1850 : vector<16xi32>
    %add3A_1852 = arith.addi %add3A_1842, %mul3A_1851 : vector<16xi32>
    %shift_right_arithmetic3A_1853 = arith.constant 8 : i32
    %shift_right_arithmetic3A_1854 = vector.broadcast %shift_right_arithmetic3A_1853 : i32 to vector<16xi32>
    %shift_right_arithmetic3A_1855 = arith.shrsi %get3A_1834, %shift_right_arithmetic3A_1854 : vector<16xi32>
    %and3A_1856 = arith.constant 7 : i32
    %and3A_1857 = vector.broadcast %and3A_1856 : i32 to vector<16xi32>
    %and3A_1858 = arith.andi %shift_right_arithmetic3A_1855, %and3A_1857 : vector<16xi32>
    %mul3A_1859 = arith.constant 128 : i32
    %mul3A_1860 = vector.broadcast %mul3A_1859 : i32 to vector<16xi32>
    %mul3A_1861 = arith.muli %and3A_1858, %mul3A_1860 : vector<16xi32>
    %add3A_1862 = arith.addi %add3A_1852, %mul3A_1861 : vector<16xi32>
    %and3A_1863 = arith.constant 127 : i32
    %and3A_1864 = vector.broadcast %and3A_1863 : i32 to vector<16xi32>
    %and3A_1865 = arith.andi %get3A_1834, %and3A_1864 : vector<16xi32>
    %add3A_1866 = arith.addi %add3A_1862, %and3A_1865 : vector<16xi32>
    %dma_start3A_1867 = arith.constant 768 : i32
    %dma_start3A_1868 = tpu.memref_slice %arg8[%dma_start3A_1867] : memref<1024xf32, #tpu.memory_space<vmem>> -> memref<16xf32, #tpu.memory_space<vmem>>
    %dma_start3A_1869 = arith.constant 0 : i32
    %dma_start3A_1870 = tpu.memref_slice %arg2[%dma_start3A_1869] : memref<4194304xf32, #tpu.memory_space<hbm>> -> memref<4194304xf32, #tpu.memory_space<hbm>>
    tpu.enqueue_indirect_dma source(%dma_start3A_1870 : memref<4194304xf32, #tpu.memory_space<hbm>>) target(%dma_start3A_1868 : memref<16xf32, #tpu.memory_space<vmem>>) offsets(%add3A_1866 : vector<16xi32>) semaphore(%arg12 : memref<!tpu.dma_semaphore, #tpu.memory_space<semaphore_mem>>)
    %get3A_1871 = arith.constant 272 : index
    %get3A_1872 = tpu.vector_load %arg7[%get3A_1871] {strides = array<i32>} : memref<512xi32, #tpu.memory_space<vmem>>, vector<16xi32>,
    %shift_right_arithmetic3A_1873 = arith.constant 11 : i32
    %shift_right_arithmetic3A_1874 = vector.broadcast %shift_right_arithmetic3A_1873 : i32 to vector<16xi32>
    %shift_right_arithmetic3A_1875 = arith.shrsi %get3A_1872, %shift_right_arithmetic3A_1874 : vector<16xi32>
    %mul3A_1876 = arith.constant 2048 : i32
    %mul3A_1877 = vector.broadcast %mul3A_1876 : i32 to vector<16xi32>
    %mul3A_1878 = arith.muli %shift_right_arithmetic3A_1875, %mul3A_1877 : vector<16xi32>
    %add3A_1879 = vector.broadcast %mul3A_1224 : i32 to vector<16xi32>
    %add3A_1880 = arith.addi %add3A_1879, %mul3A_1878 : vector<16xi32>
    %shift_right_arithmetic3A_1881 = arith.constant 7 : i32
    %shift_right_arithmetic3A_1882 = vector.broadcast %shift_right_arithmetic3A_1881 : i32 to vector<16xi32>
    %shift_right_arithmetic3A_1883 = arith.shrsi %get3A_1872, %shift_right_arithmetic3A_1882 : vector<16xi32>
    %and3A_1884 = arith.constant 1 : i32
    %and3A_1885 = vector.broadcast %and3A_1884 : i32 to vector<16xi32>
    %and3A_1886 = arith.andi %shift_right_arithmetic3A_1883, %and3A_1885 : vector<16xi32>
    %mul3A_1887 = arith.constant 1024 : i32
    %mul3A_1888 = vector.broadcast %mul3A_1887 : i32 to vector<16xi32>
    %mul3A_1889 = arith.muli %and3A_1886, %mul3A_1888 : vector<16xi32>
    %add3A_1890 = arith.addi %add3A_1880, %mul3A_1889 : vector<16xi32>
    %shift_right_arithmetic3A_1891 = arith.constant 8 : i32
    %shift_right_arithmetic3A_1892 = vector.broadcast %shift_right_arithmetic3A_1891 : i32 to vector<16xi32>
    %shift_right_arithmetic3A_1893 = arith.shrsi %get3A_1872, %shift_right_arithmetic3A_1892 : vector<16xi32>
    %and3A_1894 = arith.constant 7 : i32
    %and3A_1895 = vector.broadcast %and3A_1894 : i32 to vector<16xi32>
    %and3A_1896 = arith.andi %shift_right_arithmetic3A_1893, %and3A_1895 : vector<16xi32>
    %mul3A_1897 = arith.constant 128 : i32
    %mul3A_1898 = vector.broadcast %mul3A_1897 : i32 to vector<16xi32>
    %mul3A_1899 = arith.muli %and3A_1896, %mul3A_1898 : vector<16xi32>
    %add3A_1900 = arith.addi %add3A_1890, %mul3A_1899 : vector<16xi32>
    %and3A_1901 = arith.constant 127 : i32
    %and3A_1902 = vector.broadcast %and3A_1901 : i32 to vector<16xi32>
    %and3A_1903 = arith.andi %get3A_1872, %and3A_1902 : vector<16xi32>
    %add3A_1904 = arith.addi %add3A_1900, %and3A_1903 : vector<16xi32>
    %dma_start3A_1905 = arith.constant 784 : i32
    %dma_start3A_1906 = tpu.memref_slice %arg8[%dma_start3A_1905] : memref<1024xf32, #tpu.memory_space<vmem>> -> memref<16xf32, #tpu.memory_space<vmem>>
    %dma_start3A_1907 = arith.constant 0 : i32
    %dma_start3A_1908 = tpu.memref_slice %arg2[%dma_start3A_1907] : memref<4194304xf32, #tpu.memory_space<hbm>> -> memref<4194304xf32, #tpu.memory_space<hbm>>
    tpu.enqueue_indirect_dma source(%dma_start3A_1908 : memref<4194304xf32, #tpu.memory_space<hbm>>) target(%dma_start3A_1906 : memref<16xf32, #tpu.memory_space<vmem>>) offsets(%add3A_1904 : vector<16xi32>) semaphore(%arg12 : memref<!tpu.dma_semaphore, #tpu.memory_space<semaphore_mem>>)
    %get3A_1909 = arith.constant 288 : index
    %get3A_1910 = tpu.vector_load %arg7[%get3A_1909] {strides = array<i32>} : memref<512xi32, #tpu.memory_space<vmem>>, vector<16xi32>,
    %shift_right_arithmetic3A_1911 = arith.constant 11 : i32
    %shift_right_arithmetic3A_1912 = vector.broadcast %shift_right_arithmetic3A_1911 : i32 to vector<16xi32>
    %shift_right_arithmetic3A_1913 = arith.shrsi %get3A_1910, %shift_right_arithmetic3A_1912 : vector<16xi32>
    %mul3A_1914 = arith.constant 2048 : i32
    %mul3A_1915 = vector.broadcast %mul3A_1914 : i32 to vector<16xi32>
    %mul3A_1916 = arith.muli %shift_right_arithmetic3A_1913, %mul3A_1915 : vector<16xi32>
    %add3A_1917 = vector.broadcast %mul3A_1224 : i32 to vector<16xi32>
    %add3A_1918 = arith.addi %add3A_1917, %mul3A_1916 : vector<16xi32>
    %shift_right_arithmetic3A_1919 = arith.constant 7 : i32
    %shift_right_arithmetic3A_1920 = vector.broadcast %shift_right_arithmetic3A_1919 : i32 to vector<16xi32>
    %shift_right_arithmetic3A_1921 = arith.shrsi %get3A_1910, %shift_right_arithmetic3A_1920 : vector<16xi32>
    %and3A_1922 = arith.constant 1 : i32
    %and3A_1923 = vector.broadcast %and3A_1922 : i32 to vector<16xi32>
    %and3A_1924 = arith.andi %shift_right_arithmetic3A_1921, %and3A_1923 : vector<16xi32>
    %mul3A_1925 = arith.constant 1024 : i32
    %mul3A_1926 = vector.broadcast %mul3A_1925 : i32 to vector<16xi32>
    %mul3A_1927 = arith.muli %and3A_1924, %mul3A_1926 : vector<16xi32>
    %add3A_1928 = arith.addi %add3A_1918, %mul3A_1927 : vector<16xi32>
    %shift_right_arithmetic3A_1929 = arith.constant 8 : i32
    %shift_right_arithmetic3A_1930 = vector.broadcast %shift_right_arithmetic3A_1929 : i32 to vector<16xi32>
    %shift_right_arithmetic3A_1931 = arith.shrsi %get3A_1910, %shift_right_arithmetic3A_1930 : vector<16xi32>
    %and3A_1932 = arith.constant 7 : i32
    %and3A_1933 = vector.broadcast %and3A_1932 : i32 to vector<16xi32>
    %and3A_1934 = arith.andi %shift_right_arithmetic3A_1931, %and3A_1933 : vector<16xi32>
    %mul3A_1935 = arith.constant 128 : i32
    %mul3A_1936 = vector.broadcast %mul3A_1935 : i32 to vector<16xi32>
    %mul3A_1937 = arith.muli %and3A_1934, %mul3A_1936 : vector<16xi32>
    %add3A_1938 = arith.addi %add3A_1928, %mul3A_1937 : vector<16xi32>
    %and3A_1939 = arith.constant 127 : i32
    %and3A_1940 = vector.broadcast %and3A_1939 : i32 to vector<16xi32>
    %and3A_1941 = arith.andi %get3A_1910, %and3A_1940 : vector<16xi32>
    %add3A_1942 = arith.addi %add3A_1938, %and3A_1941 : vector<16xi32>
    %dma_start3A_1943 = arith.constant 800 : i32
    %dma_start3A_1944 = tpu.memref_slice %arg8[%dma_start3A_1943] : memref<1024xf32, #tpu.memory_space<vmem>> -> memref<16xf32, #tpu.memory_space<vmem>>
    %dma_start3A_1945 = arith.constant 0 : i32
    %dma_start3A_1946 = tpu.memref_slice %arg2[%dma_start3A_1945] : memref<4194304xf32, #tpu.memory_space<hbm>> -> memref<4194304xf32, #tpu.memory_space<hbm>>
    tpu.enqueue_indirect_dma source(%dma_start3A_1946 : memref<4194304xf32, #tpu.memory_space<hbm>>) target(%dma_start3A_1944 : memref<16xf32, #tpu.memory_space<vmem>>) offsets(%add3A_1942 : vector<16xi32>) semaphore(%arg12 : memref<!tpu.dma_semaphore, #tpu.memory_space<semaphore_mem>>)
    %get3A_1947 = arith.constant 304 : index
    %get3A_1948 = tpu.vector_load %arg7[%get3A_1947] {strides = array<i32>} : memref<512xi32, #tpu.memory_space<vmem>>, vector<16xi32>,
    %shift_right_arithmetic3A_1949 = arith.constant 11 : i32
    %shift_right_arithmetic3A_1950 = vector.broadcast %shift_right_arithmetic3A_1949 : i32 to vector<16xi32>
    %shift_right_arithmetic3A_1951 = arith.shrsi %get3A_1948, %shift_right_arithmetic3A_1950 : vector<16xi32>
    %mul3A_1952 = arith.constant 2048 : i32
    %mul3A_1953 = vector.broadcast %mul3A_1952 : i32 to vector<16xi32>
    %mul3A_1954 = arith.muli %shift_right_arithmetic3A_1951, %mul3A_1953 : vector<16xi32>
    %add3A_1955 = vector.broadcast %mul3A_1224 : i32 to vector<16xi32>
    %add3A_1956 = arith.addi %add3A_1955, %mul3A_1954 : vector<16xi32>
    %shift_right_arithmetic3A_1957 = arith.constant 7 : i32
    %shift_right_arithmetic3A_1958 = vector.broadcast %shift_right_arithmetic3A_1957 : i32 to vector<16xi32>
    %shift_right_arithmetic3A_1959 = arith.shrsi %get3A_1948, %shift_right_arithmetic3A_1958 : vector<16xi32>
    %and3A_1960 = arith.constant 1 : i32
    %and3A_1961 = vector.broadcast %and3A_1960 : i32 to vector<16xi32>
    %and3A_1962 = arith.andi %shift_right_arithmetic3A_1959, %and3A_1961 : vector<16xi32>
    %mul3A_1963 = arith.constant 1024 : i32
    %mul3A_1964 = vector.broadcast %mul3A_1963 : i32 to vector<16xi32>
    %mul3A_1965 = arith.muli %and3A_1962, %mul3A_1964 : vector<16xi32>
    %add3A_1966 = arith.addi %add3A_1956, %mul3A_1965 : vector<16xi32>
    %shift_right_arithmetic3A_1967 = arith.constant 8 : i32
    %shift_right_arithmetic3A_1968 = vector.broadcast %shift_right_arithmetic3A_1967 : i32 to vector<16xi32>
    %shift_right_arithmetic3A_1969 = arith.shrsi %get3A_1948, %shift_right_arithmetic3A_1968 : vector<16xi32>
    %and3A_1970 = arith.constant 7 : i32
    %and3A_1971 = vector.broadcast %and3A_1970 : i32 to vector<16xi32>
    %and3A_1972 = arith.andi %shift_right_arithmetic3A_1969, %and3A_1971 : vector<16xi32>
    %mul3A_1973 = arith.constant 128 : i32
    %mul3A_1974 = vector.broadcast %mul3A_1973 : i32 to vector<16xi32>
    %mul3A_1975 = arith.muli %and3A_1972, %mul3A_1974 : vector<16xi32>
    %add3A_1976 = arith.addi %add3A_1966, %mul3A_1975 : vector<16xi32>
    %and3A_1977 = arith.constant 127 : i32
    %and3A_1978 = vector.broadcast %and3A_1977 : i32 to vector<16xi32>
    %and3A_1979 = arith.andi %get3A_1948, %and3A_1978 : vector<16xi32>
    %add3A_1980 = arith.addi %add3A_1976, %and3A_1979 : vector<16xi32>
    %dma_start3A_1981 = arith.constant 816 : i32
    %dma_start3A_1982 = tpu.memref_slice %arg8[%dma_start3A_1981] : memref<1024xf32, #tpu.memory_space<vmem>> -> memref<16xf32, #tpu.memory_space<vmem>>
    %dma_start3A_1983 = arith.constant 0 : i32
    %dma_start3A_1984 = tpu.memref_slice %arg2[%dma_start3A_1983] : memref<4194304xf32, #tpu.memory_space<hbm>> -> memref<4194304xf32, #tpu.memory_space<hbm>>
    tpu.enqueue_indirect_dma source(%dma_start3A_1984 : memref<4194304xf32, #tpu.memory_space<hbm>>) target(%dma_start3A_1982 : memref<16xf32, #tpu.memory_space<vmem>>) offsets(%add3A_1980 : vector<16xi32>) semaphore(%arg12 : memref<!tpu.dma_semaphore, #tpu.memory_space<semaphore_mem>>)
    %get3A_1985 = arith.constant 320 : index
    %get3A_1986 = tpu.vector_load %arg7[%get3A_1985] {strides = array<i32>} : memref<512xi32, #tpu.memory_space<vmem>>, vector<16xi32>,
    %shift_right_arithmetic3A_1987 = arith.constant 11 : i32
    %shift_right_arithmetic3A_1988 = vector.broadcast %shift_right_arithmetic3A_1987 : i32 to vector<16xi32>
    %shift_right_arithmetic3A_1989 = arith.shrsi %get3A_1986, %shift_right_arithmetic3A_1988 : vector<16xi32>
    %mul3A_1990 = arith.constant 2048 : i32
    %mul3A_1991 = vector.broadcast %mul3A_1990 : i32 to vector<16xi32>
    %mul3A_1992 = arith.muli %shift_right_arithmetic3A_1989, %mul3A_1991 : vector<16xi32>
    %add3A_1993 = vector.broadcast %mul3A_1224 : i32 to vector<16xi32>
    %add3A_1994 = arith.addi %add3A_1993, %mul3A_1992 : vector<16xi32>
    %shift_right_arithmetic3A_1995 = arith.constant 7 : i32
    %shift_right_arithmetic3A_1996 = vector.broadcast %shift_right_arithmetic3A_1995 : i32 to vector<16xi32>
    %shift_right_arithmetic3A_1997 = arith.shrsi %get3A_1986, %shift_right_arithmetic3A_1996 : vector<16xi32>
    %and3A_1998 = arith.constant 1 : i32
    %and3A_1999 = vector.broadcast %and3A_1998 : i32 to vector<16xi32>
    %and3A_2000 = arith.andi %shift_right_arithmetic3A_1997, %and3A_1999 : vector<16xi32>
    %mul3A_2001 = arith.constant 1024 : i32
    %mul3A_2002 = vector.broadcast %mul3A_2001 : i32 to vector<16xi32>
    %mul3A_2003 = arith.muli %and3A_2000, %mul3A_2002 : vector<16xi32>
    %add3A_2004 = arith.addi %add3A_1994, %mul3A_2003 : vector<16xi32>
    %shift_right_arithmetic3A_2005 = arith.constant 8 : i32
    %shift_right_arithmetic3A_2006 = vector.broadcast %shift_right_arithmetic3A_2005 : i32 to vector<16xi32>
    %shift_right_arithmetic3A_2007 = arith.shrsi %get3A_1986, %shift_right_arithmetic3A_2006 : vector<16xi32>
    %and3A_2008 = arith.constant 7 : i32
    %and3A_2009 = vector.broadcast %and3A_2008 : i32 to vector<16xi32>
    %and3A_2010 = arith.andi %shift_right_arithmetic3A_2007, %and3A_2009 : vector<16xi32>
    %mul3A_2011 = arith.constant 128 : i32
    %mul3A_2012 = vector.broadcast %mul3A_2011 : i32 to vector<16xi32>
    %mul3A_2013 = arith.muli %and3A_2010, %mul3A_2012 : vector<16xi32>
    %add3A_2014 = arith.addi %add3A_2004, %mul3A_2013 : vector<16xi32>
    %and3A_2015 = arith.constant 127 : i32
    %and3A_2016 = vector.broadcast %and3A_2015 : i32 to vector<16xi32>
    %and3A_2017 = arith.andi %get3A_1986, %and3A_2016 : vector<16xi32>
    %add3A_2018 = arith.addi %add3A_2014, %and3A_2017 : vector<16xi32>
    %dma_start3A_2019 = arith.constant 832 : i32
    %dma_start3A_2020 = tpu.memref_slice %arg8[%dma_start3A_2019] : memref<1024xf32, #tpu.memory_space<vmem>> -> memref<16xf32, #tpu.memory_space<vmem>>
    %dma_start3A_2021 = arith.constant 0 : i32
    %dma_start3A_2022 = tpu.memref_slice %arg2[%dma_start3A_2021] : memref<4194304xf32, #tpu.memory_space<hbm>> -> memref<4194304xf32, #tpu.memory_space<hbm>>
    tpu.enqueue_indirect_dma source(%dma_start3A_2022 : memref<4194304xf32, #tpu.memory_space<hbm>>) target(%dma_start3A_2020 : memref<16xf32, #tpu.memory_space<vmem>>) offsets(%add3A_2018 : vector<16xi32>) semaphore(%arg12 : memref<!tpu.dma_semaphore, #tpu.memory_space<semaphore_mem>>)
    %get3A_2023 = arith.constant 336 : index
    %get3A_2024 = tpu.vector_load %arg7[%get3A_2023] {strides = array<i32>} : memref<512xi32, #tpu.memory_space<vmem>>, vector<16xi32>,
    %shift_right_arithmetic3A_2025 = arith.constant 11 : i32
    %shift_right_arithmetic3A_2026 = vector.broadcast %shift_right_arithmetic3A_2025 : i32 to vector<16xi32>
    %shift_right_arithmetic3A_2027 = arith.shrsi %get3A_2024, %shift_right_arithmetic3A_2026 : vector<16xi32>
    %mul3A_2028 = arith.constant 2048 : i32
    %mul3A_2029 = vector.broadcast %mul3A_2028 : i32 to vector<16xi32>
    %mul3A_2030 = arith.muli %shift_right_arithmetic3A_2027, %mul3A_2029 : vector<16xi32>
    %add3A_2031 = vector.broadcast %mul3A_1224 : i32 to vector<16xi32>
    %add3A_2032 = arith.addi %add3A_2031, %mul3A_2030 : vector<16xi32>
    %shift_right_arithmetic3A_2033 = arith.constant 7 : i32
    %shift_right_arithmetic3A_2034 = vector.broadcast %shift_right_arithmetic3A_2033 : i32 to vector<16xi32>
    %shift_right_arithmetic3A_2035 = arith.shrsi %get3A_2024, %shift_right_arithmetic3A_2034 : vector<16xi32>
    %and3A_2036 = arith.constant 1 : i32
    %and3A_2037 = vector.broadcast %and3A_2036 : i32 to vector<16xi32>
    %and3A_2038 = arith.andi %shift_right_arithmetic3A_2035, %and3A_2037 : vector<16xi32>
    %mul3A_2039 = arith.constant 1024 : i32
    %mul3A_2040 = vector.broadcast %mul3A_2039 : i32 to vector<16xi32>
    %mul3A_2041 = arith.muli %and3A_2038, %mul3A_2040 : vector<16xi32>
    %add3A_2042 = arith.addi %add3A_2032, %mul3A_2041 : vector<16xi32>
    %shift_right_arithmetic3A_2043 = arith.constant 8 : i32
    %shift_right_arithmetic3A_2044 = vector.broadcast %shift_right_arithmetic3A_2043 : i32 to vector<16xi32>
    %shift_right_arithmetic3A_2045 = arith.shrsi %get3A_2024, %shift_right_arithmetic3A_2044 : vector<16xi32>
    %and3A_2046 = arith.constant 7 : i32
    %and3A_2047 = vector.broadcast %and3A_2046 : i32 to vector<16xi32>
    %and3A_2048 = arith.andi %shift_right_arithmetic3A_2045, %and3A_2047 : vector<16xi32>
    %mul3A_2049 = arith.constant 128 : i32
    %mul3A_2050 = vector.broadcast %mul3A_2049 : i32 to vector<16xi32>
    %mul3A_2051 = arith.muli %and3A_2048, %mul3A_2050 : vector<16xi32>
    %add3A_2052 = arith.addi %add3A_2042, %mul3A_2051 : vector<16xi32>
    %and3A_2053 = arith.constant 127 : i32
    %and3A_2054 = vector.broadcast %and3A_2053 : i32 to vector<16xi32>
    %and3A_2055 = arith.andi %get3A_2024, %and3A_2054 : vector<16xi32>
    %add3A_2056 = arith.addi %add3A_2052, %and3A_2055 : vector<16xi32>
    %dma_start3A_2057 = arith.constant 848 : i32
    %dma_start3A_2058 = tpu.memref_slice %arg8[%dma_start3A_2057] : memref<1024xf32, #tpu.memory_space<vmem>> -> memref<16xf32, #tpu.memory_space<vmem>>
    %dma_start3A_2059 = arith.constant 0 : i32
    %dma_start3A_2060 = tpu.memref_slice %arg2[%dma_start3A_2059] : memref<4194304xf32, #tpu.memory_space<hbm>> -> memref<4194304xf32, #tpu.memory_space<hbm>>
    tpu.enqueue_indirect_dma source(%dma_start3A_2060 : memref<4194304xf32, #tpu.memory_space<hbm>>) target(%dma_start3A_2058 : memref<16xf32, #tpu.memory_space<vmem>>) offsets(%add3A_2056 : vector<16xi32>) semaphore(%arg12 : memref<!tpu.dma_semaphore, #tpu.memory_space<semaphore_mem>>)
    %get3A_2061 = arith.constant 352 : index
    %get3A_2062 = tpu.vector_load %arg7[%get3A_2061] {strides = array<i32>} : memref<512xi32, #tpu.memory_space<vmem>>, vector<16xi32>,
    %shift_right_arithmetic3A_2063 = arith.constant 11 : i32
    %shift_right_arithmetic3A_2064 = vector.broadcast %shift_right_arithmetic3A_2063 : i32 to vector<16xi32>
    %shift_right_arithmetic3A_2065 = arith.shrsi %get3A_2062, %shift_right_arithmetic3A_2064 : vector<16xi32>
    %mul3A_2066 = arith.constant 2048 : i32
    %mul3A_2067 = vector.broadcast %mul3A_2066 : i32 to vector<16xi32>
    %mul3A_2068 = arith.muli %shift_right_arithmetic3A_2065, %mul3A_2067 : vector<16xi32>
    %add3A_2069 = vector.broadcast %mul3A_1224 : i32 to vector<16xi32>
    %add3A_2070 = arith.addi %add3A_2069, %mul3A_2068 : vector<16xi32>
    %shift_right_arithmetic3A_2071 = arith.constant 7 : i32
    %shift_right_arithmetic3A_2072 = vector.broadcast %shift_right_arithmetic3A_2071 : i32 to vector<16xi32>
    %shift_right_arithmetic3A_2073 = arith.shrsi %get3A_2062, %shift_right_arithmetic3A_2072 : vector<16xi32>
    %and3A_2074 = arith.constant 1 : i32
    %and3A_2075 = vector.broadcast %and3A_2074 : i32 to vector<16xi32>
    %and3A_2076 = arith.andi %shift_right_arithmetic3A_2073, %and3A_2075 : vector<16xi32>
    %mul3A_2077 = arith.constant 1024 : i32
    %mul3A_2078 = vector.broadcast %mul3A_2077 : i32 to vector<16xi32>
    %mul3A_2079 = arith.muli %and3A_2076, %mul3A_2078 : vector<16xi32>
    %add3A_2080 = arith.addi %add3A_2070, %mul3A_2079 : vector<16xi32>
    %shift_right_arithmetic3A_2081 = arith.constant 8 : i32
    %shift_right_arithmetic3A_2082 = vector.broadcast %shift_right_arithmetic3A_2081 : i32 to vector<16xi32>
    %shift_right_arithmetic3A_2083 = arith.shrsi %get3A_2062, %shift_right_arithmetic3A_2082 : vector<16xi32>
    %and3A_2084 = arith.constant 7 : i32
    %and3A_2085 = vector.broadcast %and3A_2084 : i32 to vector<16xi32>
    %and3A_2086 = arith.andi %shift_right_arithmetic3A_2083, %and3A_2085 : vector<16xi32>
    %mul3A_2087 = arith.constant 128 : i32
    %mul3A_2088 = vector.broadcast %mul3A_2087 : i32 to vector<16xi32>
    %mul3A_2089 = arith.muli %and3A_2086, %mul3A_2088 : vector<16xi32>
    %add3A_2090 = arith.addi %add3A_2080, %mul3A_2089 : vector<16xi32>
    %and3A_2091 = arith.constant 127 : i32
    %and3A_2092 = vector.broadcast %and3A_2091 : i32 to vector<16xi32>
    %and3A_2093 = arith.andi %get3A_2062, %and3A_2092 : vector<16xi32>
    %add3A_2094 = arith.addi %add3A_2090, %and3A_2093 : vector<16xi32>
    %dma_start3A_2095 = arith.constant 864 : i32
    %dma_start3A_2096 = tpu.memref_slice %arg8[%dma_start3A_2095] : memref<1024xf32, #tpu.memory_space<vmem>> -> memref<16xf32, #tpu.memory_space<vmem>>
    %dma_start3A_2097 = arith.constant 0 : i32
    %dma_start3A_2098 = tpu.memref_slice %arg2[%dma_start3A_2097] : memref<4194304xf32, #tpu.memory_space<hbm>> -> memref<4194304xf32, #tpu.memory_space<hbm>>
    tpu.enqueue_indirect_dma source(%dma_start3A_2098 : memref<4194304xf32, #tpu.memory_space<hbm>>) target(%dma_start3A_2096 : memref<16xf32, #tpu.memory_space<vmem>>) offsets(%add3A_2094 : vector<16xi32>) semaphore(%arg12 : memref<!tpu.dma_semaphore, #tpu.memory_space<semaphore_mem>>)
    %get3A_2099 = arith.constant 368 : index
    %get3A_2100 = tpu.vector_load %arg7[%get3A_2099] {strides = array<i32>} : memref<512xi32, #tpu.memory_space<vmem>>, vector<16xi32>,
    %shift_right_arithmetic3A_2101 = arith.constant 11 : i32
    %shift_right_arithmetic3A_2102 = vector.broadcast %shift_right_arithmetic3A_2101 : i32 to vector<16xi32>
    %shift_right_arithmetic3A_2103 = arith.shrsi %get3A_2100, %shift_right_arithmetic3A_2102 : vector<16xi32>
    %mul3A_2104 = arith.constant 2048 : i32
    %mul3A_2105 = vector.broadcast %mul3A_2104 : i32 to vector<16xi32>
    %mul3A_2106 = arith.muli %shift_right_arithmetic3A_2103, %mul3A_2105 : vector<16xi32>
    %add3A_2107 = vector.broadcast %mul3A_1224 : i32 to vector<16xi32>
    %add3A_2108 = arith.addi %add3A_2107, %mul3A_2106 : vector<16xi32>
    %shift_right_arithmetic3A_2109 = arith.constant 7 : i32
    %shift_right_arithmetic3A_2110 = vector.broadcast %shift_right_arithmetic3A_2109 : i32 to vector<16xi32>
    %shift_right_arithmetic3A_2111 = arith.shrsi %get3A_2100, %shift_right_arithmetic3A_2110 : vector<16xi32>
    %and3A_2112 = arith.constant 1 : i32
    %and3A_2113 = vector.broadcast %and3A_2112 : i32 to vector<16xi32>
    %and3A_2114 = arith.andi %shift_right_arithmetic3A_2111, %and3A_2113 : vector<16xi32>
    %mul3A_2115 = arith.constant 1024 : i32
    %mul3A_2116 = vector.broadcast %mul3A_2115 : i32 to vector<16xi32>
    %mul3A_2117 = arith.muli %and3A_2114, %mul3A_2116 : vector<16xi32>
    %add3A_2118 = arith.addi %add3A_2108, %mul3A_2117 : vector<16xi32>
    %shift_right_arithmetic3A_2119 = arith.constant 8 : i32
    %shift_right_arithmetic3A_2120 = vector.broadcast %shift_right_arithmetic3A_2119 : i32 to vector<16xi32>
    %shift_right_arithmetic3A_2121 = arith.shrsi %get3A_2100, %shift_right_arithmetic3A_2120 : vector<16xi32>
    %and3A_2122 = arith.constant 7 : i32
    %and3A_2123 = vector.broadcast %and3A_2122 : i32 to vector<16xi32>
    %and3A_2124 = arith.andi %shift_right_arithmetic3A_2121, %and3A_2123 : vector<16xi32>
    %mul3A_2125 = arith.constant 128 : i32
    %mul3A_2126 = vector.broadcast %mul3A_2125 : i32 to vector<16xi32>
    %mul3A_2127 = arith.muli %and3A_2124, %mul3A_2126 : vector<16xi32>
    %add3A_2128 = arith.addi %add3A_2118, %mul3A_2127 : vector<16xi32>
    %and3A_2129 = arith.constant 127 : i32
    %and3A_2130 = vector.broadcast %and3A_2129 : i32 to vector<16xi32>
    %and3A_2131 = arith.andi %get3A_2100, %and3A_2130 : vector<16xi32>
    %add3A_2132 = arith.addi %add3A_2128, %and3A_2131 : vector<16xi32>
    %dma_start3A_2133 = arith.constant 880 : i32
    %dma_start3A_2134 = tpu.memref_slice %arg8[%dma_start3A_2133] : memref<1024xf32, #tpu.memory_space<vmem>> -> memref<16xf32, #tpu.memory_space<vmem>>
    %dma_start3A_2135 = arith.constant 0 : i32
    %dma_start3A_2136 = tpu.memref_slice %arg2[%dma_start3A_2135] : memref<4194304xf32, #tpu.memory_space<hbm>> -> memref<4194304xf32, #tpu.memory_space<hbm>>
    tpu.enqueue_indirect_dma source(%dma_start3A_2136 : memref<4194304xf32, #tpu.memory_space<hbm>>) target(%dma_start3A_2134 : memref<16xf32, #tpu.memory_space<vmem>>) offsets(%add3A_2132 : vector<16xi32>) semaphore(%arg12 : memref<!tpu.dma_semaphore, #tpu.memory_space<semaphore_mem>>)
    %get3A_2137 = arith.constant 384 : index
    %get3A_2138 = tpu.vector_load %arg7[%get3A_2137] {strides = array<i32>} : memref<512xi32, #tpu.memory_space<vmem>>, vector<16xi32>,
    %shift_right_arithmetic3A_2139 = arith.constant 11 : i32
    %shift_right_arithmetic3A_2140 = vector.broadcast %shift_right_arithmetic3A_2139 : i32 to vector<16xi32>
    %shift_right_arithmetic3A_2141 = arith.shrsi %get3A_2138, %shift_right_arithmetic3A_2140 : vector<16xi32>
    %mul3A_2142 = arith.constant 2048 : i32
    %mul3A_2143 = vector.broadcast %mul3A_2142 : i32 to vector<16xi32>
    %mul3A_2144 = arith.muli %shift_right_arithmetic3A_2141, %mul3A_2143 : vector<16xi32>
    %add3A_2145 = vector.broadcast %mul3A_1224 : i32 to vector<16xi32>
    %add3A_2146 = arith.addi %add3A_2145, %mul3A_2144 : vector<16xi32>
    %shift_right_arithmetic3A_2147 = arith.constant 7 : i32
    %shift_right_arithmetic3A_2148 = vector.broadcast %shift_right_arithmetic3A_2147 : i32 to vector<16xi32>
    %shift_right_arithmetic3A_2149 = arith.shrsi %get3A_2138, %shift_right_arithmetic3A_2148 : vector<16xi32>
    %and3A_2150 = arith.constant 1 : i32
    %and3A_2151 = vector.broadcast %and3A_2150 : i32 to vector<16xi32>
    %and3A_2152 = arith.andi %shift_right_arithmetic3A_2149, %and3A_2151 : vector<16xi32>
    %mul3A_2153 = arith.constant 1024 : i32
    %mul3A_2154 = vector.broadcast %mul3A_2153 : i32 to vector<16xi32>
    %mul3A_2155 = arith.muli %and3A_2152, %mul3A_2154 : vector<16xi32>
    %add3A_2156 = arith.addi %add3A_2146, %mul3A_2155 : vector<16xi32>
    %shift_right_arithmetic3A_2157 = arith.constant 8 : i32
    %shift_right_arithmetic3A_2158 = vector.broadcast %shift_right_arithmetic3A_2157 : i32 to vector<16xi32>
    %shift_right_arithmetic3A_2159 = arith.shrsi %get3A_2138, %shift_right_arithmetic3A_2158 : vector<16xi32>
    %and3A_2160 = arith.constant 7 : i32
    %and3A_2161 = vector.broadcast %and3A_2160 : i32 to vector<16xi32>
    %and3A_2162 = arith.andi %shift_right_arithmetic3A_2159, %and3A_2161 : vector<16xi32>
    %mul3A_2163 = arith.constant 128 : i32
    %mul3A_2164 = vector.broadcast %mul3A_2163 : i32 to vector<16xi32>
    %mul3A_2165 = arith.muli %and3A_2162, %mul3A_2164 : vector<16xi32>
    %add3A_2166 = arith.addi %add3A_2156, %mul3A_2165 : vector<16xi32>
    %and3A_2167 = arith.constant 127 : i32
    %and3A_2168 = vector.broadcast %and3A_2167 : i32 to vector<16xi32>
    %and3A_2169 = arith.andi %get3A_2138, %and3A_2168 : vector<16xi32>
    %add3A_2170 = arith.addi %add3A_2166, %and3A_2169 : vector<16xi32>
    %dma_start3A_2171 = arith.constant 896 : i32
    %dma_start3A_2172 = tpu.memref_slice %arg8[%dma_start3A_2171] : memref<1024xf32, #tpu.memory_space<vmem>> -> memref<16xf32, #tpu.memory_space<vmem>>
    %dma_start3A_2173 = arith.constant 0 : i32
    %dma_start3A_2174 = tpu.memref_slice %arg2[%dma_start3A_2173] : memref<4194304xf32, #tpu.memory_space<hbm>> -> memref<4194304xf32, #tpu.memory_space<hbm>>
    tpu.enqueue_indirect_dma source(%dma_start3A_2174 : memref<4194304xf32, #tpu.memory_space<hbm>>) target(%dma_start3A_2172 : memref<16xf32, #tpu.memory_space<vmem>>) offsets(%add3A_2170 : vector<16xi32>) semaphore(%arg12 : memref<!tpu.dma_semaphore, #tpu.memory_space<semaphore_mem>>)
    %get3A_2175 = arith.constant 400 : index
    %get3A_2176 = tpu.vector_load %arg7[%get3A_2175] {strides = array<i32>} : memref<512xi32, #tpu.memory_space<vmem>>, vector<16xi32>,
    %shift_right_arithmetic3A_2177 = arith.constant 11 : i32
    %shift_right_arithmetic3A_2178 = vector.broadcast %shift_right_arithmetic3A_2177 : i32 to vector<16xi32>
    %shift_right_arithmetic3A_2179 = arith.shrsi %get3A_2176, %shift_right_arithmetic3A_2178 : vector<16xi32>
    %mul3A_2180 = arith.constant 2048 : i32
    %mul3A_2181 = vector.broadcast %mul3A_2180 : i32 to vector<16xi32>
    %mul3A_2182 = arith.muli %shift_right_arithmetic3A_2179, %mul3A_2181 : vector<16xi32>
    %add3A_2183 = vector.broadcast %mul3A_1224 : i32 to vector<16xi32>
    %add3A_2184 = arith.addi %add3A_2183, %mul3A_2182 : vector<16xi32>
    %shift_right_arithmetic3A_2185 = arith.constant 7 : i32
    %shift_right_arithmetic3A_2186 = vector.broadcast %shift_right_arithmetic3A_2185 : i32 to vector<16xi32>
    %shift_right_arithmetic3A_2187 = arith.shrsi %get3A_2176, %shift_right_arithmetic3A_2186 : vector<16xi32>
    %and3A_2188 = arith.constant 1 : i32
    %and3A_2189 = vector.broadcast %and3A_2188 : i32 to vector<16xi32>
    %and3A_2190 = arith.andi %shift_right_arithmetic3A_2187, %and3A_2189 : vector<16xi32>
    %mul3A_2191 = arith.constant 1024 : i32
    %mul3A_2192 = vector.broadcast %mul3A_2191 : i32 to vector<16xi32>
    %mul3A_2193 = arith.muli %and3A_2190, %mul3A_2192 : vector<16xi32>
    %add3A_2194 = arith.addi %add3A_2184, %mul3A_2193 : vector<16xi32>
    %shift_right_arithmetic3A_2195 = arith.constant 8 : i32
    %shift_right_arithmetic3A_2196 = vector.broadcast %shift_right_arithmetic3A_2195 : i32 to vector<16xi32>
    %shift_right_arithmetic3A_2197 = arith.shrsi %get3A_2176, %shift_right_arithmetic3A_2196 : vector<16xi32>
    %and3A_2198 = arith.constant 7 : i32
    %and3A_2199 = vector.broadcast %and3A_2198 : i32 to vector<16xi32>
    %and3A_2200 = arith.andi %shift_right_arithmetic3A_2197, %and3A_2199 : vector<16xi32>
    %mul3A_2201 = arith.constant 128 : i32
    %mul3A_2202 = vector.broadcast %mul3A_2201 : i32 to vector<16xi32>
    %mul3A_2203 = arith.muli %and3A_2200, %mul3A_2202 : vector<16xi32>
    %add3A_2204 = arith.addi %add3A_2194, %mul3A_2203 : vector<16xi32>
    %and3A_2205 = arith.constant 127 : i32
    %and3A_2206 = vector.broadcast %and3A_2205 : i32 to vector<16xi32>
    %and3A_2207 = arith.andi %get3A_2176, %and3A_2206 : vector<16xi32>
    %add3A_2208 = arith.addi %add3A_2204, %and3A_2207 : vector<16xi32>
    %dma_start3A_2209 = arith.constant 912 : i32
    %dma_start3A_2210 = tpu.memref_slice %arg8[%dma_start3A_2209] : memref<1024xf32, #tpu.memory_space<vmem>> -> memref<16xf32, #tpu.memory_space<vmem>>
    %dma_start3A_2211 = arith.constant 0 : i32
    %dma_start3A_2212 = tpu.memref_slice %arg2[%dma_start3A_2211] : memref<4194304xf32, #tpu.memory_space<hbm>> -> memref<4194304xf32, #tpu.memory_space<hbm>>
    tpu.enqueue_indirect_dma source(%dma_start3A_2212 : memref<4194304xf32, #tpu.memory_space<hbm>>) target(%dma_start3A_2210 : memref<16xf32, #tpu.memory_space<vmem>>) offsets(%add3A_2208 : vector<16xi32>) semaphore(%arg12 : memref<!tpu.dma_semaphore, #tpu.memory_space<semaphore_mem>>)
    %get3A_2213 = arith.constant 416 : index
    %get3A_2214 = tpu.vector_load %arg7[%get3A_2213] {strides = array<i32>} : memref<512xi32, #tpu.memory_space<vmem>>, vector<16xi32>,
    %shift_right_arithmetic3A_2215 = arith.constant 11 : i32
    %shift_right_arithmetic3A_2216 = vector.broadcast %shift_right_arithmetic3A_2215 : i32 to vector<16xi32>
    %shift_right_arithmetic3A_2217 = arith.shrsi %get3A_2214, %shift_right_arithmetic3A_2216 : vector<16xi32>
    %mul3A_2218 = arith.constant 2048 : i32
    %mul3A_2219 = vector.broadcast %mul3A_2218 : i32 to vector<16xi32>
    %mul3A_2220 = arith.muli %shift_right_arithmetic3A_2217, %mul3A_2219 : vector<16xi32>
    %add3A_2221 = vector.broadcast %mul3A_1224 : i32 to vector<16xi32>
    %add3A_2222 = arith.addi %add3A_2221, %mul3A_2220 : vector<16xi32>
    %shift_right_arithmetic3A_2223 = arith.constant 7 : i32
    %shift_right_arithmetic3A_2224 = vector.broadcast %shift_right_arithmetic3A_2223 : i32 to vector<16xi32>
    %shift_right_arithmetic3A_2225 = arith.shrsi %get3A_2214, %shift_right_arithmetic3A_2224 : vector<16xi32>
    %and3A_2226 = arith.constant 1 : i32
    %and3A_2227 = vector.broadcast %and3A_2226 : i32 to vector<16xi32>
    %and3A_2228 = arith.andi %shift_right_arithmetic3A_2225, %and3A_2227 : vector<16xi32>
    %mul3A_2229 = arith.constant 1024 : i32
    %mul3A_2230 = vector.broadcast %mul3A_2229 : i32 to vector<16xi32>
    %mul3A_2231 = arith.muli %and3A_2228, %mul3A_2230 : vector<16xi32>
    %add3A_2232 = arith.addi %add3A_2222, %mul3A_2231 : vector<16xi32>
    %shift_right_arithmetic3A_2233 = arith.constant 8 : i32
    %shift_right_arithmetic3A_2234 = vector.broadcast %shift_right_arithmetic3A_2233 : i32 to vector<16xi32>
    %shift_right_arithmetic3A_2235 = arith.shrsi %get3A_2214, %shift_right_arithmetic3A_2234 : vector<16xi32>
    %and3A_2236 = arith.constant 7 : i32
    %and3A_2237 = vector.broadcast %and3A_2236 : i32 to vector<16xi32>
    %and3A_2238 = arith.andi %shift_right_arithmetic3A_2235, %and3A_2237 : vector<16xi32>
    %mul3A_2239 = arith.constant 128 : i32
    %mul3A_2240 = vector.broadcast %mul3A_2239 : i32 to vector<16xi32>
    %mul3A_2241 = arith.muli %and3A_2238, %mul3A_2240 : vector<16xi32>
    %add3A_2242 = arith.addi %add3A_2232, %mul3A_2241 : vector<16xi32>
    %and3A_2243 = arith.constant 127 : i32
    %and3A_2244 = vector.broadcast %and3A_2243 : i32 to vector<16xi32>
    %and3A_2245 = arith.andi %get3A_2214, %and3A_2244 : vector<16xi32>
    %add3A_2246 = arith.addi %add3A_2242, %and3A_2245 : vector<16xi32>
    %dma_start3A_2247 = arith.constant 928 : i32
    %dma_start3A_2248 = tpu.memref_slice %arg8[%dma_start3A_2247] : memref<1024xf32, #tpu.memory_space<vmem>> -> memref<16xf32, #tpu.memory_space<vmem>>
    %dma_start3A_2249 = arith.constant 0 : i32
    %dma_start3A_2250 = tpu.memref_slice %arg2[%dma_start3A_2249] : memref<4194304xf32, #tpu.memory_space<hbm>> -> memref<4194304xf32, #tpu.memory_space<hbm>>
    tpu.enqueue_indirect_dma source(%dma_start3A_2250 : memref<4194304xf32, #tpu.memory_space<hbm>>) target(%dma_start3A_2248 : memref<16xf32, #tpu.memory_space<vmem>>) offsets(%add3A_2246 : vector<16xi32>) semaphore(%arg12 : memref<!tpu.dma_semaphore, #tpu.memory_space<semaphore_mem>>)
    %get3A_2251 = arith.constant 432 : index
    %get3A_2252 = tpu.vector_load %arg7[%get3A_2251] {strides = array<i32>} : memref<512xi32, #tpu.memory_space<vmem>>, vector<16xi32>,
    %shift_right_arithmetic3A_2253 = arith.constant 11 : i32
    %shift_right_arithmetic3A_2254 = vector.broadcast %shift_right_arithmetic3A_2253 : i32 to vector<16xi32>
    %shift_right_arithmetic3A_2255 = arith.shrsi %get3A_2252, %shift_right_arithmetic3A_2254 : vector<16xi32>
    %mul3A_2256 = arith.constant 2048 : i32
    %mul3A_2257 = vector.broadcast %mul3A_2256 : i32 to vector<16xi32>
    %mul3A_2258 = arith.muli %shift_right_arithmetic3A_2255, %mul3A_2257 : vector<16xi32>
    %add3A_2259 = vector.broadcast %mul3A_1224 : i32 to vector<16xi32>
    %add3A_2260 = arith.addi %add3A_2259, %mul3A_2258 : vector<16xi32>
    %shift_right_arithmetic3A_2261 = arith.constant 7 : i32
    %shift_right_arithmetic3A_2262 = vector.broadcast %shift_right_arithmetic3A_2261 : i32 to vector<16xi32>
    %shift_right_arithmetic3A_2263 = arith.shrsi %get3A_2252, %shift_right_arithmetic3A_2262 : vector<16xi32>
    %and3A_2264 = arith.constant 1 : i32
    %and3A_2265 = vector.broadcast %and3A_2264 : i32 to vector<16xi32>
    %and3A_2266 = arith.andi %shift_right_arithmetic3A_2263, %and3A_2265 : vector<16xi32>
    %mul3A_2267 = arith.constant 1024 : i32
    %mul3A_2268 = vector.broadcast %mul3A_2267 : i32 to vector<16xi32>
    %mul3A_2269 = arith.muli %and3A_2266, %mul3A_2268 : vector<16xi32>
    %add3A_2270 = arith.addi %add3A_2260, %mul3A_2269 : vector<16xi32>
    %shift_right_arithmetic3A_2271 = arith.constant 8 : i32
    %shift_right_arithmetic3A_2272 = vector.broadcast %shift_right_arithmetic3A_2271 : i32 to vector<16xi32>
    %shift_right_arithmetic3A_2273 = arith.shrsi %get3A_2252, %shift_right_arithmetic3A_2272 : vector<16xi32>
    %and3A_2274 = arith.constant 7 : i32
    %and3A_2275 = vector.broadcast %and3A_2274 : i32 to vector<16xi32>
    %and3A_2276 = arith.andi %shift_right_arithmetic3A_2273, %and3A_2275 : vector<16xi32>
    %mul3A_2277 = arith.constant 128 : i32
    %mul3A_2278 = vector.broadcast %mul3A_2277 : i32 to vector<16xi32>
    %mul3A_2279 = arith.muli %and3A_2276, %mul3A_2278 : vector<16xi32>
    %add3A_2280 = arith.addi %add3A_2270, %mul3A_2279 : vector<16xi32>
    %and3A_2281 = arith.constant 127 : i32
    %and3A_2282 = vector.broadcast %and3A_2281 : i32 to vector<16xi32>
    %and3A_2283 = arith.andi %get3A_2252, %and3A_2282 : vector<16xi32>
    %add3A_2284 = arith.addi %add3A_2280, %and3A_2283 : vector<16xi32>
    %dma_start3A_2285 = arith.constant 944 : i32
    %dma_start3A_2286 = tpu.memref_slice %arg8[%dma_start3A_2285] : memref<1024xf32, #tpu.memory_space<vmem>> -> memref<16xf32, #tpu.memory_space<vmem>>
    %dma_start3A_2287 = arith.constant 0 : i32
    %dma_start3A_2288 = tpu.memref_slice %arg2[%dma_start3A_2287] : memref<4194304xf32, #tpu.memory_space<hbm>> -> memref<4194304xf32, #tpu.memory_space<hbm>>
    tpu.enqueue_indirect_dma source(%dma_start3A_2288 : memref<4194304xf32, #tpu.memory_space<hbm>>) target(%dma_start3A_2286 : memref<16xf32, #tpu.memory_space<vmem>>) offsets(%add3A_2284 : vector<16xi32>) semaphore(%arg12 : memref<!tpu.dma_semaphore, #tpu.memory_space<semaphore_mem>>)
    %get3A_2289 = arith.constant 448 : index
    %get3A_2290 = tpu.vector_load %arg7[%get3A_2289] {strides = array<i32>} : memref<512xi32, #tpu.memory_space<vmem>>, vector<16xi32>,
    %shift_right_arithmetic3A_2291 = arith.constant 11 : i32
    %shift_right_arithmetic3A_2292 = vector.broadcast %shift_right_arithmetic3A_2291 : i32 to vector<16xi32>
    %shift_right_arithmetic3A_2293 = arith.shrsi %get3A_2290, %shift_right_arithmetic3A_2292 : vector<16xi32>
    %mul3A_2294 = arith.constant 2048 : i32
    %mul3A_2295 = vector.broadcast %mul3A_2294 : i32 to vector<16xi32>
    %mul3A_2296 = arith.muli %shift_right_arithmetic3A_2293, %mul3A_2295 : vector<16xi32>
    %add3A_2297 = vector.broadcast %mul3A_1224 : i32 to vector<16xi32>
    %add3A_2298 = arith.addi %add3A_2297, %mul3A_2296 : vector<16xi32>
    %shift_right_arithmetic3A_2299 = arith.constant 7 : i32
    %shift_right_arithmetic3A_2300 = vector.broadcast %shift_right_arithmetic3A_2299 : i32 to vector<16xi32>
    %shift_right_arithmetic3A_2301 = arith.shrsi %get3A_2290, %shift_right_arithmetic3A_2300 : vector<16xi32>
    %and3A_2302 = arith.constant 1 : i32
    %and3A_2303 = vector.broadcast %and3A_2302 : i32 to vector<16xi32>
    %and3A_2304 = arith.andi %shift_right_arithmetic3A_2301, %and3A_2303 : vector<16xi32>
    %mul3A_2305 = arith.constant 1024 : i32
    %mul3A_2306 = vector.broadcast %mul3A_2305 : i32 to vector<16xi32>
    %mul3A_2307 = arith.muli %and3A_2304, %mul3A_2306 : vector<16xi32>
    %add3A_2308 = arith.addi %add3A_2298, %mul3A_2307 : vector<16xi32>
    %shift_right_arithmetic3A_2309 = arith.constant 8 : i32
    %shift_right_arithmetic3A_2310 = vector.broadcast %shift_right_arithmetic3A_2309 : i32 to vector<16xi32>
    %shift_right_arithmetic3A_2311 = arith.shrsi %get3A_2290, %shift_right_arithmetic3A_2310 : vector<16xi32>
    %and3A_2312 = arith.constant 7 : i32
    %and3A_2313 = vector.broadcast %and3A_2312 : i32 to vector<16xi32>
    %and3A_2314 = arith.andi %shift_right_arithmetic3A_2311, %and3A_2313 : vector<16xi32>
    %mul3A_2315 = arith.constant 128 : i32
    %mul3A_2316 = vector.broadcast %mul3A_2315 : i32 to vector<16xi32>
    %mul3A_2317 = arith.muli %and3A_2314, %mul3A_2316 : vector<16xi32>
    %add3A_2318 = arith.addi %add3A_2308, %mul3A_2317 : vector<16xi32>
    %and3A_2319 = arith.constant 127 : i32
    %and3A_2320 = vector.broadcast %and3A_2319 : i32 to vector<16xi32>
    %and3A_2321 = arith.andi %get3A_2290, %and3A_2320 : vector<16xi32>
    %add3A_2322 = arith.addi %add3A_2318, %and3A_2321 : vector<16xi32>
    %dma_start3A_2323 = arith.constant 960 : i32
    %dma_start3A_2324 = tpu.memref_slice %arg8[%dma_start3A_2323] : memref<1024xf32, #tpu.memory_space<vmem>> -> memref<16xf32, #tpu.memory_space<vmem>>
    %dma_start3A_2325 = arith.constant 0 : i32
    %dma_start3A_2326 = tpu.memref_slice %arg2[%dma_start3A_2325] : memref<4194304xf32, #tpu.memory_space<hbm>> -> memref<4194304xf32, #tpu.memory_space<hbm>>
    tpu.enqueue_indirect_dma source(%dma_start3A_2326 : memref<4194304xf32, #tpu.memory_space<hbm>>) target(%dma_start3A_2324 : memref<16xf32, #tpu.memory_space<vmem>>) offsets(%add3A_2322 : vector<16xi32>) semaphore(%arg12 : memref<!tpu.dma_semaphore, #tpu.memory_space<semaphore_mem>>)
    %get3A_2327 = arith.constant 464 : index
    %get3A_2328 = tpu.vector_load %arg7[%get3A_2327] {strides = array<i32>} : memref<512xi32, #tpu.memory_space<vmem>>, vector<16xi32>,
    %shift_right_arithmetic3A_2329 = arith.constant 11 : i32
    %shift_right_arithmetic3A_2330 = vector.broadcast %shift_right_arithmetic3A_2329 : i32 to vector<16xi32>
    %shift_right_arithmetic3A_2331 = arith.shrsi %get3A_2328, %shift_right_arithmetic3A_2330 : vector<16xi32>
    %mul3A_2332 = arith.constant 2048 : i32
    %mul3A_2333 = vector.broadcast %mul3A_2332 : i32 to vector<16xi32>
    %mul3A_2334 = arith.muli %shift_right_arithmetic3A_2331, %mul3A_2333 : vector<16xi32>
    %add3A_2335 = vector.broadcast %mul3A_1224 : i32 to vector<16xi32>
    %add3A_2336 = arith.addi %add3A_2335, %mul3A_2334 : vector<16xi32>
    %shift_right_arithmetic3A_2337 = arith.constant 7 : i32
    %shift_right_arithmetic3A_2338 = vector.broadcast %shift_right_arithmetic3A_2337 : i32 to vector<16xi32>
    %shift_right_arithmetic3A_2339 = arith.shrsi %get3A_2328, %shift_right_arithmetic3A_2338 : vector<16xi32>
    %and3A_2340 = arith.constant 1 : i32
    %and3A_2341 = vector.broadcast %and3A_2340 : i32 to vector<16xi32>
    %and3A_2342 = arith.andi %shift_right_arithmetic3A_2339, %and3A_2341 : vector<16xi32>
    %mul3A_2343 = arith.constant 1024 : i32
    %mul3A_2344 = vector.broadcast %mul3A_2343 : i32 to vector<16xi32>
    %mul3A_2345 = arith.muli %and3A_2342, %mul3A_2344 : vector<16xi32>
    %add3A_2346 = arith.addi %add3A_2336, %mul3A_2345 : vector<16xi32>
    %shift_right_arithmetic3A_2347 = arith.constant 8 : i32
    %shift_right_arithmetic3A_2348 = vector.broadcast %shift_right_arithmetic3A_2347 : i32 to vector<16xi32>
    %shift_right_arithmetic3A_2349 = arith.shrsi %get3A_2328, %shift_right_arithmetic3A_2348 : vector<16xi32>
    %and3A_2350 = arith.constant 7 : i32
    %and3A_2351 = vector.broadcast %and3A_2350 : i32 to vector<16xi32>
    %and3A_2352 = arith.andi %shift_right_arithmetic3A_2349, %and3A_2351 : vector<16xi32>
    %mul3A_2353 = arith.constant 128 : i32
    %mul3A_2354 = vector.broadcast %mul3A_2353 : i32 to vector<16xi32>
    %mul3A_2355 = arith.muli %and3A_2352, %mul3A_2354 : vector<16xi32>
    %add3A_2356 = arith.addi %add3A_2346, %mul3A_2355 : vector<16xi32>
    %and3A_2357 = arith.constant 127 : i32
    %and3A_2358 = vector.broadcast %and3A_2357 : i32 to vector<16xi32>
    %and3A_2359 = arith.andi %get3A_2328, %and3A_2358 : vector<16xi32>
    %add3A_2360 = arith.addi %add3A_2356, %and3A_2359 : vector<16xi32>
    %dma_start3A_2361 = arith.constant 976 : i32
    %dma_start3A_2362 = tpu.memref_slice %arg8[%dma_start3A_2361] : memref<1024xf32, #tpu.memory_space<vmem>> -> memref<16xf32, #tpu.memory_space<vmem>>
    %dma_start3A_2363 = arith.constant 0 : i32
    %dma_start3A_2364 = tpu.memref_slice %arg2[%dma_start3A_2363] : memref<4194304xf32, #tpu.memory_space<hbm>> -> memref<4194304xf32, #tpu.memory_space<hbm>>
    tpu.enqueue_indirect_dma source(%dma_start3A_2364 : memref<4194304xf32, #tpu.memory_space<hbm>>) target(%dma_start3A_2362 : memref<16xf32, #tpu.memory_space<vmem>>) offsets(%add3A_2360 : vector<16xi32>) semaphore(%arg12 : memref<!tpu.dma_semaphore, #tpu.memory_space<semaphore_mem>>)
    %get3A_2365 = arith.constant 480 : index
    %get3A_2366 = tpu.vector_load %arg7[%get3A_2365] {strides = array<i32>} : memref<512xi32, #tpu.memory_space<vmem>>, vector<16xi32>,
    %shift_right_arithmetic3A_2367 = arith.constant 11 : i32
    %shift_right_arithmetic3A_2368 = vector.broadcast %shift_right_arithmetic3A_2367 : i32 to vector<16xi32>
    %shift_right_arithmetic3A_2369 = arith.shrsi %get3A_2366, %shift_right_arithmetic3A_2368 : vector<16xi32>
    %mul3A_2370 = arith.constant 2048 : i32
    %mul3A_2371 = vector.broadcast %mul3A_2370 : i32 to vector<16xi32>
    %mul3A_2372 = arith.muli %shift_right_arithmetic3A_2369, %mul3A_2371 : vector<16xi32>
    %add3A_2373 = vector.broadcast %mul3A_1224 : i32 to vector<16xi32>
    %add3A_2374 = arith.addi %add3A_2373, %mul3A_2372 : vector<16xi32>
    %shift_right_arithmetic3A_2375 = arith.constant 7 : i32
    %shift_right_arithmetic3A_2376 = vector.broadcast %shift_right_arithmetic3A_2375 : i32 to vector<16xi32>
    %shift_right_arithmetic3A_2377 = arith.shrsi %get3A_2366, %shift_right_arithmetic3A_2376 : vector<16xi32>
    %and3A_2378 = arith.constant 1 : i32
    %and3A_2379 = vector.broadcast %and3A_2378 : i32 to vector<16xi32>
    %and3A_2380 = arith.andi %shift_right_arithmetic3A_2377, %and3A_2379 : vector<16xi32>
    %mul3A_2381 = arith.constant 1024 : i32
    %mul3A_2382 = vector.broadcast %mul3A_2381 : i32 to vector<16xi32>
    %mul3A_2383 = arith.muli %and3A_2380, %mul3A_2382 : vector<16xi32>
    %add3A_2384 = arith.addi %add3A_2374, %mul3A_2383 : vector<16xi32>
    %shift_right_arithmetic3A_2385 = arith.constant 8 : i32
    %shift_right_arithmetic3A_2386 = vector.broadcast %shift_right_arithmetic3A_2385 : i32 to vector<16xi32>
    %shift_right_arithmetic3A_2387 = arith.shrsi %get3A_2366, %shift_right_arithmetic3A_2386 : vector<16xi32>
    %and3A_2388 = arith.constant 7 : i32
    %and3A_2389 = vector.broadcast %and3A_2388 : i32 to vector<16xi32>
    %and3A_2390 = arith.andi %shift_right_arithmetic3A_2387, %and3A_2389 : vector<16xi32>
    %mul3A_2391 = arith.constant 128 : i32
    %mul3A_2392 = vector.broadcast %mul3A_2391 : i32 to vector<16xi32>
    %mul3A_2393 = arith.muli %and3A_2390, %mul3A_2392 : vector<16xi32>
    %add3A_2394 = arith.addi %add3A_2384, %mul3A_2393 : vector<16xi32>
    %and3A_2395 = arith.constant 127 : i32
    %and3A_2396 = vector.broadcast %and3A_2395 : i32 to vector<16xi32>
    %and3A_2397 = arith.andi %get3A_2366, %and3A_2396 : vector<16xi32>
    %add3A_2398 = arith.addi %add3A_2394, %and3A_2397 : vector<16xi32>
    %dma_start3A_2399 = arith.constant 992 : i32
    %dma_start3A_2400 = tpu.memref_slice %arg8[%dma_start3A_2399] : memref<1024xf32, #tpu.memory_space<vmem>> -> memref<16xf32, #tpu.memory_space<vmem>>
    %dma_start3A_2401 = arith.constant 0 : i32
    %dma_start3A_2402 = tpu.memref_slice %arg2[%dma_start3A_2401] : memref<4194304xf32, #tpu.memory_space<hbm>> -> memref<4194304xf32, #tpu.memory_space<hbm>>
    tpu.enqueue_indirect_dma source(%dma_start3A_2402 : memref<4194304xf32, #tpu.memory_space<hbm>>) target(%dma_start3A_2400 : memref<16xf32, #tpu.memory_space<vmem>>) offsets(%add3A_2398 : vector<16xi32>) semaphore(%arg12 : memref<!tpu.dma_semaphore, #tpu.memory_space<semaphore_mem>>)
    %get3A_2403 = arith.constant 496 : index
    %get3A_2404 = tpu.vector_load %arg7[%get3A_2403] {strides = array<i32>} : memref<512xi32, #tpu.memory_space<vmem>>, vector<16xi32>,
    %shift_right_arithmetic3A_2405 = arith.constant 11 : i32
    %shift_right_arithmetic3A_2406 = vector.broadcast %shift_right_arithmetic3A_2405 : i32 to vector<16xi32>
    %shift_right_arithmetic3A_2407 = arith.shrsi %get3A_2404, %shift_right_arithmetic3A_2406 : vector<16xi32>
    %mul3A_2408 = arith.constant 2048 : i32
    %mul3A_2409 = vector.broadcast %mul3A_2408 : i32 to vector<16xi32>
    %mul3A_2410 = arith.muli %shift_right_arithmetic3A_2407, %mul3A_2409 : vector<16xi32>
    %add3A_2411 = vector.broadcast %mul3A_1224 : i32 to vector<16xi32>
    %add3A_2412 = arith.addi %add3A_2411, %mul3A_2410 : vector<16xi32>
    %shift_right_arithmetic3A_2413 = arith.constant 7 : i32
    %shift_right_arithmetic3A_2414 = vector.broadcast %shift_right_arithmetic3A_2413 : i32 to vector<16xi32>
    %shift_right_arithmetic3A_2415 = arith.shrsi %get3A_2404, %shift_right_arithmetic3A_2414 : vector<16xi32>
    %and3A_2416 = arith.constant 1 : i32
    %and3A_2417 = vector.broadcast %and3A_2416 : i32 to vector<16xi32>
    %and3A_2418 = arith.andi %shift_right_arithmetic3A_2415, %and3A_2417 : vector<16xi32>
    %mul3A_2419 = arith.constant 1024 : i32
    %mul3A_2420 = vector.broadcast %mul3A_2419 : i32 to vector<16xi32>
    %mul3A_2421 = arith.muli %and3A_2418, %mul3A_2420 : vector<16xi32>
    %add3A_2422 = arith.addi %add3A_2412, %mul3A_2421 : vector<16xi32>
    %shift_right_arithmetic3A_2423 = arith.constant 8 : i32
    %shift_right_arithmetic3A_2424 = vector.broadcast %shift_right_arithmetic3A_2423 : i32 to vector<16xi32>
    %shift_right_arithmetic3A_2425 = arith.shrsi %get3A_2404, %shift_right_arithmetic3A_2424 : vector<16xi32>
    %and3A_2426 = arith.constant 7 : i32
    %and3A_2427 = vector.broadcast %and3A_2426 : i32 to vector<16xi32>
    %and3A_2428 = arith.andi %shift_right_arithmetic3A_2425, %and3A_2427 : vector<16xi32>
    %mul3A_2429 = arith.constant 128 : i32
    %mul3A_2430 = vector.broadcast %mul3A_2429 : i32 to vector<16xi32>
    %mul3A_2431 = arith.muli %and3A_2428, %mul3A_2430 : vector<16xi32>
    %add3A_2432 = arith.addi %add3A_2422, %mul3A_2431 : vector<16xi32>
    %and3A_2433 = arith.constant 127 : i32
    %and3A_2434 = vector.broadcast %and3A_2433 : i32 to vector<16xi32>
    %and3A_2435 = arith.andi %get3A_2404, %and3A_2434 : vector<16xi32>
    %add3A_2436 = arith.addi %add3A_2432, %and3A_2435 : vector<16xi32>
    %dma_start3A_2437 = arith.constant 1008 : i32
    %dma_start3A_2438 = tpu.memref_slice %arg8[%dma_start3A_2437] : memref<1024xf32, #tpu.memory_space<vmem>> -> memref<16xf32, #tpu.memory_space<vmem>>
    %dma_start3A_2439 = arith.constant 0 : i32
    %dma_start3A_2440 = tpu.memref_slice %arg2[%dma_start3A_2439] : memref<4194304xf32, #tpu.memory_space<hbm>> -> memref<4194304xf32, #tpu.memory_space<hbm>>
    tpu.enqueue_indirect_dma source(%dma_start3A_2440 : memref<4194304xf32, #tpu.memory_space<hbm>>) target(%dma_start3A_2438 : memref<16xf32, #tpu.memory_space<vmem>>) offsets(%add3A_2436 : vector<16xi32>) semaphore(%arg12 : memref<!tpu.dma_semaphore, #tpu.memory_space<semaphore_mem>>)
    %dma_wait3A = arith.constant 0 : i32
    %dma_wait3A_2441 = tpu.memref_slice %arg8[%dma_wait3A] : memref<1024xf32, #tpu.memory_space<vmem>> -> memref<16xf32, #tpu.memory_space<vmem>>
    %dma_wait3A_2442 = arith.constant 0 : i32
    %dma_wait3A_2443 = tpu.memref_slice %arg2[%dma_wait3A_2442] : memref<4194304xf32, #tpu.memory_space<hbm>> -> memref<4194304xf32, #tpu.memory_space<hbm>>
    tpu.wait_indirect_dma semaphore(%arg12 : memref<!tpu.dma_semaphore, #tpu.memory_space<semaphore_mem>>) src(%dma_wait3A_2443 : memref<4194304xf32, #tpu.memory_space<hbm>>) dst(%dma_wait3A_2441 : memref<16xf32, #tpu.memory_space<vmem>>)
    %dma_wait3A_2444 = arith.constant 16 : i32
    %dma_wait3A_2445 = tpu.memref_slice %arg8[%dma_wait3A_2444] : memref<1024xf32, #tpu.memory_space<vmem>> -> memref<16xf32, #tpu.memory_space<vmem>>
    %dma_wait3A_2446 = arith.constant 0 : i32
    %dma_wait3A_2447 = tpu.memref_slice %arg2[%dma_wait3A_2446] : memref<4194304xf32, #tpu.memory_space<hbm>> -> memref<4194304xf32, #tpu.memory_space<hbm>>
    tpu.wait_indirect_dma semaphore(%arg12 : memref<!tpu.dma_semaphore, #tpu.memory_space<semaphore_mem>>) src(%dma_wait3A_2447 : memref<4194304xf32, #tpu.memory_space<hbm>>) dst(%dma_wait3A_2445 : memref<16xf32, #tpu.memory_space<vmem>>)
    %dma_wait3A_2448 = arith.constant 32 : i32
    %dma_wait3A_2449 = tpu.memref_slice %arg8[%dma_wait3A_2448] : memref<1024xf32, #tpu.memory_space<vmem>> -> memref<16xf32, #tpu.memory_space<vmem>>
    %dma_wait3A_2450 = arith.constant 0 : i32
    %dma_wait3A_2451 = tpu.memref_slice %arg2[%dma_wait3A_2450] : memref<4194304xf32, #tpu.memory_space<hbm>> -> memref<4194304xf32, #tpu.memory_space<hbm>>
    tpu.wait_indirect_dma semaphore(%arg12 : memref<!tpu.dma_semaphore, #tpu.memory_space<semaphore_mem>>) src(%dma_wait3A_2451 : memref<4194304xf32, #tpu.memory_space<hbm>>) dst(%dma_wait3A_2449 : memref<16xf32, #tpu.memory_space<vmem>>)
    %dma_wait3A_2452 = arith.constant 48 : i32
    %dma_wait3A_2453 = tpu.memref_slice %arg8[%dma_wait3A_2452] : memref<1024xf32, #tpu.memory_space<vmem>> -> memref<16xf32, #tpu.memory_space<vmem>>
    %dma_wait3A_2454 = arith.constant 0 : i32
    %dma_wait3A_2455 = tpu.memref_slice %arg2[%dma_wait3A_2454] : memref<4194304xf32, #tpu.memory_space<hbm>> -> memref<4194304xf32, #tpu.memory_space<hbm>>
    tpu.wait_indirect_dma semaphore(%arg12 : memref<!tpu.dma_semaphore, #tpu.memory_space<semaphore_mem>>) src(%dma_wait3A_2455 : memref<4194304xf32, #tpu.memory_space<hbm>>) dst(%dma_wait3A_2453 : memref<16xf32, #tpu.memory_space<vmem>>)
    %dma_wait3A_2456 = arith.constant 64 : i32
    %dma_wait3A_2457 = tpu.memref_slice %arg8[%dma_wait3A_2456] : memref<1024xf32, #tpu.memory_space<vmem>> -> memref<16xf32, #tpu.memory_space<vmem>>
    %dma_wait3A_2458 = arith.constant 0 : i32
    %dma_wait3A_2459 = tpu.memref_slice %arg2[%dma_wait3A_2458] : memref<4194304xf32, #tpu.memory_space<hbm>> -> memref<4194304xf32, #tpu.memory_space<hbm>>
    tpu.wait_indirect_dma semaphore(%arg12 : memref<!tpu.dma_semaphore, #tpu.memory_space<semaphore_mem>>) src(%dma_wait3A_2459 : memref<4194304xf32, #tpu.memory_space<hbm>>) dst(%dma_wait3A_2457 : memref<16xf32, #tpu.memory_space<vmem>>)
    %dma_wait3A_2460 = arith.constant 80 : i32
    %dma_wait3A_2461 = tpu.memref_slice %arg8[%dma_wait3A_2460] : memref<1024xf32, #tpu.memory_space<vmem>> -> memref<16xf32, #tpu.memory_space<vmem>>
    %dma_wait3A_2462 = arith.constant 0 : i32
    %dma_wait3A_2463 = tpu.memref_slice %arg2[%dma_wait3A_2462] : memref<4194304xf32, #tpu.memory_space<hbm>> -> memref<4194304xf32, #tpu.memory_space<hbm>>
    tpu.wait_indirect_dma semaphore(%arg12 : memref<!tpu.dma_semaphore, #tpu.memory_space<semaphore_mem>>) src(%dma_wait3A_2463 : memref<4194304xf32, #tpu.memory_space<hbm>>) dst(%dma_wait3A_2461 : memref<16xf32, #tpu.memory_space<vmem>>)
    %dma_wait3A_2464 = arith.constant 96 : i32
    %dma_wait3A_2465 = tpu.memref_slice %arg8[%dma_wait3A_2464] : memref<1024xf32, #tpu.memory_space<vmem>> -> memref<16xf32, #tpu.memory_space<vmem>>
    %dma_wait3A_2466 = arith.constant 0 : i32
    %dma_wait3A_2467 = tpu.memref_slice %arg2[%dma_wait3A_2466] : memref<4194304xf32, #tpu.memory_space<hbm>> -> memref<4194304xf32, #tpu.memory_space<hbm>>
    tpu.wait_indirect_dma semaphore(%arg12 : memref<!tpu.dma_semaphore, #tpu.memory_space<semaphore_mem>>) src(%dma_wait3A_2467 : memref<4194304xf32, #tpu.memory_space<hbm>>) dst(%dma_wait3A_2465 : memref<16xf32, #tpu.memory_space<vmem>>)
    %dma_wait3A_2468 = arith.constant 112 : i32
    %dma_wait3A_2469 = tpu.memref_slice %arg8[%dma_wait3A_2468] : memref<1024xf32, #tpu.memory_space<vmem>> -> memref<16xf32, #tpu.memory_space<vmem>>
    %dma_wait3A_2470 = arith.constant 0 : i32
    %dma_wait3A_2471 = tpu.memref_slice %arg2[%dma_wait3A_2470] : memref<4194304xf32, #tpu.memory_space<hbm>> -> memref<4194304xf32, #tpu.memory_space<hbm>>
    tpu.wait_indirect_dma semaphore(%arg12 : memref<!tpu.dma_semaphore, #tpu.memory_space<semaphore_mem>>) src(%dma_wait3A_2471 : memref<4194304xf32, #tpu.memory_space<hbm>>) dst(%dma_wait3A_2469 : memref<16xf32, #tpu.memory_space<vmem>>)
    %dma_wait3A_2472 = arith.constant 128 : i32
    %dma_wait3A_2473 = tpu.memref_slice %arg8[%dma_wait3A_2472] : memref<1024xf32, #tpu.memory_space<vmem>> -> memref<16xf32, #tpu.memory_space<vmem>>
    %dma_wait3A_2474 = arith.constant 0 : i32
    %dma_wait3A_2475 = tpu.memref_slice %arg2[%dma_wait3A_2474] : memref<4194304xf32, #tpu.memory_space<hbm>> -> memref<4194304xf32, #tpu.memory_space<hbm>>
    tpu.wait_indirect_dma semaphore(%arg12 : memref<!tpu.dma_semaphore, #tpu.memory_space<semaphore_mem>>) src(%dma_wait3A_2475 : memref<4194304xf32, #tpu.memory_space<hbm>>) dst(%dma_wait3A_2473 : memref<16xf32, #tpu.memory_space<vmem>>)
    %dma_wait3A_2476 = arith.constant 144 : i32
    %dma_wait3A_2477 = tpu.memref_slice %arg8[%dma_wait3A_2476] : memref<1024xf32, #tpu.memory_space<vmem>> -> memref<16xf32, #tpu.memory_space<vmem>>
    %dma_wait3A_2478 = arith.constant 0 : i32
    %dma_wait3A_2479 = tpu.memref_slice %arg2[%dma_wait3A_2478] : memref<4194304xf32, #tpu.memory_space<hbm>> -> memref<4194304xf32, #tpu.memory_space<hbm>>
    tpu.wait_indirect_dma semaphore(%arg12 : memref<!tpu.dma_semaphore, #tpu.memory_space<semaphore_mem>>) src(%dma_wait3A_2479 : memref<4194304xf32, #tpu.memory_space<hbm>>) dst(%dma_wait3A_2477 : memref<16xf32, #tpu.memory_space<vmem>>)
    %dma_wait3A_2480 = arith.constant 160 : i32
    %dma_wait3A_2481 = tpu.memref_slice %arg8[%dma_wait3A_2480] : memref<1024xf32, #tpu.memory_space<vmem>> -> memref<16xf32, #tpu.memory_space<vmem>>
    %dma_wait3A_2482 = arith.constant 0 : i32
    %dma_wait3A_2483 = tpu.memref_slice %arg2[%dma_wait3A_2482] : memref<4194304xf32, #tpu.memory_space<hbm>> -> memref<4194304xf32, #tpu.memory_space<hbm>>
    tpu.wait_indirect_dma semaphore(%arg12 : memref<!tpu.dma_semaphore, #tpu.memory_space<semaphore_mem>>) src(%dma_wait3A_2483 : memref<4194304xf32, #tpu.memory_space<hbm>>) dst(%dma_wait3A_2481 : memref<16xf32, #tpu.memory_space<vmem>>)
    %dma_wait3A_2484 = arith.constant 176 : i32
    %dma_wait3A_2485 = tpu.memref_slice %arg8[%dma_wait3A_2484] : memref<1024xf32, #tpu.memory_space<vmem>> -> memref<16xf32, #tpu.memory_space<vmem>>
    %dma_wait3A_2486 = arith.constant 0 : i32
    %dma_wait3A_2487 = tpu.memref_slice %arg2[%dma_wait3A_2486] : memref<4194304xf32, #tpu.memory_space<hbm>> -> memref<4194304xf32, #tpu.memory_space<hbm>>
    tpu.wait_indirect_dma semaphore(%arg12 : memref<!tpu.dma_semaphore, #tpu.memory_space<semaphore_mem>>) src(%dma_wait3A_2487 : memref<4194304xf32, #tpu.memory_space<hbm>>) dst(%dma_wait3A_2485 : memref<16xf32, #tpu.memory_space<vmem>>)
    %dma_wait3A_2488 = arith.constant 192 : i32
    %dma_wait3A_2489 = tpu.memref_slice %arg8[%dma_wait3A_2488] : memref<1024xf32, #tpu.memory_space<vmem>> -> memref<16xf32, #tpu.memory_space<vmem>>
    %dma_wait3A_2490 = arith.constant 0 : i32
    %dma_wait3A_2491 = tpu.memref_slice %arg2[%dma_wait3A_2490] : memref<4194304xf32, #tpu.memory_space<hbm>> -> memref<4194304xf32, #tpu.memory_space<hbm>>
    tpu.wait_indirect_dma semaphore(%arg12 : memref<!tpu.dma_semaphore, #tpu.memory_space<semaphore_mem>>) src(%dma_wait3A_2491 : memref<4194304xf32, #tpu.memory_space<hbm>>) dst(%dma_wait3A_2489 : memref<16xf32, #tpu.memory_space<vmem>>)
    %dma_wait3A_2492 = arith.constant 208 : i32
    %dma_wait3A_2493 = tpu.memref_slice %arg8[%dma_wait3A_2492] : memref<1024xf32, #tpu.memory_space<vmem>> -> memref<16xf32, #tpu.memory_space<vmem>>
    %dma_wait3A_2494 = arith.constant 0 : i32
    %dma_wait3A_2495 = tpu.memref_slice %arg2[%dma_wait3A_2494] : memref<4194304xf32, #tpu.memory_space<hbm>> -> memref<4194304xf32, #tpu.memory_space<hbm>>
    tpu.wait_indirect_dma semaphore(%arg12 : memref<!tpu.dma_semaphore, #tpu.memory_space<semaphore_mem>>) src(%dma_wait3A_2495 : memref<4194304xf32, #tpu.memory_space<hbm>>) dst(%dma_wait3A_2493 : memref<16xf32, #tpu.memory_space<vmem>>)
    %dma_wait3A_2496 = arith.constant 224 : i32
    %dma_wait3A_2497 = tpu.memref_slice %arg8[%dma_wait3A_2496] : memref<1024xf32, #tpu.memory_space<vmem>> -> memref<16xf32, #tpu.memory_space<vmem>>
    %dma_wait3A_2498 = arith.constant 0 : i32
    %dma_wait3A_2499 = tpu.memref_slice %arg2[%dma_wait3A_2498] : memref<4194304xf32, #tpu.memory_space<hbm>> -> memref<4194304xf32, #tpu.memory_space<hbm>>
    tpu.wait_indirect_dma semaphore(%arg12 : memref<!tpu.dma_semaphore, #tpu.memory_space<semaphore_mem>>) src(%dma_wait3A_2499 : memref<4194304xf32, #tpu.memory_space<hbm>>) dst(%dma_wait3A_2497 : memref<16xf32, #tpu.memory_space<vmem>>)
    %dma_wait3A_2500 = arith.constant 240 : i32
    %dma_wait3A_2501 = tpu.memref_slice %arg8[%dma_wait3A_2500] : memref<1024xf32, #tpu.memory_space<vmem>> -> memref<16xf32, #tpu.memory_space<vmem>>
    %dma_wait3A_2502 = arith.constant 0 : i32
    %dma_wait3A_2503 = tpu.memref_slice %arg2[%dma_wait3A_2502] : memref<4194304xf32, #tpu.memory_space<hbm>> -> memref<4194304xf32, #tpu.memory_space<hbm>>
    tpu.wait_indirect_dma semaphore(%arg12 : memref<!tpu.dma_semaphore, #tpu.memory_space<semaphore_mem>>) src(%dma_wait3A_2503 : memref<4194304xf32, #tpu.memory_space<hbm>>) dst(%dma_wait3A_2501 : memref<16xf32, #tpu.memory_space<vmem>>)
    %dma_wait3A_2504 = arith.constant 256 : i32
    %dma_wait3A_2505 = tpu.memref_slice %arg8[%dma_wait3A_2504] : memref<1024xf32, #tpu.memory_space<vmem>> -> memref<16xf32, #tpu.memory_space<vmem>>
    %dma_wait3A_2506 = arith.constant 0 : i32
    %dma_wait3A_2507 = tpu.memref_slice %arg2[%dma_wait3A_2506] : memref<4194304xf32, #tpu.memory_space<hbm>> -> memref<4194304xf32, #tpu.memory_space<hbm>>
    tpu.wait_indirect_dma semaphore(%arg12 : memref<!tpu.dma_semaphore, #tpu.memory_space<semaphore_mem>>) src(%dma_wait3A_2507 : memref<4194304xf32, #tpu.memory_space<hbm>>) dst(%dma_wait3A_2505 : memref<16xf32, #tpu.memory_space<vmem>>)
    %dma_wait3A_2508 = arith.constant 272 : i32
    %dma_wait3A_2509 = tpu.memref_slice %arg8[%dma_wait3A_2508] : memref<1024xf32, #tpu.memory_space<vmem>> -> memref<16xf32, #tpu.memory_space<vmem>>
    %dma_wait3A_2510 = arith.constant 0 : i32
    %dma_wait3A_2511 = tpu.memref_slice %arg2[%dma_wait3A_2510] : memref<4194304xf32, #tpu.memory_space<hbm>> -> memref<4194304xf32, #tpu.memory_space<hbm>>
    tpu.wait_indirect_dma semaphore(%arg12 : memref<!tpu.dma_semaphore, #tpu.memory_space<semaphore_mem>>) src(%dma_wait3A_2511 : memref<4194304xf32, #tpu.memory_space<hbm>>) dst(%dma_wait3A_2509 : memref<16xf32, #tpu.memory_space<vmem>>)
    %dma_wait3A_2512 = arith.constant 288 : i32
    %dma_wait3A_2513 = tpu.memref_slice %arg8[%dma_wait3A_2512] : memref<1024xf32, #tpu.memory_space<vmem>> -> memref<16xf32, #tpu.memory_space<vmem>>
    %dma_wait3A_2514 = arith.constant 0 : i32
    %dma_wait3A_2515 = tpu.memref_slice %arg2[%dma_wait3A_2514] : memref<4194304xf32, #tpu.memory_space<hbm>> -> memref<4194304xf32, #tpu.memory_space<hbm>>
    tpu.wait_indirect_dma semaphore(%arg12 : memref<!tpu.dma_semaphore, #tpu.memory_space<semaphore_mem>>) src(%dma_wait3A_2515 : memref<4194304xf32, #tpu.memory_space<hbm>>) dst(%dma_wait3A_2513 : memref<16xf32, #tpu.memory_space<vmem>>)
    %dma_wait3A_2516 = arith.constant 304 : i32
    %dma_wait3A_2517 = tpu.memref_slice %arg8[%dma_wait3A_2516] : memref<1024xf32, #tpu.memory_space<vmem>> -> memref<16xf32, #tpu.memory_space<vmem>>
    %dma_wait3A_2518 = arith.constant 0 : i32
    %dma_wait3A_2519 = tpu.memref_slice %arg2[%dma_wait3A_2518] : memref<4194304xf32, #tpu.memory_space<hbm>> -> memref<4194304xf32, #tpu.memory_space<hbm>>
    tpu.wait_indirect_dma semaphore(%arg12 : memref<!tpu.dma_semaphore, #tpu.memory_space<semaphore_mem>>) src(%dma_wait3A_2519 : memref<4194304xf32, #tpu.memory_space<hbm>>) dst(%dma_wait3A_2517 : memref<16xf32, #tpu.memory_space<vmem>>)
    %dma_wait3A_2520 = arith.constant 320 : i32
    %dma_wait3A_2521 = tpu.memref_slice %arg8[%dma_wait3A_2520] : memref<1024xf32, #tpu.memory_space<vmem>> -> memref<16xf32, #tpu.memory_space<vmem>>
    %dma_wait3A_2522 = arith.constant 0 : i32
    %dma_wait3A_2523 = tpu.memref_slice %arg2[%dma_wait3A_2522] : memref<4194304xf32, #tpu.memory_space<hbm>> -> memref<4194304xf32, #tpu.memory_space<hbm>>
    tpu.wait_indirect_dma semaphore(%arg12 : memref<!tpu.dma_semaphore, #tpu.memory_space<semaphore_mem>>) src(%dma_wait3A_2523 : memref<4194304xf32, #tpu.memory_space<hbm>>) dst(%dma_wait3A_2521 : memref<16xf32, #tpu.memory_space<vmem>>)
    %dma_wait3A_2524 = arith.constant 336 : i32
    %dma_wait3A_2525 = tpu.memref_slice %arg8[%dma_wait3A_2524] : memref<1024xf32, #tpu.memory_space<vmem>> -> memref<16xf32, #tpu.memory_space<vmem>>
    %dma_wait3A_2526 = arith.constant 0 : i32
    %dma_wait3A_2527 = tpu.memref_slice %arg2[%dma_wait3A_2526] : memref<4194304xf32, #tpu.memory_space<hbm>> -> memref<4194304xf32, #tpu.memory_space<hbm>>
    tpu.wait_indirect_dma semaphore(%arg12 : memref<!tpu.dma_semaphore, #tpu.memory_space<semaphore_mem>>) src(%dma_wait3A_2527 : memref<4194304xf32, #tpu.memory_space<hbm>>) dst(%dma_wait3A_2525 : memref<16xf32, #tpu.memory_space<vmem>>)
    %dma_wait3A_2528 = arith.constant 352 : i32
    %dma_wait3A_2529 = tpu.memref_slice %arg8[%dma_wait3A_2528] : memref<1024xf32, #tpu.memory_space<vmem>> -> memref<16xf32, #tpu.memory_space<vmem>>
    %dma_wait3A_2530 = arith.constant 0 : i32
    %dma_wait3A_2531 = tpu.memref_slice %arg2[%dma_wait3A_2530] : memref<4194304xf32, #tpu.memory_space<hbm>> -> memref<4194304xf32, #tpu.memory_space<hbm>>
    tpu.wait_indirect_dma semaphore(%arg12 : memref<!tpu.dma_semaphore, #tpu.memory_space<semaphore_mem>>) src(%dma_wait3A_2531 : memref<4194304xf32, #tpu.memory_space<hbm>>) dst(%dma_wait3A_2529 : memref<16xf32, #tpu.memory_space<vmem>>)
    %dma_wait3A_2532 = arith.constant 368 : i32
    %dma_wait3A_2533 = tpu.memref_slice %arg8[%dma_wait3A_2532] : memref<1024xf32, #tpu.memory_space<vmem>> -> memref<16xf32, #tpu.memory_space<vmem>>
    %dma_wait3A_2534 = arith.constant 0 : i32
    %dma_wait3A_2535 = tpu.memref_slice %arg2[%dma_wait3A_2534] : memref<4194304xf32, #tpu.memory_space<hbm>> -> memref<4194304xf32, #tpu.memory_space<hbm>>
    tpu.wait_indirect_dma semaphore(%arg12 : memref<!tpu.dma_semaphore, #tpu.memory_space<semaphore_mem>>) src(%dma_wait3A_2535 : memref<4194304xf32, #tpu.memory_space<hbm>>) dst(%dma_wait3A_2533 : memref<16xf32, #tpu.memory_space<vmem>>)
    %dma_wait3A_2536 = arith.constant 384 : i32
    %dma_wait3A_2537 = tpu.memref_slice %arg8[%dma_wait3A_2536] : memref<1024xf32, #tpu.memory_space<vmem>> -> memref<16xf32, #tpu.memory_space<vmem>>
    %dma_wait3A_2538 = arith.constant 0 : i32
    %dma_wait3A_2539 = tpu.memref_slice %arg2[%dma_wait3A_2538] : memref<4194304xf32, #tpu.memory_space<hbm>> -> memref<4194304xf32, #tpu.memory_space<hbm>>
    tpu.wait_indirect_dma semaphore(%arg12 : memref<!tpu.dma_semaphore, #tpu.memory_space<semaphore_mem>>) src(%dma_wait3A_2539 : memref<4194304xf32, #tpu.memory_space<hbm>>) dst(%dma_wait3A_2537 : memref<16xf32, #tpu.memory_space<vmem>>)
    %dma_wait3A_2540 = arith.constant 400 : i32
    %dma_wait3A_2541 = tpu.memref_slice %arg8[%dma_wait3A_2540] : memref<1024xf32, #tpu.memory_space<vmem>> -> memref<16xf32, #tpu.memory_space<vmem>>
    %dma_wait3A_2542 = arith.constant 0 : i32
    %dma_wait3A_2543 = tpu.memref_slice %arg2[%dma_wait3A_2542] : memref<4194304xf32, #tpu.memory_space<hbm>> -> memref<4194304xf32, #tpu.memory_space<hbm>>
    tpu.wait_indirect_dma semaphore(%arg12 : memref<!tpu.dma_semaphore, #tpu.memory_space<semaphore_mem>>) src(%dma_wait3A_2543 : memref<4194304xf32, #tpu.memory_space<hbm>>) dst(%dma_wait3A_2541 : memref<16xf32, #tpu.memory_space<vmem>>)
    %dma_wait3A_2544 = arith.constant 416 : i32
    %dma_wait3A_2545 = tpu.memref_slice %arg8[%dma_wait3A_2544] : memref<1024xf32, #tpu.memory_space<vmem>> -> memref<16xf32, #tpu.memory_space<vmem>>
    %dma_wait3A_2546 = arith.constant 0 : i32
    %dma_wait3A_2547 = tpu.memref_slice %arg2[%dma_wait3A_2546] : memref<4194304xf32, #tpu.memory_space<hbm>> -> memref<4194304xf32, #tpu.memory_space<hbm>>
    tpu.wait_indirect_dma semaphore(%arg12 : memref<!tpu.dma_semaphore, #tpu.memory_space<semaphore_mem>>) src(%dma_wait3A_2547 : memref<4194304xf32, #tpu.memory_space<hbm>>) dst(%dma_wait3A_2545 : memref<16xf32, #tpu.memory_space<vmem>>)
    %dma_wait3A_2548 = arith.constant 432 : i32
    %dma_wait3A_2549 = tpu.memref_slice %arg8[%dma_wait3A_2548] : memref<1024xf32, #tpu.memory_space<vmem>> -> memref<16xf32, #tpu.memory_space<vmem>>
    %dma_wait3A_2550 = arith.constant 0 : i32
    %dma_wait3A_2551 = tpu.memref_slice %arg2[%dma_wait3A_2550] : memref<4194304xf32, #tpu.memory_space<hbm>> -> memref<4194304xf32, #tpu.memory_space<hbm>>
    tpu.wait_indirect_dma semaphore(%arg12 : memref<!tpu.dma_semaphore, #tpu.memory_space<semaphore_mem>>) src(%dma_wait3A_2551 : memref<4194304xf32, #tpu.memory_space<hbm>>) dst(%dma_wait3A_2549 : memref<16xf32, #tpu.memory_space<vmem>>)
    %dma_wait3A_2552 = arith.constant 448 : i32
    %dma_wait3A_2553 = tpu.memref_slice %arg8[%dma_wait3A_2552] : memref<1024xf32, #tpu.memory_space<vmem>> -> memref<16xf32, #tpu.memory_space<vmem>>
    %dma_wait3A_2554 = arith.constant 0 : i32
    %dma_wait3A_2555 = tpu.memref_slice %arg2[%dma_wait3A_2554] : memref<4194304xf32, #tpu.memory_space<hbm>> -> memref<4194304xf32, #tpu.memory_space<hbm>>
    tpu.wait_indirect_dma semaphore(%arg12 : memref<!tpu.dma_semaphore, #tpu.memory_space<semaphore_mem>>) src(%dma_wait3A_2555 : memref<4194304xf32, #tpu.memory_space<hbm>>) dst(%dma_wait3A_2553 : memref<16xf32, #tpu.memory_space<vmem>>)
    %dma_wait3A_2556 = arith.constant 464 : i32
    %dma_wait3A_2557 = tpu.memref_slice %arg8[%dma_wait3A_2556] : memref<1024xf32, #tpu.memory_space<vmem>> -> memref<16xf32, #tpu.memory_space<vmem>>
    %dma_wait3A_2558 = arith.constant 0 : i32
    %dma_wait3A_2559 = tpu.memref_slice %arg2[%dma_wait3A_2558] : memref<4194304xf32, #tpu.memory_space<hbm>> -> memref<4194304xf32, #tpu.memory_space<hbm>>
    tpu.wait_indirect_dma semaphore(%arg12 : memref<!tpu.dma_semaphore, #tpu.memory_space<semaphore_mem>>) src(%dma_wait3A_2559 : memref<4194304xf32, #tpu.memory_space<hbm>>) dst(%dma_wait3A_2557 : memref<16xf32, #tpu.memory_space<vmem>>)
    %dma_wait3A_2560 = arith.constant 480 : i32
    %dma_wait3A_2561 = tpu.memref_slice %arg8[%dma_wait3A_2560] : memref<1024xf32, #tpu.memory_space<vmem>> -> memref<16xf32, #tpu.memory_space<vmem>>
    %dma_wait3A_2562 = arith.constant 0 : i32
    %dma_wait3A_2563 = tpu.memref_slice %arg2[%dma_wait3A_2562] : memref<4194304xf32, #tpu.memory_space<hbm>> -> memref<4194304xf32, #tpu.memory_space<hbm>>
    tpu.wait_indirect_dma semaphore(%arg12 : memref<!tpu.dma_semaphore, #tpu.memory_space<semaphore_mem>>) src(%dma_wait3A_2563 : memref<4194304xf32, #tpu.memory_space<hbm>>) dst(%dma_wait3A_2561 : memref<16xf32, #tpu.memory_space<vmem>>)
    %dma_wait3A_2564 = arith.constant 496 : i32
    %dma_wait3A_2565 = tpu.memref_slice %arg8[%dma_wait3A_2564] : memref<1024xf32, #tpu.memory_space<vmem>> -> memref<16xf32, #tpu.memory_space<vmem>>
    %dma_wait3A_2566 = arith.constant 0 : i32
    %dma_wait3A_2567 = tpu.memref_slice %arg2[%dma_wait3A_2566] : memref<4194304xf32, #tpu.memory_space<hbm>> -> memref<4194304xf32, #tpu.memory_space<hbm>>
    tpu.wait_indirect_dma semaphore(%arg12 : memref<!tpu.dma_semaphore, #tpu.memory_space<semaphore_mem>>) src(%dma_wait3A_2567 : memref<4194304xf32, #tpu.memory_space<hbm>>) dst(%dma_wait3A_2565 : memref<16xf32, #tpu.memory_space<vmem>>)
    %dma_wait3A_2568 = arith.constant 512 : i32
    %dma_wait3A_2569 = tpu.memref_slice %arg8[%dma_wait3A_2568] : memref<1024xf32, #tpu.memory_space<vmem>> -> memref<16xf32, #tpu.memory_space<vmem>>
    %dma_wait3A_2570 = arith.constant 0 : i32
    %dma_wait3A_2571 = tpu.memref_slice %arg2[%dma_wait3A_2570] : memref<4194304xf32, #tpu.memory_space<hbm>> -> memref<4194304xf32, #tpu.memory_space<hbm>>
    tpu.wait_indirect_dma semaphore(%arg12 : memref<!tpu.dma_semaphore, #tpu.memory_space<semaphore_mem>>) src(%dma_wait3A_2571 : memref<4194304xf32, #tpu.memory_space<hbm>>) dst(%dma_wait3A_2569 : memref<16xf32, #tpu.memory_space<vmem>>)
    %dma_wait3A_2572 = arith.constant 528 : i32
    %dma_wait3A_2573 = tpu.memref_slice %arg8[%dma_wait3A_2572] : memref<1024xf32, #tpu.memory_space<vmem>> -> memref<16xf32, #tpu.memory_space<vmem>>
    %dma_wait3A_2574 = arith.constant 0 : i32
    %dma_wait3A_2575 = tpu.memref_slice %arg2[%dma_wait3A_2574] : memref<4194304xf32, #tpu.memory_space<hbm>> -> memref<4194304xf32, #tpu.memory_space<hbm>>
    tpu.wait_indirect_dma semaphore(%arg12 : memref<!tpu.dma_semaphore, #tpu.memory_space<semaphore_mem>>) src(%dma_wait3A_2575 : memref<4194304xf32, #tpu.memory_space<hbm>>) dst(%dma_wait3A_2573 : memref<16xf32, #tpu.memory_space<vmem>>)
    %dma_wait3A_2576 = arith.constant 544 : i32
    %dma_wait3A_2577 = tpu.memref_slice %arg8[%dma_wait3A_2576] : memref<1024xf32, #tpu.memory_space<vmem>> -> memref<16xf32, #tpu.memory_space<vmem>>
    %dma_wait3A_2578 = arith.constant 0 : i32
    %dma_wait3A_2579 = tpu.memref_slice %arg2[%dma_wait3A_2578] : memref<4194304xf32, #tpu.memory_space<hbm>> -> memref<4194304xf32, #tpu.memory_space<hbm>>
    tpu.wait_indirect_dma semaphore(%arg12 : memref<!tpu.dma_semaphore, #tpu.memory_space<semaphore_mem>>) src(%dma_wait3A_2579 : memref<4194304xf32, #tpu.memory_space<hbm>>) dst(%dma_wait3A_2577 : memref<16xf32, #tpu.memory_space<vmem>>)
    %dma_wait3A_2580 = arith.constant 560 : i32
    %dma_wait3A_2581 = tpu.memref_slice %arg8[%dma_wait3A_2580] : memref<1024xf32, #tpu.memory_space<vmem>> -> memref<16xf32, #tpu.memory_space<vmem>>
    %dma_wait3A_2582 = arith.constant 0 : i32
    %dma_wait3A_2583 = tpu.memref_slice %arg2[%dma_wait3A_2582] : memref<4194304xf32, #tpu.memory_space<hbm>> -> memref<4194304xf32, #tpu.memory_space<hbm>>
    tpu.wait_indirect_dma semaphore(%arg12 : memref<!tpu.dma_semaphore, #tpu.memory_space<semaphore_mem>>) src(%dma_wait3A_2583 : memref<4194304xf32, #tpu.memory_space<hbm>>) dst(%dma_wait3A_2581 : memref<16xf32, #tpu.memory_space<vmem>>)
    %dma_wait3A_2584 = arith.constant 576 : i32
    %dma_wait3A_2585 = tpu.memref_slice %arg8[%dma_wait3A_2584] : memref<1024xf32, #tpu.memory_space<vmem>> -> memref<16xf32, #tpu.memory_space<vmem>>
    %dma_wait3A_2586 = arith.constant 0 : i32
    %dma_wait3A_2587 = tpu.memref_slice %arg2[%dma_wait3A_2586] : memref<4194304xf32, #tpu.memory_space<hbm>> -> memref<4194304xf32, #tpu.memory_space<hbm>>
    tpu.wait_indirect_dma semaphore(%arg12 : memref<!tpu.dma_semaphore, #tpu.memory_space<semaphore_mem>>) src(%dma_wait3A_2587 : memref<4194304xf32, #tpu.memory_space<hbm>>) dst(%dma_wait3A_2585 : memref<16xf32, #tpu.memory_space<vmem>>)
    %dma_wait3A_2588 = arith.constant 592 : i32
    %dma_wait3A_2589 = tpu.memref_slice %arg8[%dma_wait3A_2588] : memref<1024xf32, #tpu.memory_space<vmem>> -> memref<16xf32, #tpu.memory_space<vmem>>
    %dma_wait3A_2590 = arith.constant 0 : i32
    %dma_wait3A_2591 = tpu.memref_slice %arg2[%dma_wait3A_2590] : memref<4194304xf32, #tpu.memory_space<hbm>> -> memref<4194304xf32, #tpu.memory_space<hbm>>
    tpu.wait_indirect_dma semaphore(%arg12 : memref<!tpu.dma_semaphore, #tpu.memory_space<semaphore_mem>>) src(%dma_wait3A_2591 : memref<4194304xf32, #tpu.memory_space<hbm>>) dst(%dma_wait3A_2589 : memref<16xf32, #tpu.memory_space<vmem>>)
    %dma_wait3A_2592 = arith.constant 608 : i32
    %dma_wait3A_2593 = tpu.memref_slice %arg8[%dma_wait3A_2592] : memref<1024xf32, #tpu.memory_space<vmem>> -> memref<16xf32, #tpu.memory_space<vmem>>
    %dma_wait3A_2594 = arith.constant 0 : i32
    %dma_wait3A_2595 = tpu.memref_slice %arg2[%dma_wait3A_2594] : memref<4194304xf32, #tpu.memory_space<hbm>> -> memref<4194304xf32, #tpu.memory_space<hbm>>
    tpu.wait_indirect_dma semaphore(%arg12 : memref<!tpu.dma_semaphore, #tpu.memory_space<semaphore_mem>>) src(%dma_wait3A_2595 : memref<4194304xf32, #tpu.memory_space<hbm>>) dst(%dma_wait3A_2593 : memref<16xf32, #tpu.memory_space<vmem>>)
    %dma_wait3A_2596 = arith.constant 624 : i32
    %dma_wait3A_2597 = tpu.memref_slice %arg8[%dma_wait3A_2596] : memref<1024xf32, #tpu.memory_space<vmem>> -> memref<16xf32, #tpu.memory_space<vmem>>
    %dma_wait3A_2598 = arith.constant 0 : i32
    %dma_wait3A_2599 = tpu.memref_slice %arg2[%dma_wait3A_2598] : memref<4194304xf32, #tpu.memory_space<hbm>> -> memref<4194304xf32, #tpu.memory_space<hbm>>
    tpu.wait_indirect_dma semaphore(%arg12 : memref<!tpu.dma_semaphore, #tpu.memory_space<semaphore_mem>>) src(%dma_wait3A_2599 : memref<4194304xf32, #tpu.memory_space<hbm>>) dst(%dma_wait3A_2597 : memref<16xf32, #tpu.memory_space<vmem>>)
    %dma_wait3A_2600 = arith.constant 640 : i32
    %dma_wait3A_2601 = tpu.memref_slice %arg8[%dma_wait3A_2600] : memref<1024xf32, #tpu.memory_space<vmem>> -> memref<16xf32, #tpu.memory_space<vmem>>
    %dma_wait3A_2602 = arith.constant 0 : i32
    %dma_wait3A_2603 = tpu.memref_slice %arg2[%dma_wait3A_2602] : memref<4194304xf32, #tpu.memory_space<hbm>> -> memref<4194304xf32, #tpu.memory_space<hbm>>
    tpu.wait_indirect_dma semaphore(%arg12 : memref<!tpu.dma_semaphore, #tpu.memory_space<semaphore_mem>>) src(%dma_wait3A_2603 : memref<4194304xf32, #tpu.memory_space<hbm>>) dst(%dma_wait3A_2601 : memref<16xf32, #tpu.memory_space<vmem>>)
    %dma_wait3A_2604 = arith.constant 656 : i32
    %dma_wait3A_2605 = tpu.memref_slice %arg8[%dma_wait3A_2604] : memref<1024xf32, #tpu.memory_space<vmem>> -> memref<16xf32, #tpu.memory_space<vmem>>
    %dma_wait3A_2606 = arith.constant 0 : i32
    %dma_wait3A_2607 = tpu.memref_slice %arg2[%dma_wait3A_2606] : memref<4194304xf32, #tpu.memory_space<hbm>> -> memref<4194304xf32, #tpu.memory_space<hbm>>
    tpu.wait_indirect_dma semaphore(%arg12 : memref<!tpu.dma_semaphore, #tpu.memory_space<semaphore_mem>>) src(%dma_wait3A_2607 : memref<4194304xf32, #tpu.memory_space<hbm>>) dst(%dma_wait3A_2605 : memref<16xf32, #tpu.memory_space<vmem>>)
    %dma_wait3A_2608 = arith.constant 672 : i32
    %dma_wait3A_2609 = tpu.memref_slice %arg8[%dma_wait3A_2608] : memref<1024xf32, #tpu.memory_space<vmem>> -> memref<16xf32, #tpu.memory_space<vmem>>
    %dma_wait3A_2610 = arith.constant 0 : i32
    %dma_wait3A_2611 = tpu.memref_slice %arg2[%dma_wait3A_2610] : memref<4194304xf32, #tpu.memory_space<hbm>> -> memref<4194304xf32, #tpu.memory_space<hbm>>
    tpu.wait_indirect_dma semaphore(%arg12 : memref<!tpu.dma_semaphore, #tpu.memory_space<semaphore_mem>>) src(%dma_wait3A_2611 : memref<4194304xf32, #tpu.memory_space<hbm>>) dst(%dma_wait3A_2609 : memref<16xf32, #tpu.memory_space<vmem>>)
    %dma_wait3A_2612 = arith.constant 688 : i32
    %dma_wait3A_2613 = tpu.memref_slice %arg8[%dma_wait3A_2612] : memref<1024xf32, #tpu.memory_space<vmem>> -> memref<16xf32, #tpu.memory_space<vmem>>
    %dma_wait3A_2614 = arith.constant 0 : i32
    %dma_wait3A_2615 = tpu.memref_slice %arg2[%dma_wait3A_2614] : memref<4194304xf32, #tpu.memory_space<hbm>> -> memref<4194304xf32, #tpu.memory_space<hbm>>
    tpu.wait_indirect_dma semaphore(%arg12 : memref<!tpu.dma_semaphore, #tpu.memory_space<semaphore_mem>>) src(%dma_wait3A_2615 : memref<4194304xf32, #tpu.memory_space<hbm>>) dst(%dma_wait3A_2613 : memref<16xf32, #tpu.memory_space<vmem>>)
    %dma_wait3A_2616 = arith.constant 704 : i32
    %dma_wait3A_2617 = tpu.memref_slice %arg8[%dma_wait3A_2616] : memref<1024xf32, #tpu.memory_space<vmem>> -> memref<16xf32, #tpu.memory_space<vmem>>
    %dma_wait3A_2618 = arith.constant 0 : i32
    %dma_wait3A_2619 = tpu.memref_slice %arg2[%dma_wait3A_2618] : memref<4194304xf32, #tpu.memory_space<hbm>> -> memref<4194304xf32, #tpu.memory_space<hbm>>
    tpu.wait_indirect_dma semaphore(%arg12 : memref<!tpu.dma_semaphore, #tpu.memory_space<semaphore_mem>>) src(%dma_wait3A_2619 : memref<4194304xf32, #tpu.memory_space<hbm>>) dst(%dma_wait3A_2617 : memref<16xf32, #tpu.memory_space<vmem>>)
    %dma_wait3A_2620 = arith.constant 720 : i32
    %dma_wait3A_2621 = tpu.memref_slice %arg8[%dma_wait3A_2620] : memref<1024xf32, #tpu.memory_space<vmem>> -> memref<16xf32, #tpu.memory_space<vmem>>
    %dma_wait3A_2622 = arith.constant 0 : i32
    %dma_wait3A_2623 = tpu.memref_slice %arg2[%dma_wait3A_2622] : memref<4194304xf32, #tpu.memory_space<hbm>> -> memref<4194304xf32, #tpu.memory_space<hbm>>
    tpu.wait_indirect_dma semaphore(%arg12 : memref<!tpu.dma_semaphore, #tpu.memory_space<semaphore_mem>>) src(%dma_wait3A_2623 : memref<4194304xf32, #tpu.memory_space<hbm>>) dst(%dma_wait3A_2621 : memref<16xf32, #tpu.memory_space<vmem>>)
    %dma_wait3A_2624 = arith.constant 736 : i32
    %dma_wait3A_2625 = tpu.memref_slice %arg8[%dma_wait3A_2624] : memref<1024xf32, #tpu.memory_space<vmem>> -> memref<16xf32, #tpu.memory_space<vmem>>
    %dma_wait3A_2626 = arith.constant 0 : i32
    %dma_wait3A_2627 = tpu.memref_slice %arg2[%dma_wait3A_2626] : memref<4194304xf32, #tpu.memory_space<hbm>> -> memref<4194304xf32, #tpu.memory_space<hbm>>
    tpu.wait_indirect_dma semaphore(%arg12 : memref<!tpu.dma_semaphore, #tpu.memory_space<semaphore_mem>>) src(%dma_wait3A_2627 : memref<4194304xf32, #tpu.memory_space<hbm>>) dst(%dma_wait3A_2625 : memref<16xf32, #tpu.memory_space<vmem>>)
    %dma_wait3A_2628 = arith.constant 752 : i32
    %dma_wait3A_2629 = tpu.memref_slice %arg8[%dma_wait3A_2628] : memref<1024xf32, #tpu.memory_space<vmem>> -> memref<16xf32, #tpu.memory_space<vmem>>
    %dma_wait3A_2630 = arith.constant 0 : i32
    %dma_wait3A_2631 = tpu.memref_slice %arg2[%dma_wait3A_2630] : memref<4194304xf32, #tpu.memory_space<hbm>> -> memref<4194304xf32, #tpu.memory_space<hbm>>
    tpu.wait_indirect_dma semaphore(%arg12 : memref<!tpu.dma_semaphore, #tpu.memory_space<semaphore_mem>>) src(%dma_wait3A_2631 : memref<4194304xf32, #tpu.memory_space<hbm>>) dst(%dma_wait3A_2629 : memref<16xf32, #tpu.memory_space<vmem>>)
    %dma_wait3A_2632 = arith.constant 768 : i32
    %dma_wait3A_2633 = tpu.memref_slice %arg8[%dma_wait3A_2632] : memref<1024xf32, #tpu.memory_space<vmem>> -> memref<16xf32, #tpu.memory_space<vmem>>
    %dma_wait3A_2634 = arith.constant 0 : i32
    %dma_wait3A_2635 = tpu.memref_slice %arg2[%dma_wait3A_2634] : memref<4194304xf32, #tpu.memory_space<hbm>> -> memref<4194304xf32, #tpu.memory_space<hbm>>
    tpu.wait_indirect_dma semaphore(%arg12 : memref<!tpu.dma_semaphore, #tpu.memory_space<semaphore_mem>>) src(%dma_wait3A_2635 : memref<4194304xf32, #tpu.memory_space<hbm>>) dst(%dma_wait3A_2633 : memref<16xf32, #tpu.memory_space<vmem>>)
    %dma_wait3A_2636 = arith.constant 784 : i32
    %dma_wait3A_2637 = tpu.memref_slice %arg8[%dma_wait3A_2636] : memref<1024xf32, #tpu.memory_space<vmem>> -> memref<16xf32, #tpu.memory_space<vmem>>
    %dma_wait3A_2638 = arith.constant 0 : i32
    %dma_wait3A_2639 = tpu.memref_slice %arg2[%dma_wait3A_2638] : memref<4194304xf32, #tpu.memory_space<hbm>> -> memref<4194304xf32, #tpu.memory_space<hbm>>
    tpu.wait_indirect_dma semaphore(%arg12 : memref<!tpu.dma_semaphore, #tpu.memory_space<semaphore_mem>>) src(%dma_wait3A_2639 : memref<4194304xf32, #tpu.memory_space<hbm>>) dst(%dma_wait3A_2637 : memref<16xf32, #tpu.memory_space<vmem>>)
    %dma_wait3A_2640 = arith.constant 800 : i32
    %dma_wait3A_2641 = tpu.memref_slice %arg8[%dma_wait3A_2640] : memref<1024xf32, #tpu.memory_space<vmem>> -> memref<16xf32, #tpu.memory_space<vmem>>
    %dma_wait3A_2642 = arith.constant 0 : i32
    %dma_wait3A_2643 = tpu.memref_slice %arg2[%dma_wait3A_2642] : memref<4194304xf32, #tpu.memory_space<hbm>> -> memref<4194304xf32, #tpu.memory_space<hbm>>
    tpu.wait_indirect_dma semaphore(%arg12 : memref<!tpu.dma_semaphore, #tpu.memory_space<semaphore_mem>>) src(%dma_wait3A_2643 : memref<4194304xf32, #tpu.memory_space<hbm>>) dst(%dma_wait3A_2641 : memref<16xf32, #tpu.memory_space<vmem>>)
    %dma_wait3A_2644 = arith.constant 816 : i32
    %dma_wait3A_2645 = tpu.memref_slice %arg8[%dma_wait3A_2644] : memref<1024xf32, #tpu.memory_space<vmem>> -> memref<16xf32, #tpu.memory_space<vmem>>
    %dma_wait3A_2646 = arith.constant 0 : i32
    %dma_wait3A_2647 = tpu.memref_slice %arg2[%dma_wait3A_2646] : memref<4194304xf32, #tpu.memory_space<hbm>> -> memref<4194304xf32, #tpu.memory_space<hbm>>
    tpu.wait_indirect_dma semaphore(%arg12 : memref<!tpu.dma_semaphore, #tpu.memory_space<semaphore_mem>>) src(%dma_wait3A_2647 : memref<4194304xf32, #tpu.memory_space<hbm>>) dst(%dma_wait3A_2645 : memref<16xf32, #tpu.memory_space<vmem>>)
    %dma_wait3A_2648 = arith.constant 832 : i32
    %dma_wait3A_2649 = tpu.memref_slice %arg8[%dma_wait3A_2648] : memref<1024xf32, #tpu.memory_space<vmem>> -> memref<16xf32, #tpu.memory_space<vmem>>
    %dma_wait3A_2650 = arith.constant 0 : i32
    %dma_wait3A_2651 = tpu.memref_slice %arg2[%dma_wait3A_2650] : memref<4194304xf32, #tpu.memory_space<hbm>> -> memref<4194304xf32, #tpu.memory_space<hbm>>
    tpu.wait_indirect_dma semaphore(%arg12 : memref<!tpu.dma_semaphore, #tpu.memory_space<semaphore_mem>>) src(%dma_wait3A_2651 : memref<4194304xf32, #tpu.memory_space<hbm>>) dst(%dma_wait3A_2649 : memref<16xf32, #tpu.memory_space<vmem>>)
    %dma_wait3A_2652 = arith.constant 848 : i32
    %dma_wait3A_2653 = tpu.memref_slice %arg8[%dma_wait3A_2652] : memref<1024xf32, #tpu.memory_space<vmem>> -> memref<16xf32, #tpu.memory_space<vmem>>
    %dma_wait3A_2654 = arith.constant 0 : i32
    %dma_wait3A_2655 = tpu.memref_slice %arg2[%dma_wait3A_2654] : memref<4194304xf32, #tpu.memory_space<hbm>> -> memref<4194304xf32, #tpu.memory_space<hbm>>
    tpu.wait_indirect_dma semaphore(%arg12 : memref<!tpu.dma_semaphore, #tpu.memory_space<semaphore_mem>>) src(%dma_wait3A_2655 : memref<4194304xf32, #tpu.memory_space<hbm>>) dst(%dma_wait3A_2653 : memref<16xf32, #tpu.memory_space<vmem>>)
    %dma_wait3A_2656 = arith.constant 864 : i32
    %dma_wait3A_2657 = tpu.memref_slice %arg8[%dma_wait3A_2656] : memref<1024xf32, #tpu.memory_space<vmem>> -> memref<16xf32, #tpu.memory_space<vmem>>
    %dma_wait3A_2658 = arith.constant 0 : i32
    %dma_wait3A_2659 = tpu.memref_slice %arg2[%dma_wait3A_2658] : memref<4194304xf32, #tpu.memory_space<hbm>> -> memref<4194304xf32, #tpu.memory_space<hbm>>
    tpu.wait_indirect_dma semaphore(%arg12 : memref<!tpu.dma_semaphore, #tpu.memory_space<semaphore_mem>>) src(%dma_wait3A_2659 : memref<4194304xf32, #tpu.memory_space<hbm>>) dst(%dma_wait3A_2657 : memref<16xf32, #tpu.memory_space<vmem>>)
    %dma_wait3A_2660 = arith.constant 880 : i32
    %dma_wait3A_2661 = tpu.memref_slice %arg8[%dma_wait3A_2660] : memref<1024xf32, #tpu.memory_space<vmem>> -> memref<16xf32, #tpu.memory_space<vmem>>
    %dma_wait3A_2662 = arith.constant 0 : i32
    %dma_wait3A_2663 = tpu.memref_slice %arg2[%dma_wait3A_2662] : memref<4194304xf32, #tpu.memory_space<hbm>> -> memref<4194304xf32, #tpu.memory_space<hbm>>
    tpu.wait_indirect_dma semaphore(%arg12 : memref<!tpu.dma_semaphore, #tpu.memory_space<semaphore_mem>>) src(%dma_wait3A_2663 : memref<4194304xf32, #tpu.memory_space<hbm>>) dst(%dma_wait3A_2661 : memref<16xf32, #tpu.memory_space<vmem>>)
    %dma_wait3A_2664 = arith.constant 896 : i32
    %dma_wait3A_2665 = tpu.memref_slice %arg8[%dma_wait3A_2664] : memref<1024xf32, #tpu.memory_space<vmem>> -> memref<16xf32, #tpu.memory_space<vmem>>
    %dma_wait3A_2666 = arith.constant 0 : i32
    %dma_wait3A_2667 = tpu.memref_slice %arg2[%dma_wait3A_2666] : memref<4194304xf32, #tpu.memory_space<hbm>> -> memref<4194304xf32, #tpu.memory_space<hbm>>
    tpu.wait_indirect_dma semaphore(%arg12 : memref<!tpu.dma_semaphore, #tpu.memory_space<semaphore_mem>>) src(%dma_wait3A_2667 : memref<4194304xf32, #tpu.memory_space<hbm>>) dst(%dma_wait3A_2665 : memref<16xf32, #tpu.memory_space<vmem>>)
    %dma_wait3A_2668 = arith.constant 912 : i32
    %dma_wait3A_2669 = tpu.memref_slice %arg8[%dma_wait3A_2668] : memref<1024xf32, #tpu.memory_space<vmem>> -> memref<16xf32, #tpu.memory_space<vmem>>
    %dma_wait3A_2670 = arith.constant 0 : i32
    %dma_wait3A_2671 = tpu.memref_slice %arg2[%dma_wait3A_2670] : memref<4194304xf32, #tpu.memory_space<hbm>> -> memref<4194304xf32, #tpu.memory_space<hbm>>
    tpu.wait_indirect_dma semaphore(%arg12 : memref<!tpu.dma_semaphore, #tpu.memory_space<semaphore_mem>>) src(%dma_wait3A_2671 : memref<4194304xf32, #tpu.memory_space<hbm>>) dst(%dma_wait3A_2669 : memref<16xf32, #tpu.memory_space<vmem>>)
    %dma_wait3A_2672 = arith.constant 928 : i32
    %dma_wait3A_2673 = tpu.memref_slice %arg8[%dma_wait3A_2672] : memref<1024xf32, #tpu.memory_space<vmem>> -> memref<16xf32, #tpu.memory_space<vmem>>
    %dma_wait3A_2674 = arith.constant 0 : i32
    %dma_wait3A_2675 = tpu.memref_slice %arg2[%dma_wait3A_2674] : memref<4194304xf32, #tpu.memory_space<hbm>> -> memref<4194304xf32, #tpu.memory_space<hbm>>
    tpu.wait_indirect_dma semaphore(%arg12 : memref<!tpu.dma_semaphore, #tpu.memory_space<semaphore_mem>>) src(%dma_wait3A_2675 : memref<4194304xf32, #tpu.memory_space<hbm>>) dst(%dma_wait3A_2673 : memref<16xf32, #tpu.memory_space<vmem>>)
    %dma_wait3A_2676 = arith.constant 944 : i32
    %dma_wait3A_2677 = tpu.memref_slice %arg8[%dma_wait3A_2676] : memref<1024xf32, #tpu.memory_space<vmem>> -> memref<16xf32, #tpu.memory_space<vmem>>
    %dma_wait3A_2678 = arith.constant 0 : i32
    %dma_wait3A_2679 = tpu.memref_slice %arg2[%dma_wait3A_2678] : memref<4194304xf32, #tpu.memory_space<hbm>> -> memref<4194304xf32, #tpu.memory_space<hbm>>
    tpu.wait_indirect_dma semaphore(%arg12 : memref<!tpu.dma_semaphore, #tpu.memory_space<semaphore_mem>>) src(%dma_wait3A_2679 : memref<4194304xf32, #tpu.memory_space<hbm>>) dst(%dma_wait3A_2677 : memref<16xf32, #tpu.memory_space<vmem>>)
    %dma_wait3A_2680 = arith.constant 960 : i32
    %dma_wait3A_2681 = tpu.memref_slice %arg8[%dma_wait3A_2680] : memref<1024xf32, #tpu.memory_space<vmem>> -> memref<16xf32, #tpu.memory_space<vmem>>
    %dma_wait3A_2682 = arith.constant 0 : i32
    %dma_wait3A_2683 = tpu.memref_slice %arg2[%dma_wait3A_2682] : memref<4194304xf32, #tpu.memory_space<hbm>> -> memref<4194304xf32, #tpu.memory_space<hbm>>
    tpu.wait_indirect_dma semaphore(%arg12 : memref<!tpu.dma_semaphore, #tpu.memory_space<semaphore_mem>>) src(%dma_wait3A_2683 : memref<4194304xf32, #tpu.memory_space<hbm>>) dst(%dma_wait3A_2681 : memref<16xf32, #tpu.memory_space<vmem>>)
    %dma_wait3A_2684 = arith.constant 976 : i32
    %dma_wait3A_2685 = tpu.memref_slice %arg8[%dma_wait3A_2684] : memref<1024xf32, #tpu.memory_space<vmem>> -> memref<16xf32, #tpu.memory_space<vmem>>
    %dma_wait3A_2686 = arith.constant 0 : i32
    %dma_wait3A_2687 = tpu.memref_slice %arg2[%dma_wait3A_2686] : memref<4194304xf32, #tpu.memory_space<hbm>> -> memref<4194304xf32, #tpu.memory_space<hbm>>
    tpu.wait_indirect_dma semaphore(%arg12 : memref<!tpu.dma_semaphore, #tpu.memory_space<semaphore_mem>>) src(%dma_wait3A_2687 : memref<4194304xf32, #tpu.memory_space<hbm>>) dst(%dma_wait3A_2685 : memref<16xf32, #tpu.memory_space<vmem>>)
    %dma_wait3A_2688 = arith.constant 992 : i32
    %dma_wait3A_2689 = tpu.memref_slice %arg8[%dma_wait3A_2688] : memref<1024xf32, #tpu.memory_space<vmem>> -> memref<16xf32, #tpu.memory_space<vmem>>
    %dma_wait3A_2690 = arith.constant 0 : i32
    %dma_wait3A_2691 = tpu.memref_slice %arg2[%dma_wait3A_2690] : memref<4194304xf32, #tpu.memory_space<hbm>> -> memref<4194304xf32, #tpu.memory_space<hbm>>
    tpu.wait_indirect_dma semaphore(%arg12 : memref<!tpu.dma_semaphore, #tpu.memory_space<semaphore_mem>>) src(%dma_wait3A_2691 : memref<4194304xf32, #tpu.memory_space<hbm>>) dst(%dma_wait3A_2689 : memref<16xf32, #tpu.memory_space<vmem>>)
    %dma_wait3A_2692 = arith.constant 1008 : i32
    %dma_wait3A_2693 = tpu.memref_slice %arg8[%dma_wait3A_2692] : memref<1024xf32, #tpu.memory_space<vmem>> -> memref<16xf32, #tpu.memory_space<vmem>>
    %dma_wait3A_2694 = arith.constant 0 : i32
    %dma_wait3A_2695 = tpu.memref_slice %arg2[%dma_wait3A_2694] : memref<4194304xf32, #tpu.memory_space<hbm>> -> memref<4194304xf32, #tpu.memory_space<hbm>>
    tpu.wait_indirect_dma semaphore(%arg12 : memref<!tpu.dma_semaphore, #tpu.memory_space<semaphore_mem>>) src(%dma_wait3A_2695 : memref<4194304xf32, #tpu.memory_space<hbm>>) dst(%dma_wait3A_2693 : memref<16xf32, #tpu.memory_space<vmem>>)
    %broadcast_in_dim3A = arith.constant 0.000000e+00 : f32
    %broadcast_in_dim3A_2696 = vector.broadcast %broadcast_in_dim3A : f32 to vector<16xf32>
    %broadcast_in_dim3A_2697 = arith.constant 0.000000e+00 : f32
    %broadcast_in_dim3A_2698 = vector.broadcast %broadcast_in_dim3A_2697 : f32 to vector<16xf32>
    %get3A_2699 = arith.constant 0 : index
    %get3A_2700 = tpu.vector_load %arg9[%get3A_2699] {strides = array<i32>} : memref<512xf32, #tpu.memory_space<vmem>>, vector<16xf32>,
    %add3A_2701 = arith.addf %broadcast_in_dim3A_2698, %get3A_2700 : vector<16xf32>
    %get3A_2702 = arith.constant 0 : index
    %get3A_2703 = tpu.vector_load %arg8[%get3A_2702] {strides = array<i32>} : memref<1024xf32, #tpu.memory_space<vmem>>, vector<16xf32>,
    %get3A_2704 = arith.constant 0 : i32
    %get3A_2705 = arith.index_cast %get3A_2704 : i32 to index
    %get3A_2706 = arith.constant 0 : index
    %get3A_2707 = tpu.vector_load %arg10[%get3A_2705, %get3A_2706] {strides = array<i32>} : memref<2x512xf32, #tpu.memory_space<vmem>>, vector<16xf32>,
    %mul3A_2708 = arith.mulf %get3A_2703, %get3A_2700 : vector<16xf32>
    %mul3A_2709 = arith.mulf %get3A_2707, %get3A_2700 : vector<16xf32>
    %sub3A = arith.subf %mul3A_2708, %mul3A_2709 : vector<16xf32>
    %abs3A = math.absf %sub3A : vector<16xf32>
    %add3A_2710 = arith.addf %broadcast_in_dim3A_2696, %abs3A : vector<16xf32>
    %get3A_2711 = arith.constant 512 : index
    %get3A_2712 = tpu.vector_load %arg8[%get3A_2711] {strides = array<i32>} : memref<1024xf32, #tpu.memory_space<vmem>>, vector<16xf32>,
    %get3A_2713 = arith.constant 1 : i32
    %get3A_2714 = arith.index_cast %get3A_2713 : i32 to index
    %get3A_2715 = arith.constant 0 : index
    %get3A_2716 = tpu.vector_load %arg10[%get3A_2714, %get3A_2715] {strides = array<i32>} : memref<2x512xf32, #tpu.memory_space<vmem>>, vector<16xf32>,
    %mul3A_2717 = arith.mulf %get3A_2712, %get3A_2700 : vector<16xf32>
    %mul3A_2718 = arith.mulf %get3A_2716, %get3A_2700 : vector<16xf32>
    %sub3A_2719 = arith.subf %mul3A_2717, %mul3A_2718 : vector<16xf32>
    %abs3A_2720 = math.absf %sub3A_2719 : vector<16xf32>
    %add3A_2721 = arith.addf %add3A_2710, %abs3A_2720 : vector<16xf32>
    %get3A_2722 = arith.constant 16 : index
    %get3A_2723 = tpu.vector_load %arg9[%get3A_2722] {strides = array<i32>} : memref<512xf32, #tpu.memory_space<vmem>>, vector<16xf32>,
    %add3A_2724 = arith.addf %add3A_2701, %get3A_2723 : vector<16xf32>
    %get3A_2725 = arith.constant 16 : index
    %get3A_2726 = tpu.vector_load %arg8[%get3A_2725] {strides = array<i32>} : memref<1024xf32, #tpu.memory_space<vmem>>, vector<16xf32>,
    %get3A_2727 = arith.constant 0 : i32
    %get3A_2728 = arith.index_cast %get3A_2727 : i32 to index
    %get3A_2729 = arith.constant 16 : index
    %get3A_2730 = tpu.vector_load %arg10[%get3A_2728, %get3A_2729] {strides = array<i32>} : memref<2x512xf32, #tpu.memory_space<vmem>>, vector<16xf32>,
    %mul3A_2731 = arith.mulf %get3A_2726, %get3A_2723 : vector<16xf32>
    %mul3A_2732 = arith.mulf %get3A_2730, %get3A_2723 : vector<16xf32>
    %sub3A_2733 = arith.subf %mul3A_2731, %mul3A_2732 : vector<16xf32>
    %abs3A_2734 = math.absf %sub3A_2733 : vector<16xf32>
    %add3A_2735 = arith.addf %add3A_2721, %abs3A_2734 : vector<16xf32>
    %get3A_2736 = arith.constant 528 : index
    %get3A_2737 = tpu.vector_load %arg8[%get3A_2736] {strides = array<i32>} : memref<1024xf32, #tpu.memory_space<vmem>>, vector<16xf32>,
    %get3A_2738 = arith.constant 1 : i32
    %get3A_2739 = arith.index_cast %get3A_2738 : i32 to index
    %get3A_2740 = arith.constant 16 : index
    %get3A_2741 = tpu.vector_load %arg10[%get3A_2739, %get3A_2740] {strides = array<i32>} : memref<2x512xf32, #tpu.memory_space<vmem>>, vector<16xf32>,
    %mul3A_2742 = arith.mulf %get3A_2737, %get3A_2723 : vector<16xf32>
    %mul3A_2743 = arith.mulf %get3A_2741, %get3A_2723 : vector<16xf32>
    %sub3A_2744 = arith.subf %mul3A_2742, %mul3A_2743 : vector<16xf32>
    %abs3A_2745 = math.absf %sub3A_2744 : vector<16xf32>
    %add3A_2746 = arith.addf %add3A_2735, %abs3A_2745 : vector<16xf32>
    %get3A_2747 = arith.constant 32 : index
    %get3A_2748 = tpu.vector_load %arg9[%get3A_2747] {strides = array<i32>} : memref<512xf32, #tpu.memory_space<vmem>>, vector<16xf32>,
    %add3A_2749 = arith.addf %add3A_2724, %get3A_2748 : vector<16xf32>
    %get3A_2750 = arith.constant 32 : index
    %get3A_2751 = tpu.vector_load %arg8[%get3A_2750] {strides = array<i32>} : memref<1024xf32, #tpu.memory_space<vmem>>, vector<16xf32>,
    %get3A_2752 = arith.constant 0 : i32
    %get3A_2753 = arith.index_cast %get3A_2752 : i32 to index
    %get3A_2754 = arith.constant 32 : index
    %get3A_2755 = tpu.vector_load %arg10[%get3A_2753, %get3A_2754] {strides = array<i32>} : memref<2x512xf32, #tpu.memory_space<vmem>>, vector<16xf32>,
    %mul3A_2756 = arith.mulf %get3A_2751, %get3A_2748 : vector<16xf32>
    %mul3A_2757 = arith.mulf %get3A_2755, %get3A_2748 : vector<16xf32>
    %sub3A_2758 = arith.subf %mul3A_2756, %mul3A_2757 : vector<16xf32>
    %abs3A_2759 = math.absf %sub3A_2758 : vector<16xf32>
    %add3A_2760 = arith.addf %add3A_2746, %abs3A_2759 : vector<16xf32>
    %get3A_2761 = arith.constant 544 : index
    %get3A_2762 = tpu.vector_load %arg8[%get3A_2761] {strides = array<i32>} : memref<1024xf32, #tpu.memory_space<vmem>>, vector<16xf32>,
    %get3A_2763 = arith.constant 1 : i32
    %get3A_2764 = arith.index_cast %get3A_2763 : i32 to index
    %get3A_2765 = arith.constant 32 : index
    %get3A_2766 = tpu.vector_load %arg10[%get3A_2764, %get3A_2765] {strides = array<i32>} : memref<2x512xf32, #tpu.memory_space<vmem>>, vector<16xf32>,
    %mul3A_2767 = arith.mulf %get3A_2762, %get3A_2748 : vector<16xf32>
    %mul3A_2768 = arith.mulf %get3A_2766, %get3A_2748 : vector<16xf32>
    %sub3A_2769 = arith.subf %mul3A_2767, %mul3A_2768 : vector<16xf32>
    %abs3A_2770 = math.absf %sub3A_2769 : vector<16xf32>
    %add3A_2771 = arith.addf %add3A_2760, %abs3A_2770 : vector<16xf32>
    %get3A_2772 = arith.constant 48 : index
    %get3A_2773 = tpu.vector_load %arg9[%get3A_2772] {strides = array<i32>} : memref<512xf32, #tpu.memory_space<vmem>>, vector<16xf32>,
    %add3A_2774 = arith.addf %add3A_2749, %get3A_2773 : vector<16xf32>
    %get3A_2775 = arith.constant 48 : index
    %get3A_2776 = tpu.vector_load %arg8[%get3A_2775] {strides = array<i32>} : memref<1024xf32, #tpu.memory_space<vmem>>, vector<16xf32>,
    %get3A_2777 = arith.constant 0 : i32
    %get3A_2778 = arith.index_cast %get3A_2777 : i32 to index
    %get3A_2779 = arith.constant 48 : index
    %get3A_2780 = tpu.vector_load %arg10[%get3A_2778, %get3A_2779] {strides = array<i32>} : memref<2x512xf32, #tpu.memory_space<vmem>>, vector<16xf32>,
    %mul3A_2781 = arith.mulf %get3A_2776, %get3A_2773 : vector<16xf32>
    %mul3A_2782 = arith.mulf %get3A_2780, %get3A_2773 : vector<16xf32>
    %sub3A_2783 = arith.subf %mul3A_2781, %mul3A_2782 : vector<16xf32>
    %abs3A_2784 = math.absf %sub3A_2783 : vector<16xf32>
    %add3A_2785 = arith.addf %add3A_2771, %abs3A_2784 : vector<16xf32>
    %get3A_2786 = arith.constant 560 : index
    %get3A_2787 = tpu.vector_load %arg8[%get3A_2786] {strides = array<i32>} : memref<1024xf32, #tpu.memory_space<vmem>>, vector<16xf32>,
    %get3A_2788 = arith.constant 1 : i32
    %get3A_2789 = arith.index_cast %get3A_2788 : i32 to index
    %get3A_2790 = arith.constant 48 : index
    %get3A_2791 = tpu.vector_load %arg10[%get3A_2789, %get3A_2790] {strides = array<i32>} : memref<2x512xf32, #tpu.memory_space<vmem>>, vector<16xf32>,
    %mul3A_2792 = arith.mulf %get3A_2787, %get3A_2773 : vector<16xf32>
    %mul3A_2793 = arith.mulf %get3A_2791, %get3A_2773 : vector<16xf32>
    %sub3A_2794 = arith.subf %mul3A_2792, %mul3A_2793 : vector<16xf32>
    %abs3A_2795 = math.absf %sub3A_2794 : vector<16xf32>
    %add3A_2796 = arith.addf %add3A_2785, %abs3A_2795 : vector<16xf32>
    %get3A_2797 = arith.constant 64 : index
    %get3A_2798 = tpu.vector_load %arg9[%get3A_2797] {strides = array<i32>} : memref<512xf32, #tpu.memory_space<vmem>>, vector<16xf32>,
    %add3A_2799 = arith.addf %add3A_2774, %get3A_2798 : vector<16xf32>
    %get3A_2800 = arith.constant 64 : index
    %get3A_2801 = tpu.vector_load %arg8[%get3A_2800] {strides = array<i32>} : memref<1024xf32, #tpu.memory_space<vmem>>, vector<16xf32>,
    %get3A_2802 = arith.constant 0 : i32
    %get3A_2803 = arith.index_cast %get3A_2802 : i32 to index
    %get3A_2804 = arith.constant 64 : index
    %get3A_2805 = tpu.vector_load %arg10[%get3A_2803, %get3A_2804] {strides = array<i32>} : memref<2x512xf32, #tpu.memory_space<vmem>>, vector<16xf32>,
    %mul3A_2806 = arith.mulf %get3A_2801, %get3A_2798 : vector<16xf32>
    %mul3A_2807 = arith.mulf %get3A_2805, %get3A_2798 : vector<16xf32>
    %sub3A_2808 = arith.subf %mul3A_2806, %mul3A_2807 : vector<16xf32>
    %abs3A_2809 = math.absf %sub3A_2808 : vector<16xf32>
    %add3A_2810 = arith.addf %add3A_2796, %abs3A_2809 : vector<16xf32>
    %get3A_2811 = arith.constant 576 : index
    %get3A_2812 = tpu.vector_load %arg8[%get3A_2811] {strides = array<i32>} : memref<1024xf32, #tpu.memory_space<vmem>>, vector<16xf32>,
    %get3A_2813 = arith.constant 1 : i32
    %get3A_2814 = arith.index_cast %get3A_2813 : i32 to index
    %get3A_2815 = arith.constant 64 : index
    %get3A_2816 = tpu.vector_load %arg10[%get3A_2814, %get3A_2815] {strides = array<i32>} : memref<2x512xf32, #tpu.memory_space<vmem>>, vector<16xf32>,
    %mul3A_2817 = arith.mulf %get3A_2812, %get3A_2798 : vector<16xf32>
    %mul3A_2818 = arith.mulf %get3A_2816, %get3A_2798 : vector<16xf32>
    %sub3A_2819 = arith.subf %mul3A_2817, %mul3A_2818 : vector<16xf32>
    %abs3A_2820 = math.absf %sub3A_2819 : vector<16xf32>
    %add3A_2821 = arith.addf %add3A_2810, %abs3A_2820 : vector<16xf32>
    %get3A_2822 = arith.constant 80 : index
    %get3A_2823 = tpu.vector_load %arg9[%get3A_2822] {strides = array<i32>} : memref<512xf32, #tpu.memory_space<vmem>>, vector<16xf32>,
    %add3A_2824 = arith.addf %add3A_2799, %get3A_2823 : vector<16xf32>
    %get3A_2825 = arith.constant 80 : index
    %get3A_2826 = tpu.vector_load %arg8[%get3A_2825] {strides = array<i32>} : memref<1024xf32, #tpu.memory_space<vmem>>, vector<16xf32>,
    %get3A_2827 = arith.constant 0 : i32
    %get3A_2828 = arith.index_cast %get3A_2827 : i32 to index
    %get3A_2829 = arith.constant 80 : index
    %get3A_2830 = tpu.vector_load %arg10[%get3A_2828, %get3A_2829] {strides = array<i32>} : memref<2x512xf32, #tpu.memory_space<vmem>>, vector<16xf32>,
    %mul3A_2831 = arith.mulf %get3A_2826, %get3A_2823 : vector<16xf32>
    %mul3A_2832 = arith.mulf %get3A_2830, %get3A_2823 : vector<16xf32>
    %sub3A_2833 = arith.subf %mul3A_2831, %mul3A_2832 : vector<16xf32>
    %abs3A_2834 = math.absf %sub3A_2833 : vector<16xf32>
    %add3A_2835 = arith.addf %add3A_2821, %abs3A_2834 : vector<16xf32>
    %get3A_2836 = arith.constant 592 : index
    %get3A_2837 = tpu.vector_load %arg8[%get3A_2836] {strides = array<i32>} : memref<1024xf32, #tpu.memory_space<vmem>>, vector<16xf32>,
    %get3A_2838 = arith.constant 1 : i32
    %get3A_2839 = arith.index_cast %get3A_2838 : i32 to index
    %get3A_2840 = arith.constant 80 : index
    %get3A_2841 = tpu.vector_load %arg10[%get3A_2839, %get3A_2840] {strides = array<i32>} : memref<2x512xf32, #tpu.memory_space<vmem>>, vector<16xf32>,
    %mul3A_2842 = arith.mulf %get3A_2837, %get3A_2823 : vector<16xf32>
    %mul3A_2843 = arith.mulf %get3A_2841, %get3A_2823 : vector<16xf32>
    %sub3A_2844 = arith.subf %mul3A_2842, %mul3A_2843 : vector<16xf32>
    %abs3A_2845 = math.absf %sub3A_2844 : vector<16xf32>
    %add3A_2846 = arith.addf %add3A_2835, %abs3A_2845 : vector<16xf32>
    %get3A_2847 = arith.constant 96 : index
    %get3A_2848 = tpu.vector_load %arg9[%get3A_2847] {strides = array<i32>} : memref<512xf32, #tpu.memory_space<vmem>>, vector<16xf32>,
    %add3A_2849 = arith.addf %add3A_2824, %get3A_2848 : vector<16xf32>
    %get3A_2850 = arith.constant 96 : index
    %get3A_2851 = tpu.vector_load %arg8[%get3A_2850] {strides = array<i32>} : memref<1024xf32, #tpu.memory_space<vmem>>, vector<16xf32>,
    %get3A_2852 = arith.constant 0 : i32
    %get3A_2853 = arith.index_cast %get3A_2852 : i32 to index
    %get3A_2854 = arith.constant 96 : index
    %get3A_2855 = tpu.vector_load %arg10[%get3A_2853, %get3A_2854] {strides = array<i32>} : memref<2x512xf32, #tpu.memory_space<vmem>>, vector<16xf32>,
    %mul3A_2856 = arith.mulf %get3A_2851, %get3A_2848 : vector<16xf32>
    %mul3A_2857 = arith.mulf %get3A_2855, %get3A_2848 : vector<16xf32>
    %sub3A_2858 = arith.subf %mul3A_2856, %mul3A_2857 : vector<16xf32>
    %abs3A_2859 = math.absf %sub3A_2858 : vector<16xf32>
    %add3A_2860 = arith.addf %add3A_2846, %abs3A_2859 : vector<16xf32>
    %get3A_2861 = arith.constant 608 : index
    %get3A_2862 = tpu.vector_load %arg8[%get3A_2861] {strides = array<i32>} : memref<1024xf32, #tpu.memory_space<vmem>>, vector<16xf32>,
    %get3A_2863 = arith.constant 1 : i32
    %get3A_2864 = arith.index_cast %get3A_2863 : i32 to index
    %get3A_2865 = arith.constant 96 : index
    %get3A_2866 = tpu.vector_load %arg10[%get3A_2864, %get3A_2865] {strides = array<i32>} : memref<2x512xf32, #tpu.memory_space<vmem>>, vector<16xf32>,
    %mul3A_2867 = arith.mulf %get3A_2862, %get3A_2848 : vector<16xf32>
    %mul3A_2868 = arith.mulf %get3A_2866, %get3A_2848 : vector<16xf32>
    %sub3A_2869 = arith.subf %mul3A_2867, %mul3A_2868 : vector<16xf32>
    %abs3A_2870 = math.absf %sub3A_2869 : vector<16xf32>
    %add3A_2871 = arith.addf %add3A_2860, %abs3A_2870 : vector<16xf32>
    %get3A_2872 = arith.constant 112 : index
    %get3A_2873 = tpu.vector_load %arg9[%get3A_2872] {strides = array<i32>} : memref<512xf32, #tpu.memory_space<vmem>>, vector<16xf32>,
    %add3A_2874 = arith.addf %add3A_2849, %get3A_2873 : vector<16xf32>
    %get3A_2875 = arith.constant 112 : index
    %get3A_2876 = tpu.vector_load %arg8[%get3A_2875] {strides = array<i32>} : memref<1024xf32, #tpu.memory_space<vmem>>, vector<16xf32>,
    %get3A_2877 = arith.constant 0 : i32
    %get3A_2878 = arith.index_cast %get3A_2877 : i32 to index
    %get3A_2879 = arith.constant 112 : index
    %get3A_2880 = tpu.vector_load %arg10[%get3A_2878, %get3A_2879] {strides = array<i32>} : memref<2x512xf32, #tpu.memory_space<vmem>>, vector<16xf32>,
    %mul3A_2881 = arith.mulf %get3A_2876, %get3A_2873 : vector<16xf32>
    %mul3A_2882 = arith.mulf %get3A_2880, %get3A_2873 : vector<16xf32>
    %sub3A_2883 = arith.subf %mul3A_2881, %mul3A_2882 : vector<16xf32>
    %abs3A_2884 = math.absf %sub3A_2883 : vector<16xf32>
    %add3A_2885 = arith.addf %add3A_2871, %abs3A_2884 : vector<16xf32>
    %get3A_2886 = arith.constant 624 : index
    %get3A_2887 = tpu.vector_load %arg8[%get3A_2886] {strides = array<i32>} : memref<1024xf32, #tpu.memory_space<vmem>>, vector<16xf32>,
    %get3A_2888 = arith.constant 1 : i32
    %get3A_2889 = arith.index_cast %get3A_2888 : i32 to index
    %get3A_2890 = arith.constant 112 : index
    %get3A_2891 = tpu.vector_load %arg10[%get3A_2889, %get3A_2890] {strides = array<i32>} : memref<2x512xf32, #tpu.memory_space<vmem>>, vector<16xf32>,
    %mul3A_2892 = arith.mulf %get3A_2887, %get3A_2873 : vector<16xf32>
    %mul3A_2893 = arith.mulf %get3A_2891, %get3A_2873 : vector<16xf32>
    %sub3A_2894 = arith.subf %mul3A_2892, %mul3A_2893 : vector<16xf32>
    %abs3A_2895 = math.absf %sub3A_2894 : vector<16xf32>
    %add3A_2896 = arith.addf %add3A_2885, %abs3A_2895 : vector<16xf32>
    %get3A_2897 = arith.constant 128 : index
    %get3A_2898 = tpu.vector_load %arg9[%get3A_2897] {strides = array<i32>} : memref<512xf32, #tpu.memory_space<vmem>>, vector<16xf32>,
    %add3A_2899 = arith.addf %add3A_2874, %get3A_2898 : vector<16xf32>
    %get3A_2900 = arith.constant 128 : index
    %get3A_2901 = tpu.vector_load %arg8[%get3A_2900] {strides = array<i32>} : memref<1024xf32, #tpu.memory_space<vmem>>, vector<16xf32>,
    %get3A_2902 = arith.constant 0 : i32
    %get3A_2903 = arith.index_cast %get3A_2902 : i32 to index
    %get3A_2904 = arith.constant 128 : index
    %get3A_2905 = tpu.vector_load %arg10[%get3A_2903, %get3A_2904] {strides = array<i32>} : memref<2x512xf32, #tpu.memory_space<vmem>>, vector<16xf32>,
    %mul3A_2906 = arith.mulf %get3A_2901, %get3A_2898 : vector<16xf32>
    %mul3A_2907 = arith.mulf %get3A_2905, %get3A_2898 : vector<16xf32>
    %sub3A_2908 = arith.subf %mul3A_2906, %mul3A_2907 : vector<16xf32>
    %abs3A_2909 = math.absf %sub3A_2908 : vector<16xf32>
    %add3A_2910 = arith.addf %add3A_2896, %abs3A_2909 : vector<16xf32>
    %get3A_2911 = arith.constant 640 : index
    %get3A_2912 = tpu.vector_load %arg8[%get3A_2911] {strides = array<i32>} : memref<1024xf32, #tpu.memory_space<vmem>>, vector<16xf32>,
    %get3A_2913 = arith.constant 1 : i32
    %get3A_2914 = arith.index_cast %get3A_2913 : i32 to index
    %get3A_2915 = arith.constant 128 : index
    %get3A_2916 = tpu.vector_load %arg10[%get3A_2914, %get3A_2915] {strides = array<i32>} : memref<2x512xf32, #tpu.memory_space<vmem>>, vector<16xf32>,
    %mul3A_2917 = arith.mulf %get3A_2912, %get3A_2898 : vector<16xf32>
    %mul3A_2918 = arith.mulf %get3A_2916, %get3A_2898 : vector<16xf32>
    %sub3A_2919 = arith.subf %mul3A_2917, %mul3A_2918 : vector<16xf32>
    %abs3A_2920 = math.absf %sub3A_2919 : vector<16xf32>
    %add3A_2921 = arith.addf %add3A_2910, %abs3A_2920 : vector<16xf32>
    %get3A_2922 = arith.constant 144 : index
    %get3A_2923 = tpu.vector_load %arg9[%get3A_2922] {strides = array<i32>} : memref<512xf32, #tpu.memory_space<vmem>>, vector<16xf32>,
    %add3A_2924 = arith.addf %add3A_2899, %get3A_2923 : vector<16xf32>
    %get3A_2925 = arith.constant 144 : index
    %get3A_2926 = tpu.vector_load %arg8[%get3A_2925] {strides = array<i32>} : memref<1024xf32, #tpu.memory_space<vmem>>, vector<16xf32>,
    %get3A_2927 = arith.constant 0 : i32
    %get3A_2928 = arith.index_cast %get3A_2927 : i32 to index
    %get3A_2929 = arith.constant 144 : index
    %get3A_2930 = tpu.vector_load %arg10[%get3A_2928, %get3A_2929] {strides = array<i32>} : memref<2x512xf32, #tpu.memory_space<vmem>>, vector<16xf32>,
    %mul3A_2931 = arith.mulf %get3A_2926, %get3A_2923 : vector<16xf32>
    %mul3A_2932 = arith.mulf %get3A_2930, %get3A_2923 : vector<16xf32>
    %sub3A_2933 = arith.subf %mul3A_2931, %mul3A_2932 : vector<16xf32>
    %abs3A_2934 = math.absf %sub3A_2933 : vector<16xf32>
    %add3A_2935 = arith.addf %add3A_2921, %abs3A_2934 : vector<16xf32>
    %get3A_2936 = arith.constant 656 : index
    %get3A_2937 = tpu.vector_load %arg8[%get3A_2936] {strides = array<i32>} : memref<1024xf32, #tpu.memory_space<vmem>>, vector<16xf32>,
    %get3A_2938 = arith.constant 1 : i32
    %get3A_2939 = arith.index_cast %get3A_2938 : i32 to index
    %get3A_2940 = arith.constant 144 : index
    %get3A_2941 = tpu.vector_load %arg10[%get3A_2939, %get3A_2940] {strides = array<i32>} : memref<2x512xf32, #tpu.memory_space<vmem>>, vector<16xf32>,
    %mul3A_2942 = arith.mulf %get3A_2937, %get3A_2923 : vector<16xf32>
    %mul3A_2943 = arith.mulf %get3A_2941, %get3A_2923 : vector<16xf32>
    %sub3A_2944 = arith.subf %mul3A_2942, %mul3A_2943 : vector<16xf32>
    %abs3A_2945 = math.absf %sub3A_2944 : vector<16xf32>
    %add3A_2946 = arith.addf %add3A_2935, %abs3A_2945 : vector<16xf32>
    %get3A_2947 = arith.constant 160 : index
    %get3A_2948 = tpu.vector_load %arg9[%get3A_2947] {strides = array<i32>} : memref<512xf32, #tpu.memory_space<vmem>>, vector<16xf32>,
    %add3A_2949 = arith.addf %add3A_2924, %get3A_2948 : vector<16xf32>
    %get3A_2950 = arith.constant 160 : index
    %get3A_2951 = tpu.vector_load %arg8[%get3A_2950] {strides = array<i32>} : memref<1024xf32, #tpu.memory_space<vmem>>, vector<16xf32>,
    %get3A_2952 = arith.constant 0 : i32
    %get3A_2953 = arith.index_cast %get3A_2952 : i32 to index
    %get3A_2954 = arith.constant 160 : index
    %get3A_2955 = tpu.vector_load %arg10[%get3A_2953, %get3A_2954] {strides = array<i32>} : memref<2x512xf32, #tpu.memory_space<vmem>>, vector<16xf32>,
    %mul3A_2956 = arith.mulf %get3A_2951, %get3A_2948 : vector<16xf32>
    %mul3A_2957 = arith.mulf %get3A_2955, %get3A_2948 : vector<16xf32>
    %sub3A_2958 = arith.subf %mul3A_2956, %mul3A_2957 : vector<16xf32>
    %abs3A_2959 = math.absf %sub3A_2958 : vector<16xf32>
    %add3A_2960 = arith.addf %add3A_2946, %abs3A_2959 : vector<16xf32>
    %get3A_2961 = arith.constant 672 : index
    %get3A_2962 = tpu.vector_load %arg8[%get3A_2961] {strides = array<i32>} : memref<1024xf32, #tpu.memory_space<vmem>>, vector<16xf32>,
    %get3A_2963 = arith.constant 1 : i32
    %get3A_2964 = arith.index_cast %get3A_2963 : i32 to index
    %get3A_2965 = arith.constant 160 : index
    %get3A_2966 = tpu.vector_load %arg10[%get3A_2964, %get3A_2965] {strides = array<i32>} : memref<2x512xf32, #tpu.memory_space<vmem>>, vector<16xf32>,
    %mul3A_2967 = arith.mulf %get3A_2962, %get3A_2948 : vector<16xf32>
    %mul3A_2968 = arith.mulf %get3A_2966, %get3A_2948 : vector<16xf32>
    %sub3A_2969 = arith.subf %mul3A_2967, %mul3A_2968 : vector<16xf32>
    %abs3A_2970 = math.absf %sub3A_2969 : vector<16xf32>
    %add3A_2971 = arith.addf %add3A_2960, %abs3A_2970 : vector<16xf32>
    %get3A_2972 = arith.constant 176 : index
    %get3A_2973 = tpu.vector_load %arg9[%get3A_2972] {strides = array<i32>} : memref<512xf32, #tpu.memory_space<vmem>>, vector<16xf32>,
    %add3A_2974 = arith.addf %add3A_2949, %get3A_2973 : vector<16xf32>
    %get3A_2975 = arith.constant 176 : index
    %get3A_2976 = tpu.vector_load %arg8[%get3A_2975] {strides = array<i32>} : memref<1024xf32, #tpu.memory_space<vmem>>, vector<16xf32>,
    %get3A_2977 = arith.constant 0 : i32
    %get3A_2978 = arith.index_cast %get3A_2977 : i32 to index
    %get3A_2979 = arith.constant 176 : index
    %get3A_2980 = tpu.vector_load %arg10[%get3A_2978, %get3A_2979] {strides = array<i32>} : memref<2x512xf32, #tpu.memory_space<vmem>>, vector<16xf32>,
    %mul3A_2981 = arith.mulf %get3A_2976, %get3A_2973 : vector<16xf32>
    %mul3A_2982 = arith.mulf %get3A_2980, %get3A_2973 : vector<16xf32>
    %sub3A_2983 = arith.subf %mul3A_2981, %mul3A_2982 : vector<16xf32>
    %abs3A_2984 = math.absf %sub3A_2983 : vector<16xf32>
    %add3A_2985 = arith.addf %add3A_2971, %abs3A_2984 : vector<16xf32>
    %get3A_2986 = arith.constant 688 : index
    %get3A_2987 = tpu.vector_load %arg8[%get3A_2986] {strides = array<i32>} : memref<1024xf32, #tpu.memory_space<vmem>>, vector<16xf32>,
    %get3A_2988 = arith.constant 1 : i32
    %get3A_2989 = arith.index_cast %get3A_2988 : i32 to index
    %get3A_2990 = arith.constant 176 : index
    %get3A_2991 = tpu.vector_load %arg10[%get3A_2989, %get3A_2990] {strides = array<i32>} : memref<2x512xf32, #tpu.memory_space<vmem>>, vector<16xf32>,
    %mul3A_2992 = arith.mulf %get3A_2987, %get3A_2973 : vector<16xf32>
    %mul3A_2993 = arith.mulf %get3A_2991, %get3A_2973 : vector<16xf32>
    %sub3A_2994 = arith.subf %mul3A_2992, %mul3A_2993 : vector<16xf32>
    %abs3A_2995 = math.absf %sub3A_2994 : vector<16xf32>
    %add3A_2996 = arith.addf %add3A_2985, %abs3A_2995 : vector<16xf32>
    %get3A_2997 = arith.constant 192 : index
    %get3A_2998 = tpu.vector_load %arg9[%get3A_2997] {strides = array<i32>} : memref<512xf32, #tpu.memory_space<vmem>>, vector<16xf32>,
    %add3A_2999 = arith.addf %add3A_2974, %get3A_2998 : vector<16xf32>
    %get3A_3000 = arith.constant 192 : index
    %get3A_3001 = tpu.vector_load %arg8[%get3A_3000] {strides = array<i32>} : memref<1024xf32, #tpu.memory_space<vmem>>, vector<16xf32>,
    %get3A_3002 = arith.constant 0 : i32
    %get3A_3003 = arith.index_cast %get3A_3002 : i32 to index
    %get3A_3004 = arith.constant 192 : index
    %get3A_3005 = tpu.vector_load %arg10[%get3A_3003, %get3A_3004] {strides = array<i32>} : memref<2x512xf32, #tpu.memory_space<vmem>>, vector<16xf32>,
    %mul3A_3006 = arith.mulf %get3A_3001, %get3A_2998 : vector<16xf32>
    %mul3A_3007 = arith.mulf %get3A_3005, %get3A_2998 : vector<16xf32>
    %sub3A_3008 = arith.subf %mul3A_3006, %mul3A_3007 : vector<16xf32>
    %abs3A_3009 = math.absf %sub3A_3008 : vector<16xf32>
    %add3A_3010 = arith.addf %add3A_2996, %abs3A_3009 : vector<16xf32>
    %get3A_3011 = arith.constant 704 : index
    %get3A_3012 = tpu.vector_load %arg8[%get3A_3011] {strides = array<i32>} : memref<1024xf32, #tpu.memory_space<vmem>>, vector<16xf32>,
    %get3A_3013 = arith.constant 1 : i32
    %get3A_3014 = arith.index_cast %get3A_3013 : i32 to index
    %get3A_3015 = arith.constant 192 : index
    %get3A_3016 = tpu.vector_load %arg10[%get3A_3014, %get3A_3015] {strides = array<i32>} : memref<2x512xf32, #tpu.memory_space<vmem>>, vector<16xf32>,
    %mul3A_3017 = arith.mulf %get3A_3012, %get3A_2998 : vector<16xf32>
    %mul3A_3018 = arith.mulf %get3A_3016, %get3A_2998 : vector<16xf32>
    %sub3A_3019 = arith.subf %mul3A_3017, %mul3A_3018 : vector<16xf32>
    %abs3A_3020 = math.absf %sub3A_3019 : vector<16xf32>
    %add3A_3021 = arith.addf %add3A_3010, %abs3A_3020 : vector<16xf32>
    %get3A_3022 = arith.constant 208 : index
    %get3A_3023 = tpu.vector_load %arg9[%get3A_3022] {strides = array<i32>} : memref<512xf32, #tpu.memory_space<vmem>>, vector<16xf32>,
    %add3A_3024 = arith.addf %add3A_2999, %get3A_3023 : vector<16xf32>
    %get3A_3025 = arith.constant 208 : index
    %get3A_3026 = tpu.vector_load %arg8[%get3A_3025] {strides = array<i32>} : memref<1024xf32, #tpu.memory_space<vmem>>, vector<16xf32>,
    %get3A_3027 = arith.constant 0 : i32
    %get3A_3028 = arith.index_cast %get3A_3027 : i32 to index
    %get3A_3029 = arith.constant 208 : index
    %get3A_3030 = tpu.vector_load %arg10[%get3A_3028, %get3A_3029] {strides = array<i32>} : memref<2x512xf32, #tpu.memory_space<vmem>>, vector<16xf32>,
    %mul3A_3031 = arith.mulf %get3A_3026, %get3A_3023 : vector<16xf32>
    %mul3A_3032 = arith.mulf %get3A_3030, %get3A_3023 : vector<16xf32>
    %sub3A_3033 = arith.subf %mul3A_3031, %mul3A_3032 : vector<16xf32>
    %abs3A_3034 = math.absf %sub3A_3033 : vector<16xf32>
    %add3A_3035 = arith.addf %add3A_3021, %abs3A_3034 : vector<16xf32>
    %get3A_3036 = arith.constant 720 : index
    %get3A_3037 = tpu.vector_load %arg8[%get3A_3036] {strides = array<i32>} : memref<1024xf32, #tpu.memory_space<vmem>>, vector<16xf32>,
    %get3A_3038 = arith.constant 1 : i32
    %get3A_3039 = arith.index_cast %get3A_3038 : i32 to index
    %get3A_3040 = arith.constant 208 : index
    %get3A_3041 = tpu.vector_load %arg10[%get3A_3039, %get3A_3040] {strides = array<i32>} : memref<2x512xf32, #tpu.memory_space<vmem>>, vector<16xf32>,
    %mul3A_3042 = arith.mulf %get3A_3037, %get3A_3023 : vector<16xf32>
    %mul3A_3043 = arith.mulf %get3A_3041, %get3A_3023 : vector<16xf32>
    %sub3A_3044 = arith.subf %mul3A_3042, %mul3A_3043 : vector<16xf32>
    %abs3A_3045 = math.absf %sub3A_3044 : vector<16xf32>
    %add3A_3046 = arith.addf %add3A_3035, %abs3A_3045 : vector<16xf32>
    %get3A_3047 = arith.constant 224 : index
    %get3A_3048 = tpu.vector_load %arg9[%get3A_3047] {strides = array<i32>} : memref<512xf32, #tpu.memory_space<vmem>>, vector<16xf32>,
    %add3A_3049 = arith.addf %add3A_3024, %get3A_3048 : vector<16xf32>
    %get3A_3050 = arith.constant 224 : index
    %get3A_3051 = tpu.vector_load %arg8[%get3A_3050] {strides = array<i32>} : memref<1024xf32, #tpu.memory_space<vmem>>, vector<16xf32>,
    %get3A_3052 = arith.constant 0 : i32
    %get3A_3053 = arith.index_cast %get3A_3052 : i32 to index
    %get3A_3054 = arith.constant 224 : index
    %get3A_3055 = tpu.vector_load %arg10[%get3A_3053, %get3A_3054] {strides = array<i32>} : memref<2x512xf32, #tpu.memory_space<vmem>>, vector<16xf32>,
    %mul3A_3056 = arith.mulf %get3A_3051, %get3A_3048 : vector<16xf32>
    %mul3A_3057 = arith.mulf %get3A_3055, %get3A_3048 : vector<16xf32>
    %sub3A_3058 = arith.subf %mul3A_3056, %mul3A_3057 : vector<16xf32>
    %abs3A_3059 = math.absf %sub3A_3058 : vector<16xf32>
    %add3A_3060 = arith.addf %add3A_3046, %abs3A_3059 : vector<16xf32>
    %get3A_3061 = arith.constant 736 : index
    %get3A_3062 = tpu.vector_load %arg8[%get3A_3061] {strides = array<i32>} : memref<1024xf32, #tpu.memory_space<vmem>>, vector<16xf32>,
    %get3A_3063 = arith.constant 1 : i32
    %get3A_3064 = arith.index_cast %get3A_3063 : i32 to index
    %get3A_3065 = arith.constant 224 : index
    %get3A_3066 = tpu.vector_load %arg10[%get3A_3064, %get3A_3065] {strides = array<i32>} : memref<2x512xf32, #tpu.memory_space<vmem>>, vector<16xf32>,
    %mul3A_3067 = arith.mulf %get3A_3062, %get3A_3048 : vector<16xf32>
    %mul3A_3068 = arith.mulf %get3A_3066, %get3A_3048 : vector<16xf32>
    %sub3A_3069 = arith.subf %mul3A_3067, %mul3A_3068 : vector<16xf32>
    %abs3A_3070 = math.absf %sub3A_3069 : vector<16xf32>
    %add3A_3071 = arith.addf %add3A_3060, %abs3A_3070 : vector<16xf32>
    %get3A_3072 = arith.constant 240 : index
    %get3A_3073 = tpu.vector_load %arg9[%get3A_3072] {strides = array<i32>} : memref<512xf32, #tpu.memory_space<vmem>>, vector<16xf32>,
    %add3A_3074 = arith.addf %add3A_3049, %get3A_3073 : vector<16xf32>
    %get3A_3075 = arith.constant 240 : index
    %get3A_3076 = tpu.vector_load %arg8[%get3A_3075] {strides = array<i32>} : memref<1024xf32, #tpu.memory_space<vmem>>, vector<16xf32>,
    %get3A_3077 = arith.constant 0 : i32
    %get3A_3078 = arith.index_cast %get3A_3077 : i32 to index
    %get3A_3079 = arith.constant 240 : index
    %get3A_3080 = tpu.vector_load %arg10[%get3A_3078, %get3A_3079] {strides = array<i32>} : memref<2x512xf32, #tpu.memory_space<vmem>>, vector<16xf32>,
    %mul3A_3081 = arith.mulf %get3A_3076, %get3A_3073 : vector<16xf32>
    %mul3A_3082 = arith.mulf %get3A_3080, %get3A_3073 : vector<16xf32>
    %sub3A_3083 = arith.subf %mul3A_3081, %mul3A_3082 : vector<16xf32>
    %abs3A_3084 = math.absf %sub3A_3083 : vector<16xf32>
    %add3A_3085 = arith.addf %add3A_3071, %abs3A_3084 : vector<16xf32>
    %get3A_3086 = arith.constant 752 : index
    %get3A_3087 = tpu.vector_load %arg8[%get3A_3086] {strides = array<i32>} : memref<1024xf32, #tpu.memory_space<vmem>>, vector<16xf32>,
    %get3A_3088 = arith.constant 1 : i32
    %get3A_3089 = arith.index_cast %get3A_3088 : i32 to index
    %get3A_3090 = arith.constant 240 : index
    %get3A_3091 = tpu.vector_load %arg10[%get3A_3089, %get3A_3090] {strides = array<i32>} : memref<2x512xf32, #tpu.memory_space<vmem>>, vector<16xf32>,
    %mul3A_3092 = arith.mulf %get3A_3087, %get3A_3073 : vector<16xf32>
    %mul3A_3093 = arith.mulf %get3A_3091, %get3A_3073 : vector<16xf32>
    %sub3A_3094 = arith.subf %mul3A_3092, %mul3A_3093 : vector<16xf32>
    %abs3A_3095 = math.absf %sub3A_3094 : vector<16xf32>
    %add3A_3096 = arith.addf %add3A_3085, %abs3A_3095 : vector<16xf32>
    %get3A_3097 = arith.constant 256 : index
    %get3A_3098 = tpu.vector_load %arg9[%get3A_3097] {strides = array<i32>} : memref<512xf32, #tpu.memory_space<vmem>>, vector<16xf32>,
    %add3A_3099 = arith.addf %add3A_3074, %get3A_3098 : vector<16xf32>
    %get3A_3100 = arith.constant 256 : index
    %get3A_3101 = tpu.vector_load %arg8[%get3A_3100] {strides = array<i32>} : memref<1024xf32, #tpu.memory_space<vmem>>, vector<16xf32>,
    %get3A_3102 = arith.constant 0 : i32
    %get3A_3103 = arith.index_cast %get3A_3102 : i32 to index
    %get3A_3104 = arith.constant 256 : index
    %get3A_3105 = tpu.vector_load %arg10[%get3A_3103, %get3A_3104] {strides = array<i32>} : memref<2x512xf32, #tpu.memory_space<vmem>>, vector<16xf32>,
    %mul3A_3106 = arith.mulf %get3A_3101, %get3A_3098 : vector<16xf32>
    %mul3A_3107 = arith.mulf %get3A_3105, %get3A_3098 : vector<16xf32>
    %sub3A_3108 = arith.subf %mul3A_3106, %mul3A_3107 : vector<16xf32>
    %abs3A_3109 = math.absf %sub3A_3108 : vector<16xf32>
    %add3A_3110 = arith.addf %add3A_3096, %abs3A_3109 : vector<16xf32>
    %get3A_3111 = arith.constant 768 : index
    %get3A_3112 = tpu.vector_load %arg8[%get3A_3111] {strides = array<i32>} : memref<1024xf32, #tpu.memory_space<vmem>>, vector<16xf32>,
    %get3A_3113 = arith.constant 1 : i32
    %get3A_3114 = arith.index_cast %get3A_3113 : i32 to index
    %get3A_3115 = arith.constant 256 : index
    %get3A_3116 = tpu.vector_load %arg10[%get3A_3114, %get3A_3115] {strides = array<i32>} : memref<2x512xf32, #tpu.memory_space<vmem>>, vector<16xf32>,
    %mul3A_3117 = arith.mulf %get3A_3112, %get3A_3098 : vector<16xf32>
    %mul3A_3118 = arith.mulf %get3A_3116, %get3A_3098 : vector<16xf32>
    %sub3A_3119 = arith.subf %mul3A_3117, %mul3A_3118 : vector<16xf32>
    %abs3A_3120 = math.absf %sub3A_3119 : vector<16xf32>
    %add3A_3121 = arith.addf %add3A_3110, %abs3A_3120 : vector<16xf32>
    %get3A_3122 = arith.constant 272 : index
    %get3A_3123 = tpu.vector_load %arg9[%get3A_3122] {strides = array<i32>} : memref<512xf32, #tpu.memory_space<vmem>>, vector<16xf32>,
    %add3A_3124 = arith.addf %add3A_3099, %get3A_3123 : vector<16xf32>
    %get3A_3125 = arith.constant 272 : index
    %get3A_3126 = tpu.vector_load %arg8[%get3A_3125] {strides = array<i32>} : memref<1024xf32, #tpu.memory_space<vmem>>, vector<16xf32>,
    %get3A_3127 = arith.constant 0 : i32
    %get3A_3128 = arith.index_cast %get3A_3127 : i32 to index
    %get3A_3129 = arith.constant 272 : index
    %get3A_3130 = tpu.vector_load %arg10[%get3A_3128, %get3A_3129] {strides = array<i32>} : memref<2x512xf32, #tpu.memory_space<vmem>>, vector<16xf32>,
    %mul3A_3131 = arith.mulf %get3A_3126, %get3A_3123 : vector<16xf32>
    %mul3A_3132 = arith.mulf %get3A_3130, %get3A_3123 : vector<16xf32>
    %sub3A_3133 = arith.subf %mul3A_3131, %mul3A_3132 : vector<16xf32>
    %abs3A_3134 = math.absf %sub3A_3133 : vector<16xf32>
    %add3A_3135 = arith.addf %add3A_3121, %abs3A_3134 : vector<16xf32>
    %get3A_3136 = arith.constant 784 : index
    %get3A_3137 = tpu.vector_load %arg8[%get3A_3136] {strides = array<i32>} : memref<1024xf32, #tpu.memory_space<vmem>>, vector<16xf32>,
    %get3A_3138 = arith.constant 1 : i32
    %get3A_3139 = arith.index_cast %get3A_3138 : i32 to index
    %get3A_3140 = arith.constant 272 : index
    %get3A_3141 = tpu.vector_load %arg10[%get3A_3139, %get3A_3140] {strides = array<i32>} : memref<2x512xf32, #tpu.memory_space<vmem>>, vector<16xf32>,
    %mul3A_3142 = arith.mulf %get3A_3137, %get3A_3123 : vector<16xf32>
    %mul3A_3143 = arith.mulf %get3A_3141, %get3A_3123 : vector<16xf32>
    %sub3A_3144 = arith.subf %mul3A_3142, %mul3A_3143 : vector<16xf32>
    %abs3A_3145 = math.absf %sub3A_3144 : vector<16xf32>
    %add3A_3146 = arith.addf %add3A_3135, %abs3A_3145 : vector<16xf32>
    %get3A_3147 = arith.constant 288 : index
    %get3A_3148 = tpu.vector_load %arg9[%get3A_3147] {strides = array<i32>} : memref<512xf32, #tpu.memory_space<vmem>>, vector<16xf32>,
    %add3A_3149 = arith.addf %add3A_3124, %get3A_3148 : vector<16xf32>
    %get3A_3150 = arith.constant 288 : index
    %get3A_3151 = tpu.vector_load %arg8[%get3A_3150] {strides = array<i32>} : memref<1024xf32, #tpu.memory_space<vmem>>, vector<16xf32>,
    %get3A_3152 = arith.constant 0 : i32
    %get3A_3153 = arith.index_cast %get3A_3152 : i32 to index
    %get3A_3154 = arith.constant 288 : index
    %get3A_3155 = tpu.vector_load %arg10[%get3A_3153, %get3A_3154] {strides = array<i32>} : memref<2x512xf32, #tpu.memory_space<vmem>>, vector<16xf32>,
    %mul3A_3156 = arith.mulf %get3A_3151, %get3A_3148 : vector<16xf32>
    %mul3A_3157 = arith.mulf %get3A_3155, %get3A_3148 : vector<16xf32>
    %sub3A_3158 = arith.subf %mul3A_3156, %mul3A_3157 : vector<16xf32>
    %abs3A_3159 = math.absf %sub3A_3158 : vector<16xf32>
    %add3A_3160 = arith.addf %add3A_3146, %abs3A_3159 : vector<16xf32>
    %get3A_3161 = arith.constant 800 : index
    %get3A_3162 = tpu.vector_load %arg8[%get3A_3161] {strides = array<i32>} : memref<1024xf32, #tpu.memory_space<vmem>>, vector<16xf32>,
    %get3A_3163 = arith.constant 1 : i32
    %get3A_3164 = arith.index_cast %get3A_3163 : i32 to index
    %get3A_3165 = arith.constant 288 : index
    %get3A_3166 = tpu.vector_load %arg10[%get3A_3164, %get3A_3165] {strides = array<i32>} : memref<2x512xf32, #tpu.memory_space<vmem>>, vector<16xf32>,
    %mul3A_3167 = arith.mulf %get3A_3162, %get3A_3148 : vector<16xf32>
    %mul3A_3168 = arith.mulf %get3A_3166, %get3A_3148 : vector<16xf32>
    %sub3A_3169 = arith.subf %mul3A_3167, %mul3A_3168 : vector<16xf32>
    %abs3A_3170 = math.absf %sub3A_3169 : vector<16xf32>
    %add3A_3171 = arith.addf %add3A_3160, %abs3A_3170 : vector<16xf32>
    %get3A_3172 = arith.constant 304 : index
    %get3A_3173 = tpu.vector_load %arg9[%get3A_3172] {strides = array<i32>} : memref<512xf32, #tpu.memory_space<vmem>>, vector<16xf32>,
    %add3A_3174 = arith.addf %add3A_3149, %get3A_3173 : vector<16xf32>
    %get3A_3175 = arith.constant 304 : index
    %get3A_3176 = tpu.vector_load %arg8[%get3A_3175] {strides = array<i32>} : memref<1024xf32, #tpu.memory_space<vmem>>, vector<16xf32>,
    %get3A_3177 = arith.constant 0 : i32
    %get3A_3178 = arith.index_cast %get3A_3177 : i32 to index
    %get3A_3179 = arith.constant 304 : index
    %get3A_3180 = tpu.vector_load %arg10[%get3A_3178, %get3A_3179] {strides = array<i32>} : memref<2x512xf32, #tpu.memory_space<vmem>>, vector<16xf32>,
    %mul3A_3181 = arith.mulf %get3A_3176, %get3A_3173 : vector<16xf32>
    %mul3A_3182 = arith.mulf %get3A_3180, %get3A_3173 : vector<16xf32>
    %sub3A_3183 = arith.subf %mul3A_3181, %mul3A_3182 : vector<16xf32>
    %abs3A_3184 = math.absf %sub3A_3183 : vector<16xf32>
    %add3A_3185 = arith.addf %add3A_3171, %abs3A_3184 : vector<16xf32>
    %get3A_3186 = arith.constant 816 : index
    %get3A_3187 = tpu.vector_load %arg8[%get3A_3186] {strides = array<i32>} : memref<1024xf32, #tpu.memory_space<vmem>>, vector<16xf32>,
    %get3A_3188 = arith.constant 1 : i32
    %get3A_3189 = arith.index_cast %get3A_3188 : i32 to index
    %get3A_3190 = arith.constant 304 : index
    %get3A_3191 = tpu.vector_load %arg10[%get3A_3189, %get3A_3190] {strides = array<i32>} : memref<2x512xf32, #tpu.memory_space<vmem>>, vector<16xf32>,
    %mul3A_3192 = arith.mulf %get3A_3187, %get3A_3173 : vector<16xf32>
    %mul3A_3193 = arith.mulf %get3A_3191, %get3A_3173 : vector<16xf32>
    %sub3A_3194 = arith.subf %mul3A_3192, %mul3A_3193 : vector<16xf32>
    %abs3A_3195 = math.absf %sub3A_3194 : vector<16xf32>
    %add3A_3196 = arith.addf %add3A_3185, %abs3A_3195 : vector<16xf32>
    %get3A_3197 = arith.constant 320 : index
    %get3A_3198 = tpu.vector_load %arg9[%get3A_3197] {strides = array<i32>} : memref<512xf32, #tpu.memory_space<vmem>>, vector<16xf32>,
    %add3A_3199 = arith.addf %add3A_3174, %get3A_3198 : vector<16xf32>
    %get3A_3200 = arith.constant 320 : index
    %get3A_3201 = tpu.vector_load %arg8[%get3A_3200] {strides = array<i32>} : memref<1024xf32, #tpu.memory_space<vmem>>, vector<16xf32>,
    %get3A_3202 = arith.constant 0 : i32
    %get3A_3203 = arith.index_cast %get3A_3202 : i32 to index
    %get3A_3204 = arith.constant 320 : index
    %get3A_3205 = tpu.vector_load %arg10[%get3A_3203, %get3A_3204] {strides = array<i32>} : memref<2x512xf32, #tpu.memory_space<vmem>>, vector<16xf32>,
    %mul3A_3206 = arith.mulf %get3A_3201, %get3A_3198 : vector<16xf32>
    %mul3A_3207 = arith.mulf %get3A_3205, %get3A_3198 : vector<16xf32>
    %sub3A_3208 = arith.subf %mul3A_3206, %mul3A_3207 : vector<16xf32>
    %abs3A_3209 = math.absf %sub3A_3208 : vector<16xf32>
    %add3A_3210 = arith.addf %add3A_3196, %abs3A_3209 : vector<16xf32>
    %get3A_3211 = arith.constant 832 : index
    %get3A_3212 = tpu.vector_load %arg8[%get3A_3211] {strides = array<i32>} : memref<1024xf32, #tpu.memory_space<vmem>>, vector<16xf32>,
    %get3A_3213 = arith.constant 1 : i32
    %get3A_3214 = arith.index_cast %get3A_3213 : i32 to index
    %get3A_3215 = arith.constant 320 : index
    %get3A_3216 = tpu.vector_load %arg10[%get3A_3214, %get3A_3215] {strides = array<i32>} : memref<2x512xf32, #tpu.memory_space<vmem>>, vector<16xf32>,
    %mul3A_3217 = arith.mulf %get3A_3212, %get3A_3198 : vector<16xf32>
    %mul3A_3218 = arith.mulf %get3A_3216, %get3A_3198 : vector<16xf32>
    %sub3A_3219 = arith.subf %mul3A_3217, %mul3A_3218 : vector<16xf32>
    %abs3A_3220 = math.absf %sub3A_3219 : vector<16xf32>
    %add3A_3221 = arith.addf %add3A_3210, %abs3A_3220 : vector<16xf32>
    %get3A_3222 = arith.constant 336 : index
    %get3A_3223 = tpu.vector_load %arg9[%get3A_3222] {strides = array<i32>} : memref<512xf32, #tpu.memory_space<vmem>>, vector<16xf32>,
    %add3A_3224 = arith.addf %add3A_3199, %get3A_3223 : vector<16xf32>
    %get3A_3225 = arith.constant 336 : index
    %get3A_3226 = tpu.vector_load %arg8[%get3A_3225] {strides = array<i32>} : memref<1024xf32, #tpu.memory_space<vmem>>, vector<16xf32>,
    %get3A_3227 = arith.constant 0 : i32
    %get3A_3228 = arith.index_cast %get3A_3227 : i32 to index
    %get3A_3229 = arith.constant 336 : index
    %get3A_3230 = tpu.vector_load %arg10[%get3A_3228, %get3A_3229] {strides = array<i32>} : memref<2x512xf32, #tpu.memory_space<vmem>>, vector<16xf32>,
    %mul3A_3231 = arith.mulf %get3A_3226, %get3A_3223 : vector<16xf32>
    %mul3A_3232 = arith.mulf %get3A_3230, %get3A_3223 : vector<16xf32>
    %sub3A_3233 = arith.subf %mul3A_3231, %mul3A_3232 : vector<16xf32>
    %abs3A_3234 = math.absf %sub3A_3233 : vector<16xf32>
    %add3A_3235 = arith.addf %add3A_3221, %abs3A_3234 : vector<16xf32>
    %get3A_3236 = arith.constant 848 : index
    %get3A_3237 = tpu.vector_load %arg8[%get3A_3236] {strides = array<i32>} : memref<1024xf32, #tpu.memory_space<vmem>>, vector<16xf32>,
    %get3A_3238 = arith.constant 1 : i32
    %get3A_3239 = arith.index_cast %get3A_3238 : i32 to index
    %get3A_3240 = arith.constant 336 : index
    %get3A_3241 = tpu.vector_load %arg10[%get3A_3239, %get3A_3240] {strides = array<i32>} : memref<2x512xf32, #tpu.memory_space<vmem>>, vector<16xf32>,
    %mul3A_3242 = arith.mulf %get3A_3237, %get3A_3223 : vector<16xf32>
    %mul3A_3243 = arith.mulf %get3A_3241, %get3A_3223 : vector<16xf32>
    %sub3A_3244 = arith.subf %mul3A_3242, %mul3A_3243 : vector<16xf32>
    %abs3A_3245 = math.absf %sub3A_3244 : vector<16xf32>
    %add3A_3246 = arith.addf %add3A_3235, %abs3A_3245 : vector<16xf32>
    %get3A_3247 = arith.constant 352 : index
    %get3A_3248 = tpu.vector_load %arg9[%get3A_3247] {strides = array<i32>} : memref<512xf32, #tpu.memory_space<vmem>>, vector<16xf32>,
    %add3A_3249 = arith.addf %add3A_3224, %get3A_3248 : vector<16xf32>
    %get3A_3250 = arith.constant 352 : index
    %get3A_3251 = tpu.vector_load %arg8[%get3A_3250] {strides = array<i32>} : memref<1024xf32, #tpu.memory_space<vmem>>, vector<16xf32>,
    %get3A_3252 = arith.constant 0 : i32
    %get3A_3253 = arith.index_cast %get3A_3252 : i32 to index
    %get3A_3254 = arith.constant 352 : index
    %get3A_3255 = tpu.vector_load %arg10[%get3A_3253, %get3A_3254] {strides = array<i32>} : memref<2x512xf32, #tpu.memory_space<vmem>>, vector<16xf32>,
    %mul3A_3256 = arith.mulf %get3A_3251, %get3A_3248 : vector<16xf32>
    %mul3A_3257 = arith.mulf %get3A_3255, %get3A_3248 : vector<16xf32>
    %sub3A_3258 = arith.subf %mul3A_3256, %mul3A_3257 : vector<16xf32>
    %abs3A_3259 = math.absf %sub3A_3258 : vector<16xf32>
    %add3A_3260 = arith.addf %add3A_3246, %abs3A_3259 : vector<16xf32>
    %get3A_3261 = arith.constant 864 : index
    %get3A_3262 = tpu.vector_load %arg8[%get3A_3261] {strides = array<i32>} : memref<1024xf32, #tpu.memory_space<vmem>>, vector<16xf32>,
    %get3A_3263 = arith.constant 1 : i32
    %get3A_3264 = arith.index_cast %get3A_3263 : i32 to index
    %get3A_3265 = arith.constant 352 : index
    %get3A_3266 = tpu.vector_load %arg10[%get3A_3264, %get3A_3265] {strides = array<i32>} : memref<2x512xf32, #tpu.memory_space<vmem>>, vector<16xf32>,
    %mul3A_3267 = arith.mulf %get3A_3262, %get3A_3248 : vector<16xf32>
    %mul3A_3268 = arith.mulf %get3A_3266, %get3A_3248 : vector<16xf32>
    %sub3A_3269 = arith.subf %mul3A_3267, %mul3A_3268 : vector<16xf32>
    %abs3A_3270 = math.absf %sub3A_3269 : vector<16xf32>
    %add3A_3271 = arith.addf %add3A_3260, %abs3A_3270 : vector<16xf32>
    %get3A_3272 = arith.constant 368 : index
    %get3A_3273 = tpu.vector_load %arg9[%get3A_3272] {strides = array<i32>} : memref<512xf32, #tpu.memory_space<vmem>>, vector<16xf32>,
    %add3A_3274 = arith.addf %add3A_3249, %get3A_3273 : vector<16xf32>
    %get3A_3275 = arith.constant 368 : index
    %get3A_3276 = tpu.vector_load %arg8[%get3A_3275] {strides = array<i32>} : memref<1024xf32, #tpu.memory_space<vmem>>, vector<16xf32>,
    %get3A_3277 = arith.constant 0 : i32
    %get3A_3278 = arith.index_cast %get3A_3277 : i32 to index
    %get3A_3279 = arith.constant 368 : index
    %get3A_3280 = tpu.vector_load %arg10[%get3A_3278, %get3A_3279] {strides = array<i32>} : memref<2x512xf32, #tpu.memory_space<vmem>>, vector<16xf32>,
    %mul3A_3281 = arith.mulf %get3A_3276, %get3A_3273 : vector<16xf32>
    %mul3A_3282 = arith.mulf %get3A_3280, %get3A_3273 : vector<16xf32>
    %sub3A_3283 = arith.subf %mul3A_3281, %mul3A_3282 : vector<16xf32>
    %abs3A_3284 = math.absf %sub3A_3283 : vector<16xf32>
    %add3A_3285 = arith.addf %add3A_3271, %abs3A_3284 : vector<16xf32>
    %get3A_3286 = arith.constant 880 : index
    %get3A_3287 = tpu.vector_load %arg8[%get3A_3286] {strides = array<i32>} : memref<1024xf32, #tpu.memory_space<vmem>>, vector<16xf32>,
    %get3A_3288 = arith.constant 1 : i32
    %get3A_3289 = arith.index_cast %get3A_3288 : i32 to index
    %get3A_3290 = arith.constant 368 : index
    %get3A_3291 = tpu.vector_load %arg10[%get3A_3289, %get3A_3290] {strides = array<i32>} : memref<2x512xf32, #tpu.memory_space<vmem>>, vector<16xf32>,
    %mul3A_3292 = arith.mulf %get3A_3287, %get3A_3273 : vector<16xf32>
    %mul3A_3293 = arith.mulf %get3A_3291, %get3A_3273 : vector<16xf32>
    %sub3A_3294 = arith.subf %mul3A_3292, %mul3A_3293 : vector<16xf32>
    %abs3A_3295 = math.absf %sub3A_3294 : vector<16xf32>
    %add3A_3296 = arith.addf %add3A_3285, %abs3A_3295 : vector<16xf32>
    %get3A_3297 = arith.constant 384 : index
    %get3A_3298 = tpu.vector_load %arg9[%get3A_3297] {strides = array<i32>} : memref<512xf32, #tpu.memory_space<vmem>>, vector<16xf32>,
    %add3A_3299 = arith.addf %add3A_3274, %get3A_3298 : vector<16xf32>
    %get3A_3300 = arith.constant 384 : index
    %get3A_3301 = tpu.vector_load %arg8[%get3A_3300] {strides = array<i32>} : memref<1024xf32, #tpu.memory_space<vmem>>, vector<16xf32>,
    %get3A_3302 = arith.constant 0 : i32
    %get3A_3303 = arith.index_cast %get3A_3302 : i32 to index
    %get3A_3304 = arith.constant 384 : index
    %get3A_3305 = tpu.vector_load %arg10[%get3A_3303, %get3A_3304] {strides = array<i32>} : memref<2x512xf32, #tpu.memory_space<vmem>>, vector<16xf32>,
    %mul3A_3306 = arith.mulf %get3A_3301, %get3A_3298 : vector<16xf32>
    %mul3A_3307 = arith.mulf %get3A_3305, %get3A_3298 : vector<16xf32>
    %sub3A_3308 = arith.subf %mul3A_3306, %mul3A_3307 : vector<16xf32>
    %abs3A_3309 = math.absf %sub3A_3308 : vector<16xf32>
    %add3A_3310 = arith.addf %add3A_3296, %abs3A_3309 : vector<16xf32>
    %get3A_3311 = arith.constant 896 : index
    %get3A_3312 = tpu.vector_load %arg8[%get3A_3311] {strides = array<i32>} : memref<1024xf32, #tpu.memory_space<vmem>>, vector<16xf32>,
    %get3A_3313 = arith.constant 1 : i32
    %get3A_3314 = arith.index_cast %get3A_3313 : i32 to index
    %get3A_3315 = arith.constant 384 : index
    %get3A_3316 = tpu.vector_load %arg10[%get3A_3314, %get3A_3315] {strides = array<i32>} : memref<2x512xf32, #tpu.memory_space<vmem>>, vector<16xf32>,
    %mul3A_3317 = arith.mulf %get3A_3312, %get3A_3298 : vector<16xf32>
    %mul3A_3318 = arith.mulf %get3A_3316, %get3A_3298 : vector<16xf32>
    %sub3A_3319 = arith.subf %mul3A_3317, %mul3A_3318 : vector<16xf32>
    %abs3A_3320 = math.absf %sub3A_3319 : vector<16xf32>
    %add3A_3321 = arith.addf %add3A_3310, %abs3A_3320 : vector<16xf32>
    %get3A_3322 = arith.constant 400 : index
    %get3A_3323 = tpu.vector_load %arg9[%get3A_3322] {strides = array<i32>} : memref<512xf32, #tpu.memory_space<vmem>>, vector<16xf32>,
    %add3A_3324 = arith.addf %add3A_3299, %get3A_3323 : vector<16xf32>
    %get3A_3325 = arith.constant 400 : index
    %get3A_3326 = tpu.vector_load %arg8[%get3A_3325] {strides = array<i32>} : memref<1024xf32, #tpu.memory_space<vmem>>, vector<16xf32>,
    %get3A_3327 = arith.constant 0 : i32
    %get3A_3328 = arith.index_cast %get3A_3327 : i32 to index
    %get3A_3329 = arith.constant 400 : index
    %get3A_3330 = tpu.vector_load %arg10[%get3A_3328, %get3A_3329] {strides = array<i32>} : memref<2x512xf32, #tpu.memory_space<vmem>>, vector<16xf32>,
    %mul3A_3331 = arith.mulf %get3A_3326, %get3A_3323 : vector<16xf32>
    %mul3A_3332 = arith.mulf %get3A_3330, %get3A_3323 : vector<16xf32>
    %sub3A_3333 = arith.subf %mul3A_3331, %mul3A_3332 : vector<16xf32>
    %abs3A_3334 = math.absf %sub3A_3333 : vector<16xf32>
    %add3A_3335 = arith.addf %add3A_3321, %abs3A_3334 : vector<16xf32>
    %get3A_3336 = arith.constant 912 : index
    %get3A_3337 = tpu.vector_load %arg8[%get3A_3336] {strides = array<i32>} : memref<1024xf32, #tpu.memory_space<vmem>>, vector<16xf32>,
    %get3A_3338 = arith.constant 1 : i32
    %get3A_3339 = arith.index_cast %get3A_3338 : i32 to index
    %get3A_3340 = arith.constant 400 : index
    %get3A_3341 = tpu.vector_load %arg10[%get3A_3339, %get3A_3340] {strides = array<i32>} : memref<2x512xf32, #tpu.memory_space<vmem>>, vector<16xf32>,
    %mul3A_3342 = arith.mulf %get3A_3337, %get3A_3323 : vector<16xf32>
    %mul3A_3343 = arith.mulf %get3A_3341, %get3A_3323 : vector<16xf32>
    %sub3A_3344 = arith.subf %mul3A_3342, %mul3A_3343 : vector<16xf32>
    %abs3A_3345 = math.absf %sub3A_3344 : vector<16xf32>
    %add3A_3346 = arith.addf %add3A_3335, %abs3A_3345 : vector<16xf32>
    %get3A_3347 = arith.constant 416 : index
    %get3A_3348 = tpu.vector_load %arg9[%get3A_3347] {strides = array<i32>} : memref<512xf32, #tpu.memory_space<vmem>>, vector<16xf32>,
    %add3A_3349 = arith.addf %add3A_3324, %get3A_3348 : vector<16xf32>
    %get3A_3350 = arith.constant 416 : index
    %get3A_3351 = tpu.vector_load %arg8[%get3A_3350] {strides = array<i32>} : memref<1024xf32, #tpu.memory_space<vmem>>, vector<16xf32>,
    %get3A_3352 = arith.constant 0 : i32
    %get3A_3353 = arith.index_cast %get3A_3352 : i32 to index
    %get3A_3354 = arith.constant 416 : index
    %get3A_3355 = tpu.vector_load %arg10[%get3A_3353, %get3A_3354] {strides = array<i32>} : memref<2x512xf32, #tpu.memory_space<vmem>>, vector<16xf32>,
    %mul3A_3356 = arith.mulf %get3A_3351, %get3A_3348 : vector<16xf32>
    %mul3A_3357 = arith.mulf %get3A_3355, %get3A_3348 : vector<16xf32>
    %sub3A_3358 = arith.subf %mul3A_3356, %mul3A_3357 : vector<16xf32>
    %abs3A_3359 = math.absf %sub3A_3358 : vector<16xf32>
    %add3A_3360 = arith.addf %add3A_3346, %abs3A_3359 : vector<16xf32>
    %get3A_3361 = arith.constant 928 : index
    %get3A_3362 = tpu.vector_load %arg8[%get3A_3361] {strides = array<i32>} : memref<1024xf32, #tpu.memory_space<vmem>>, vector<16xf32>,
    %get3A_3363 = arith.constant 1 : i32
    %get3A_3364 = arith.index_cast %get3A_3363 : i32 to index
    %get3A_3365 = arith.constant 416 : index
    %get3A_3366 = tpu.vector_load %arg10[%get3A_3364, %get3A_3365] {strides = array<i32>} : memref<2x512xf32, #tpu.memory_space<vmem>>, vector<16xf32>,
    %mul3A_3367 = arith.mulf %get3A_3362, %get3A_3348 : vector<16xf32>
    %mul3A_3368 = arith.mulf %get3A_3366, %get3A_3348 : vector<16xf32>
    %sub3A_3369 = arith.subf %mul3A_3367, %mul3A_3368 : vector<16xf32>
    %abs3A_3370 = math.absf %sub3A_3369 : vector<16xf32>
    %add3A_3371 = arith.addf %add3A_3360, %abs3A_3370 : vector<16xf32>
    %get3A_3372 = arith.constant 432 : index
    %get3A_3373 = tpu.vector_load %arg9[%get3A_3372] {strides = array<i32>} : memref<512xf32, #tpu.memory_space<vmem>>, vector<16xf32>,
    %add3A_3374 = arith.addf %add3A_3349, %get3A_3373 : vector<16xf32>
    %get3A_3375 = arith.constant 432 : index
    %get3A_3376 = tpu.vector_load %arg8[%get3A_3375] {strides = array<i32>} : memref<1024xf32, #tpu.memory_space<vmem>>, vector<16xf32>,
    %get3A_3377 = arith.constant 0 : i32
    %get3A_3378 = arith.index_cast %get3A_3377 : i32 to index
    %get3A_3379 = arith.constant 432 : index
    %get3A_3380 = tpu.vector_load %arg10[%get3A_3378, %get3A_3379] {strides = array<i32>} : memref<2x512xf32, #tpu.memory_space<vmem>>, vector<16xf32>,
    %mul3A_3381 = arith.mulf %get3A_3376, %get3A_3373 : vector<16xf32>
    %mul3A_3382 = arith.mulf %get3A_3380, %get3A_3373 : vector<16xf32>
    %sub3A_3383 = arith.subf %mul3A_3381, %mul3A_3382 : vector<16xf32>
    %abs3A_3384 = math.absf %sub3A_3383 : vector<16xf32>
    %add3A_3385 = arith.addf %add3A_3371, %abs3A_3384 : vector<16xf32>
    %get3A_3386 = arith.constant 944 : index
    %get3A_3387 = tpu.vector_load %arg8[%get3A_3386] {strides = array<i32>} : memref<1024xf32, #tpu.memory_space<vmem>>, vector<16xf32>,
    %get3A_3388 = arith.constant 1 : i32
    %get3A_3389 = arith.index_cast %get3A_3388 : i32 to index
    %get3A_3390 = arith.constant 432 : index
    %get3A_3391 = tpu.vector_load %arg10[%get3A_3389, %get3A_3390] {strides = array<i32>} : memref<2x512xf32, #tpu.memory_space<vmem>>, vector<16xf32>,
    %mul3A_3392 = arith.mulf %get3A_3387, %get3A_3373 : vector<16xf32>
    %mul3A_3393 = arith.mulf %get3A_3391, %get3A_3373 : vector<16xf32>
    %sub3A_3394 = arith.subf %mul3A_3392, %mul3A_3393 : vector<16xf32>
    %abs3A_3395 = math.absf %sub3A_3394 : vector<16xf32>
    %add3A_3396 = arith.addf %add3A_3385, %abs3A_3395 : vector<16xf32>
    %get3A_3397 = arith.constant 448 : index
    %get3A_3398 = tpu.vector_load %arg9[%get3A_3397] {strides = array<i32>} : memref<512xf32, #tpu.memory_space<vmem>>, vector<16xf32>,
    %add3A_3399 = arith.addf %add3A_3374, %get3A_3398 : vector<16xf32>
    %get3A_3400 = arith.constant 448 : index
    %get3A_3401 = tpu.vector_load %arg8[%get3A_3400] {strides = array<i32>} : memref<1024xf32, #tpu.memory_space<vmem>>, vector<16xf32>,
    %get3A_3402 = arith.constant 0 : i32
    %get3A_3403 = arith.index_cast %get3A_3402 : i32 to index
    %get3A_3404 = arith.constant 448 : index
    %get3A_3405 = tpu.vector_load %arg10[%get3A_3403, %get3A_3404] {strides = array<i32>} : memref<2x512xf32, #tpu.memory_space<vmem>>, vector<16xf32>,
    %mul3A_3406 = arith.mulf %get3A_3401, %get3A_3398 : vector<16xf32>
    %mul3A_3407 = arith.mulf %get3A_3405, %get3A_3398 : vector<16xf32>
    %sub3A_3408 = arith.subf %mul3A_3406, %mul3A_3407 : vector<16xf32>
    %abs3A_3409 = math.absf %sub3A_3408 : vector<16xf32>
    %add3A_3410 = arith.addf %add3A_3396, %abs3A_3409 : vector<16xf32>
    %get3A_3411 = arith.constant 960 : index
    %get3A_3412 = tpu.vector_load %arg8[%get3A_3411] {strides = array<i32>} : memref<1024xf32, #tpu.memory_space<vmem>>, vector<16xf32>,
    %get3A_3413 = arith.constant 1 : i32
    %get3A_3414 = arith.index_cast %get3A_3413 : i32 to index
    %get3A_3415 = arith.constant 448 : index
    %get3A_3416 = tpu.vector_load %arg10[%get3A_3414, %get3A_3415] {strides = array<i32>} : memref<2x512xf32, #tpu.memory_space<vmem>>, vector<16xf32>,
    %mul3A_3417 = arith.mulf %get3A_3412, %get3A_3398 : vector<16xf32>
    %mul3A_3418 = arith.mulf %get3A_3416, %get3A_3398 : vector<16xf32>
    %sub3A_3419 = arith.subf %mul3A_3417, %mul3A_3418 : vector<16xf32>
    %abs3A_3420 = math.absf %sub3A_3419 : vector<16xf32>
    %add3A_3421 = arith.addf %add3A_3410, %abs3A_3420 : vector<16xf32>
    %get3A_3422 = arith.constant 464 : index
    %get3A_3423 = tpu.vector_load %arg9[%get3A_3422] {strides = array<i32>} : memref<512xf32, #tpu.memory_space<vmem>>, vector<16xf32>,
    %add3A_3424 = arith.addf %add3A_3399, %get3A_3423 : vector<16xf32>
    %get3A_3425 = arith.constant 464 : index
    %get3A_3426 = tpu.vector_load %arg8[%get3A_3425] {strides = array<i32>} : memref<1024xf32, #tpu.memory_space<vmem>>, vector<16xf32>,
    %get3A_3427 = arith.constant 0 : i32
    %get3A_3428 = arith.index_cast %get3A_3427 : i32 to index
    %get3A_3429 = arith.constant 464 : index
    %get3A_3430 = tpu.vector_load %arg10[%get3A_3428, %get3A_3429] {strides = array<i32>} : memref<2x512xf32, #tpu.memory_space<vmem>>, vector<16xf32>,
    %mul3A_3431 = arith.mulf %get3A_3426, %get3A_3423 : vector<16xf32>
    %mul3A_3432 = arith.mulf %get3A_3430, %get3A_3423 : vector<16xf32>
    %sub3A_3433 = arith.subf %mul3A_3431, %mul3A_3432 : vector<16xf32>
    %abs3A_3434 = math.absf %sub3A_3433 : vector<16xf32>
    %add3A_3435 = arith.addf %add3A_3421, %abs3A_3434 : vector<16xf32>
    %get3A_3436 = arith.constant 976 : index
    %get3A_3437 = tpu.vector_load %arg8[%get3A_3436] {strides = array<i32>} : memref<1024xf32, #tpu.memory_space<vmem>>, vector<16xf32>,
    %get3A_3438 = arith.constant 1 : i32
    %get3A_3439 = arith.index_cast %get3A_3438 : i32 to index
    %get3A_3440 = arith.constant 464 : index
    %get3A_3441 = tpu.vector_load %arg10[%get3A_3439, %get3A_3440] {strides = array<i32>} : memref<2x512xf32, #tpu.memory_space<vmem>>, vector<16xf32>,
    %mul3A_3442 = arith.mulf %get3A_3437, %get3A_3423 : vector<16xf32>
    %mul3A_3443 = arith.mulf %get3A_3441, %get3A_3423 : vector<16xf32>
    %sub3A_3444 = arith.subf %mul3A_3442, %mul3A_3443 : vector<16xf32>
    %abs3A_3445 = math.absf %sub3A_3444 : vector<16xf32>
    %add3A_3446 = arith.addf %add3A_3435, %abs3A_3445 : vector<16xf32>
    %get3A_3447 = arith.constant 480 : index
    %get3A_3448 = tpu.vector_load %arg9[%get3A_3447] {strides = array<i32>} : memref<512xf32, #tpu.memory_space<vmem>>, vector<16xf32>,
    %add3A_3449 = arith.addf %add3A_3424, %get3A_3448 : vector<16xf32>
    %get3A_3450 = arith.constant 480 : index
    %get3A_3451 = tpu.vector_load %arg8[%get3A_3450] {strides = array<i32>} : memref<1024xf32, #tpu.memory_space<vmem>>, vector<16xf32>,
    %get3A_3452 = arith.constant 0 : i32
    %get3A_3453 = arith.index_cast %get3A_3452 : i32 to index
    %get3A_3454 = arith.constant 480 : index
    %get3A_3455 = tpu.vector_load %arg10[%get3A_3453, %get3A_3454] {strides = array<i32>} : memref<2x512xf32, #tpu.memory_space<vmem>>, vector<16xf32>,
    %mul3A_3456 = arith.mulf %get3A_3451, %get3A_3448 : vector<16xf32>
    %mul3A_3457 = arith.mulf %get3A_3455, %get3A_3448 : vector<16xf32>
    %sub3A_3458 = arith.subf %mul3A_3456, %mul3A_3457 : vector<16xf32>
    %abs3A_3459 = math.absf %sub3A_3458 : vector<16xf32>
    %add3A_3460 = arith.addf %add3A_3446, %abs3A_3459 : vector<16xf32>
    %get3A_3461 = arith.constant 992 : index
    %get3A_3462 = tpu.vector_load %arg8[%get3A_3461] {strides = array<i32>} : memref<1024xf32, #tpu.memory_space<vmem>>, vector<16xf32>,
    %get3A_3463 = arith.constant 1 : i32
    %get3A_3464 = arith.index_cast %get3A_3463 : i32 to index
    %get3A_3465 = arith.constant 480 : index
    %get3A_3466 = tpu.vector_load %arg10[%get3A_3464, %get3A_3465] {strides = array<i32>} : memref<2x512xf32, #tpu.memory_space<vmem>>, vector<16xf32>,
    %mul3A_3467 = arith.mulf %get3A_3462, %get3A_3448 : vector<16xf32>
    %mul3A_3468 = arith.mulf %get3A_3466, %get3A_3448 : vector<16xf32>
    %sub3A_3469 = arith.subf %mul3A_3467, %mul3A_3468 : vector<16xf32>
    %abs3A_3470 = math.absf %sub3A_3469 : vector<16xf32>
    %add3A_3471 = arith.addf %add3A_3460, %abs3A_3470 : vector<16xf32>
    %get3A_3472 = arith.constant 496 : index
    %get3A_3473 = tpu.vector_load %arg9[%get3A_3472] {strides = array<i32>} : memref<512xf32, #tpu.memory_space<vmem>>, vector<16xf32>,
    %add3A_3474 = arith.addf %add3A_3449, %get3A_3473 : vector<16xf32>
    %get3A_3475 = arith.constant 496 : index
    %get3A_3476 = tpu.vector_load %arg8[%get3A_3475] {strides = array<i32>} : memref<1024xf32, #tpu.memory_space<vmem>>, vector<16xf32>,
    %get3A_3477 = arith.constant 0 : i32
    %get3A_3478 = arith.index_cast %get3A_3477 : i32 to index
    %get3A_3479 = arith.constant 496 : index
    %get3A_3480 = tpu.vector_load %arg10[%get3A_3478, %get3A_3479] {strides = array<i32>} : memref<2x512xf32, #tpu.memory_space<vmem>>, vector<16xf32>,
    %mul3A_3481 = arith.mulf %get3A_3476, %get3A_3473 : vector<16xf32>
    %mul3A_3482 = arith.mulf %get3A_3480, %get3A_3473 : vector<16xf32>
    %sub3A_3483 = arith.subf %mul3A_3481, %mul3A_3482 : vector<16xf32>
    %abs3A_3484 = math.absf %sub3A_3483 : vector<16xf32>
    %add3A_3485 = arith.addf %add3A_3471, %abs3A_3484 : vector<16xf32>
    %get3A_3486 = arith.constant 1008 : index
    %get3A_3487 = tpu.vector_load %arg8[%get3A_3486] {strides = array<i32>} : memref<1024xf32, #tpu.memory_space<vmem>>, vector<16xf32>,
    %get3A_3488 = arith.constant 1 : i32
    %get3A_3489 = arith.index_cast %get3A_3488 : i32 to index
    %get3A_3490 = arith.constant 496 : index
    %get3A_3491 = tpu.vector_load %arg10[%get3A_3489, %get3A_3490] {strides = array<i32>} : memref<2x512xf32, #tpu.memory_space<vmem>>, vector<16xf32>,
    %mul3A_3492 = arith.mulf %get3A_3487, %get3A_3473 : vector<16xf32>
    %mul3A_3493 = arith.mulf %get3A_3491, %get3A_3473 : vector<16xf32>
    %sub3A_3494 = arith.subf %mul3A_3492, %mul3A_3493 : vector<16xf32>
    %abs3A_3495 = math.absf %sub3A_3494 : vector<16xf32>
    %add3A_3496 = arith.addf %add3A_3485, %abs3A_3495 : vector<16xf32>
    %swap3A = arith.constant 0 : index
    %swap3A_3497 = tpu.vector_load %arg11[%swap3A] {strides = array<i32>} : memref<32xf32, #tpu.memory_space<vmem>>, vector<16xf32>,
    tpu.vector_store %arg11[%swap3A], %add3A_3496 {strides = array<i32>} : memref<32xf32, #tpu.memory_space<vmem>>, vector<16xf32>,
    %swap3A_3498 = arith.constant 16 : index
    %swap3A_3499 = tpu.vector_load %arg11[%swap3A_3498] {strides = array<i32>} : memref<32xf32, #tpu.memory_space<vmem>>, vector<16xf32>,
    tpu.vector_store %arg11[%swap3A_3498], %add3A_3474 {strides = array<i32>} : memref<32xf32, #tpu.memory_space<vmem>>, vector<16xf32>,
    "tpu.region"() ({
      %run_scoped3A = tpu.sem_alloc : memref<!tpu.dma_semaphore, #tpu.memory_space<semaphore_mem>>
      %dma_start3A_3500 = arith.constant 0 : i32
      %dma_start3A_3501 = tpu.memref_slice %arg6[%add3A, %dma_start3A_3500] : memref<32x32xf32, #tpu.memory_space<hbm>> -> memref<1x32xf32, #tpu.memory_space<hbm>>
      %dma_start3A_3502 = tpu.memref_squeeze %dma_start3A_3501 : memref<1x32xf32, #tpu.memory_space<hbm>> -> memref<32xf32, #tpu.memory_space<hbm>>
      %dma_start3A_3503 = arith.constant 0 : i32
      %dma_start3A_3504 = tpu.memref_slice %arg6[%add3A, %dma_start3A_3503] : memref<32x32xf32, #tpu.memory_space<hbm>> -> memref<1x32xf32, #tpu.memory_space<hbm>>
      %dma_start3A_3505 = tpu.memref_squeeze %dma_start3A_3504 : memref<1x32xf32, #tpu.memory_space<hbm>> -> memref<32xf32, #tpu.memory_space<hbm>>
      tpu.enqueue_dma source(%arg11 : memref<32xf32, #tpu.memory_space<vmem>>) target(%dma_start3A_3505 : memref<32xf32, #tpu.memory_space<hbm>>) target_semaphore(%run_scoped3A : memref<!tpu.dma_semaphore, #tpu.memory_space<semaphore_mem>>)
      %dma_wait3A_3506 = arith.constant 0 : i32
      %dma_wait3A_3507 = tpu.memref_slice %arg6[%add3A, %dma_wait3A_3506] : memref<32x32xf32, #tpu.memory_space<hbm>> -> memref<1x32xf32, #tpu.memory_space<hbm>>
      %dma_wait3A_3508 = tpu.memref_squeeze %dma_wait3A_3507 : memref<1x32xf32, #tpu.memory_space<hbm>> -> memref<32xf32, #tpu.memory_space<hbm>>
      %dma_wait3A_3509 = arith.constant 0 : i32
      %dma_wait3A_3510 = tpu.memref_slice %arg6[%add3A, %dma_wait3A_3509] : memref<32x32xf32, #tpu.memory_space<hbm>> -> memref<1x32xf32, #tpu.memory_space<hbm>>
      %dma_wait3A_3511 = tpu.memref_squeeze %dma_wait3A_3510 : memref<1x32xf32, #tpu.memory_space<hbm>> -> memref<32xf32, #tpu.memory_space<hbm>>
      tpu.wait_dma2 semaphore(%run_scoped3A : memref<!tpu.dma_semaphore, #tpu.memory_space<semaphore_mem>>) src(%arg11 : memref<32xf32, #tpu.memory_space<vmem>>) dst(%dma_wait3A_3511 : memref<32xf32, #tpu.memory_space<hbm>>)
      tpu.yield
    }) : () -> ()
    return
  }
}

module attributes {stable_mosaic.version = 14 : i64} {
  func.func @_combine_body(%arg0: memref<32x32xf32, #tpu.memory_space<vmem>>, %arg1: memref<1x1xf32, #tpu.memory_space<vmem>>) attributes {dimension_semantics = [], scalar_prefetch = 0 : i64, scratch_operands = 0 : i64, tpu.core_type = #tpu.core_type<tc>} {
    %get3A = arith.constant 0 : index
    %get3A_0 = arith.constant 0 : index
    %get3A_1 = vector.load %arg0[%get3A, %get3A_0] : memref<32x32xf32, #tpu.memory_space<vmem>>, vector<32x16xf32>
    %reduce_sum3A = vector.shape_cast %get3A_1 : vector<32x16xf32> to vector<1x32x16xf32>
    %reduce_sum3A_2 = arith.constant dense<0.000000e+00> : vector<1xf32>
    %reduce_sum3A_3 = vector.multi_reduction <add>, %reduce_sum3A, %reduce_sum3A_2 [1, 2] : vector<1x32x16xf32> to vector<1xf32>
    %reduce_sum3A_4 = vector.shape_cast %reduce_sum3A_3 : vector<1xf32> to vector<1x1x1xf32>
    %reduce_sum3A_5 = vector.extract %reduce_sum3A_4[0, 0, 0] : f32 from vector<1x1x1xf32>
    %get3A_6 = arith.constant 0 : index
    %get3A_7 = arith.constant 16 : index
    %get3A_8 = vector.load %arg0[%get3A_6, %get3A_7] : memref<32x32xf32, #tpu.memory_space<vmem>>, vector<32x16xf32>
    %reduce_sum3A_9 = vector.shape_cast %get3A_8 : vector<32x16xf32> to vector<1x32x16xf32>
    %reduce_sum3A_10 = arith.constant dense<0.000000e+00> : vector<1xf32>
    %reduce_sum3A_11 = vector.multi_reduction <add>, %reduce_sum3A_9, %reduce_sum3A_10 [1, 2] : vector<1x32x16xf32> to vector<1xf32>
    %reduce_sum3A_12 = vector.shape_cast %reduce_sum3A_11 : vector<1xf32> to vector<1x1x1xf32>
    %reduce_sum3A_13 = vector.extract %reduce_sum3A_12[0, 0, 0] : f32 from vector<1x1x1xf32>
    %div3A = arith.divf %reduce_sum3A_5, %reduce_sum3A_13 : f32
    %broadcast_in_dim3A = vector.broadcast %div3A : f32 to vector<1x1xf32>
    %swap3A = arith.constant 0 : index
    %swap3A_14 = arith.constant 0 : index
    %swap3A_15 = vector.load %arg1[%swap3A, %swap3A_14] : memref<1x1xf32, #tpu.memory_space<vmem>>, vector<1x1xf32>
    tpu.vector_store %arg1[%swap3A, %swap3A_14], %broadcast_in_dim3A {strides = array<i32>} : memref<1x1xf32, #tpu.memory_space<vmem>>, vector<1x1xf32>,
    return
  }
}

</mosaic_0001>

<sc_bundles>
// kernel: kernel.4.cloned.1.call-start
scs
__scs_entry_jumppad:
0x0: {  	(pc) =	sbr.rel $0x88, $3  }
0x1: {  	(tag) =	ssettag $0x0;
	lr =	simm.s32 $0x1  }
0x2: {  	[smem:$0x3F9D] =	sst lr;
	_ =	strace $0xD0000000  }
0x3: {  	_ = 	snop  }
0x4: {  	_ = 	snop  }
0x5: {  	_ = 	snop  }
0x6: {  	_ = 	snop  }
0x7: {  	_ = 	snop  }
__scs_overlays_trampoline_lowered:
0x8: {  	[smem:$0x3FAC] =	sst s0  }
0x9: {  	[smem:$0x3FAD] =	sst s1  }
0xa: {  	[smem:$0x3FAE] =	sst s2  }
0xb: {  	[smem:$0x3FAF] =	sst s3  }
0xc: {  	[smem:$0x3FB0] =	sst s4  }
0xd: {  	[smem:$0x3FB1] =	sst s5  }
0xe: {  	[smem:$0x3FB2] =	sst s6  }
0xf: {  	[smem:$0x3FB3] =	sst s7  }
0x10: {  	[smem:$0x3FB4] =	sst s8  }
0x11: {  	[smem:$0x3FB5] =	sst s9;
	s0 =	simm.s32 @!p0 $0x0  }
0x12: {  	s1 =	sld [smem:$0x3F9B];
	s0 =	simm.s32 @p0 $0x1  }
0x13: {  	[smem:$0x3FB6] =	sst s0;
	s0 =	simm.s32 @!p1 $0x0  }
0x14: {  	s2 =	sld [smem:$0x3F9A];
	s0 =	simm.s32 @p1 $0x1  }
0x15: {  	[smem:$0x3FB7] =	sst s0;
	s0 =	simm.s32 @!p2 $0x0  }
0x16: {  	s3 =	sld [smem:$0x3FDB];
	s0 =	simm.s32 @p2 $0x1  }
0x17: {  	s4 =	simm.s32 $0x1BF5;
	[smem:$0x3FB9] =	sst s0  }
0x18: {  	s0 =	sld [smem:$0x3F9C];
	_ =	swait.ge [sflag:s4], $0x0  }
0x19: {  	s7 =	sld [smem:$0x3F9D]  }
0x1a: {  	s8 =	sadd.s32 $0xFFFFE003, lr  }
0x1b: {  	s9 =	sadd.s32 $0xFFFFFEF7, lr;
	s5 =	simm.s32 $0xFFFFFFFF;
	p2 =	slt.u32 s8, $0xFFFFF086  }
0x1c: {  	p1 =	slt.u32 s9, $0xF7A;
	s5 =	simm.s32 @!p2 $0x0  }
0x1d: {  	s5 =	simm.s32 @p1 $0x1;
	p0 =	seq.s32 s7, s2  }
0x1e: {  	s7 =	smul.u32 @!p0 $0xF7A, s2;
	p2 =	seq.s32 @!p0 s5, $0x0  }
0x1f: {  	s9 =	smul.u32 $0xF7A, s1;
	s8 =	simm.s32 @!p0 $0x1BF5;
	p2 =	por !p2, p0  }
0x20: {  	[sflag:s8] =	ssyncset.s32 @!p0 $0xFFFFF086;
	s6 =	sadd.s32 @!p0 s3, s7;
	s7 =	simm.s32 @!p0 $0x108  }
0x21: {  	s3 =	sadd.s32 s3, s9;
	s6 =	sadd.s32 @!p0 $0x88, s6;
	s7 =	simm.s32 @p2 $0x1082  }
0x22: {  	[simem:s7], [sflag:s8] =	dma.local @!p0 [hbm:s6], $0xF7A  }
0x23: {  	s9 =	sor.u32 $0xD0000000, s2;
	s6 =	simm.s32 $0x108;
	_ =	swait.ge @!p0 [sflag:s8], $0x0  }
0x24: {  	s3 =	sadd.s32 $0x88, s3;
	s6 =	simm.s32 @!p1 $0x1082;
	[sflag:s4] =	ssyncset.s32 $0xFFFFF086  }
0x25: {  	[simem:s6], [sflag:s4] =	dma.local [hbm:s3], $0xF7A  }
0x26: {  	[smem:$0x3F9D] =	sst s1;
	(tag) =	ssettag s2;
	_ =	strace s9  }
0x27: {  	s1 =	sld [smem:$0x3FAD]  }
0x28: {  	s2 =	sld [smem:$0x3FAE]  }
0x29: {  	s4 =	sld [smem:$0x3FB0]  }
0x2a: {  	p0 =	seq.s32 s5, $0x0;
	s5 =	sld [smem:$0x3FB1]  }
0x2b: {  	s6 =	sld [smem:$0x3FB2]  }
0x2c: {  	s7 =	sld [smem:$0x3FB3]  }
0x2d: {  	s3 =	simm.s32 $0x108;
	s8 =	sld [smem:$0x3FB4]  }
0x2e: {  	s3 =	simm.s32 @!p0 $0x1082;
	s9 =	sld [smem:$0x3FB5]  }
0x2f: {  	lr =	sadd.s32 s0, s3;
	s0 =	sld [smem:$0x3FAC]  }
0x30: {  	s3 =	sld [smem:$0x3FAF]  }
0x31: {  	[smem:$0x3FB8] =	sst s10  }
0x32: {  	s10 =	sld [smem:$0x3FB6];
	_ =	sdelay $0x3  }
0x33: {  	p0 =	seq.s32 s10, $0x1;
	s10 =	sld [smem:$0x3FB8];
	_ =	sdelay $0x3  }
0x34: {  	[smem:$0x3FB8] =	sst s10  }
0x35: {  	s10 =	sld [smem:$0x3FB7];
	_ =	sdelay $0x3  }
0x36: {  	p1 =	seq.s32 s10, $0x1;
	s10 =	sld [smem:$0x3FB8];
	_ =	sdelay $0x3  }
0x37: {  	[smem:$0x3FB8] =	sst s10  }
0x38: {  	s10 =	sld [smem:$0x3FB9]  }
0x39: {  	_ = 	snop;
	(pc) =	sbr.ind lr, $3  }
0x3a: {  	_ = 	snop  }
0x3b: {  	_ = 	snop  }
0x3c: {  	p2 =	seq.s32 s10, $0x1;
	s10 =	sld [smem:$0x3FB8]  }
0x3d: {  	_ =	shalt  }
0x3e: {  	_ =	shalt  }
0x3f: {  	_ =	shalt  }
0x40: {  	_ =	shalt  }
0x41: {  	_ =	shalt  }
0x42: {  	_ =	shalt  }
0x43: {  	_ =	shalt  }
0x44: {  	_ =	shalt  }
0x45: {  	_ =	shalt  }
0x46: {  	_ =	shalt  }
0x47: {  	_ =	shalt  }
0x48: {  	_ =	shalt  }
0x49: {  	_ =	shalt  }
0x4a: {  	_ =	shalt  }
0x4b: {  	_ =	shalt  }
0x4c: {  	_ =	shalt  }
0x4d: {  	_ =	shalt  }
0x4e: {  	_ =	shalt  }
0x4f: {  	_ =	shalt  }
0x50: {  	_ =	shalt  }
0x51: {  	_ =	shalt  }
0x52: {  	_ =	shalt  }
0x53: {  	_ =	shalt  }
0x54: {  	_ =	shalt  }
0x55: {  	_ =	shalt  }
0x56: {  	_ =	shalt  }
0x57: {  	_ =	shalt  }
0x58: {  	_ =	shalt  }
0x59: {  	_ =	shalt  }
0x5a: {  	_ =	shalt  }
0x5b: {  	_ =	shalt  }
0x5c: {  	_ =	shalt  }
0x5d: {  	_ =	shalt  }
0x5e: {  	_ =	shalt  }
0x5f: {  	_ =	shalt  }
0x60: {  	_ =	shalt  }
0x61: {  	_ =	shalt  }
0x62: {  	_ =	shalt  }
0x63: {  	_ =	shalt  }
0x64: {  	_ =	shalt  }
0x65: {  	_ =	shalt  }
0x66: {  	_ =	shalt  }
0x67: {  	_ =	shalt  }
0x68: {  	_ =	shalt  }
0x69: {  	_ =	shalt  }
0x6a: {  	_ =	shalt  }
0x6b: {  	_ =	shalt  }
0x6c: {  	_ =	shalt  }
0x6d: {  	_ =	shalt  }
0x6e: {  	_ =	shalt  }
0x6f: {  	_ =	shalt  }
0x70: {  	_ =	shalt  }
0x71: {  	_ =	shalt  }
0x72: {  	_ =	shalt  }
0x73: {  	_ =	shalt  }
0x74: {  	_ =	shalt  }
0x75: {  	_ =	shalt  }
0x76: {  	_ =	shalt  }
0x77: {  	_ =	shalt  }
0x78: {  	_ =	shalt  }
0x79: {  	_ =	shalt  }
0x7a: {  	_ =	shalt  }
0x7b: {  	_ =	shalt  }
0x7c: {  	_ =	shalt  }
0x7d: {  	_ =	shalt  }
0x7e: {  	_ =	shalt  }
0x7f: {  	_ =	shalt  }
0x80: {  	_ =	shalt  }
0x81: {  	_ =	shalt  }
0x82: {  	_ =	shalt  }
0x83: {  	_ =	shalt  }
0x84: {  	_ =	shalt  }
0x85: {  	_ =	shalt  }
0x86: {  	_ =	shalt  }
0x87: {  	_ =	shalt  }
.Lfunc_end0:
.L_simem_size_0:
called_computation_lowered:
.L_overlay_start_0:
0x88: {  	s2 =	sld [smem:$0x3FD9]  }
0x89: {  	s3 =	sld [smem:$0x3FFE];
	_ =	sdelay $0x1  }
0x8a: {  	s1 =	srdreg.scid  }
0x8b: {  	s0 =	sand.u32 $0x1, s1  }
0x8c: {  	s17 =	sshll.u32 s0, $0xA;
	s2 =	sadd.s32 s3, s2  }
0x8d: {  	s2 =	sadd.s32 s2, s17  }
0x8e: {  	[smem:$0x3FC4] =	sst s2  }
0x8f: {  	_ = 	snop  }
0x90: {  	s2 =	sld [smem:$0x3FC9];
	(tm) =	ssettm $0x1  }
0x91: {  	s18 =	sld [smem:$0x3FFB];
	_ =	sdelay $0x3  }
0x92: {  	_ =	strace s18  }
0x93: {  	s3 =	sld [smem:$0x3FFC];
	_ =	sdelay $0x3  }
0x94: {  	_ =	strace s3  }
0x95: {  	s3 =	sld [smem:$0x3FFD];
	_ =	sdelay $0x3  }
0x96: {  	_ =	strace s3  }
0x97: {  	_ =	strace $0x8FFFFFFF  }
0x98: {  	s19 =	sld [smem:$0x3FDB];
	_ =	sdelay $0x1  }
0x99: {  	s4 =	simm.s32 $_scs_section_size  }
0x9a: {  	s5 =	simm.s32 $_size__tile_overlayer_lowered;
	s6 =	simm.s32 $_tile_overlayer_lowered  }
0x9b: {  	s22 =	simm.s32 $0x1BFF;
	s21 =	sshll.u32 s6, $0x1;
	s3 =	sadd.s32 s4, s19  }
0x9c: {  	s7 =	simm.s32 $0x0;
	s20 =	sshll.u32 s5, $0x1;
	s5 =	sadd.s32 s21, s3  }
0x9d: {  	[timem:s7], [sflag:s22] =	dma.local [hbm:s5], s20  }
0x9e: {  	_ =	swait.ge [sflag:s22], s20  }
0x9f: {  	s4 =	ssub.s32 $0x0, s20;
	[sflag:s22] =	ssyncset.done $0x0  }
0xa0: {  	[sflag:s22] =	ssyncadd.s32 s4;
	_ =	sdelay $0x1  }
0xa1: {  	s23 =	simm.s32 $0x1B8B  }
0xa2: {  	_ =	swait.ge [sflag:s23], $0x1  }
0xa3: {  	[sflag:s23] =	ssyncset.done $0x0  }
0xa4: {  	s25 =	simm.s32 $0x1B8E;
	s24 =	sld [smem:$0x3FFE];
	[sflag:s23] =	ssyncadd.s32 $0xFFFFFFFF  }
0xa5: {  	s26 =	simm.s32 $execute0_lowered;
	[smem:$0x3FD2] =	sst s25  }
0xa6: {  	s5 =	sshll.u32 s26, $0x1;
	_ =	strace $0x80000046;
	[dreg:$0x1] =	wrdreg $0xFFFFFFFF  }
0xa7: {  	s28 =	simm.s32 $_size_execute0_lowered;
	s3 =	sadd.s32 s3, s5;
	[dreg:$0x0] =	wrdreg $0x0  }
0xa8: {  	s5 =	sshll.u32 s28, $0x1;
	[dreg:$0x2] =	wrdreg s3  }
0xa9: {  	[dreg:$0x3] =	wrdreg s5  }
0xaa: {  	[dreg:$0x4] =	wrdreg $0xC0  }
0xab: {  	_ =	task [dreg:s7], $0x5FFFF  }
0xac: {  	[dreg:$0x1] =	wrdreg $0xFFFFFFFF  }
0xad: {  	[dreg:$0x0] =	wrdreg $0x60  }
0xae: {  	[dreg:$0x2] =	wrdreg s2  }
0xaf: {  	[dreg:$0x3] =	wrdreg s24  }
0xb0: {  	[dreg:$0x4] =	wrdreg $0x9  }
0xb1: {  	_ =	task.clear_ibuf [dreg:s7], $0x5FFFF;
	_ =	strace $0x90000046  }
0xb2: {  	s29 =	simm.s32 $0x9;
	_ =	strace $0x80000048  }
0xb3: {  	_ =	swait.ge [sflag:s29], $0x1  }
0xb4: {  	[sflag:s29] =	ssyncadd.s32 $0xFFFFFFFF  }
0xb5: {  	_ =	strace $0x90000048  }
0xb6: {  	_ =	sfence  }
0xb7: {  	s30 =	sld [smem:$0x0];
	_ =	sdelay $0x2  }
0xb8: {  	s31 =	sshll.u32 s1, $0xD;
	s1 =	sshrl.u32 s1, $0x2  }
0xb9: {  	s3 =	sand.u32 $0x4000, s31;
	s1 =	sadd.s32 s1, s30  }
0xba: {  	s0 =	sor.u32 s3, s0;
	s1 =	sshll.u32 s1, $0x11  }
0xbb: {  	s0 =	sor.u32 s1, s0  }
0xbc: {  	s0 =	sadd.s32 $0x8F2B, s0  }
0xbd: {  	[sflag:s0] =	ssyncadd.remote.s32 $0x1  }
0xbe: {  	_ =	sfence.sel $0xFFFF  }
0xbf: {  	[dreg:$0x0] =	wrdreg $0xFFFFFFFF;
	(pc) =	sbr.abs _section_cstart, $3  }
0xc0: {  	[dreg:$0x1] =	wrdreg $0xFFFFFFFF  }
0xc1: {  	_ =	task.clear_ibuf [dreg:s7], $0x2FFFF;
	_ =	strace $0x9FFFFFFF  }
0xc2: {  	(tm) =	ssettm $0x7FFFFFFF  }
0xc3: {  	_ =	shalt  }
tec
execute0_lowered:
.L_overlay_start_1:
0x0: {  	(tag) =	ssettag $0x1  }
0x1: {  	s0 =	stileid.u32;
	s2 =	rddreg [dreg:$0x0]  }
0x2: {  	s7 =	rddreg [dreg:$0x1];
	s3 =	simm.s32 $0x0;
	s24 =	sshll.u32 s0, $0x1  }
0x3: {  	s5 =	sshrl.u32 s0, $0x2;
	[smem:$0x7FF] =	sst s3;
	s0 =	simm.s32 $0x600  }
0x4: {  	s10 =	simm.s32 $0x230;
	_ =	strace $0x80000047;
	[dreg:$0x7] =	wrdreg s0  }
0x5: {  	s11 =	simm.s32 $0x240;
	[dreg:$0xc] =	wrdreg s10  }
0x6: {  	s12 =	simm.s32 $0x250;
	[dreg:$0xd] =	wrdreg s11  }
0x7: {  	s13 =	simm.s32 $0x260;
	[dreg:$0xe] =	wrdreg s12  }
0x8: {  	s14 =	simm.s32 $0x270;
	[dreg:$0xf] =	wrdreg s13  }
0x9: {  	s15 =	simm.s32 $0x280;
	[dreg:$0x10] =	wrdreg s14  }
0xa: {  	s16 =	simm.s32 $0x290;
	[dreg:$0x11] =	wrdreg s15  }
0xb: {  	s17 =	simm.s32 $0x2A0;
	[dreg:$0x12] =	wrdreg s16  }
0xc: {  	s18 =	simm.s32 $0x2B0;
	[dreg:$0x13] =	wrdreg s17  }
0xd: {  	s19 =	simm.s32 $0x2C0;
	[dreg:$0x14] =	wrdreg s18  }
0xe: {  	s20 =	simm.s32 $0x2D0;
	[dreg:$0x15] =	wrdreg s19  }
0xf: {  	s21 =	simm.s32 $0x2E0;
	[dreg:$0x16] =	wrdreg s20  }
0x10: {  	s1 =	srdreg.scid;
	s22 =	simm.s32 $0x2F0;
	[dreg:$0x17] =	wrdreg s21  }
0x11: {  	s23 =	simm.s32 $0x300;
	s4 =	sand.u32 $0x1, s1;
	[dreg:$0x18] =	wrdreg s22  }
0x12: {  	s1 =	sor.u32 s4, s24;
	[dreg:$0x19] =	wrdreg s23;
	s24 =	simm.s32 $0x310  }
0x13: {  	s0 =	simm.s32 $0x340;
	[dreg:$0x1a] =	wrdreg s24  }
0x14: {  	s10 =	simm.s32 $0x390;
	[dreg:$0x1d] =	wrdreg s0  }
0x15: {  	s11 =	simm.s32 $0x3A0;
	[smem:$0x7EE] =	sst s10  }
0x16: {  	s12 =	simm.s32 $0x3B0;
	[smem:$0x7EF] =	sst s11  }
0x17: {  	s13 =	simm.s32 $0x3C0;
	[smem:$0x7F0] =	sst s12  }
0x18: {  	s28 =	simm.s32 $0x5D0;
	s14 =	simm.s32 $0x3D0;
	[smem:$0x7F1] =	sst s13  }
0x19: {  	s29 =	simm.s32 $0x5E0;
	s15 =	simm.s32 $0x3E0;
	[smem:$0x7F2] =	sst s14  }
0x1a: {  	s31 =	simm.s32 $0x1;
	s16 =	simm.s32 $0x3F0;
	[smem:$0x7F3] =	sst s15  }
0x1b: {  	s9 =	sshll.u32 s5, $0xC;
	s17 =	simm.s32 $0x410;
	[smem:$0x7F4] =	sst s16  }
0x1c: {  	s5 =	sshll.u32 s5, $0xA;
	s18 =	simm.s32 $0x420;
	[smem:$0x7F5] =	sst s17  }
0x1d: {  	s4 =	ssub.s32 $0x2, s4;
	s19 =	simm.s32 $0x430;
	[smem:$0x7F6] =	sst s18  }
0x1e: {  	s21 =	simm.s32 $0x440;
	s22 =	simm.s32 $0x450;
	[smem:$0x7F7] =	sst s19  }
0x1f: {  	s23 =	simm.s32 $0x460;
	s6 =	sshll.u32 s1, $0x7;
	[smem:$0x7F8] =	sst s21  }
0x20: {  	s20 =	sshrl.u32 s4, $0x1;
	s1 =	sshll.u32 s1, $0x11;
	[smem:$0x7F9] =	sst s22  }
0x21: {  	[smem:$0x7FA] =	sst s23;
	s24 =	simm.s32 $0x470;
	s10 =	simm.s32 $0x4C0  }
0x22: {  	s11 =	simm.s32 $0x4D0;
	s12 =	simm.s32 $0x4E0;
	s13 =	simm.s32 $0x4F0  }
0x23: {  	s14 =	simm.s32 $0x500;
	s15 =	simm.s32 $0x510;
	s16 =	simm.s32 $0x520  }
0x24: {  	s17 =	simm.s32 $0x530;
	s18 =	simm.s32 $0x540;
	s19 =	simm.s32 $0x550  }
0x25: {  	s21 =	simm.s32 $0x570;
	s22 =	simm.s32 $0x580;
	s23 =	simm.s32 $0x590  }
0x26: {  	s8 =	sand.u32 $0x380, s6;
	s6 =	sadd.s32 s6, s7;
	[smem:$0x7FB] =	sst s24  }
0x27: {  	s9 =	sor.u32 s9, s8;
	s5 =	sor.u32 s5, s8;
	s6 =	sadd.s32 $0xA00, s6  }
0x28: {  	s8 =	simm.s32 $0x210;
	s9 =	sshrl.u32 s9, $0x3;
	[dreg:$0x5] =	wrdreg s6  }
0x29: {  	s5 =	sshrl.u32 s5, $0x3;
	s6 =	simm.s32 $0x800;
	[dreg:$0xa] =	wrdreg s8  }
0x2a: {  	s8 =	simm.s32 $0x370;
	s9 =	sadd.s32 s9, s7;
	[dreg:$0x8] =	wrdreg s6  }
0x2b: {  	s5 =	sadd.s32 s5, s7;
	s7 =	simm.s32 $0x200;
	[smem:$0x7EC] =	sst s8  }
0x2c: {  	s4 =	ssub.s32 s4, s20;
	s6 =	simm.s32 $0x350;
	[dreg:$0x9] =	wrdreg s7  }
0x2d: {  	s30 =	sor.u32 $0x10000, s1;
	s25 =	sadd.s32 $0x1A00, s9;
	[dreg:$0x1e] =	wrdreg s6  }
0x2e: {  	s20 =	simm.s32 $0x560;
	s26 =	sadd.s32 $0x200, s9;
	[dreg:$0x3] =	wrdreg s25  }
0x2f: {  	s24 =	simm.s32 $0x5A0;
	s5 =	sadd.s32 $0x2200, s5;
	[dreg:$0x4] =	wrdreg s26  }
0x30: {  	v0 =	vmov s1;
	s1 =	simm.s32 $0xC00;
	s9 =	simm.s32 $0x220;
	[dreg:$0x6] =	wrdreg s5  }
0x31: {  	s4 =	smax.u32 s4, $0x1;
	s7 =	simm.s32 $0x360;
	[dreg:$0xb] =	wrdreg s9  }
0x32: {  	v1 =	vmov s30;
	s30 =	simm.s32 $0x5F0;
	s25 =	simm.s32 $0x320;
	[dreg:$0x1f] =	wrdreg s7  }
0x33: {  	s6 =	simm.s32 $0x400;
	s26 =	simm.s32 $0x330;
	[dreg:$0x1b] =	wrdreg s25  }
0x34: {  	s9 =	simm.s32 $0x380;
	s5 =	simm.s32 $0x80;
	[dreg:$0x1c] =	wrdreg s26  }
0x35: {  	s7 =	simm.s32 $0x2;
	[smem:$0x7ED] =	sst s9;
	s25 =	simm.s32 $0x480  }
0x36: {  	s26 =	simm.s32 $0x490;
	s9 =	simm.s32 $0x4B0;
	[smem:$0x7FC] =	sst s25  }
0x37: {  	vm0 =	vmmov $0xffff;
	[smem:$0x7FD] =	sst s26;
	s25 =	simm.s32 $0x5B0;
	s26 =	simm.s32 $0x5C0  }
.LBB2_1:
0x38: {  	s0 =	rddreg [dreg:$0x3]  }
0x39: {  	[tilespmem:s3], [sflag:$0x2] =	stream.strided.gather [hbm4b:s0+s5], $0x200, s6, s5, $0x38;
	[tilespmem:$0xC80] =	vst v63  }
0x3a: {  	_ =	swait.ge [sflag:s7], $0x200  }
0x3b: {  	s0 =	rddreg [dreg:$0x4];
	[sflag:s7] =	ssyncset.done $0x0  }
0x3c: {  	s8 =	rddreg [dreg:$0x7];
	[sflag:s7] =	ssyncadd.s32 $0xFFFFFE00  }
0x3d: {  	[tilespmem:s8], [sflag:$0x2] =	stream.strided.gather [hbm4b:s0+s5], $0x200, s6, s5, $0x38;
	[tilespmem:$0xC80] =	vst v63  }
0x3e: {  	_ =	swait.ge [sflag:s7], $0x200  }
0x3f: {  	s0 =	rddreg [dreg:$0x5];
	[sflag:s7] =	ssyncset.done $0x0  }
0x40: {  	s8 =	rddreg [dreg:$0x8];
	[sflag:s7] =	ssyncadd.s32 $0xFFFFFE00  }
0x41: {  	[tilespmem:s8], [sflag:$0x2] =	stream.linear.gather [hbm4b:s0+s3], $0x400, $0x38;
	[tilespmem:$0xC80] =	vst v63  }
0x42: {  	_ =	swait.ge [sflag:s7], $0x400  }
0x43: {  	[sflag:s7] =	ssyncset.done $0x0  }
0x44: {  	[sflag:s7] =	ssyncadd.s32 $0xFFFFFC00  }
0x45: {  	v2 =	vld [tilespmem:$0x0];
	_ =	sdelay $0x4  }
0x46: {  	v3 =	vand.u32 $0xFFFFF800, v2;
	v4 =	vshll.u32 v2, $0x3  }
0x47: {  	v5 =	vshrl.u32 v2, $0x1;
	v3 =	vadd.s32 v0, v3;
	v4 =	vand.u32 $0x400, v4  }
0x48: {  	v34 =	vand.u32 $0x380, v5;
	v3 =	vor.u32 v4, v3  }
0x49: {  	v2 =	vand.u32 $0x7F, v2;
	v3 =	vor.u32 v34, v3  }
0x4a: {  	v2 =	vor.u32 v2, v3;
	_ =	sdelay $0x3  }
0x4b: {  	s8 =	rddreg [dreg:$0x9]  }
0x4c: {  	[tilespmem:s8], [sflag:$0x1] =	stream.indirect_vreg.gather [hbm4b:s2+s3], $0x1, v2, vm0, $0xb8;
	[tilespmem:$0xC80] =	vst v63  }
0x4d: {  	v2 =	vld [tilespmem:$0x10];
	_ =	sdelay $0x4  }
0x4e: {  	v3 =	vand.u32 $0xFFFFF800, v2;
	v35 =	vshll.u32 v2, $0x3  }
0x4f: {  	v36 =	vshrl.u32 v2, $0x1;
	v3 =	vadd.s32 v0, v3;
	v4 =	vand.u32 $0x400, v35  }
0x50: {  	v37 =	vand.u32 $0x380, v36;
	v3 =	vor.u32 v4, v3  }
0x51: {  	v2 =	vand.u32 $0x7F, v2;
	v3 =	vor.u32 v37, v3  }
0x52: {  	v2 =	vor.u32 v2, v3;
	_ =	sdelay $0x3  }
0x53: {  	s8 =	rddreg [dreg:$0xa]  }
0x54: {  	[tilespmem:s8], [sflag:$0x1] =	stream.indirect_vreg.gather [hbm4b:s2+s3], $0x1, v2, vm0, $0xb8;
	[tilespmem:$0xC80] =	vst v63  }
0x55: {  	v2 =	vld [tilespmem:$0x20];
	_ =	sdelay $0x4  }
0x56: {  	v3 =	vand.u32 $0xFFFFF800, v2;
	v38 =	vshll.u32 v2, $0x3  }
0x57: {  	v39 =	vshrl.u32 v2, $0x1;
	v3 =	vadd.s32 v0, v3;
	v4 =	vand.u32 $0x400, v38  }
0x58: {  	v40 =	vand.u32 $0x380, v39;
	v3 =	vor.u32 v4, v3  }
0x59: {  	v2 =	vand.u32 $0x7F, v2;
	v3 =	vor.u32 v40, v3  }
0x5a: {  	v2 =	vor.u32 v2, v3;
	_ =	sdelay $0x3  }
0x5b: {  	s8 =	rddreg [dreg:$0xb]  }
0x5c: {  	[tilespmem:s8], [sflag:$0x1] =	stream.indirect_vreg.gather [hbm4b:s2+s3], $0x1, v2, vm0, $0xb8;
	[tilespmem:$0xC80] =	vst v63  }
0x5d: {  	v2 =	vld [tilespmem:$0x30];
	_ =	sdelay $0x4  }
0x5e: {  	v3 =	vand.u32 $0xFFFFF800, v2;
	v41 =	vshll.u32 v2, $0x3  }
0x5f: {  	v42 =	vshrl.u32 v2, $0x1;
	v3 =	vadd.s32 v0, v3;
	v4 =	vand.u32 $0x400, v41  }
0x60: {  	v43 =	vand.u32 $0x380, v42;
	v3 =	vor.u32 v4, v3  }
0x61: {  	v2 =	vand.u32 $0x7F, v2;
	v3 =	vor.u32 v43, v3  }
0x62: {  	v2 =	vor.u32 v2, v3;
	_ =	sdelay $0x3  }
0x63: {  	s8 =	rddreg [dreg:$0xc]  }
0x64: {  	[tilespmem:s8], [sflag:$0x1] =	stream.indirect_vreg.gather [hbm4b:s2+s3], $0x1, v2, vm0, $0xb8;
	[tilespmem:$0xC80] =	vst v63  }
0x65: {  	v2 =	vld [tilespmem:$0x40];
	_ =	sdelay $0x4  }
0x66: {  	v3 =	vand.u32 $0xFFFFF800, v2;
	v44 =	vshll.u32 v2, $0x3  }
0x67: {  	v45 =	vshrl.u32 v2, $0x1;
	v3 =	vadd.s32 v0, v3;
	v4 =	vand.u32 $0x400, v44  }
0x68: {  	v46 =	vand.u32 $0x380, v45;
	v3 =	vor.u32 v4, v3  }
0x69: {  	v2 =	vand.u32 $0x7F, v2;
	v3 =	vor.u32 v46, v3  }
0x6a: {  	v2 =	vor.u32 v2, v3;
	_ =	sdelay $0x3  }
0x6b: {  	s8 =	rddreg [dreg:$0xd]  }
0x6c: {  	[tilespmem:s8], [sflag:$0x1] =	stream.indirect_vreg.gather [hbm4b:s2+s3], $0x1, v2, vm0, $0xb8;
	[tilespmem:$0xC80] =	vst v63  }
0x6d: {  	v2 =	vld [tilespmem:$0x50];
	_ =	sdelay $0x4  }
0x6e: {  	v3 =	vand.u32 $0xFFFFF800, v2;
	v47 =	vshll.u32 v2, $0x3  }
0x6f: {  	v48 =	vshrl.u32 v2, $0x1;
	v3 =	vadd.s32 v0, v3;
	v4 =	vand.u32 $0x400, v47  }
0x70: {  	v49 =	vand.u32 $0x380, v48;
	v3 =	vor.u32 v4, v3  }
0x71: {  	v2 =	vand.u32 $0x7F, v2;
	v3 =	vor.u32 v49, v3  }
0x72: {  	v2 =	vor.u32 v2, v3;
	_ =	sdelay $0x3  }
0x73: {  	s8 =	rddreg [dreg:$0xe]  }
0x74: {  	[tilespmem:s8], [sflag:$0x1] =	stream.indirect_vreg.gather [hbm4b:s2+s3], $0x1, v2, vm0, $0xb8;
	[tilespmem:$0xC80] =	vst v63  }
0x75: {  	v2 =	vld [tilespmem:$0x60];
	_ =	sdelay $0x4  }
0x76: {  	v3 =	vand.u32 $0xFFFFF800, v2;
	v50 =	vshll.u32 v2, $0x3  }
0x77: {  	v51 =	vshrl.u32 v2, $0x1;
	v3 =	vadd.s32 v0, v3;
	v4 =	vand.u32 $0x400, v50  }
0x78: {  	v52 =	vand.u32 $0x380, v51;
	v3 =	vor.u32 v4, v3  }
0x79: {  	v2 =	vand.u32 $0x7F, v2;
	v3 =	vor.u32 v52, v3  }
0x7a: {  	v2 =	vor.u32 v2, v3;
	_ =	sdelay $0x3  }
0x7b: {  	s8 =	rddreg [dreg:$0xf]  }
0x7c: {  	[tilespmem:s8], [sflag:$0x1] =	stream.indirect_vreg.gather [hbm4b:s2+s3], $0x1, v2, vm0, $0xb8;
	[tilespmem:$0xC80] =	vst v63  }
0x7d: {  	v2 =	vld [tilespmem:$0x70];
	_ =	sdelay $0x4  }
0x7e: {  	v3 =	vand.u32 $0xFFFFF800, v2;
	v53 =	vshll.u32 v2, $0x3  }
0x7f: {  	v54 =	vshrl.u32 v2, $0x1;
	v3 =	vadd.s32 v0, v3;
	v4 =	vand.u32 $0x400, v53  }
0x80: {  	v55 =	vand.u32 $0x380, v54;
	v3 =	vor.u32 v4, v3  }
0x81: {  	v2 =	vand.u32 $0x7F, v2;
	v3 =	vor.u32 v55, v3  }
0x82: {  	v2 =	vor.u32 v2, v3;
	_ =	sdelay $0x3  }
0x83: {  	s8 =	rddreg [dreg:$0x10]  }
0x84: {  	[tilespmem:s8], [sflag:$0x1] =	stream.indirect_vreg.gather [hbm4b:s2+s3], $0x1, v2, vm0, $0xb8;
	[tilespmem:$0xC80] =	vst v63  }
0x85: {  	v2 =	vld [tilespmem:$0x80];
	_ =	sdelay $0x4  }
0x86: {  	v3 =	vand.u32 $0xFFFFF800, v2;
	v56 =	vshll.u32 v2, $0x3  }
0x87: {  	v57 =	vshrl.u32 v2, $0x1;
	v3 =	vadd.s32 v0, v3;
	v4 =	vand.u32 $0x400, v56  }
0x88: {  	v58 =	vand.u32 $0x380, v57;
	v3 =	vor.u32 v4, v3  }
0x89: {  	v2 =	vand.u32 $0x7F, v2;
	v3 =	vor.u32 v58, v3  }
0x8a: {  	v2 =	vor.u32 v2, v3;
	_ =	sdelay $0x3  }
0x8b: {  	s8 =	rddreg [dreg:$0x11]  }
0x8c: {  	[tilespmem:s8], [sflag:$0x1] =	stream.indirect_vreg.gather [hbm4b:s2+s3], $0x1, v2, vm0, $0xb8;
	[tilespmem:$0xC80] =	vst v63  }
0x8d: {  	v2 =	vld [tilespmem:$0x90];
	_ =	sdelay $0x4  }
0x8e: {  	v3 =	vand.u32 $0xFFFFF800, v2;
	v59 =	vshll.u32 v2, $0x3  }
0x8f: {  	v60 =	vshrl.u32 v2, $0x1;
	v3 =	vadd.s32 v0, v3;
	v4 =	vand.u32 $0x400, v59  }
0x90: {  	v61 =	vand.u32 $0x380, v60;
	v3 =	vor.u32 v4, v3  }
0x91: {  	v2 =	vand.u32 $0x7F, v2;
	v3 =	vor.u32 v61, v3  }
0x92: {  	v2 =	vor.u32 v2, v3;
	_ =	sdelay $0x3  }
0x93: {  	s8 =	rddreg [dreg:$0x12]  }
0x94: {  	[tilespmem:s8], [sflag:$0x1] =	stream.indirect_vreg.gather [hbm4b:s2+s3], $0x1, v2, vm0, $0xb8;
	[tilespmem:$0xC80] =	vst v63  }
0x95: {  	v2 =	vld [tilespmem:$0xA0];
	_ =	sdelay $0x4  }
0x96: {  	v3 =	vand.u32 $0xFFFFF800, v2;
	v62 =	vshll.u32 v2, $0x3  }
0x97: {  	v63 =	vshrl.u32 v2, $0x1;
	v3 =	vadd.s32 v0, v3;
	v4 =	vand.u32 $0x400, v62  }
0x98: {  	v8 =	vand.u32 $0x380, v63;
	v3 =	vor.u32 v4, v3  }
0x99: {  	v2 =	vand.u32 $0x7F, v2;
	v3 =	vor.u32 v8, v3  }
0x9a: {  	v2 =	vor.u32 v2, v3;
	_ =	sdelay $0x3  }
0x9b: {  	s8 =	rddreg [dreg:$0x13]  }
0x9c: {  	[tilespmem:s8], [sflag:$0x1] =	stream.indirect_vreg.gather [hbm4b:s2+s3], $0x1, v2, vm0, $0xb8;
	[tilespmem:$0xC80] =	vst v63  }
0x9d: {  	v2 =	vld [tilespmem:$0xB0];
	_ =	sdelay $0x4  }
0x9e: {  	v3 =	vand.u32 $0xFFFFF800, v2;
	v9 =	vshll.u32 v2, $0x3  }
0x9f: {  	v10 =	vshrl.u32 v2, $0x1;
	v3 =	vadd.s32 v0, v3;
	v4 =	vand.u32 $0x400, v9  }
0xa0: {  	v11 =	vand.u32 $0x380, v10;
	v3 =	vor.u32 v4, v3  }
0xa1: {  	v2 =	vand.u32 $0x7F, v2;
	v3 =	vor.u32 v11, v3  }
0xa2: {  	v2 =	vor.u32 v2, v3;
	_ =	sdelay $0x3  }
0xa3: {  	s8 =	rddreg [dreg:$0x14]  }
0xa4: {  	[tilespmem:s8], [sflag:$0x1] =	stream.indirect_vreg.gather [hbm4b:s2+s3], $0x1, v2, vm0, $0xb8;
	[tilespmem:$0xC80] =	vst v63  }
0xa5: {  	v2 =	vld [tilespmem:$0xC0];
	_ =	sdelay $0x4  }
0xa6: {  	v3 =	vand.u32 $0xFFFFF800, v2;
	v12 =	vshll.u32 v2, $0x3  }
0xa7: {  	v13 =	vshrl.u32 v2, $0x1;
	v3 =	vadd.s32 v0, v3;
	v4 =	vand.u32 $0x400, v12  }
0xa8: {  	v14 =	vand.u32 $0x380, v13;
	v3 =	vor.u32 v4, v3  }
0xa9: {  	v2 =	vand.u32 $0x7F, v2;
	v3 =	vor.u32 v14, v3  }
0xaa: {  	v2 =	vor.u32 v2, v3;
	_ =	sdelay $0x3  }
0xab: {  	s8 =	rddreg [dreg:$0x15]  }
0xac: {  	[tilespmem:s8], [sflag:$0x1] =	stream.indirect_vreg.gather [hbm4b:s2+s3], $0x1, v2, vm0, $0xb8;
	[tilespmem:$0xC80] =	vst v63  }
0xad: {  	v2 =	vld [tilespmem:$0xD0];
	_ =	sdelay $0x4  }
0xae: {  	v3 =	vand.u32 $0xFFFFF800, v2;
	v15 =	vshll.u32 v2, $0x3  }
0xaf: {  	v16 =	vshrl.u32 v2, $0x1;
	v3 =	vadd.s32 v0, v3;
	v4 =	vand.u32 $0x400, v15  }
0xb0: {  	v17 =	vand.u32 $0x380, v16;
	v3 =	vor.u32 v4, v3  }
0xb1: {  	v2 =	vand.u32 $0x7F, v2;
	v3 =	vor.u32 v17, v3  }
0xb2: {  	v2 =	vor.u32 v2, v3;
	_ =	sdelay $0x3  }
0xb3: {  	s8 =	rddreg [dreg:$0x16]  }
0xb4: {  	[tilespmem:s8], [sflag:$0x1] =	stream.indirect_vreg.gather [hbm4b:s2+s3], $0x1, v2, vm0, $0xb8;
	[tilespmem:$0xC80] =	vst v63  }
0xb5: {  	v2 =	vld [tilespmem:$0xE0];
	_ =	sdelay $0x4  }
0xb6: {  	v3 =	vand.u32 $0xFFFFF800, v2;
	v18 =	vshll.u32 v2, $0x3  }
0xb7: {  	v19 =	vshrl.u32 v2, $0x1;
	v3 =	vadd.s32 v0, v3;
	v4 =	vand.u32 $0x400, v18  }
0xb8: {  	v20 =	vand.u32 $0x380, v19;
	v3 =	vor.u32 v4, v3  }
0xb9: {  	v2 =	vand.u32 $0x7F, v2;
	v3 =	vor.u32 v20, v3  }
0xba: {  	v2 =	vor.u32 v2, v3;
	_ =	sdelay $0x3  }
0xbb: {  	s8 =	rddreg [dreg:$0x17]  }
0xbc: {  	[tilespmem:s8], [sflag:$0x1] =	stream.indirect_vreg.gather [hbm4b:s2+s3], $0x1, v2, vm0, $0xb8;
	[tilespmem:$0xC80] =	vst v63  }
0xbd: {  	v2 =	vld [tilespmem:$0xF0];
	_ =	sdelay $0x4  }
0xbe: {  	v3 =	vand.u32 $0xFFFFF800, v2;
	v21 =	vshll.u32 v2, $0x3  }
0xbf: {  	v22 =	vshrl.u32 v2, $0x1;
	v3 =	vadd.s32 v0, v3;
	v4 =	vand.u32 $0x400, v21  }
0xc0: {  	v23 =	vand.u32 $0x380, v22;
	v3 =	vor.u32 v4, v3  }
0xc1: {  	v2 =	vand.u32 $0x7F, v2;
	v3 =	vor.u32 v23, v3  }
0xc2: {  	v2 =	vor.u32 v2, v3;
	_ =	sdelay $0x3  }
0xc3: {  	s8 =	rddreg [dreg:$0x18]  }
0xc4: {  	[tilespmem:s8], [sflag:$0x1] =	stream.indirect_vreg.gather [hbm4b:s2+s3], $0x1, v2, vm0, $0xb8;
	[tilespmem:$0xC80] =	vst v63  }
0xc5: {  	v2 =	vld [tilespmem:$0x100];
	_ =	sdelay $0x4  }
0xc6: {  	v3 =	vand.u32 $0xFFFFF800, v2;
	v24 =	vshll.u32 v2, $0x3  }
0xc7: {  	v25 =	vshrl.u32 v2, $0x1;
	v3 =	vadd.s32 v0, v3;
	v4 =	vand.u32 $0x400, v24  }
0xc8: {  	v26 =	vand.u32 $0x380, v25;
	v3 =	vor.u32 v4, v3  }
0xc9: {  	v2 =	vand.u32 $0x7F, v2;
	v3 =	vor.u32 v26, v3  }
0xca: {  	v2 =	vor.u32 v2, v3;
	_ =	sdelay $0x3  }
0xcb: {  	s8 =	rddreg [dreg:$0x19]  }
0xcc: {  	[tilespmem:s8], [sflag:$0x1] =	stream.indirect_vreg.gather [hbm4b:s2+s3], $0x1, v2, vm0, $0xb8;
	[tilespmem:$0xC80] =	vst v63  }
0xcd: {  	v2 =	vld [tilespmem:$0x110];
	_ =	sdelay $0x4  }
0xce: {  	v3 =	vand.u32 $0xFFFFF800, v2;
	v27 =	vshll.u32 v2, $0x3  }
0xcf: {  	v28 =	vshrl.u32 v2, $0x1;
	v3 =	vadd.s32 v0, v3;
	v4 =	vand.u32 $0x400, v27  }
0xd0: {  	v29 =	vand.u32 $0x380, v28;
	v3 =	vor.u32 v4, v3  }
0xd1: {  	v2 =	vand.u32 $0x7F, v2;
	v3 =	vor.u32 v29, v3  }
0xd2: {  	v2 =	vor.u32 v2, v3;
	_ =	sdelay $0x3  }
0xd3: {  	s8 =	rddreg [dreg:$0x1a]  }
0xd4: {  	[tilespmem:s8], [sflag:$0x1] =	stream.indirect_vreg.gather [hbm4b:s2+s3], $0x1, v2, vm0, $0xb8;
	[tilespmem:$0xC80] =	vst v63  }
0xd5: {  	v2 =	vld [tilespmem:$0x120];
	_ =	sdelay $0x4  }
0xd6: {  	v3 =	vand.u32 $0xFFFFF800, v2;
	v30 =	vshll.u32 v2, $0x3  }
0xd7: {  	v31 =	vshrl.u32 v2, $0x1;
	v3 =	vadd.s32 v0, v3;
	v4 =	vand.u32 $0x400, v30  }
0xd8: {  	v32 =	vand.u32 $0x380, v31;
	v3 =	vor.u32 v4, v3  }
0xd9: {  	v2 =	vand.u32 $0x7F, v2;
	v3 =	vor.u32 v32, v3  }
0xda: {  	v2 =	vor.u32 v2, v3;
	_ =	sdelay $0x3  }
0xdb: {  	s8 =	rddreg [dreg:$0x1b]  }
0xdc: {  	[tilespmem:s8], [sflag:$0x1] =	stream.indirect_vreg.gather [hbm4b:s2+s3], $0x1, v2, vm0, $0xb8;
	[tilespmem:$0xC80] =	vst v63  }
0xdd: {  	v2 =	vld [tilespmem:$0x130];
	_ =	sdelay $0x4  }
0xde: {  	v3 =	vand.u32 $0xFFFFF800, v2;
	v33 =	vshll.u32 v2, $0x3  }
0xdf: {  	v34 =	vshrl.u32 v2, $0x1;
	v3 =	vadd.s32 v0, v3;
	v4 =	vand.u32 $0x400, v33  }
0xe0: {  	v35 =	vand.u32 $0x380, v34;
	v3 =	vor.u32 v4, v3  }
0xe1: {  	v2 =	vand.u32 $0x7F, v2;
	v3 =	vor.u32 v35, v3  }
0xe2: {  	v2 =	vor.u32 v2, v3;
	_ =	sdelay $0x3  }
0xe3: {  	s8 =	rddreg [dreg:$0x1c]  }
0xe4: {  	[tilespmem:s8], [sflag:$0x1] =	stream.indirect_vreg.gather [hbm4b:s2+s3], $0x1, v2, vm0, $0xb8;
	[tilespmem:$0xC80] =	vst v63  }
0xe5: {  	v2 =	vld [tilespmem:$0x140];
	_ =	sdelay $0x4  }
0xe6: {  	v3 =	vand.u32 $0xFFFFF800, v2;
	v36 =	vshll.u32 v2, $0x3  }
0xe7: {  	v37 =	vshrl.u32 v2, $0x1;
	v3 =	vadd.s32 v0, v3;
	v4 =	vand.u32 $0x400, v36  }
0xe8: {  	v38 =	vand.u32 $0x380, v37;
	v3 =	vor.u32 v4, v3  }
0xe9: {  	v2 =	vand.u32 $0x7F, v2;
	v3 =	vor.u32 v38, v3  }
0xea: {  	v2 =	vor.u32 v2, v3;
	_ =	sdelay $0x3  }
0xeb: {  	s8 =	rddreg [dreg:$0x1d]  }
0xec: {  	[tilespmem:s8], [sflag:$0x1] =	stream.indirect_vreg.gather [hbm4b:s2+s3], $0x1, v2, vm0, $0xb8;
	[tilespmem:$0xC80] =	vst v63  }
0xed: {  	v2 =	vld [tilespmem:$0x150];
	_ =	sdelay $0x4  }
0xee: {  	v3 =	vand.u32 $0xFFFFF800, v2;
	v39 =	vshll.u32 v2, $0x3  }
0xef: {  	v40 =	vshrl.u32 v2, $0x1;
	v3 =	vadd.s32 v0, v3;
	v4 =	vand.u32 $0x400, v39  }
0xf0: {  	v41 =	vand.u32 $0x380, v40;
	v3 =	vor.u32 v4, v3  }
0xf1: {  	v2 =	vand.u32 $0x7F, v2;
	v3 =	vor.u32 v41, v3  }
0xf2: {  	v2 =	vor.u32 v2, v3;
	_ =	sdelay $0x3  }
0xf3: {  	s8 =	rddreg [dreg:$0x1e]  }
0xf4: {  	[tilespmem:s8], [sflag:$0x1] =	stream.indirect_vreg.gather [hbm4b:s2+s3], $0x1, v2, vm0, $0xb8;
	[tilespmem:$0xC80] =	vst v63  }
0xf5: {  	v2 =	vld [tilespmem:$0x160];
	_ =	sdelay $0x4  }
0xf6: {  	v3 =	vand.u32 $0xFFFFF800, v2;
	v42 =	vshll.u32 v2, $0x3  }
0xf7: {  	v43 =	vshrl.u32 v2, $0x1;
	v3 =	vadd.s32 v0, v3;
	v4 =	vand.u32 $0x400, v42  }
0xf8: {  	v44 =	vand.u32 $0x380, v43;
	v3 =	vor.u32 v4, v3  }
0xf9: {  	v2 =	vand.u32 $0x7F, v2;
	v3 =	vor.u32 v44, v3  }
0xfa: {  	v2 =	vor.u32 v2, v3;
	_ =	sdelay $0x3  }
0xfb: {  	s8 =	rddreg [dreg:$0x1f]  }
0xfc: {  	[tilespmem:s8], [sflag:$0x1] =	stream.indirect_vreg.gather [hbm4b:s2+s3], $0x1, v2, vm0, $0xb8;
	[tilespmem:$0xC80] =	vst v63  }
0xfd: {  	v2 =	vld [tilespmem:$0x170];
	_ =	sdelay $0x4  }
0xfe: {  	v3 =	vand.u32 $0xFFFFF800, v2;
	v45 =	vshll.u32 v2, $0x3  }
0xff: {  	v46 =	vshrl.u32 v2, $0x1;
	v3 =	vadd.s32 v0, v3;
	v4 =	vand.u32 $0x400, v45  }
0x100: {  	v47 =	vand.u32 $0x380, v46;
	v3 =	vor.u32 v4, v3  }
0x101: {  	v2 =	vand.u32 $0x7F, v2;
	v3 =	vor.u32 v47, v3  }
0x102: {  	v2 =	vor.u32 v2, v3;
	_ =	sdelay $0x1  }
0x103: {  	s8 =	sld [smem:$0x7EC];
	_ =	sdelay $0x2  }
0x104: {  	[tilespmem:s8], [sflag:$0x1] =	stream.indirect_vreg.gather [hbm4b:s2+s3], $0x1, v2, vm0, $0xb8;
	[tilespmem:$0xC80] =	vst v63  }
0x105: {  	v2 =	vld [tilespmem:$0x180];
	_ =	sdelay $0x4  }
0x106: {  	v3 =	vand.u32 $0xFFFFF800, v2;
	v48 =	vshll.u32 v2, $0x3  }
0x107: {  	v49 =	vshrl.u32 v2, $0x1;
	v3 =	vadd.s32 v0, v3;
	v4 =	vand.u32 $0x400, v48  }
0x108: {  	v50 =	vand.u32 $0x380, v49;
	v3 =	vor.u32 v4, v3  }
0x109: {  	v2 =	vand.u32 $0x7F, v2;
	v3 =	vor.u32 v50, v3  }
0x10a: {  	v2 =	vor.u32 v2, v3;
	_ =	sdelay $0x1  }
0x10b: {  	s8 =	sld [smem:$0x7ED];
	_ =	sdelay $0x2  }
0x10c: {  	[tilespmem:s8], [sflag:$0x1] =	stream.indirect_vreg.gather [hbm4b:s2+s3], $0x1, v2, vm0, $0xb8;
	[tilespmem:$0xC80] =	vst v63  }
0x10d: {  	v2 =	vld [tilespmem:$0x190];
	_ =	sdelay $0x4  }
0x10e: {  	v3 =	vand.u32 $0xFFFFF800, v2;
	v51 =	vshll.u32 v2, $0x3  }
0x10f: {  	v52 =	vshrl.u32 v2, $0x1;
	v3 =	vadd.s32 v0, v3;
	v4 =	vand.u32 $0x400, v51  }
0x110: {  	v53 =	vand.u32 $0x380, v52;
	v3 =	vor.u32 v4, v3  }
0x111: {  	v2 =	vand.u32 $0x7F, v2;
	v3 =	vor.u32 v53, v3  }
0x112: {  	v2 =	vor.u32 v2, v3;
	_ =	sdelay $0x1  }
0x113: {  	s8 =	sld [smem:$0x7EE];
	_ =	sdelay $0x2  }
0x114: {  	[tilespmem:s8], [sflag:$0x1] =	stream.indirect_vreg.gather [hbm4b:s2+s3], $0x1, v2, vm0, $0xb8;
	[tilespmem:$0xC80] =	vst v63  }
0x115: {  	v2 =	vld [tilespmem:$0x1A0];
	_ =	sdelay $0x4  }
0x116: {  	v3 =	vand.u32 $0xFFFFF800, v2;
	v54 =	vshll.u32 v2, $0x3  }
0x117: {  	v55 =	vshrl.u32 v2, $0x1;
	v3 =	vadd.s32 v0, v3;
	v4 =	vand.u32 $0x400, v54  }
0x118: {  	v56 =	vand.u32 $0x380, v55;
	v3 =	vor.u32 v4, v3  }
0x119: {  	v2 =	vand.u32 $0x7F, v2;
	v3 =	vor.u32 v56, v3  }
0x11a: {  	v2 =	vor.u32 v2, v3;
	_ =	sdelay $0x1  }
0x11b: {  	s8 =	sld [smem:$0x7EF];
	_ =	sdelay $0x2  }
0x11c: {  	[tilespmem:s8], [sflag:$0x1] =	stream.indirect_vreg.gather [hbm4b:s2+s3], $0x1, v2, vm0, $0xb8;
	[tilespmem:$0xC80] =	vst v63  }
0x11d: {  	v2 =	vld [tilespmem:$0x1B0];
	_ =	sdelay $0x4  }
0x11e: {  	v3 =	vand.u32 $0xFFFFF800, v2;
	v57 =	vshll.u32 v2, $0x3  }
0x11f: {  	v58 =	vshrl.u32 v2, $0x1;
	v3 =	vadd.s32 v0, v3;
	v4 =	vand.u32 $0x400, v57  }
0x120: {  	v59 =	vand.u32 $0x380, v58;
	v3 =	vor.u32 v4, v3  }
0x121: {  	v2 =	vand.u32 $0x7F, v2;
	v3 =	vor.u32 v59, v3  }
0x122: {  	v2 =	vor.u32 v2, v3;
	_ =	sdelay $0x1  }
0x123: {  	s8 =	sld [smem:$0x7F0];
	_ =	sdelay $0x2  }
0x124: {  	[tilespmem:s8], [sflag:$0x1] =	stream.indirect_vreg.gather [hbm4b:s2+s3], $0x1, v2, vm0, $0xb8;
	[tilespmem:$0xC80] =	vst v63  }
0x125: {  	v2 =	vld [tilespmem:$0x1C0];
	_ =	sdelay $0x4  }
0x126: {  	v3 =	vand.u32 $0xFFFFF800, v2;
	v60 =	vshll.u32 v2, $0x3  }
0x127: {  	v61 =	vshrl.u32 v2, $0x1;
	v3 =	vadd.s32 v0, v3;
	v4 =	vand.u32 $0x400, v60  }
0x128: {  	v62 =	vand.u32 $0x380, v61;
	v3 =	vor.u32 v4, v3  }
0x129: {  	v2 =	vand.u32 $0x7F, v2;
	v3 =	vor.u32 v62, v3  }
0x12a: {  	v2 =	vor.u32 v2, v3;
	_ =	sdelay $0x1  }
0x12b: {  	s8 =	sld [smem:$0x7F1];
	_ =	sdelay $0x2  }
0x12c: {  	[tilespmem:s8], [sflag:$0x1] =	stream.indirect_vreg.gather [hbm4b:s2+s3], $0x1, v2, vm0, $0xb8;
	[tilespmem:$0xC80] =	vst v63  }
0x12d: {  	v2 =	vld [tilespmem:$0x1D0];
	_ =	sdelay $0x4  }
0x12e: {  	v3 =	vand.u32 $0xFFFFF800, v2;
	v63 =	vshll.u32 v2, $0x3  }
0x12f: {  	v8 =	vshrl.u32 v2, $0x1;
	v3 =	vadd.s32 v0, v3;
	v4 =	vand.u32 $0x400, v63  }
0x130: {  	v9 =	vand.u32 $0x380, v8;
	v3 =	vor.u32 v4, v3  }
0x131: {  	v2 =	vand.u32 $0x7F, v2;
	v3 =	vor.u32 v9, v3  }
0x132: {  	v2 =	vor.u32 v2, v3;
	_ =	sdelay $0x1  }
0x133: {  	s8 =	sld [smem:$0x7F2];
	_ =	sdelay $0x2  }
0x134: {  	[tilespmem:s8], [sflag:$0x1] =	stream.indirect_vreg.gather [hbm4b:s2+s3], $0x1, v2, vm0, $0xb8;
	[tilespmem:$0xC80] =	vst v63  }
0x135: {  	v2 =	vld [tilespmem:$0x1E0];
	_ =	sdelay $0x4  }
0x136: {  	v3 =	vand.u32 $0xFFFFF800, v2;
	v10 =	vshll.u32 v2, $0x3  }
0x137: {  	v11 =	vshrl.u32 v2, $0x1;
	v3 =	vadd.s32 v0, v3;
	v4 =	vand.u32 $0x400, v10  }
0x138: {  	v12 =	vand.u32 $0x380, v11;
	v3 =	vor.u32 v4, v3  }
0x139: {  	v2 =	vand.u32 $0x7F, v2;
	v3 =	vor.u32 v12, v3  }
0x13a: {  	v2 =	vor.u32 v2, v3;
	_ =	sdelay $0x1  }
0x13b: {  	s8 =	sld [smem:$0x7F3];
	_ =	sdelay $0x2  }
0x13c: {  	[tilespmem:s8], [sflag:$0x1] =	stream.indirect_vreg.gather [hbm4b:s2+s3], $0x1, v2, vm0, $0xb8;
	[tilespmem:$0xC80] =	vst v63  }
0x13d: {  	v2 =	vld [tilespmem:$0x1F0];
	_ =	sdelay $0x4  }
0x13e: {  	v3 =	vand.u32 $0xFFFFF800, v2;
	v13 =	vshll.u32 v2, $0x3  }
0x13f: {  	v14 =	vshrl.u32 v2, $0x1;
	v3 =	vadd.s32 v0, v3;
	v4 =	vand.u32 $0x400, v13  }
0x140: {  	v15 =	vand.u32 $0x380, v14;
	v3 =	vor.u32 v4, v3  }
0x141: {  	v2 =	vand.u32 $0x7F, v2;
	v3 =	vor.u32 v15, v3  }
0x142: {  	v2 =	vor.u32 v2, v3;
	_ =	sdelay $0x1  }
0x143: {  	s8 =	sld [smem:$0x7F4];
	_ =	sdelay $0x2  }
0x144: {  	[tilespmem:s8], [sflag:$0x1] =	stream.indirect_vreg.gather [hbm4b:s2+s3], $0x1, v2, vm0, $0xb8;
	[tilespmem:$0xC80] =	vst v63  }
0x145: {  	v2 =	vld [tilespmem:$0x0];
	_ =	sdelay $0x4  }
0x146: {  	v3 =	vand.u32 $0xFFFFF800, v2;
	v16 =	vshll.u32 v2, $0x3  }
0x147: {  	v17 =	vshrl.u32 v2, $0x1;
	v3 =	vadd.s32 v1, v3;
	v4 =	vand.u32 $0x400, v16  }
0x148: {  	v18 =	vand.u32 $0x380, v17;
	v3 =	vor.u32 v4, v3  }
0x149: {  	v2 =	vand.u32 $0x7F, v2;
	v3 =	vor.u32 v18, v3  }
0x14a: {  	v2 =	vor.u32 v2, v3;
	_ =	sdelay $0x4  }
0x14b: {  	[tilespmem:s6], [sflag:$0x1] =	stream.indirect_vreg.gather [hbm4b:s2+s3], $0x1, v2, vm0, $0xb8;
	[tilespmem:$0xC80] =	vst v63  }
0x14c: {  	v2 =	vld [tilespmem:$0x10];
	_ =	sdelay $0x4  }
0x14d: {  	v3 =	vand.u32 $0xFFFFF800, v2;
	v19 =	vshll.u32 v2, $0x3  }
0x14e: {  	v20 =	vshrl.u32 v2, $0x1;
	v3 =	vadd.s32 v1, v3;
	v4 =	vand.u32 $0x400, v19  }
0x14f: {  	v21 =	vand.u32 $0x380, v20;
	v3 =	vor.u32 v4, v3  }
0x150: {  	v2 =	vand.u32 $0x7F, v2;
	v3 =	vor.u32 v21, v3  }
0x151: {  	v2 =	vor.u32 v2, v3;
	_ =	sdelay $0x1  }
0x152: {  	s8 =	sld [smem:$0x7F5];
	_ =	sdelay $0x2  }
0x153: {  	[tilespmem:s8], [sflag:$0x1] =	stream.indirect_vreg.gather [hbm4b:s2+s3], $0x1, v2, vm0, $0xb8;
	[tilespmem:$0xC80] =	vst v63  }
0x154: {  	v2 =	vld [tilespmem:$0x20];
	_ =	sdelay $0x4  }
0x155: {  	v3 =	vand.u32 $0xFFFFF800, v2;
	v22 =	vshll.u32 v2, $0x3  }
0x156: {  	v23 =	vshrl.u32 v2, $0x1;
	v3 =	vadd.s32 v1, v3;
	v4 =	vand.u32 $0x400, v22  }
0x157: {  	v24 =	vand.u32 $0x380, v23;
	v3 =	vor.u32 v4, v3  }
0x158: {  	v2 =	vand.u32 $0x7F, v2;
	v3 =	vor.u32 v24, v3  }
0x159: {  	v2 =	vor.u32 v2, v3;
	_ =	sdelay $0x1  }
0x15a: {  	s8 =	sld [smem:$0x7F6];
	_ =	sdelay $0x2  }
0x15b: {  	[tilespmem:s8], [sflag:$0x1] =	stream.indirect_vreg.gather [hbm4b:s2+s3], $0x1, v2, vm0, $0xb8;
	[tilespmem:$0xC80] =	vst v63  }
0x15c: {  	v2 =	vld [tilespmem:$0x30];
	_ =	sdelay $0x4  }
0x15d: {  	v3 =	vand.u32 $0xFFFFF800, v2;
	v25 =	vshll.u32 v2, $0x3  }
0x15e: {  	v26 =	vshrl.u32 v2, $0x1;
	v3 =	vadd.s32 v1, v3;
	v4 =	vand.u32 $0x400, v25  }
0x15f: {  	v27 =	vand.u32 $0x380, v26;
	v3 =	vor.u32 v4, v3  }
0x160: {  	v2 =	vand.u32 $0x7F, v2;
	v3 =	vor.u32 v27, v3  }
0x161: {  	v2 =	vor.u32 v2, v3;
	_ =	sdelay $0x1  }
0x162: {  	s8 =	sld [smem:$0x7F7];
	_ =	sdelay $0x2  }
0x163: {  	[tilespmem:s8], [sflag:$0x1] =	stream.indirect_vreg.gather [hbm4b:s2+s3], $0x1, v2, vm0, $0xb8;
	[tilespmem:$0xC80] =	vst v63  }
0x164: {  	v2 =	vld [tilespmem:$0x40];
	_ =	sdelay $0x4  }
0x165: {  	v3 =	vand.u32 $0xFFFFF800, v2;
	v28 =	vshll.u32 v2, $0x3  }
0x166: {  	v29 =	vshrl.u32 v2, $0x1;
	v3 =	vadd.s32 v1, v3;
	v4 =	vand.u32 $0x400, v28  }
0x167: {  	v30 =	vand.u32 $0x380, v29;
	v3 =	vor.u32 v4, v3  }
0x168: {  	v2 =	vand.u32 $0x7F, v2;
	v3 =	vor.u32 v30, v3  }
0x169: {  	v2 =	vor.u32 v2, v3;
	_ =	sdelay $0x1  }
0x16a: {  	s8 =	sld [smem:$0x7F8];
	_ =	sdelay $0x2  }
0x16b: {  	[tilespmem:s8], [sflag:$0x1] =	stream.indirect_vreg.gather [hbm4b:s2+s3], $0x1, v2, vm0, $0xb8;
	[tilespmem:$0xC80] =	vst v63  }
0x16c: {  	v2 =	vld [tilespmem:$0x50];
	_ =	sdelay $0x4  }
0x16d: {  	v3 =	vand.u32 $0xFFFFF800, v2;
	v31 =	vshll.u32 v2, $0x3  }
0x16e: {  	v32 =	vshrl.u32 v2, $0x1;
	v3 =	vadd.s32 v1, v3;
	v4 =	vand.u32 $0x400, v31  }
0x16f: {  	v33 =	vand.u32 $0x380, v32;
	v3 =	vor.u32 v4, v3  }
0x170: {  	v2 =	vand.u32 $0x7F, v2;
	v3 =	vor.u32 v33, v3  }
0x171: {  	v2 =	vor.u32 v2, v3;
	_ =	sdelay $0x1  }
0x172: {  	s8 =	sld [smem:$0x7F9];
	_ =	sdelay $0x2  }
0x173: {  	[tilespmem:s8], [sflag:$0x1] =	stream.indirect_vreg.gather [hbm4b:s2+s3], $0x1, v2, vm0, $0xb8;
	[tilespmem:$0xC80] =	vst v63  }
0x174: {  	v2 =	vld [tilespmem:$0x60];
	_ =	sdelay $0x4  }
0x175: {  	v3 =	vand.u32 $0xFFFFF800, v2;
	v34 =	vshll.u32 v2, $0x3  }
0x176: {  	v35 =	vshrl.u32 v2, $0x1;
	v3 =	vadd.s32 v1, v3;
	v4 =	vand.u32 $0x400, v34  }
0x177: {  	v36 =	vand.u32 $0x380, v35;
	v3 =	vor.u32 v4, v3  }
0x178: {  	v2 =	vand.u32 $0x7F, v2;
	v3 =	vor.u32 v36, v3  }
0x179: {  	v2 =	vor.u32 v2, v3;
	_ =	sdelay $0x1  }
0x17a: {  	s8 =	sld [smem:$0x7FA];
	_ =	sdelay $0x2  }
0x17b: {  	[tilespmem:s8], [sflag:$0x1] =	stream.indirect_vreg.gather [hbm4b:s2+s3], $0x1, v2, vm0, $0xb8;
	[tilespmem:$0xC80] =	vst v63  }
0x17c: {  	v2 =	vld [tilespmem:$0x70];
	_ =	sdelay $0x4  }
0x17d: {  	v3 =	vand.u32 $0xFFFFF800, v2;
	v37 =	vshll.u32 v2, $0x3  }
0x17e: {  	v38 =	vshrl.u32 v2, $0x1;
	v3 =	vadd.s32 v1, v3;
	v4 =	vand.u32 $0x400, v37  }
0x17f: {  	v39 =	vand.u32 $0x380, v38;
	v3 =	vor.u32 v4, v3  }
0x180: {  	v2 =	vand.u32 $0x7F, v2;
	v3 =	vor.u32 v39, v3  }
0x181: {  	v2 =	vor.u32 v2, v3;
	_ =	sdelay $0x1  }
0x182: {  	s8 =	sld [smem:$0x7FB];
	_ =	sdelay $0x2  }
0x183: {  	[tilespmem:s8], [sflag:$0x1] =	stream.indirect_vreg.gather [hbm4b:s2+s3], $0x1, v2, vm0, $0xb8;
	[tilespmem:$0xC80] =	vst v63  }
0x184: {  	v2 =	vld [tilespmem:$0x80];
	_ =	sdelay $0x4  }
0x185: {  	v3 =	vand.u32 $0xFFFFF800, v2;
	v40 =	vshll.u32 v2, $0x3  }
0x186: {  	v41 =	vshrl.u32 v2, $0x1;
	v3 =	vadd.s32 v1, v3;
	v4 =	vand.u32 $0x400, v40  }
0x187: {  	v42 =	vand.u32 $0x380, v41;
	v3 =	vor.u32 v4, v3  }
0x188: {  	v2 =	vand.u32 $0x7F, v2;
	v3 =	vor.u32 v42, v3  }
0x189: {  	v2 =	vor.u32 v2, v3;
	_ =	sdelay $0x1  }
0x18a: {  	s8 =	sld [smem:$0x7FC];
	_ =	sdelay $0x2  }
0x18b: {  	[tilespmem:s8], [sflag:$0x1] =	stream.indirect_vreg.gather [hbm4b:s2+s3], $0x1, v2, vm0, $0xb8;
	[tilespmem:$0xC80] =	vst v63  }
0x18c: {  	v2 =	vld [tilespmem:$0x90];
	_ =	sdelay $0x4  }
0x18d: {  	v3 =	vand.u32 $0xFFFFF800, v2;
	v43 =	vshll.u32 v2, $0x3  }
0x18e: {  	v44 =	vshrl.u32 v2, $0x1;
	v3 =	vadd.s32 v1, v3;
	v4 =	vand.u32 $0x400, v43  }
0x18f: {  	v45 =	vand.u32 $0x380, v44;
	v3 =	vor.u32 v4, v3  }
0x190: {  	v2 =	vand.u32 $0x7F, v2;
	v3 =	vor.u32 v45, v3  }
0x191: {  	v2 =	vor.u32 v2, v3;
	_ =	sdelay $0x1  }
0x192: {  	s8 =	sld [smem:$0x7FD];
	_ =	sdelay $0x2  }
0x193: {  	[tilespmem:s8], [sflag:$0x1] =	stream.indirect_vreg.gather [hbm4b:s2+s3], $0x1, v2, vm0, $0xb8;
	[tilespmem:$0xC80] =	vst v63  }
0x194: {  	v2 =	vld [tilespmem:$0xA0];
	_ =	sdelay $0x4  }
0x195: {  	v3 =	vand.u32 $0xFFFFF800, v2;
	v46 =	vshll.u32 v2, $0x3  }
0x196: {  	v47 =	vshrl.u32 v2, $0x1;
	v3 =	vadd.s32 v1, v3;
	v4 =	vand.u32 $0x400, v46  }
0x197: {  	v48 =	vand.u32 $0x380, v47;
	v3 =	vor.u32 v4, v3  }
0x198: {  	v2 =	vand.u32 $0x7F, v2;
	v3 =	vor.u32 v48, v3  }
0x199: {  	v2 =	vor.u32 v2, v3;
	_ =	sdelay $0x3  }
0x19a: {  	s8 =	simm.s32 $0x4A0  }
0x19b: {  	[tilespmem:s8], [sflag:$0x1] =	stream.indirect_vreg.gather [hbm4b:s2+s3], $0x1, v2, vm0, $0xb8;
	[tilespmem:$0xC80] =	vst v63  }
0x19c: {  	v2 =	vld [tilespmem:$0xB0];
	_ =	sdelay $0x4  }
0x19d: {  	v3 =	vand.u32 $0xFFFFF800, v2;
	v49 =	vshll.u32 v2, $0x3  }
0x19e: {  	v50 =	vshrl.u32 v2, $0x1;
	v3 =	vadd.s32 v1, v3;
	v4 =	vand.u32 $0x400, v49  }
0x19f: {  	v51 =	vand.u32 $0x380, v50;
	v3 =	vor.u32 v4, v3  }
0x1a0: {  	v2 =	vand.u32 $0x7F, v2;
	v3 =	vor.u32 v51, v3  }
0x1a1: {  	v2 =	vor.u32 v2, v3;
	_ =	sdelay $0x4  }
0x1a2: {  	[tilespmem:s9], [sflag:$0x1] =	stream.indirect_vreg.gather [hbm4b:s2+s3], $0x1, v2, vm0, $0xb8;
	[tilespmem:$0xC80] =	vst v63  }
0x1a3: {  	v2 =	vld [tilespmem:$0xC0];
	_ =	sdelay $0x4  }
0x1a4: {  	v3 =	vand.u32 $0xFFFFF800, v2;
	v52 =	vshll.u32 v2, $0x3  }
0x1a5: {  	v53 =	vshrl.u32 v2, $0x1;
	v3 =	vadd.s32 v1, v3;
	v4 =	vand.u32 $0x400, v52  }
0x1a6: {  	v54 =	vand.u32 $0x380, v53;
	v3 =	vor.u32 v4, v3  }
0x1a7: {  	v2 =	vand.u32 $0x7F, v2;
	v3 =	vor.u32 v54, v3  }
0x1a8: {  	v2 =	vor.u32 v2, v3;
	_ =	sdelay $0x4  }
0x1a9: {  	[tilespmem:s10], [sflag:$0x1] =	stream.indirect_vreg.gather [hbm4b:s2+s3], $0x1, v2, vm0, $0xb8;
	[tilespmem:$0xC80] =	vst v63  }
0x1aa: {  	v2 =	vld [tilespmem:$0xD0];
	_ =	sdelay $0x4  }
0x1ab: {  	v3 =	vand.u32 $0xFFFFF800, v2;
	v55 =	vshll.u32 v2, $0x3  }
0x1ac: {  	v56 =	vshrl.u32 v2, $0x1;
	v3 =	vadd.s32 v1, v3;
	v4 =	vand.u32 $0x400, v55  }
0x1ad: {  	v57 =	vand.u32 $0x380, v56;
	v3 =	vor.u32 v4, v3  }
0x1ae: {  	v2 =	vand.u32 $0x7F, v2;
	v3 =	vor.u32 v57, v3  }
0x1af: {  	v2 =	vor.u32 v2, v3;
	_ =	sdelay $0x4  }
0x1b0: {  	[tilespmem:s11], [sflag:$0x1] =	stream.indirect_vreg.gather [hbm4b:s2+s3], $0x1, v2, vm0, $0xb8;
	[tilespmem:$0xC80] =	vst v63  }
0x1b1: {  	v2 =	vld [tilespmem:$0xE0];
	_ =	sdelay $0x4  }
0x1b2: {  	v3 =	vand.u32 $0xFFFFF800, v2;
	v58 =	vshll.u32 v2, $0x3  }
0x1b3: {  	v59 =	vshrl.u32 v2, $0x1;
	v3 =	vadd.s32 v1, v3;
	v4 =	vand.u32 $0x400, v58  }
0x1b4: {  	v60 =	vand.u32 $0x380, v59;
	v3 =	vor.u32 v4, v3  }
0x1b5: {  	v2 =	vand.u32 $0x7F, v2;
	v3 =	vor.u32 v60, v3  }
0x1b6: {  	v2 =	vor.u32 v2, v3;
	_ =	sdelay $0x4  }
0x1b7: {  	[tilespmem:s12], [sflag:$0x1] =	stream.indirect_vreg.gather [hbm4b:s2+s3], $0x1, v2, vm0, $0xb8;
	[tilespmem:$0xC80] =	vst v63  }
0x1b8: {  	v2 =	vld [tilespmem:$0xF0];
	_ =	sdelay $0x4  }
0x1b9: {  	v3 =	vand.u32 $0xFFFFF800, v2;
	v61 =	vshll.u32 v2, $0x3  }
0x1ba: {  	v62 =	vshrl.u32 v2, $0x1;
	v3 =	vadd.s32 v1, v3;
	v4 =	vand.u32 $0x400, v61  }
0x1bb: {  	v63 =	vand.u32 $0x380, v62;
	v3 =	vor.u32 v4, v3  }
0x1bc: {  	v2 =	vand.u32 $0x7F, v2;
	v3 =	vor.u32 v63, v3  }
0x1bd: {  	v2 =	vor.u32 v2, v3;
	_ =	sdelay $0x4  }
0x1be: {  	[tilespmem:s13], [sflag:$0x1] =	stream.indirect_vreg.gather [hbm4b:s2+s3], $0x1, v2, vm0, $0xb8;
	[tilespmem:$0xC80] =	vst v63  }
0x1bf: {  	v2 =	vld [tilespmem:$0x100];
	_ =	sdelay $0x4  }
0x1c0: {  	v3 =	vand.u32 $0xFFFFF800, v2;
	v8 =	vshll.u32 v2, $0x3  }
0x1c1: {  	v9 =	vshrl.u32 v2, $0x1;
	v3 =	vadd.s32 v1, v3;
	v4 =	vand.u32 $0x400, v8  }
0x1c2: {  	v10 =	vand.u32 $0x380, v9;
	v3 =	vor.u32 v4, v3  }
0x1c3: {  	v2 =	vand.u32 $0x7F, v2;
	v3 =	vor.u32 v10, v3  }
0x1c4: {  	v2 =	vor.u32 v2, v3;
	_ =	sdelay $0x4  }
0x1c5: {  	[tilespmem:s14], [sflag:$0x1] =	stream.indirect_vreg.gather [hbm4b:s2+s3], $0x1, v2, vm0, $0xb8;
	[tilespmem:$0xC80] =	vst v63  }
0x1c6: {  	v2 =	vld [tilespmem:$0x110];
	_ =	sdelay $0x4  }
0x1c7: {  	v3 =	vand.u32 $0xFFFFF800, v2;
	v11 =	vshll.u32 v2, $0x3  }
0x1c8: {  	v12 =	vshrl.u32 v2, $0x1;
	v3 =	vadd.s32 v1, v3;
	v4 =	vand.u32 $0x400, v11  }
0x1c9: {  	v13 =	vand.u32 $0x380, v12;
	v3 =	vor.u32 v4, v3  }
0x1ca: {  	v2 =	vand.u32 $0x7F, v2;
	v3 =	vor.u32 v13, v3  }
0x1cb: {  	v2 =	vor.u32 v2, v3;
	_ =	sdelay $0x4  }
0x1cc: {  	[tilespmem:s15], [sflag:$0x1] =	stream.indirect_vreg.gather [hbm4b:s2+s3], $0x1, v2, vm0, $0xb8;
	[tilespmem:$0xC80] =	vst v63  }
0x1cd: {  	v2 =	vld [tilespmem:$0x120];
	_ =	sdelay $0x4  }
0x1ce: {  	v3 =	vand.u32 $0xFFFFF800, v2;
	v14 =	vshll.u32 v2, $0x3  }
0x1cf: {  	v15 =	vshrl.u32 v2, $0x1;
	v3 =	vadd.s32 v1, v3;
	v4 =	vand.u32 $0x400, v14  }
0x1d0: {  	v16 =	vand.u32 $0x380, v15;
	v3 =	vor.u32 v4, v3  }
0x1d1: {  	v2 =	vand.u32 $0x7F, v2;
	v3 =	vor.u32 v16, v3  }
0x1d2: {  	v2 =	vor.u32 v2, v3;
	_ =	sdelay $0x4  }
0x1d3: {  	[tilespmem:s16], [sflag:$0x1] =	stream.indirect_vreg.gather [hbm4b:s2+s3], $0x1, v2, vm0, $0xb8;
	[tilespmem:$0xC80] =	vst v63  }
0x1d4: {  	v2 =	vld [tilespmem:$0x130];
	_ =	sdelay $0x4  }
0x1d5: {  	v3 =	vand.u32 $0xFFFFF800, v2;
	v17 =	vshll.u32 v2, $0x3  }
0x1d6: {  	v18 =	vshrl.u32 v2, $0x1;
	v3 =	vadd.s32 v1, v3;
	v4 =	vand.u32 $0x400, v17  }
0x1d7: {  	v19 =	vand.u32 $0x380, v18;
	v3 =	vor.u32 v4, v3  }
0x1d8: {  	v2 =	vand.u32 $0x7F, v2;
	v3 =	vor.u32 v19, v3  }
0x1d9: {  	v2 =	vor.u32 v2, v3;
	_ =	sdelay $0x4  }
0x1da: {  	[tilespmem:s17], [sflag:$0x1] =	stream.indirect_vreg.gather [hbm4b:s2+s3], $0x1, v2, vm0, $0xb8;
	[tilespmem:$0xC80] =	vst v63  }
0x1db: {  	v2 =	vld [tilespmem:$0x140];
	_ =	sdelay $0x4  }
0x1dc: {  	v3 =	vand.u32 $0xFFFFF800, v2;
	v20 =	vshll.u32 v2, $0x3  }
0x1dd: {  	v21 =	vshrl.u32 v2, $0x1;
	v3 =	vadd.s32 v1, v3;
	v4 =	vand.u32 $0x400, v20  }
0x1de: {  	v22 =	vand.u32 $0x380, v21;
	v3 =	vor.u32 v4, v3  }
0x1df: {  	v2 =	vand.u32 $0x7F, v2;
	v3 =	vor.u32 v22, v3  }
0x1e0: {  	v2 =	vor.u32 v2, v3;
	_ =	sdelay $0x4  }
0x1e1: {  	[tilespmem:s18], [sflag:$0x1] =	stream.indirect_vreg.gather [hbm4b:s2+s3], $0x1, v2, vm0, $0xb8;
	[tilespmem:$0xC80] =	vst v63  }
0x1e2: {  	v2 =	vld [tilespmem:$0x150];
	_ =	sdelay $0x4  }
0x1e3: {  	v3 =	vand.u32 $0xFFFFF800, v2;
	v23 =	vshll.u32 v2, $0x3  }
0x1e4: {  	v24 =	vshrl.u32 v2, $0x1;
	v3 =	vadd.s32 v1, v3;
	v4 =	vand.u32 $0x400, v23  }
0x1e5: {  	v25 =	vand.u32 $0x380, v24;
	v3 =	vor.u32 v4, v3  }
0x1e6: {  	v2 =	vand.u32 $0x7F, v2;
	v3 =	vor.u32 v25, v3  }
0x1e7: {  	v2 =	vor.u32 v2, v3;
	_ =	sdelay $0x4  }
0x1e8: {  	[tilespmem:s19], [sflag:$0x1] =	stream.indirect_vreg.gather [hbm4b:s2+s3], $0x1, v2, vm0, $0xb8;
	[tilespmem:$0xC80] =	vst v63  }
0x1e9: {  	v2 =	vld [tilespmem:$0x160];
	_ =	sdelay $0x4  }
0x1ea: {  	v3 =	vand.u32 $0xFFFFF800, v2;
	v26 =	vshll.u32 v2, $0x3  }
0x1eb: {  	v27 =	vshrl.u32 v2, $0x1;
	v3 =	vadd.s32 v1, v3;
	v4 =	vand.u32 $0x400, v26  }
0x1ec: {  	v28 =	vand.u32 $0x380, v27;
	v3 =	vor.u32 v4, v3  }
0x1ed: {  	v2 =	vand.u32 $0x7F, v2;
	v3 =	vor.u32 v28, v3  }
0x1ee: {  	v2 =	vor.u32 v2, v3;
	_ =	sdelay $0x4  }
0x1ef: {  	[tilespmem:s20], [sflag:$0x1] =	stream.indirect_vreg.gather [hbm4b:s2+s3], $0x1, v2, vm0, $0xb8;
	[tilespmem:$0xC80] =	vst v63  }
0x1f0: {  	v2 =	vld [tilespmem:$0x170];
	_ =	sdelay $0x4  }
0x1f1: {  	v3 =	vand.u32 $0xFFFFF800, v2;
	v29 =	vshll.u32 v2, $0x3  }
0x1f2: {  	v30 =	vshrl.u32 v2, $0x1;
	v3 =	vadd.s32 v1, v3;
	v4 =	vand.u32 $0x400, v29  }
0x1f3: {  	v31 =	vand.u32 $0x380, v30;
	v3 =	vor.u32 v4, v3  }
0x1f4: {  	v2 =	vand.u32 $0x7F, v2;
	v3 =	vor.u32 v31, v3  }
0x1f5: {  	v2 =	vor.u32 v2, v3;
	_ =	sdelay $0x4  }
0x1f6: {  	[tilespmem:s21], [sflag:$0x1] =	stream.indirect_vreg.gather [hbm4b:s2+s3], $0x1, v2, vm0, $0xb8;
	[tilespmem:$0xC80] =	vst v63  }
0x1f7: {  	v2 =	vld [tilespmem:$0x180];
	_ =	sdelay $0x4  }
0x1f8: {  	v3 =	vand.u32 $0xFFFFF800, v2;
	v32 =	vshll.u32 v2, $0x3  }
0x1f9: {  	v33 =	vshrl.u32 v2, $0x1;
	v3 =	vadd.s32 v1, v3;
	v4 =	vand.u32 $0x400, v32  }
0x1fa: {  	v34 =	vand.u32 $0x380, v33;
	v3 =	vor.u32 v4, v3  }
0x1fb: {  	v2 =	vand.u32 $0x7F, v2;
	v3 =	vor.u32 v34, v3  }
0x1fc: {  	v2 =	vor.u32 v2, v3;
	_ =	sdelay $0x4  }
0x1fd: {  	[tilespmem:s22], [sflag:$0x1] =	stream.indirect_vreg.gather [hbm4b:s2+s3], $0x1, v2, vm0, $0xb8;
	[tilespmem:$0xC80] =	vst v63  }
0x1fe: {  	v2 =	vld [tilespmem:$0x190];
	_ =	sdelay $0x4  }
0x1ff: {  	v3 =	vand.u32 $0xFFFFF800, v2;
	v35 =	vshll.u32 v2, $0x3  }
0x200: {  	v36 =	vshrl.u32 v2, $0x1;
	v3 =	vadd.s32 v1, v3;
	v4 =	vand.u32 $0x400, v35  }
0x201: {  	v37 =	vand.u32 $0x380, v36;
	v3 =	vor.u32 v4, v3  }
0x202: {  	v2 =	vand.u32 $0x7F, v2;
	v3 =	vor.u32 v37, v3  }
0x203: {  	v2 =	vor.u32 v2, v3;
	_ =	sdelay $0x4  }
0x204: {  	[tilespmem:s23], [sflag:$0x1] =	stream.indirect_vreg.gather [hbm4b:s2+s3], $0x1, v2, vm0, $0xb8;
	[tilespmem:$0xC80] =	vst v63  }
0x205: {  	v2 =	vld [tilespmem:$0x1A0];
	_ =	sdelay $0x4  }
0x206: {  	v3 =	vand.u32 $0xFFFFF800, v2;
	v38 =	vshll.u32 v2, $0x3  }
0x207: {  	v39 =	vshrl.u32 v2, $0x1;
	v3 =	vadd.s32 v1, v3;
	v4 =	vand.u32 $0x400, v38  }
0x208: {  	v40 =	vand.u32 $0x380, v39;
	v3 =	vor.u32 v4, v3  }
0x209: {  	v2 =	vand.u32 $0x7F, v2;
	v3 =	vor.u32 v40, v3  }
0x20a: {  	v2 =	vor.u32 v2, v3;
	_ =	sdelay $0x4  }
0x20b: {  	[tilespmem:s24], [sflag:$0x1] =	stream.indirect_vreg.gather [hbm4b:s2+s3], $0x1, v2, vm0, $0xb8;
	[tilespmem:$0xC80] =	vst v63  }
0x20c: {  	v2 =	vld [tilespmem:$0x1B0];
	_ =	sdelay $0x4  }
0x20d: {  	v3 =	vand.u32 $0xFFFFF800, v2;
	v41 =	vshll.u32 v2, $0x3  }
0x20e: {  	v42 =	vshrl.u32 v2, $0x1;
	v3 =	vadd.s32 v1, v3;
	v4 =	vand.u32 $0x400, v41  }
0x20f: {  	v43 =	vand.u32 $0x380, v42;
	v3 =	vor.u32 v4, v3  }
0x210: {  	v2 =	vand.u32 $0x7F, v2;
	v3 =	vor.u32 v43, v3  }
0x211: {  	v2 =	vor.u32 v2, v3;
	_ =	sdelay $0x4  }
0x212: {  	[tilespmem:s25], [sflag:$0x1] =	stream.indirect_vreg.gather [hbm4b:s2+s3], $0x1, v2, vm0, $0xb8;
	[tilespmem:$0xC80] =	vst v63  }
0x213: {  	v2 =	vld [tilespmem:$0x1C0];
	_ =	sdelay $0x4  }
0x214: {  	v3 =	vand.u32 $0xFFFFF800, v2;
	v44 =	vshll.u32 v2, $0x3  }
0x215: {  	v45 =	vshrl.u32 v2, $0x1;
	v3 =	vadd.s32 v1, v3;
	v4 =	vand.u32 $0x400, v44  }
0x216: {  	v46 =	vand.u32 $0x380, v45;
	v3 =	vor.u32 v4, v3  }
0x217: {  	v2 =	vand.u32 $0x7F, v2;
	v3 =	vor.u32 v46, v3  }
0x218: {  	v2 =	vor.u32 v2, v3;
	_ =	sdelay $0x4  }
0x219: {  	[tilespmem:s26], [sflag:$0x1] =	stream.indirect_vreg.gather [hbm4b:s2+s3], $0x1, v2, vm0, $0xb8;
	[tilespmem:$0xC80] =	vst v63  }
0x21a: {  	v2 =	vld [tilespmem:$0x1D0];
	_ =	sdelay $0x4  }
0x21b: {  	v3 =	vand.u32 $0xFFFFF800, v2;
	v47 =	vshll.u32 v2, $0x3  }
0x21c: {  	v48 =	vshrl.u32 v2, $0x1;
	v3 =	vadd.s32 v1, v3;
	v4 =	vand.u32 $0x400, v47  }
0x21d: {  	v49 =	vand.u32 $0x380, v48;
	v3 =	vor.u32 v4, v3  }
0x21e: {  	v2 =	vand.u32 $0x7F, v2;
	v3 =	vor.u32 v49, v3  }
0x21f: {  	v2 =	vor.u32 v2, v3;
	_ =	sdelay $0x4  }
0x220: {  	[tilespmem:s28], [sflag:$0x1] =	stream.indirect_vreg.gather [hbm4b:s2+s3], $0x1, v2, vm0, $0xb8;
	[tilespmem:$0xC80] =	vst v63  }
0x221: {  	v2 =	vld [tilespmem:$0x1E0];
	_ =	sdelay $0x4  }
0x222: {  	v3 =	vand.u32 $0xFFFFF800, v2;
	v50 =	vshll.u32 v2, $0x3  }
0x223: {  	v51 =	vshrl.u32 v2, $0x1;
	v3 =	vadd.s32 v1, v3;
	v4 =	vand.u32 $0x400, v50  }
0x224: {  	v52 =	vand.u32 $0x380, v51;
	v3 =	vor.u32 v4, v3  }
0x225: {  	v2 =	vand.u32 $0x7F, v2;
	v3 =	vor.u32 v52, v3  }
0x226: {  	v2 =	vor.u32 v2, v3;
	_ =	sdelay $0x4  }
0x227: {  	[tilespmem:s29], [sflag:$0x1] =	stream.indirect_vreg.gather [hbm4b:s2+s3], $0x1, v2, vm0, $0xb8;
	[tilespmem:$0xC80] =	vst v63  }
0x228: {  	v2 =	vld [tilespmem:$0x1F0];
	_ =	sdelay $0x4  }
0x229: {  	v3 =	vand.u32 $0xFFFFF800, v2;
	v53 =	vshll.u32 v2, $0x3  }
0x22a: {  	v54 =	vshrl.u32 v2, $0x1;
	v3 =	vadd.s32 v1, v3;
	v4 =	vand.u32 $0x400, v53  }
0x22b: {  	v55 =	vand.u32 $0x380, v54;
	v3 =	vor.u32 v4, v3  }
0x22c: {  	v2 =	vand.u32 $0x7F, v2;
	v3 =	vor.u32 v55, v3  }
0x22d: {  	v2 =	vor.u32 v2, v3;
	_ =	sdelay $0x4  }
0x22e: {  	[tilespmem:s30], [sflag:$0x1] =	stream.indirect_vreg.gather [hbm4b:s2+s3], $0x1, v2, vm0, $0xb8;
	[tilespmem:$0xC80] =	vst v63  }
0x22f: {  	_ =	swait.ge [sflag:s31], $0x10  }
0x230: {  	[sflag:s31] =	ssyncset.done $0x0  }
0x231: {  	[sflag:s31] =	ssyncadd.s32 $0xFFFFFFF0  }
0x232: {  	_ =	swait.ge [sflag:s31], $0x10  }
0x233: {  	[sflag:s31] =	ssyncset.done $0x0  }
0x234: {  	[sflag:s31] =	ssyncadd.s32 $0xFFFFFFF0  }
0x235: {  	_ =	swait.ge [sflag:s31], $0x10  }
0x236: {  	[sflag:s31] =	ssyncset.done $0x0  }
0x237: {  	[sflag:s31] =	ssyncadd.s32 $0xFFFFFFF0  }
0x238: {  	_ =	swait.ge [sflag:s31], $0x10  }
0x239: {  	[sflag:s31] =	ssyncset.done $0x0  }
0x23a: {  	[sflag:s31] =	ssyncadd.s32 $0xFFFFFFF0  }
0x23b: {  	_ =	swait.ge [sflag:s31], $0x10  }
0x23c: {  	[sflag:s31] =	ssyncset.done $0x0  }
0x23d: {  	[sflag:s31] =	ssyncadd.s32 $0xFFFFFFF0  }
0x23e: {  	_ =	swait.ge [sflag:s31], $0x10  }
0x23f: {  	[sflag:s31] =	ssyncset.done $0x0  }
0x240: {  	[sflag:s31] =	ssyncadd.s32 $0xFFFFFFF0  }
0x241: {  	_ =	swait.ge [sflag:s31], $0x10  }
0x242: {  	[sflag:s31] =	ssyncset.done $0x0  }
0x243: {  	[sflag:s31] =	ssyncadd.s32 $0xFFFFFFF0  }
0x244: {  	_ =	swait.ge [sflag:s31], $0x10  }
0x245: {  	[sflag:s31] =	ssyncset.done $0x0  }
0x246: {  	[sflag:s31] =	ssyncadd.s32 $0xFFFFFFF0  }
0x247: {  	_ =	swait.ge [sflag:s31], $0x10  }
0x248: {  	[sflag:s31] =	ssyncset.done $0x0  }
0x249: {  	[sflag:s31] =	ssyncadd.s32 $0xFFFFFFF0  }
0x24a: {  	_ =	swait.ge [sflag:s31], $0x10  }
0x24b: {  	[sflag:s31] =	ssyncset.done $0x0  }
0x24c: {  	[sflag:s31] =	ssyncadd.s32 $0xFFFFFFF0  }
0x24d: {  	_ =	swait.ge [sflag:s31], $0x10  }
0x24e: {  	[sflag:s31] =	ssyncset.done $0x0  }
0x24f: {  	[sflag:s31] =	ssyncadd.s32 $0xFFFFFFF0  }
0x250: {  	_ =	swait.ge [sflag:s31], $0x10  }
0x251: {  	[sflag:s31] =	ssyncset.done $0x0  }
0x252: {  	[sflag:s31] =	ssyncadd.s32 $0xFFFFFFF0  }
0x253: {  	_ =	swait.ge [sflag:s31], $0x10  }
0x254: {  	[sflag:s31] =	ssyncset.done $0x0  }
0x255: {  	[sflag:s31] =	ssyncadd.s32 $0xFFFFFFF0  }
0x256: {  	_ =	swait.ge [sflag:s31], $0x10  }
0x257: {  	[sflag:s31] =	ssyncset.done $0x0  }
0x258: {  	[sflag:s31] =	ssyncadd.s32 $0xFFFFFFF0  }
0x259: {  	_ =	swait.ge [sflag:s31], $0x10  }
0x25a: {  	[sflag:s31] =	ssyncset.done $0x0  }
0x25b: {  	[sflag:s31] =	ssyncadd.s32 $0xFFFFFFF0  }
0x25c: {  	_ =	swait.ge [sflag:s31], $0x10  }
0x25d: {  	[sflag:s31] =	ssyncset.done $0x0  }
0x25e: {  	[sflag:s31] =	ssyncadd.s32 $0xFFFFFFF0  }
0x25f: {  	_ =	swait.ge [sflag:s31], $0x10  }
0x260: {  	[sflag:s31] =	ssyncset.done $0x0  }
0x261: {  	[sflag:s31] =	ssyncadd.s32 $0xFFFFFFF0  }
0x262: {  	_ =	swait.ge [sflag:s31], $0x10  }
0x263: {  	[sflag:s31] =	ssyncset.done $0x0  }
0x264: {  	[sflag:s31] =	ssyncadd.s32 $0xFFFFFFF0  }
0x265: {  	_ =	swait.ge [sflag:s31], $0x10  }
0x266: {  	[sflag:s31] =	ssyncset.done $0x0  }
0x267: {  	[sflag:s31] =	ssyncadd.s32 $0xFFFFFFF0  }
0x268: {  	_ =	swait.ge [sflag:s31], $0x10  }
0x269: {  	[sflag:s31] =	ssyncset.done $0x0  }
0x26a: {  	[sflag:s31] =	ssyncadd.s32 $0xFFFFFFF0  }
0x26b: {  	_ =	swait.ge [sflag:s31], $0x10  }
0x26c: {  	[sflag:s31] =	ssyncset.done $0x0  }
0x26d: {  	[sflag:s31] =	ssyncadd.s32 $0xFFFFFFF0  }
0x26e: {  	_ =	swait.ge [sflag:s31], $0x10  }
0x26f: {  	[sflag:s31] =	ssyncset.done $0x0  }
0x270: {  	[sflag:s31] =	ssyncadd.s32 $0xFFFFFFF0  }
0x271: {  	_ =	swait.ge [sflag:s31], $0x10  }
0x272: {  	[sflag:s31] =	ssyncset.done $0x0  }
0x273: {  	[sflag:s31] =	ssyncadd.s32 $0xFFFFFFF0  }
0x274: {  	_ =	swait.ge [sflag:s31], $0x10  }
0x275: {  	[sflag:s31] =	ssyncset.done $0x0  }
0x276: {  	[sflag:s31] =	ssyncadd.s32 $0xFFFFFFF0  }
0x277: {  	_ =	swait.ge [sflag:s31], $0x10  }
0x278: {  	[sflag:s31] =	ssyncset.done $0x0  }
0x279: {  	[sflag:s31] =	ssyncadd.s32 $0xFFFFFFF0  }
0x27a: {  	_ =	swait.ge [sflag:s31], $0x10  }
0x27b: {  	[sflag:s31] =	ssyncset.done $0x0  }
0x27c: {  	[sflag:s31] =	ssyncadd.s32 $0xFFFFFFF0  }
0x27d: {  	_ =	swait.ge [sflag:s31], $0x10  }
0x27e: {  	[sflag:s31] =	ssyncset.done $0x0  }
0x27f: {  	[sflag:s31] =	ssyncadd.s32 $0xFFFFFFF0  }
0x280: {  	_ =	swait.ge [sflag:s31], $0x10  }
0x281: {  	[sflag:s31] =	ssyncset.done $0x0  }
0x282: {  	[sflag:s31] =	ssyncadd.s32 $0xFFFFFFF0  }
0x283: {  	_ =	swait.ge [sflag:s31], $0x10  }
0x284: {  	[sflag:s31] =	ssyncset.done $0x0  }
0x285: {  	[sflag:s31] =	ssyncadd.s32 $0xFFFFFFF0  }
0x286: {  	_ =	swait.ge [sflag:s31], $0x10  }
0x287: {  	[sflag:s31] =	ssyncset.done $0x0  }
0x288: {  	[sflag:s31] =	ssyncadd.s32 $0xFFFFFFF0  }
0x289: {  	_ =	swait.ge [sflag:s31], $0x10  }
0x28a: {  	[sflag:s31] =	ssyncset.done $0x0  }
0x28b: {  	[sflag:s31] =	ssyncadd.s32 $0xFFFFFFF0  }
0x28c: {  	_ =	swait.ge [sflag:s31], $0x10  }
0x28d: {  	[sflag:s31] =	ssyncset.done $0x0  }
0x28e: {  	[sflag:s31] =	ssyncadd.s32 $0xFFFFFFF0  }
0x28f: {  	_ =	swait.ge [sflag:s31], $0x10  }
0x290: {  	[sflag:s31] =	ssyncset.done $0x0  }
0x291: {  	[sflag:s31] =	ssyncadd.s32 $0xFFFFFFF0  }
0x292: {  	_ =	swait.ge [sflag:s31], $0x10  }
0x293: {  	[sflag:s31] =	ssyncset.done $0x0  }
0x294: {  	[sflag:s31] =	ssyncadd.s32 $0xFFFFFFF0  }
0x295: {  	_ =	swait.ge [sflag:s31], $0x10  }
0x296: {  	[sflag:s31] =	ssyncset.done $0x0  }
0x297: {  	[sflag:s31] =	ssyncadd.s32 $0xFFFFFFF0  }
0x298: {  	_ =	swait.ge [sflag:s31], $0x10  }
0x299: {  	[sflag:s31] =	ssyncset.done $0x0  }
0x29a: {  	[sflag:s31] =	ssyncadd.s32 $0xFFFFFFF0  }
0x29b: {  	_ =	swait.ge [sflag:s31], $0x10  }
0x29c: {  	[sflag:s31] =	ssyncset.done $0x0  }
0x29d: {  	[sflag:s31] =	ssyncadd.s32 $0xFFFFFFF0  }
0x29e: {  	_ =	swait.ge [sflag:s31], $0x10  }
0x29f: {  	[sflag:s31] =	ssyncset.done $0x0  }
0x2a0: {  	[sflag:s31] =	ssyncadd.s32 $0xFFFFFFF0  }
0x2a1: {  	_ =	swait.ge [sflag:s31], $0x10  }
0x2a2: {  	[sflag:s31] =	ssyncset.done $0x0  }
0x2a3: {  	[sflag:s31] =	ssyncadd.s32 $0xFFFFFFF0  }
0x2a4: {  	_ =	swait.ge [sflag:s31], $0x10  }
0x2a5: {  	[sflag:s31] =	ssyncset.done $0x0  }
0x2a6: {  	[sflag:s31] =	ssyncadd.s32 $0xFFFFFFF0  }
0x2a7: {  	_ =	swait.ge [sflag:s31], $0x10  }
0x2a8: {  	[sflag:s31] =	ssyncset.done $0x0  }
0x2a9: {  	[sflag:s31] =	ssyncadd.s32 $0xFFFFFFF0  }
0x2aa: {  	_ =	swait.ge [sflag:s31], $0x10  }
0x2ab: {  	[sflag:s31] =	ssyncset.done $0x0  }
0x2ac: {  	[sflag:s31] =	ssyncadd.s32 $0xFFFFFFF0  }
0x2ad: {  	_ =	swait.ge [sflag:s31], $0x10  }
0x2ae: {  	[sflag:s31] =	ssyncset.done $0x0  }
0x2af: {  	[sflag:s31] =	ssyncadd.s32 $0xFFFFFFF0  }
0x2b0: {  	_ =	swait.ge [sflag:s31], $0x10  }
0x2b1: {  	[sflag:s31] =	ssyncset.done $0x0  }
0x2b2: {  	[sflag:s31] =	ssyncadd.s32 $0xFFFFFFF0  }
0x2b3: {  	_ =	swait.ge [sflag:s31], $0x10  }
0x2b4: {  	[sflag:s31] =	ssyncset.done $0x0  }
0x2b5: {  	[sflag:s31] =	ssyncadd.s32 $0xFFFFFFF0  }
0x2b6: {  	_ =	swait.ge [sflag:s31], $0x10  }
0x2b7: {  	[sflag:s31] =	ssyncset.done $0x0  }
0x2b8: {  	[sflag:s31] =	ssyncadd.s32 $0xFFFFFFF0  }
0x2b9: {  	_ =	swait.ge [sflag:s31], $0x10  }
0x2ba: {  	[sflag:s31] =	ssyncset.done $0x0  }
0x2bb: {  	[sflag:s31] =	ssyncadd.s32 $0xFFFFFFF0  }
0x2bc: {  	_ =	swait.ge [sflag:s31], $0x10  }
0x2bd: {  	[sflag:s31] =	ssyncset.done $0x0  }
0x2be: {  	[sflag:s31] =	ssyncadd.s32 $0xFFFFFFF0  }
0x2bf: {  	_ =	swait.ge [sflag:s31], $0x10  }
0x2c0: {  	[sflag:s31] =	ssyncset.done $0x0  }
0x2c1: {  	[sflag:s31] =	ssyncadd.s32 $0xFFFFFFF0  }
0x2c2: {  	_ =	swait.ge [sflag:s31], $0x10  }
0x2c3: {  	[sflag:s31] =	ssyncset.done $0x0  }
0x2c4: {  	[sflag:s31] =	ssyncadd.s32 $0xFFFFFFF0  }
0x2c5: {  	_ =	swait.ge [sflag:s31], $0x10  }
0x2c6: {  	[sflag:s31] =	ssyncset.done $0x0  }
0x2c7: {  	[sflag:s31] =	ssyncadd.s32 $0xFFFFFFF0  }
0x2c8: {  	_ =	swait.ge [sflag:s31], $0x10  }
0x2c9: {  	[sflag:s31] =	ssyncset.done $0x0  }
0x2ca: {  	[sflag:s31] =	ssyncadd.s32 $0xFFFFFFF0  }
0x2cb: {  	_ =	swait.ge [sflag:s31], $0x10  }
0x2cc: {  	[sflag:s31] =	ssyncset.done $0x0  }
0x2cd: {  	[sflag:s31] =	ssyncadd.s32 $0xFFFFFFF0  }
0x2ce: {  	_ =	swait.ge [sflag:s31], $0x10  }
0x2cf: {  	[sflag:s31] =	ssyncset.done $0x0  }
0x2d0: {  	[sflag:s31] =	ssyncadd.s32 $0xFFFFFFF0  }
0x2d1: {  	_ =	swait.ge [sflag:s31], $0x10  }
0x2d2: {  	[sflag:s31] =	ssyncset.done $0x0  }
0x2d3: {  	[sflag:s31] =	ssyncadd.s32 $0xFFFFFFF0  }
0x2d4: {  	_ =	swait.ge [sflag:s31], $0x10  }
0x2d5: {  	[sflag:s31] =	ssyncset.done $0x0  }
0x2d6: {  	[sflag:s31] =	ssyncadd.s32 $0xFFFFFFF0  }
0x2d7: {  	_ =	swait.ge [sflag:s31], $0x10  }
0x2d8: {  	[sflag:s31] =	ssyncset.done $0x0  }
0x2d9: {  	[sflag:s31] =	ssyncadd.s32 $0xFFFFFFF0  }
0x2da: {  	_ =	swait.ge [sflag:s31], $0x10  }
0x2db: {  	[sflag:s31] =	ssyncset.done $0x0  }
0x2dc: {  	[sflag:s31] =	ssyncadd.s32 $0xFFFFFFF0  }
0x2dd: {  	_ =	swait.ge [sflag:s31], $0x10  }
0x2de: {  	[sflag:s31] =	ssyncset.done $0x0  }
0x2df: {  	[sflag:s31] =	ssyncadd.s32 $0xFFFFFFF0  }
0x2e0: {  	_ =	swait.ge [sflag:s31], $0x10  }
0x2e1: {  	[sflag:s31] =	ssyncset.done $0x0  }
0x2e2: {  	[sflag:s31] =	ssyncadd.s32 $0xFFFFFFF0  }
0x2e3: {  	_ =	swait.ge [sflag:s31], $0x10  }
0x2e4: {  	[sflag:s31] =	ssyncset.done $0x0  }
0x2e5: {  	[sflag:s31] =	ssyncadd.s32 $0xFFFFFFF0  }
0x2e6: {  	_ =	swait.ge [sflag:s31], $0x10  }
0x2e7: {  	[sflag:s31] =	ssyncset.done $0x0  }
0x2e8: {  	[sflag:s31] =	ssyncadd.s32 $0xFFFFFFF0  }
0x2e9: {  	_ =	swait.ge [sflag:s31], $0x10  }
0x2ea: {  	[sflag:s31] =	ssyncset.done $0x0  }
0x2eb: {  	[sflag:s31] =	ssyncadd.s32 $0xFFFFFFF0  }
0x2ec: {  	_ =	swait.ge [sflag:s31], $0x10  }
0x2ed: {  	[sflag:s31] =	ssyncset.done $0x0  }
0x2ee: {  	[sflag:s31] =	ssyncadd.s32 $0xFFFFFFF0  }
0x2ef: {  	v17 =	vld [tilespmem:$0x600]  }
0x2f0: {  	v2 =	vld [tilespmem:$0x200]  }
0x2f1: {  	v56 =	vld [tilespmem:$0x800]  }
0x2f2: {  	v6 =	vld [tilespmem:$0x400]  }
0x2f3: {  	v7 =	vld [tilespmem:$0x880]  }
0x2f4: {  	v16 =	vld [tilespmem:$0x610]  }
0x2f5: {  	v9 =	vld [tilespmem:$0x210]  }
0x2f6: {  	v11 =	vld [tilespmem:$0x810]  }
0x2f7: {  	v13 =	vld [tilespmem:$0x410]  }
0x2f8: {  	v15 =	vld [tilespmem:$0x890]  }
0x2f9: {  	v14 =	vld [tilespmem:$0x620]  }
0x2fa: {  	v18 =	vld [tilespmem:$0x220]  }
0x2fb: {  	v19 =	vld [tilespmem:$0x820]  }
0x2fc: {  	v20 =	vld [tilespmem:$0x420]  }
0x2fd: {  	v21 =	vld [tilespmem:$0x8A0]  }
0x2fe: {  	v12 =	vld [tilespmem:$0x630]  }
0x2ff: {  	v22 =	vld [tilespmem:$0x230]  }
0x300: {  	v23 =	vld [tilespmem:$0x830]  }
0x301: {  	v24 =	vld [tilespmem:$0x430]  }
0x302: {  	v25 =	vld [tilespmem:$0x8B0]  }
0x303: {  	v10 =	vld [tilespmem:$0x640]  }
0x304: {  	v26 =	vld [tilespmem:$0x240]  }
0x305: {  	v27 =	vld [tilespmem:$0x840]  }
0x306: {  	v28 =	vld [tilespmem:$0x440]  }
0x307: {  	v29 =	vld [tilespmem:$0x8C0]  }
0x308: {  	v8 =	vld [tilespmem:$0x650]  }
0x309: {  	v30 =	vld [tilespmem:$0x250]  }
0x30a: {  	v31 =	vld [tilespmem:$0x850]  }
0x30b: {  	v32 =	vld [tilespmem:$0x450]  }
0x30c: {  	v33 =	vld [tilespmem:$0x8D0]  }
0x30d: {  	v5 =	vld [tilespmem:$0x660]  }
0x30e: {  	v34 =	vld [tilespmem:$0x260]  }
0x30f: {  	v35 =	vld [tilespmem:$0x860]  }
0x310: {  	v36 =	vld [tilespmem:$0x460]  }
0x311: {  	v37 =	vld [tilespmem:$0x8E0]  }
0x312: {  	v3 =	vld [tilespmem:$0x670]  }
0x313: {  	v38 =	vld [tilespmem:$0x270]  }
0x314: {  	v39 =	vld [tilespmem:$0x870]  }
0x315: {  	v40 =	vld [tilespmem:$0x470]  }
0x316: {  	v41 =	vld [tilespmem:$0x8F0];
	v42 =	vmul.f32 v2, v17;
	v4 =	vmul.f32 v56, v17  }
0x317: {  	v43 =	vld [tilespmem:$0x280];
	v6 =	vmul.f32 v6, v17;
	v7 =	vmul.f32 v7, v17  }
0x318: {  	v44 =	vld [tilespmem:$0x480];
	v57 =	vmul.f32 v9, v16;
	v58 =	vmul.f32 v11, v16  }
0x319: {  	v2 =	vld [tilespmem:$0x680];
	v59 =	vmul.f32 v13, v16;
	v4 =	vsub.f32 v42, v4;
	v6 =	vsub.f32 v6, v7  }
0x31a: {  	v60 =	vmul.f32 v15, v16;
	v15 =	vld [tilespmem:$0x980];
	v62 =	vmul.f32 v18, v14  }
0x31b: {  	v18 =	vld [tilespmem:$0x910];
	v7 =	vsub.f32 v57, v58;
	v45 =	vand.u32 $0x7FFFFFFF, v4;
	v6 =	vand.u32 $0x7FFFFFFF, v6  }
0x31c: {  	v63 =	vmul.f32 v19, v14;
	v19 =	vld [tilespmem:$0x490];
	v6 =	vadd.f32 v6, v45  }
0x31d: {  	v48 =	vmul.f32 v20, v14;
	v20 =	vld [tilespmem:$0x990];
	v61 =	vsub.f32 v59, v60;
	v7 =	vand.u32 $0x7FFFFFFF, v7  }
0x31e: {  	v51 =	vmul.f32 v23, v12;
	v23 =	vld [tilespmem:$0x2A0];
	v6 =	vadd.f32 v7, v6  }
0x31f: {  	v49 =	vmul.f32 v21, v14;
	v21 =	vld [tilespmem:$0x920];
	v47 =	vsub.f32 v62, v63;
	v46 =	vand.u32 $0x7FFFFFFF, v61  }
0x320: {  	v50 =	vmul.f32 v22, v12;
	v53 =	vmul.f32 v24, v12;
	v24 =	vld [tilespmem:$0x4A0];
	v7 =	vadd.f32 v46, v6  }
0x321: {  	v54 =	vmul.f32 v25, v12;
	v25 =	vld [tilespmem:$0x9A0];
	v11 =	vsub.f32 v48, v49;
	v9 =	vand.u32 $0x7FFFFFFF, v47  }
0x322: {  	v55 =	vmul.f32 v26, v10;
	v26 =	vld [tilespmem:$0x930];
	v7 =	vadd.f32 v9, v7  }
0x323: {  	v56 =	vmul.f32 v27, v10;
	v27 =	vld [tilespmem:$0x4B0];
	v52 =	vsub.f32 v50, v51;
	v11 =	vand.u32 $0x7FFFFFFF, v11  }
0x324: {  	v42 =	vld [tilespmem:$0x900];
	v11 =	vadd.f32 v11, v7  }
0x325: {  	v13 =	vsub.f32 v53, v54;
	v57 =	vmul.f32 v28, v10;
	v28 =	vld [tilespmem:$0x2B0];
	v9 =	vand.u32 $0x7FFFFFFF, v52  }
0x326: {  	v58 =	vmul.f32 v29, v10;
	v60 =	vmul.f32 v30, v8;
	v30 =	vld [tilespmem:$0x9B0];
	v9 =	vadd.f32 v9, v11  }
0x327: {  	v22 =	vsub.f32 v55, v56;
	v62 =	vmul.f32 v32, v8;
	v32 =	vld [tilespmem:$0x2C0];
	v13 =	vand.u32 $0x7FFFFFFF, v13  }
0x328: {  	v63 =	vmul.f32 v33, v8;
	v33 =	vld [tilespmem:$0x9C0];
	v50 =	vmul.f32 v38, v3;
	v9 =	vadd.f32 v13, v9  }
0x329: {  	v38 =	vld [tilespmem:$0x950];
	v59 =	vand.u32 $0x7FFFFFFF, v22;
	v61 =	vmul.f32 v31, v8;
	v11 =	vsub.f32 v57, v58  }
0x32a: {  	v49 =	vmul.f32 v37, v5;
	v37 =	vld [tilespmem:$0x9D0];
	v13 =	vadd.f32 v59, v9  }
0x32b: {  	v48 =	vmul.f32 v36, v5;
	v4 =	vld [tilespmem:$0x690];
	v22 =	vsub.f32 v60, v61;
	v11 =	vand.u32 $0x7FFFFFFF, v11  }
0x32c: {  	v51 =	vmul.f32 v39, v3;
	v47 =	vmul.f32 v35, v5;
	v31 =	vld [tilespmem:$0x4C0];
	v11 =	vadd.f32 v11, v13  }
0x32d: {  	v29 =	vsub.f32 v62, v63;
	v45 =	vld [tilespmem:$0x290];
	v22 =	vand.u32 $0x7FFFFFFF, v22;
	v46 =	vmul.f32 v34, v5  }
0x32e: {  	v53 =	vmul.f32 v41, v3;
	v54 =	vmul.f32 v43, v2;
	v43 =	vld [tilespmem:$0x4E0];
	v22 =	vadd.f32 v22, v11  }
0x32f: {  	v56 =	vmul.f32 v44, v2;
	v44 =	vld [tilespmem:$0x9E0];
	v29 =	vand.u32 $0x7FFFFFFF, v29;
	v13 =	vsub.f32 v46, v47  }
0x330: {  	v35 =	vsub.f32 v48, v49;
	v15 =	vmul.f32 v15, v2;
	v6 =	vld [tilespmem:$0x6A0];
	v22 =	vadd.f32 v29, v22  }
0x331: {  	v36 =	vsub.f32 v50, v51;
	v55 =	vmul.f32 v42, v2;
	v42 =	vld [tilespmem:$0x2E0];
	v13 =	vand.u32 $0x7FFFFFFF, v13  }
0x332: {  	v41 =	vsub.f32 v56, v15;
	v15 =	vld [tilespmem:$0x6F0];
	v19 =	vmul.f32 v19, v4;
	v13 =	vadd.f32 v13, v22  }
0x333: {  	v35 =	vand.u32 $0x7FFFFFFF, v35;
	v34 =	vld [tilespmem:$0x940];
	v20 =	vmul.f32 v20, v4;
	v52 =	vmul.f32 v40, v3  }
0x334: {  	v36 =	vand.u32 $0x7FFFFFFF, v36;
	v39 =	vsub.f32 v54, v55;
	v40 =	vld [tilespmem:$0x4D0];
	v35 =	vadd.f32 v35, v13  }
0x335: {  	v19 =	vsub.f32 v19, v20;
	v7 =	vld [tilespmem:$0x6B0];
	v61 =	vmul.f32 v23, v6;
	v22 =	vsub.f32 v52, v53  }
0x336: {  	v21 =	vmul.f32 v21, v6;
	v23 =	vld [tilespmem:$0x9F0];
	v24 =	vmul.f32 v24, v6;
	v35 =	vadd.f32 v36, v35  }
0x337: {  	v25 =	vmul.f32 v25, v6;
	v58 =	vand.u32 $0x7FFFFFFF, v41;
	v41 =	vld [tilespmem:$0x970];
	v22 =	vand.u32 $0x7FFFFFFF, v22  }
0x338: {  	v18 =	vmul.f32 v18, v4;
	v20 =	vsub.f32 v61, v21;
	v21 =	vld [tilespmem:$0x300];
	v22 =	vadd.f32 v22, v35  }
0x339: {  	v39 =	vand.u32 $0x7FFFFFFF, v39;
	v57 =	vmul.f32 v45, v4;
	v62 =	vsub.f32 v24, v25;
	v24 =	vld [tilespmem:$0xA00]  }
0x33a: {  	v63 =	vmul.f32 v28, v7;
	v28 =	vld [tilespmem:$0x500];
	v22 =	vadd.f32 v39, v22  }
0x33b: {  	v18 =	vsub.f32 v57, v18;
	v26 =	vmul.f32 v26, v7;
	v45 =	vmul.f32 v30, v7;
	v30 =	vld [tilespmem:$0x320]  }
0x33c: {  	v9 =	vld [tilespmem:$0x6C0];
	v59 =	vadd.f32 $0.0e+00, v17;
	v60 =	vadd.f32 v58, v22  }
0x33d: {  	v18 =	vand.u32 $0x7FFFFFFF, v18;
	v17 =	vld [tilespmem:$0x700];
	v25 =	vsub.f32 v63, v26  }
0x33e: {  	v26 =	vld [tilespmem:$0xA10];
	v16 =	vadd.f32 v16, v59;
	v18 =	vadd.f32 v18, v60  }
0x33f: {  	v19 =	vand.u32 $0x7FFFFFFF, v19;
	v11 =	vld [tilespmem:$0x6D0]  }
0x340: {  	v16 =	vadd.f32 v14, v16;
	v14 =	vld [tilespmem:$0x710];
	v18 =	vadd.f32 v19, v18  }
0x341: {  	v20 =	vand.u32 $0x7FFFFFFF, v20;
	v46 =	vmul.f32 v32, v9;
	v32 =	vld [tilespmem:$0x310]  }
0x342: {  	v51 =	vmul.f32 v31, v9;
	v31 =	vld [tilespmem:$0xA90];
	v18 =	vadd.f32 v20, v18  }
0x343: {  	v47 =	vmul.f32 v34, v9;
	v34 =	vld [tilespmem:$0xA20];
	v39 =	vmul.f32 v27, v7;
	v19 =	vand.u32 $0x7FFFFFFF, v62  }
0x344: {  	v29 =	vld [tilespmem:$0x2D0];
	v12 =	vadd.f32 v12, v16;
	v18 =	vadd.f32 v19, v18  }
0x345: {  	v48 =	vand.u32 $0x7FFFFFFF, v25;
	v50 =	vsub.f32 v46, v47;
	v46 =	vld [tilespmem:$0x530];
	v49 =	vsub.f32 v39, v45  }
0x346: {  	v21 =	vmul.f32 v21, v17;
	v13 =	vld [tilespmem:$0x6E0];
	v16 =	vadd.f32 v48, v18  }
0x347: {  	v52 =	vmul.f32 v33, v9;
	v12 =	vadd.f32 v10, v12;
	v36 =	vld [tilespmem:$0x960];
	v25 =	vand.u32 $0x7FFFFFFF, v49  }
0x348: {  	v10 =	vld [tilespmem:$0x720];
	v55 =	vmul.f32 v38, v11;
	v56 =	vmul.f32 v40, v11;
	v16 =	vadd.f32 v25, v16  }
0x349: {  	v33 =	vld [tilespmem:$0xB10];
	v53 =	vsub.f32 v51, v52;
	v54 =	vmul.f32 v29, v11;
	v18 =	vand.u32 $0x7FFFFFFF, v50  }
0x34a: {  	v57 =	vmul.f32 v37, v11;
	v12 =	vadd.f32 v8, v12;
	v8 =	vld [tilespmem:$0x730];
	v16 =	vadd.f32 v18, v16  }
0x34b: {  	v51 =	vmul.f32 v24, v17;
	v52 =	vld [tilespmem:$0x540];
	v59 =	vsub.f32 v54, v55;
	v58 =	vand.u32 $0x7FFFFFFF, v53  }
0x34c: {  	v5 =	vadd.f32 v5, v12;
	v35 =	vld [tilespmem:$0x2F0];
	v36 =	vmul.f32 v36, v13;
	v16 =	vadd.f32 v58, v16  }
0x34d: {  	v29 =	vld [tilespmem:$0xAA0];
	v60 =	vmul.f32 v42, v13;
	v25 =	vand.u32 $0x7FFFFFFF, v59;
	v18 =	vsub.f32 v56, v57  }
0x34e: {  	v21 =	vsub.f32 v21, v51;
	v40 =	vmul.f32 v43, v13;
	v22 =	vld [tilespmem:$0x4F0];
	v61 =	vadd.f32 v25, v16  }
0x34f: {  	v51 =	vld [tilespmem:$0xAF0];
	v42 =	vmul.f32 v44, v13;
	v63 =	vsub.f32 v60, v36;
	v62 =	vand.u32 $0x7FFFFFFF, v18  }
0x350: {  	v54 =	vld [tilespmem:$0xAC0];
	v5 =	vadd.f32 v3, v5;
	v45 =	vmul.f32 v41, v15;
	v12 =	vadd.f32 v62, v61  }
0x351: {  	v55 =	vld [tilespmem:$0x350];
	v44 =	vmul.f32 v35, v15;
	v47 =	vsub.f32 v40, v42;
	v3 =	vand.u32 $0x7FFFFFFF, v63  }
0x352: {  	v23 =	vmul.f32 v23, v15;
	v2 =	vadd.f32 v2, v5;
	v20 =	vld [tilespmem:$0xA80];
	v12 =	vadd.f32 v3, v12  }
0x353: {  	v27 =	vld [tilespmem:$0x520];
	v22 =	vmul.f32 v22, v15;
	v16 =	vsub.f32 v44, v45;
	v25 =	vand.u32 $0x7FFFFFFF, v47  }
0x354: {  	v43 =	vld [tilespmem:$0xA30];
	v4 =	vadd.f32 v4, v2;
	v49 =	vadd.f32 v25, v12  }
0x355: {  	v21 =	vand.u32 $0x7FFFFFFF, v21;
	v22 =	vsub.f32 v22, v23;
	v19 =	vld [tilespmem:$0x510];
	v50 =	vand.u32 $0x7FFFFFFF, v16  }
0x356: {  	v53 =	vmul.f32 v28, v17;
	v2 =	vld [tilespmem:$0x750];
	v4 =	vadd.f32 v6, v4;
	v5 =	vadd.f32 v50, v49  }
0x357: {  	v39 =	vmul.f32 v29, v10;
	v41 =	vld [tilespmem:$0xAE0];
	v22 =	vand.u32 $0x7FFFFFFF, v22;
	v20 =	vmul.f32 v20, v17  }
0x358: {  	v35 =	vld [tilespmem:$0x340];
	v4 =	vadd.f32 v7, v4;
	v36 =	vmul.f32 v27, v10;
	v5 =	vadd.f32 v22, v5  }
0x359: {  	v40 =	vld [tilespmem:$0x560];
	v56 =	vmul.f32 v32, v14;
	v57 =	vmul.f32 v26, v14;
	v12 =	vsub.f32 v53, v20  }
0x35a: {  	v27 =	vld [tilespmem:$0x770];
	v4 =	vadd.f32 v9, v4;
	v19 =	vmul.f32 v19, v14;
	v5 =	vadd.f32 v21, v5  }
0x35b: {  	v18 =	vld [tilespmem:$0x330];
	v60 =	vsub.f32 v56, v57;
	v61 =	vmul.f32 v31, v14;
	v59 =	vand.u32 $0x7FFFFFFF, v12  }
0x35c: {  	v63 =	vmul.f32 v34, v10;
	v34 =	vld [tilespmem:$0xA60];
	v42 =	vsub.f32 v36, v39;
	v5 =	vadd.f32 v59, v5  }
0x35d: {  	v36 =	vld [tilespmem:$0xB90];
	v32 =	vand.u32 $0x7FFFFFFF, v60;
	v62 =	vmul.f32 v30, v10;
	v19 =	vsub.f32 v19, v61  }
0x35e: {  	v48 =	vld [tilespmem:$0xAB0];
	v5 =	vadd.f32 v32, v5  }
0x35f: {  	v4 =	vadd.f32 v11, v4;
	v16 =	vld [tilespmem:$0xA40];
	v6 =	vsub.f32 v62, v63;
	v19 =	vand.u32 $0x7FFFFFFF, v19  }
0x360: {  	v43 =	vmul.f32 v43, v8;
	v18 =	vmul.f32 v18, v8;
	v3 =	vld [tilespmem:$0x740];
	v5 =	vadd.f32 v19, v5  }
0x361: {  	v39 =	vld [tilespmem:$0x3A0];
	v4 =	vadd.f32 v13, v4;
	v6 =	vand.u32 $0x7FFFFFFF, v6  }
0x362: {  	v23 =	vld [tilespmem:$0xAD0];
	v18 =	vsub.f32 v18, v43;
	v5 =	vadd.f32 v6, v5  }
0x363: {  	v13 =	vld [tilespmem:$0x780];
	v44 =	vmul.f32 v46, v8;
	v45 =	vmul.f32 v48, v8;
	v47 =	vand.u32 $0x7FFFFFFF, v42  }
0x364: {  	v58 =	vld [tilespmem:$0xA50];
	v18 =	vand.u32 $0x7FFFFFFF, v18;
	v5 =	vadd.f32 v47, v5  }
0x365: {  	v26 =	vld [tilespmem:$0xBC0];
	v50 =	vmul.f32 v35, v3;
	v16 =	vmul.f32 v16, v3;
	v6 =	vsub.f32 v44, v45  }
0x366: {  	v12 =	vld [tilespmem:$0x550];
	v52 =	vmul.f32 v52, v3;
	v5 =	vadd.f32 v18, v5  }
0x367: {  	v30 =	vld [tilespmem:$0x760];
	v53 =	vmul.f32 v54, v3;
	v16 =	vsub.f32 v50, v16;
	v6 =	vand.u32 $0x7FFFFFFF, v6  }
0x368: {  	v55 =	vmul.f32 v55, v2;
	v21 =	vld [tilespmem:$0x360];
	v5 =	vadd.f32 v6, v5  }
0x369: {  	v57 =	vld [tilespmem:$0xB00];
	v56 =	vmul.f32 v58, v2;
	v58 =	vand.u32 $0x7FFFFFFF, v16;
	v59 =	vsub.f32 v52, v53  }
0x36a: {  	v4 =	vadd.f32 v15, v4;
	v46 =	vld [tilespmem:$0x370];
	v62 =	vmul.f32 v23, v2;
	v5 =	vadd.f32 v58, v5  }
0x36b: {  	v48 =	vld [tilespmem:$0xA70];
	v12 =	vmul.f32 v12, v2;
	v16 =	vand.u32 $0x7FFFFFFF, v59;
	v6 =	vsub.f32 v55, v56  }
0x36c: {  	v4 =	vadd.f32 v17, v4;
	v60 =	vld [tilespmem:$0x580];
	v7 =	vmul.f32 v34, v30;
	v5 =	vadd.f32 v16, v5  }
0x36d: {  	v49 =	vld [tilespmem:$0x570];
	v12 =	vsub.f32 v12, v62;
	v32 =	vmul.f32 v21, v30;
	v6 =	vand.u32 $0x7FFFFFFF, v6  }
0x36e: {  	v42 =	vmul.f32 v51, v27;
	v51 =	vld [tilespmem:$0xB30];
	v34 =	vmul.f32 v40, v30;
	v5 =	vadd.f32 v6, v5  }
0x36f: {  	v61 =	vld [tilespmem:$0xB80];
	v9 =	vmul.f32 v41, v30;
	v12 =	vand.u32 $0x7FFFFFFF, v12;
	v7 =	vsub.f32 v32, v7  }
0x370: {  	v4 =	vadd.f32 v14, v4;
	v37 =	vmul.f32 v46, v27;
	v54 =	vld [tilespmem:$0x380];
	v5 =	vadd.f32 v12, v5  }
0x371: {  	v63 =	vld [tilespmem:$0x390];
	v38 =	vmul.f32 v48, v27;
	v7 =	vand.u32 $0x7FFFFFFF, v7;
	v6 =	vsub.f32 v34, v9  }
0x372: {  	v43 =	vld [tilespmem:$0x5A0];
	v11 =	vmul.f32 v49, v27;
	v5 =	vadd.f32 v7, v5  }
0x373: {  	v4 =	vadd.f32 v10, v4;
	v41 =	vsub.f32 v37, v38;
	v22 =	vld [tilespmem:$0x790];
	v6 =	vand.u32 $0x7FFFFFFF, v6  }
0x374: {  	v46 =	vld [tilespmem:$0xBA0];
	v48 =	vsub.f32 v11, v42;
	v5 =	vadd.f32 v6, v5  }
0x375: {  	v35 =	vld [tilespmem:$0x590];
	v44 =	vmul.f32 v54, v13;
	v45 =	vmul.f32 v57, v13;
	v47 =	vand.u32 $0x7FFFFFFF, v41  }
0x376: {  	v4 =	vadd.f32 v8, v4;
	v25 =	vld [tilespmem:$0x5C0];
	v15 =	vmul.f32 v61, v13;
	v5 =	vadd.f32 v47, v5  }
0x377: {  	v40 =	vld [tilespmem:$0xB20];
	v50 =	vmul.f32 v60, v13;
	v10 =	vand.u32 $0x7FFFFFFF, v48;
	v6 =	vsub.f32 v44, v45  }
0x378: {  	v3 =	vadd.f32 v3, v4;
	v57 =	vmul.f32 v33, v22;
	v9 =	vld [tilespmem:$0x7A0];
	v52 =	vadd.f32 v10, v5  }
0x379: {  	v38 =	vld [tilespmem:$0xBD0];
	v55 =	vsub.f32 v50, v15;
	v56 =	vmul.f32 v63, v22;
	v53 =	vand.u32 $0x7FFFFFFF, v6  }
0x37a: {  	v49 =	vld [tilespmem:$0x3B0];
	v14 =	vmul.f32 v36, v22;
	v59 =	vmul.f32 v35, v22;
	v4 =	vadd.f32 v53, v52  }
0x37b: {  	v2 =	vadd.f32 v2, v3;
	v11 =	vld [tilespmem:$0x7B0];
	v3 =	vand.u32 $0x7FFFFFFF, v55;
	v61 =	vsub.f32 v56, v57  }
0x37c: {  	v60 =	vld [tilespmem:$0x7C0];
	v63 =	vsub.f32 v59, v14;
	v3 =	vadd.f32 v3, v4  }
0x37d: {  	v58 =	vld [tilespmem:$0xBB0];
	v23 =	vmul.f32 v39, v9;
	v7 =	vmul.f32 v40, v9;
	v10 =	vand.u32 $0x7FFFFFFF, v61  }
0x37e: {  	v54 =	vld [tilespmem:$0x5B0];
	v28 =	vmul.f32 v43, v9;
	v3 =	vadd.f32 v10, v3  }
0x37f: {  	v62 =	vld [tilespmem:$0x3C0];
	v29 =	vmul.f32 v46, v9;
	v7 =	vsub.f32 v23, v7;
	v4 =	vand.u32 $0x7FFFFFFF, v63  }
0x380: {  	v2 =	vadd.f32 v30, v2;
	v21 =	vld [tilespmem:$0xB40];
	v31 =	vmul.f32 v49, v11;
	v3 =	vadd.f32 v4, v3  }
0x381: {  	v30 =	vld [tilespmem:$0x7D0];
	v32 =	vmul.f32 v51, v11;
	v14 =	vsub.f32 v28, v29;
	v7 =	vand.u32 $0x7FFFFFFF, v7  }
0x382: {  	v33 =	vld [tilespmem:$0x3D0];
	v37 =	vmul.f32 v58, v11;
	v3 =	vadd.f32 v7, v3  }
0x383: {  	v34 =	vld [tilespmem:$0xB50];
	v6 =	vmul.f32 v54, v11;
	v36 =	vand.u32 $0x7FFFFFFF, v14;
	v4 =	vsub.f32 v31, v32  }
0x384: {  	v42 =	vld [tilespmem:$0xB60];
	v2 =	vadd.f32 v27, v2;
	v12 =	vmul.f32 v62, v60;
	v3 =	vadd.f32 v36, v3  }
0x385: {  	v35 =	vld [tilespmem:$0x5D0];
	v6 =	vsub.f32 v6, v37;
	v5 =	vmul.f32 v21, v60;
	v4 =	vand.u32 $0x7FFFFFFF, v4  }
0x386: {  	v2 =	vadd.f32 v13, v2;
	v51 =	vld [tilespmem:$0xB70];
	v41 =	vmul.f32 v25, v60;
	v3 =	vadd.f32 v4, v3  }
0x387: {  	v39 =	vld [tilespmem:$0x7E0];
	v6 =	vand.u32 $0x7FFFFFFF, v6;
	v5 =	vsub.f32 v12, v5;
	v10 =	vmul.f32 v26, v60  }
0x388: {  	v40 =	vld [tilespmem:$0x3E0];
	v46 =	vmul.f32 v34, v30;
	v45 =	vmul.f32 v33, v30;
	v3 =	vadd.f32 v6, v3  }
0x389: {  	v2 =	vadd.f32 v22, v2;
	v43 =	vld [tilespmem:$0x5E0];
	v5 =	vand.u32 $0x7FFFFFFF, v5;
	v4 =	vsub.f32 v41, v10  }
0x38a: {  	v44 =	vld [tilespmem:$0xBE0];
	v49 =	vsub.f32 v45, v46;
	v3 =	vadd.f32 v5, v3  }
0x38b: {  	v50 =	vmul.f32 v38, v30;
	v47 =	vld [tilespmem:$0x7F0];
	v7 =	vmul.f32 v35, v30;
	v4 =	vand.u32 $0x7FFFFFFF, v4  }
0x38c: {  	v48 =	vld [tilespmem:$0x3F0];
	v2 =	vadd.f32 v9, v2;
	v9 =	vand.u32 $0x7FFFFFFF, v49;
	v3 =	vadd.f32 v4, v3  }
0x38d: {  	v55 =	vld [tilespmem:$0xBF0];
	v52 =	vmul.f32 v40, v39;
	v53 =	vmul.f32 v42, v39;
	v7 =	vsub.f32 v7, v50  }
0x38e: {  	v2 =	vadd.f32 v11, v2;
	v54 =	vld [tilespmem:$0x5F0];
	v56 =	vmul.f32 v43, v39;
	v3 =	vadd.f32 v9, v3  }
0x38f: {  	v7 =	vand.u32 $0x7FFFFFFF, v7;
	v6 =	vmul.f32 v44, v39;
	v4 =	vsub.f32 v52, v53  }
0x390: {  	v2 =	vadd.f32 v60, v2;
	v57 =	vmul.f32 v51, v47;
	v3 =	vadd.f32 v7, v3  }
0x391: {  	v5 =	vmul.f32 v48, v47;
	v6 =	vsub.f32 v56, v6;
	v4 =	vand.u32 $0x7FFFFFFF, v4  }
0x392: {  	v2 =	vadd.f32 v30, v2;
	v61 =	vmul.f32 v55, v47;
	v3 =	vadd.f32 v4, v3  }
0x393: {  	v60 =	vmul.f32 v54, v47;
	v58 =	vsub.f32 v5, v57;
	v59 =	vand.u32 $0x7FFFFFFF, v6  }
0x394: {  	v3 =	vadd.f32 v59, v3  }
0x395: {  	v2 =	vadd.f32 v39, v2;
	v62 =	vsub.f32 v60, v61;
	v4 =	vand.u32 $0x7FFFFFFF, v58  }
0x396: {  	v3 =	vadd.f32 v4, v3  }
0x397: {  	v2 =	vadd.f32 v47, v2;
	v63 =	vand.u32 $0x7FFFFFFF, v62  }
0x398: {  	v3 =	vadd.f32 v63, v3  }
0x399: {  	p0 =	sne.s32 s4, $0x1;
	[tilespmem:$0xC10] =	vst v2  }
.Ltmp0:
0x39a: {  	s8 =	rddreg [dreg:$0x6];
	[tilespmem:$0xC00] =	vst v3;
	(pc) =	sbr.rel @p0 .LBB2_1-.Ltmp0, $4  }
0x39b: {  	[hbm4b:s8+s3] =	stream.linear.scatter [tilespmem:s1], [sflag:$0x2], $0x80, $0x38;
	[tilespmem:$0xC80] =	vst v63  }
0x39c: {  	_ =	swait.ge [sflag:s7], $0x80  }
0x39d: {  	[sflag:s7] =	ssyncset.done $0x0  }
0x39e: {  	s4 =	sadd.s32 $0xFFFFFFFF, s4;
	[sflag:s7] =	ssyncadd.s32 $0xFFFFFF80  }
0x39f: {  	_ =	sfence.sel $0x180000  }
0x3a0: {  	[bflag:$0x0] =	sbarrier.arrive $0xFFFF  }
0x3a1: {  	_ =	strace $0x90000047  }
0x3a2: {  	s0 =	stileid.u32;
	[bflag:$0x2] =	sbarrier.arrive $0xFFFF  }
0x3a3: {  	p0 =	sne.s32 s0, $0x0;
	s0 =	rddreg [dreg:$0x2]  }
0x3a4: {  	s0 =	sadd.s32 @!p0 $0x100000, s0  }
0x3a5: {  	[sflag:s0] =	ssyncadd.tile.s32 @!p0 $0x1;
	_ =	shalt  }
.Lfunc_end2:
_tile_overlayer_lowered:
.L_overlay_start_2:
0x3a6: {  	(tag) =	ssettag $0x2  }
0x3a7: {  	s0 =	rddreg [dreg:$0x0];
	s2 =	stileid.u32  }
0x3a8: {  	s1 =	rddreg [dreg:$0x1];
	p0 =	sne.s32 s2, $0x0  }
0x3a9: {  	s3 =	rddreg [dreg:$0x2];
	[bflag:$0x3] =	sbarrier.arrive $0xFFFF;
	s2 =	simm.s32 @!p0 $0x1C02  }
0x3aa: {  	[timem:s3], [sflag:s2] =	dma.local @!p0 [hbm:s0], s1  }
0x3ab: {  	s0 =	simm.s32 @!p0 $0x2  }
0x3ac: {  	_ =	swait.ge @!p0 [sflag:s0], s1  }
0x3ad: {  	s1 =	ssub.s32 @!p0 $0x0, s1;
	[sflag:s0] =	ssyncset.done @!p0 $0x0  }
0x3ae: {  	[sflag:s0] =	ssyncadd.s32 @!p0 s1  }
0x3af: {  	[bflag:$0x3] =	sbarrier.arrive $0xFFFF  }
0x3b0: {  	_ =	shalt  }

</sc_bundles>
